<compile_context>
chip_gen: v7x
topology: tpu7x:2x2x1
jax: 0.10.2.dev20260603
libtpu: 0.0.44.dev20260713+nightly
codegen_flags: <defaults>
</compile_context>

<pallas_src>
import functools

import jax
import jax.numpy as jnp
from jax import lax
from jax.experimental import pallas as pl
from jax.experimental.pallas import tpu as pltpu
from jax.experimental.pallas import tpu_sc as plsc

_N = 50000
_D = 512
_C = 16
_NCHUNKS = _N // _C
_NC = 2
_NS = 16
_NW = _NC * _NS
_MAXCH = (_NCHUNKS + _NW - 1) // _NW
_LANES = 16
_RING = 3


def _sc_body(lb_hbm, ub_hbm, nid_hbm, out_hbm, idx_v, lbb, ubb, gsems, osems):
    wid = lax.axis_index("s") * _NC + lax.axis_index("c")
    chunk_lo = (wid * _NCHUNKS) // _NW
    chunk_hi = ((wid + 1) * _NCHUNKS) // _NW
    nchunks = chunk_hi - chunk_lo
    row_lo = chunk_lo * _C

    pltpu.sync_copy(nid_hbm.at[pl.ds(row_lo, _MAXCH * _C)], idx_v)

    def gather(k, slot):
        idxs = idx_v.at[pl.ds(k * _C, _C)]
        pltpu.async_copy(lb_hbm.at[idxs], lbb.at[slot], gsems.at[slot, 0])
        pltpu.async_copy(ub_hbm.at[idxs], ubb.at[slot], gsems.at[slot, 1])

    def gather_wait(slot):
        pltpu.make_async_copy(lb_hbm.at[idx_v.at[pl.ds(0, _C)]],
                              lbb.at[slot], gsems.at[slot, 0]).wait()
        pltpu.make_async_copy(ub_hbm.at[idx_v.at[pl.ds(0, _C)]],
                              ubb.at[slot], gsems.at[slot, 1]).wait()

    def store(k, slot):
        row = row_lo + k * _C
        pltpu.async_copy(lbb.at[slot], out_hbm.at[0, pl.ds(row, _C)],
                         osems.at[slot, 0])
        pltpu.async_copy(ubb.at[slot], out_hbm.at[1, pl.ds(row, _C)],
                         osems.at[slot, 1])

    def store_wait(slot):
        pltpu.make_async_copy(lbb.at[slot], out_hbm.at[0, pl.ds(0, _C)],
                              osems.at[slot, 0]).wait()
        pltpu.make_async_copy(ubb.at[slot], out_hbm.at[1, pl.ds(0, _C)],
                              osems.at[slot, 1]).wait()

    def compute(slot):
        def row_body(r, _):
            for j in range(_D // _LANES):
                sl = pl.ds(j * _LANES, _LANES)
                lv = lbb[slot, r, sl]
                uv = ubb[slot, r, sl]
                ubb[slot, r, sl] = jnp.where(lv == 0.0, 0.0,
                                             jnp.maximum(uv, 0.0))
                lbb[slot, r, sl] = jnp.where((lv + uv) > 0.0, lv, 0.0)
            return _
        lax.fori_loop(0, _C, row_body, 0, unroll=False)

    for p in range(_RING - 1):
        @pl.when(p < nchunks)
        def _(p=p):
            gather(p, p)

    def step(k, _):
        slot = lax.rem(k, _RING)

        @pl.when(k + _RING - 1 < nchunks)
        def _prefetch():
            pslot = lax.rem(k + _RING - 1, _RING)

            @pl.when(k >= 1)
            def _():
                store_wait(pslot)
            gather(k + _RING - 1, pslot)

        gather_wait(slot)
        compute(slot)
        store(k, slot)
        return _

    lax.fori_loop(0, nchunks, step, 0, unroll=False)

    def drain(c, _):
        store_wait(lax.rem(c, _RING))
        return _

    lax.fori_loop(jnp.maximum(nchunks - _RING, 0), nchunks, drain, 0,
                  unroll=False)


@jax.jit
def _sc_call(lb, ub, node_id):
    mesh = plsc.VectorSubcoreMesh(core_axis_name="c", subcore_axis_name="s")
    f = functools.partial(
        pl.kernel,
        out_type=jax.ShapeDtypeStruct((2, _N, _D), jnp.float32),
        mesh=mesh,
        scratch_types=[
            pltpu.VMEM((_MAXCH * _C,), jnp.int32),
            pltpu.VMEM((_RING, _C, _D), jnp.float32),
            pltpu.VMEM((_RING, _C, _D), jnp.float32),
            pltpu.SemaphoreType.DMA((_RING, 2)),
            pltpu.SemaphoreType.DMA((_RING, 2)),
        ],
    )(_sc_body)
    return f(lb, ub, node_id)


def kernel(lb, ub, node_id):
    return _sc_call(lb, ub, node_id)

# --- scband reference (transcript-rebuilt; emitter-appended) ---
"""Pipeline reference for scband-abstract-relu-16741782520108 (READ-ONLY COPY).

The authoritative reference and input builder live on the scoring server;
editing this copy changes nothing except your own understanding.
"""

import jax, jax.numpy as jnp
import numpy as np

N = 50000
D = 512

def setup_inputs(seed: int = 0) -> dict:
    key = jax.random.key(seed)
    k1, k2, k3 = jax.random.split(key, 3)
    lb = jax.random.normal(k1, (N, D), dtype=jnp.float32)
    # ensure ub >= lb as required by the module's assertion
    ub = lb + jax.random.uniform(k2, (N, D), dtype=jnp.float32) * 2.0
    node_id = jax.random.randint(k3, (N,), 0, N, dtype=jnp.int32)
    return {"lb": lb, "ub": ub, "node_id": node_id}


def reference(lb, ub, node_id):
    # --- forward_pre_calculation: derive DeepPoly relu relaxation coefs ---
    dt = lb.dtype
    pos = (lb > 0).astype(dt)
    lower_coefs = pos
    upper_coefs = pos
    selection = jnp.logical_and(lb < 0, ub > 0)
    sel_f = selection.astype(dt)
    selected_upper = sel_f * ub
    selected_lower = sel_f * lb + (1.0 - sel_f)
    denom = selected_upper - selected_lower
    upper_coefs = upper_coefs + selected_upper / denom
    upper_consts = -(selected_upper * selected_lower) / denom
    # lam is None -> lower_lam = 0, so selection_lower branch contributes 0
    selection_upper = jnp.logical_and(selection, jnp.abs(lb) < jnp.abs(ub))
    lower_coefs = lower_coefs + selection_upper.astype(dt)
    lower_consts = jnp.zeros_like(lb)
    # --- forward: gather per-node coefs by node_id and propagate bounds ---
    uc = jnp.take(upper_coefs, node_id, axis=0)
    lc = jnp.take(lower_coefs, node_id, axis=0)
    ucst = jnp.take(upper_consts, node_id, axis=0)
    lcst = jnp.take(lower_consts, node_id, axis=0)
    ub_g = jnp.take(ub, node_id, axis=0)
    lb_g = jnp.take(lb, node_id, axis=0)
    new_ub = uc * ub_g + ucst
    new_lb = lc * lb_g + lcst
    return jnp.stack([new_lb, new_ub])

if __name__ == "__main__":
    import jax
    _d = setup_inputs()
    print(jax.jit(kernel)(*tuple(_d.values())))

</pallas_src>

<mosaic_0001>
#map = affine_map<(d0, d1) -> (0, 0)>
#map1 = affine_map<(d0, d1) -> (0)>
#map2 = affine_map<(d0, d1) -> (0, 0, 0)>
module attributes {stable_mosaic.version = 14 : i64} {
  func.func @_sc_body(%arg0: i32, %arg1: i32, %arg2: memref<50000x512xf32, #tpu.memory_space<hbm>>, %arg3: memref<50000x512xf32, #tpu.memory_space<hbm>>, %arg4: memref<50000xi32, #tpu.memory_space<hbm>>, %arg5: memref<2x50000x512xf32, #tpu.memory_space<hbm>>, %arg6: memref<1568xi32, #tpu.memory_space<vmem>>, %arg7: memref<3x16x512xf32, #tpu.memory_space<vmem>>, %arg8: memref<3x16x512xf32, #tpu.memory_space<vmem>>, %arg9: memref<3x2x!tpu.dma_semaphore, #tpu.memory_space<semaphore_mem>>, %arg10: memref<3x2x!tpu.dma_semaphore, #tpu.memory_space<semaphore_mem>>) attributes {dimension_semantics = [#tpu.dimension_semantics<core_parallel>, #tpu.dimension_semantics<subcore_parallel>], iteration_bounds = array<i64: 2, 16>, scalar_prefetch = 0 : i64, scratch_operands = 5 : i64, tpu.core_type = #tpu.core_type<sc_vector_subcore>, window_params = [{transform_indices = #map}, {transform_indices = #map}, {transform_indices = #map1}, {transform_indices = #map2}]} {
    %mul3A = arith.constant 2 : i32
    %mul3A_0 = arith.muli %arg1, %mul3A : i32
    %add3A = arith.addi %mul3A_0, %arg0 : i32
    %mul3A_1 = arith.constant 3125 : i32
    %mul3A_2 = arith.muli %add3A, %mul3A_1 : i32
    %jit3A = arith.constant 32 : i32
    %div3A = arith.divsi %mul3A_2, %jit3A : i32
    %sign3A = arith.constant 0 : i32
    %sign3A_3 = arith.cmpi sgt, %mul3A_2, %sign3A : i32
    %sign3A_4 = arith.extui %sign3A_3 : i1 to i32
    %sign3A_5 = arith.constant 0 : i32
    %sign3A_6 = arith.cmpi slt, %mul3A_2, %sign3A_5 : i32
    %sign3A_7 = arith.extui %sign3A_6 : i1 to i32
    %sign3A_8 = arith.subi %sign3A_4, %sign3A_7 : i32
    %sign3A_9 = arith.constant 0 : i32
    %sign3A_10 = arith.cmpi sgt, %jit3A, %sign3A_9 : i32
    %sign3A_11 = arith.extui %sign3A_10 : i1 to i32
    %sign3A_12 = arith.constant 0 : i32
    %sign3A_13 = arith.cmpi slt, %jit3A, %sign3A_12 : i32
    %sign3A_14 = arith.extui %sign3A_13 : i1 to i32
    %sign3A_15 = arith.subi %sign3A_11, %sign3A_14 : i32
    %ne3A = arith.cmpi ne, %sign3A_8, %sign3A_15 : i32
    %rem3A = arith.remsi %mul3A_2, %jit3A : i32
    %ne3A_16 = arith.constant 0 : i32
    %ne3A_17 = arith.cmpi ne, %rem3A, %ne3A_16 : i32
    %and3A = arith.andi %ne3A, %ne3A_17 : i1
    %sub3A = arith.constant 1 : i32
    %sub3A_18 = arith.subi %div3A, %sub3A : i32
    %select_n3A = arith.select %and3A, %sub3A_18, %div3A : i32
    %add3A_19 = arith.constant 1 : i32
    %add3A_20 = arith.addi %add3A, %add3A_19 : i32
    %mul3A_21 = arith.constant 3125 : i32
    %mul3A_22 = arith.muli %add3A_20, %mul3A_21 : i32
    %jit3A_23 = arith.constant 32 : i32
    %div3A_24 = arith.divsi %mul3A_22, %jit3A_23 : i32
    %sign3A_25 = arith.constant 0 : i32
    %sign3A_26 = arith.cmpi sgt, %mul3A_22, %sign3A_25 : i32
    %sign3A_27 = arith.extui %sign3A_26 : i1 to i32
    %sign3A_28 = arith.constant 0 : i32
    %sign3A_29 = arith.cmpi slt, %mul3A_22, %sign3A_28 : i32
    %sign3A_30 = arith.extui %sign3A_29 : i1 to i32
    %sign3A_31 = arith.subi %sign3A_27, %sign3A_30 : i32
    %sign3A_32 = arith.constant 0 : i32
    %sign3A_33 = arith.cmpi sgt, %jit3A_23, %sign3A_32 : i32
    %sign3A_34 = arith.extui %sign3A_33 : i1 to i32
    %sign3A_35 = arith.constant 0 : i32
    %sign3A_36 = arith.cmpi slt, %jit3A_23, %sign3A_35 : i32
    %sign3A_37 = arith.extui %sign3A_36 : i1 to i32
    %sign3A_38 = arith.subi %sign3A_34, %sign3A_37 : i32
    %ne3A_39 = arith.cmpi ne, %sign3A_31, %sign3A_38 : i32
    %rem3A_40 = arith.remsi %mul3A_22, %jit3A_23 : i32
    %ne3A_41 = arith.constant 0 : i32
    %ne3A_42 = arith.cmpi ne, %rem3A_40, %ne3A_41 : i32
    %and3A_43 = arith.andi %ne3A_39, %ne3A_42 : i1
    %sub3A_44 = arith.constant 1 : i32
    %sub3A_45 = arith.subi %div3A_24, %sub3A_44 : i32
    %select_n3A_46 = arith.select %and3A_43, %sub3A_45, %div3A_24 : i32
    %sub3A_47 = arith.subi %select_n3A_46, %select_n3A : i32
    %mul3A_48 = arith.constant 16 : i32
    %mul3A_49 = arith.muli %select_n3A, %mul3A_48 : i32
    "tpu.region"() ({
      %run_scoped3A = tpu.sem_alloc : memref<!tpu.dma_semaphore, #tpu.memory_space<semaphore_mem>>
      %dma_start3A = tpu.memref_slice %arg4[%mul3A_49] : memref<50000xi32, #tpu.memory_space<hbm>> -> memref<1568xi32, #tpu.memory_space<hbm>>
      %dma_start3A_78 = tpu.memref_slice %arg4[%mul3A_49] : memref<50000xi32, #tpu.memory_space<hbm>> -> memref<1568xi32, #tpu.memory_space<hbm>>
      tpu.enqueue_dma source(%dma_start3A_78 : memref<1568xi32, #tpu.memory_space<hbm>>) target(%arg6 : memref<1568xi32, #tpu.memory_space<vmem>>) target_semaphore(%run_scoped3A : memref<!tpu.dma_semaphore, #tpu.memory_space<semaphore_mem>>)
      %dma_wait3A = tpu.memref_slice %arg4[%mul3A_49] : memref<50000xi32, #tpu.memory_space<hbm>> -> memref<1568xi32, #tpu.memory_space<hbm>>
      %dma_wait3A_79 = tpu.memref_slice %arg4[%mul3A_49] : memref<50000xi32, #tpu.memory_space<hbm>> -> memref<1568xi32, #tpu.memory_space<hbm>>
      tpu.wait_dma2 semaphore(%run_scoped3A : memref<!tpu.dma_semaphore, #tpu.memory_space<semaphore_mem>>) src(%dma_wait3A_79 : memref<1568xi32, #tpu.memory_space<hbm>>) dst(%arg6 : memref<1568xi32, #tpu.memory_space<vmem>>)
      tpu.yield
    }) : () -> ()
    %gt3A = arith.constant 0 : i32
    %gt3A_50 = arith.cmpi sgt, %sub3A_47, %gt3A : i32
    %convert_element_type3A = arith.extui %gt3A_50 : i1 to i32
    %cond3A = arith.constant 0 : i32
    %cond3A_51 = arith.cmpi ne, %convert_element_type3A, %cond3A : i32
    scf.if %cond3A_51 {
      %dma_start3A = arith.constant 0 : i32
      %dma_start3A_78 = arith.constant 0 : i32
      %dma_start3A_79 = arith.constant 0 : i32
      %dma_start3A_80 = arith.constant 0 : i32
      %dma_start3A_81 = arith.constant 0 : i32
      %dma_start3A_82 = tpu.memref_slice %arg7[%dma_start3A, %dma_start3A_80, %dma_start3A_81] : memref<3x16x512xf32, #tpu.memory_space<vmem>> -> memref<1x16x512xf32, #tpu.memory_space<vmem>>
      %dma_start3A_83 = tpu.memref_squeeze %dma_start3A_82 : memref<1x16x512xf32, #tpu.memory_space<vmem>> -> memref<16x512xf32, #tpu.memory_space<vmem>>
      %dma_start3A_84 = arith.constant 0 : i32
      %dma_start3A_85 = tpu.memref_slice %arg6[%dma_start3A_84] : memref<1568xi32, #tpu.memory_space<vmem>> -> memref<16xi32, #tpu.memory_space<vmem>>
      %dma_start3A_86 = arith.constant 0 : i32
      %dma_start3A_87 = arith.constant 0 : i32
      %dma_start3A_88 = tpu.memref_slice %arg2[%dma_start3A_86, %dma_start3A_87] : memref<50000x512xf32, #tpu.memory_space<hbm>> -> memref<50000x512xf32, #tpu.memory_space<hbm>>
      %dma_start3A_89 = tpu.memref_slice %arg9[%dma_start3A_78, %dma_start3A_79] : memref<3x2x!tpu.dma_semaphore, #tpu.memory_space<semaphore_mem>> -> memref<1x1x!tpu.dma_semaphore, #tpu.memory_space<semaphore_mem>>
      %dma_start3A_90 = tpu.memref_squeeze %dma_start3A_89 : memref<1x1x!tpu.dma_semaphore, #tpu.memory_space<semaphore_mem>> -> memref<!tpu.dma_semaphore, #tpu.memory_space<semaphore_mem>>
      tpu.enqueue_indirect_dma source(%dma_start3A_88 : memref<50000x512xf32, #tpu.memory_space<hbm>>) target(%dma_start3A_83 : memref<16x512xf32, #tpu.memory_space<vmem>>) offsets(%dma_start3A_85 : memref<16xi32, #tpu.memory_space<vmem>>) semaphore(%dma_start3A_90 : memref<!tpu.dma_semaphore, #tpu.memory_space<semaphore_mem>>)
      %dma_start3A_91 = arith.constant 0 : i32
      %dma_start3A_92 = arith.constant 0 : i32
      %dma_start3A_93 = arith.constant 1 : i32
      %dma_start3A_94 = arith.constant 0 : i32
      %dma_start3A_95 = arith.constant 0 : i32
      %dma_start3A_96 = tpu.memref_slice %arg8[%dma_start3A_91, %dma_start3A_94, %dma_start3A_95] : memref<3x16x512xf32, #tpu.memory_space<vmem>> -> memref<1x16x512xf32, #tpu.memory_space<vmem>>
      %dma_start3A_97 = tpu.memref_squeeze %dma_start3A_96 : memref<1x16x512xf32, #tpu.memory_space<vmem>> -> memref<16x512xf32, #tpu.memory_space<vmem>>
      %dma_start3A_98 = arith.constant 0 : i32
      %dma_start3A_99 = tpu.memref_slice %arg6[%dma_start3A_98] : memref<1568xi32, #tpu.memory_space<vmem>> -> memref<16xi32, #tpu.memory_space<vmem>>
      %dma_start3A_100 = arith.constant 0 : i32
      %dma_start3A_101 = arith.constant 0 : i32
      %dma_start3A_102 = tpu.memref_slice %arg3[%dma_start3A_100, %dma_start3A_101] : memref<50000x512xf32, #tpu.memory_space<hbm>> -> memref<50000x512xf32, #tpu.memory_space<hbm>>
      %dma_start3A_103 = tpu.memref_slice %arg9[%dma_start3A_92, %dma_start3A_93] : memref<3x2x!tpu.dma_semaphore, #tpu.memory_space<semaphore_mem>> -> memref<1x1x!tpu.dma_semaphore, #tpu.memory_space<semaphore_mem>>
      %dma_start3A_104 = tpu.memref_squeeze %dma_start3A_103 : memref<1x1x!tpu.dma_semaphore, #tpu.memory_space<semaphore_mem>> -> memref<!tpu.dma_semaphore, #tpu.memory_space<semaphore_mem>>
      tpu.enqueue_indirect_dma source(%dma_start3A_102 : memref<50000x512xf32, #tpu.memory_space<hbm>>) target(%dma_start3A_97 : memref<16x512xf32, #tpu.memory_space<vmem>>) offsets(%dma_start3A_99 : memref<16xi32, #tpu.memory_space<vmem>>) semaphore(%dma_start3A_104 : memref<!tpu.dma_semaphore, #tpu.memory_space<semaphore_mem>>)
    } else {
    }
    %gt3A_52 = arith.constant 1 : i32
    %gt3A_53 = arith.cmpi sgt, %sub3A_47, %gt3A_52 : i32
    %convert_element_type3A_54 = arith.extui %gt3A_53 : i1 to i32
    %cond3A_55 = arith.constant 0 : i32
    %cond3A_56 = arith.cmpi ne, %convert_element_type3A_54, %cond3A_55 : i32
    scf.if %cond3A_56 {
      %dma_start3A = arith.constant 1 : i32
      %dma_start3A_78 = arith.constant 1 : i32
      %dma_start3A_79 = arith.constant 0 : i32
      %dma_start3A_80 = arith.constant 0 : i32
      %dma_start3A_81 = arith.constant 0 : i32
      %dma_start3A_82 = tpu.memref_slice %arg7[%dma_start3A, %dma_start3A_80, %dma_start3A_81] : memref<3x16x512xf32, #tpu.memory_space<vmem>> -> memref<1x16x512xf32, #tpu.memory_space<vmem>>
      %dma_start3A_83 = tpu.memref_squeeze %dma_start3A_82 : memref<1x16x512xf32, #tpu.memory_space<vmem>> -> memref<16x512xf32, #tpu.memory_space<vmem>>
      %dma_start3A_84 = arith.constant 16 : i32
      %dma_start3A_85 = tpu.memref_slice %arg6[%dma_start3A_84] : memref<1568xi32, #tpu.memory_space<vmem>> -> memref<16xi32, #tpu.memory_space<vmem>>
      %dma_start3A_86 = arith.constant 0 : i32
      %dma_start3A_87 = arith.constant 0 : i32
      %dma_start3A_88 = tpu.memref_slice %arg2[%dma_start3A_86, %dma_start3A_87] : memref<50000x512xf32, #tpu.memory_space<hbm>> -> memref<50000x512xf32, #tpu.memory_space<hbm>>
      %dma_start3A_89 = tpu.memref_slice %arg9[%dma_start3A_78, %dma_start3A_79] : memref<3x2x!tpu.dma_semaphore, #tpu.memory_space<semaphore_mem>> -> memref<1x1x!tpu.dma_semaphore, #tpu.memory_space<semaphore_mem>>
      %dma_start3A_90 = tpu.memref_squeeze %dma_start3A_89 : memref<1x1x!tpu.dma_semaphore, #tpu.memory_space<semaphore_mem>> -> memref<!tpu.dma_semaphore, #tpu.memory_space<semaphore_mem>>
      tpu.enqueue_indirect_dma source(%dma_start3A_88 : memref<50000x512xf32, #tpu.memory_space<hbm>>) target(%dma_start3A_83 : memref<16x512xf32, #tpu.memory_space<vmem>>) offsets(%dma_start3A_85 : memref<16xi32, #tpu.memory_space<vmem>>) semaphore(%dma_start3A_90 : memref<!tpu.dma_semaphore, #tpu.memory_space<semaphore_mem>>)
      %dma_start3A_91 = arith.constant 1 : i32
      %dma_start3A_92 = arith.constant 1 : i32
      %dma_start3A_93 = arith.constant 1 : i32
      %dma_start3A_94 = arith.constant 0 : i32
      %dma_start3A_95 = arith.constant 0 : i32
      %dma_start3A_96 = tpu.memref_slice %arg8[%dma_start3A_91, %dma_start3A_94, %dma_start3A_95] : memref<3x16x512xf32, #tpu.memory_space<vmem>> -> memref<1x16x512xf32, #tpu.memory_space<vmem>>
      %dma_start3A_97 = tpu.memref_squeeze %dma_start3A_96 : memref<1x16x512xf32, #tpu.memory_space<vmem>> -> memref<16x512xf32, #tpu.memory_space<vmem>>
      %dma_start3A_98 = arith.constant 16 : i32
      %dma_start3A_99 = tpu.memref_slice %arg6[%dma_start3A_98] : memref<1568xi32, #tpu.memory_space<vmem>> -> memref<16xi32, #tpu.memory_space<vmem>>
      %dma_start3A_100 = arith.constant 0 : i32
      %dma_start3A_101 = arith.constant 0 : i32
      %dma_start3A_102 = tpu.memref_slice %arg3[%dma_start3A_100, %dma_start3A_101] : memref<50000x512xf32, #tpu.memory_space<hbm>> -> memref<50000x512xf32, #tpu.memory_space<hbm>>
      %dma_start3A_103 = tpu.memref_slice %arg9[%dma_start3A_92, %dma_start3A_93] : memref<3x2x!tpu.dma_semaphore, #tpu.memory_space<semaphore_mem>> -> memref<1x1x!tpu.dma_semaphore, #tpu.memory_space<semaphore_mem>>
      %dma_start3A_104 = tpu.memref_squeeze %dma_start3A_103 : memref<1x1x!tpu.dma_semaphore, #tpu.memory_space<semaphore_mem>> -> memref<!tpu.dma_semaphore, #tpu.memory_space<semaphore_mem>>
      tpu.enqueue_indirect_dma source(%dma_start3A_102 : memref<50000x512xf32, #tpu.memory_space<hbm>>) target(%dma_start3A_97 : memref<16x512xf32, #tpu.memory_space<vmem>>) offsets(%dma_start3A_99 : memref<16xi32, #tpu.memory_space<vmem>>) semaphore(%dma_start3A_104 : memref<!tpu.dma_semaphore, #tpu.memory_space<semaphore_mem>>)
    } else {
    }
    %while3A = arith.constant 0 : i32
    %while3A_57 = arith.constant 0 : i32
    %while3A_58 = arith.subi %sub3A_47, %while3A_57 : i32
    %while3A_59 = arith.addi %while3A_57, %while3A_58 : i32
    %while3A_60 = arith.constant 1 : i32
    %while3A_61 = arith.divsi %while3A_58, %while3A_60 : i32
    %while3A_62 = arith.muli %while3A_61, %while3A_60 : i32
    %while3A_63 = arith.addi %while3A_57, %while3A_62 : i32
    %while3A_64 = arith.constant 1 : i32
    scf.for %while3A_78 = %while3A_57 to %while3A_63 step %while3A_64  : i32 {
      %rem3A_79 = arith.constant 3 : i32
      %rem3A_80 = arith.remsi %while3A_78, %rem3A_79 : i32
      %add3A_81 = arith.constant 3 : i32
      %add3A_82 = arith.addi %while3A_78, %add3A_81 : i32
      %sub3A_83 = arith.constant 1 : i32
      %sub3A_84 = arith.subi %add3A_82, %sub3A_83 : i32
      %lt3A = arith.cmpi slt, %sub3A_84, %sub3A_47 : i32
      %convert_element_type3A_85 = arith.extui %lt3A : i1 to i32
      %cond3A_86 = arith.constant 0 : i32
      %cond3A_87 = arith.cmpi ne, %convert_element_type3A_85, %cond3A_86 : i32
      scf.if %cond3A_87 {
        %add3A_154 = arith.constant 3 : i32
        %add3A_155 = arith.addi %while3A_78, %add3A_154 : i32
        %sub3A_156 = arith.constant 1 : i32
        %sub3A_157 = arith.subi %add3A_155, %sub3A_156 : i32
        %rem3A_158 = arith.constant 3 : i32
        %rem3A_159 = arith.remsi %sub3A_157, %rem3A_158 : i32
        %ge3A = arith.constant 1 : i32
        %ge3A_160 = arith.cmpi sge, %while3A_78, %ge3A : i32
        %convert_element_type3A_161 = arith.extui %ge3A_160 : i1 to i32
        %cond3A_162 = arith.constant 0 : i32
        %cond3A_163 = arith.cmpi ne, %convert_element_type3A_161, %cond3A_162 : i32
        scf.if %cond3A_163 {
          %dma_wait3A_192 = arith.constant 0 : i32
          %dma_wait3A_193 = arith.constant 0 : i32
          %dma_wait3A_194 = arith.constant 0 : i32
          %dma_wait3A_195 = arith.constant 0 : i32
          %dma_wait3A_196 = tpu.memref_slice %arg7[%rem3A_159, %dma_wait3A_194, %dma_wait3A_195] : memref<3x16x512xf32, #tpu.memory_space<vmem>> -> memref<1x16x512xf32, #tpu.memory_space<vmem>>
          %dma_wait3A_197 = tpu.memref_squeeze %dma_wait3A_196 : memref<1x16x512xf32, #tpu.memory_space<vmem>> -> memref<16x512xf32, #tpu.memory_space<vmem>>
          %dma_wait3A_198 = arith.constant 0 : i32
          %dma_wait3A_199 = arith.constant 0 : i32
          %dma_wait3A_200 = tpu.memref_slice %arg5[%dma_wait3A_192, %dma_wait3A_198, %dma_wait3A_199] : memref<2x50000x512xf32, #tpu.memory_space<hbm>> -> memref<1x16x512xf32, #tpu.memory_space<hbm>>
          %dma_wait3A_201 = tpu.memref_squeeze %dma_wait3A_200 : memref<1x16x512xf32, #tpu.memory_space<hbm>> -> memref<16x512xf32, #tpu.memory_space<hbm>>
          %dma_wait3A_202 = tpu.memref_slice %arg10[%rem3A_159, %dma_wait3A_193] : memref<3x2x!tpu.dma_semaphore, #tpu.memory_space<semaphore_mem>> -> memref<1x1x!tpu.dma_semaphore, #tpu.memory_space<semaphore_mem>>
          %dma_wait3A_203 = tpu.memref_squeeze %dma_wait3A_202 : memref<1x1x!tpu.dma_semaphore, #tpu.memory_space<semaphore_mem>> -> memref<!tpu.dma_semaphore, #tpu.memory_space<semaphore_mem>>
          %dma_wait3A_204 = arith.constant 0 : i32
          %dma_wait3A_205 = arith.constant 0 : i32
          %dma_wait3A_206 = tpu.memref_slice %arg5[%dma_wait3A_192, %dma_wait3A_204, %dma_wait3A_205] : memref<2x50000x512xf32, #tpu.memory_space<hbm>> -> memref<1x16x512xf32, #tpu.memory_space<hbm>>
          %dma_wait3A_207 = tpu.memref_squeeze %dma_wait3A_206 : memref<1x16x512xf32, #tpu.memory_space<hbm>> -> memref<16x512xf32, #tpu.memory_space<hbm>>
          %dma_wait3A_208 = arith.constant 0 : i32
          %dma_wait3A_209 = arith.constant 0 : i32
          %dma_wait3A_210 = tpu.memref_slice %arg7[%rem3A_159, %dma_wait3A_208, %dma_wait3A_209] : memref<3x16x512xf32, #tpu.memory_space<vmem>> -> memref<1x16x512xf32, #tpu.memory_space<vmem>>
          %dma_wait3A_211 = tpu.memref_squeeze %dma_wait3A_210 : memref<1x16x512xf32, #tpu.memory_space<vmem>> -> memref<16x512xf32, #tpu.memory_space<vmem>>
          tpu.wait_dma2 semaphore(%dma_wait3A_203 : memref<!tpu.dma_semaphore, #tpu.memory_space<semaphore_mem>>) src(%dma_wait3A_211 : memref<16x512xf32, #tpu.memory_space<vmem>>) dst(%dma_wait3A_207 : memref<16x512xf32, #tpu.memory_space<hbm>>)
          %dma_wait3A_212 = arith.constant 1 : i32
          %dma_wait3A_213 = arith.constant 1 : i32
          %dma_wait3A_214 = arith.constant 0 : i32
          %dma_wait3A_215 = arith.constant 0 : i32
          %dma_wait3A_216 = tpu.memref_slice %arg8[%rem3A_159, %dma_wait3A_214, %dma_wait3A_215] : memref<3x16x512xf32, #tpu.memory_space<vmem>> -> memref<1x16x512xf32, #tpu.memory_space<vmem>>
          %dma_wait3A_217 = tpu.memref_squeeze %dma_wait3A_216 : memref<1x16x512xf32, #tpu.memory_space<vmem>> -> memref<16x512xf32, #tpu.memory_space<vmem>>
          %dma_wait3A_218 = arith.constant 0 : i32
          %dma_wait3A_219 = arith.constant 0 : i32
          %dma_wait3A_220 = tpu.memref_slice %arg5[%dma_wait3A_212, %dma_wait3A_218, %dma_wait3A_219] : memref<2x50000x512xf32, #tpu.memory_space<hbm>> -> memref<1x16x512xf32, #tpu.memory_space<hbm>>
          %dma_wait3A_221 = tpu.memref_squeeze %dma_wait3A_220 : memref<1x16x512xf32, #tpu.memory_space<hbm>> -> memref<16x512xf32, #tpu.memory_space<hbm>>
          %dma_wait3A_222 = tpu.memref_slice %arg10[%rem3A_159, %dma_wait3A_213] : memref<3x2x!tpu.dma_semaphore, #tpu.memory_space<semaphore_mem>> -> memref<1x1x!tpu.dma_semaphore, #tpu.memory_space<semaphore_mem>>
          %dma_wait3A_223 = tpu.memref_squeeze %dma_wait3A_222 : memref<1x1x!tpu.dma_semaphore, #tpu.memory_space<semaphore_mem>> -> memref<!tpu.dma_semaphore, #tpu.memory_space<semaphore_mem>>
          %dma_wait3A_224 = arith.constant 0 : i32
          %dma_wait3A_225 = arith.constant 0 : i32
          %dma_wait3A_226 = tpu.memref_slice %arg5[%dma_wait3A_212, %dma_wait3A_224, %dma_wait3A_225] : memref<2x50000x512xf32, #tpu.memory_space<hbm>> -> memref<1x16x512xf32, #tpu.memory_space<hbm>>
          %dma_wait3A_227 = tpu.memref_squeeze %dma_wait3A_226 : memref<1x16x512xf32, #tpu.memory_space<hbm>> -> memref<16x512xf32, #tpu.memory_space<hbm>>
          %dma_wait3A_228 = arith.constant 0 : i32
          %dma_wait3A_229 = arith.constant 0 : i32
          %dma_wait3A_230 = tpu.memref_slice %arg8[%rem3A_159, %dma_wait3A_228, %dma_wait3A_229] : memref<3x16x512xf32, #tpu.memory_space<vmem>> -> memref<1x16x512xf32, #tpu.memory_space<vmem>>
          %dma_wait3A_231 = tpu.memref_squeeze %dma_wait3A_230 : memref<1x16x512xf32, #tpu.memory_space<vmem>> -> memref<16x512xf32, #tpu.memory_space<vmem>>
          tpu.wait_dma2 semaphore(%dma_wait3A_223 : memref<!tpu.dma_semaphore, #tpu.memory_space<semaphore_mem>>) src(%dma_wait3A_231 : memref<16x512xf32, #tpu.memory_space<vmem>>) dst(%dma_wait3A_227 : memref<16x512xf32, #tpu.memory_space<hbm>>)
        } else {
        }
        %add3A_164 = arith.constant 3 : i32
        %add3A_165 = arith.addi %while3A_78, %add3A_164 : i32
        %sub3A_166 = arith.constant 1 : i32
        %sub3A_167 = arith.subi %add3A_165, %sub3A_166 : i32
        %mul3A_168 = arith.constant 16 : i32
        %mul3A_169 = arith.muli %sub3A_167, %mul3A_168 : i32
        %dma_start3A_170 = arith.constant 0 : i32
        %dma_start3A_171 = arith.constant 0 : i32
        %dma_start3A_172 = arith.constant 0 : i32
        %dma_start3A_173 = tpu.memref_slice %arg7[%rem3A_159, %dma_start3A_171, %dma_start3A_172] : memref<3x16x512xf32, #tpu.memory_space<vmem>> -> memref<1x16x512xf32, #tpu.memory_space<vmem>>
        %dma_start3A_174 = tpu.memref_squeeze %dma_start3A_173 : memref<1x16x512xf32, #tpu.memory_space<vmem>> -> memref<16x512xf32, #tpu.memory_space<vmem>>
        %dma_start3A_175 = tpu.memref_slice %arg6[%mul3A_169] : memref<1568xi32, #tpu.memory_space<vmem>> -> memref<16xi32, #tpu.memory_space<vmem>>
        %dma_start3A_176 = arith.constant 0 : i32
        %dma_start3A_177 = arith.constant 0 : i32
        %dma_start3A_178 = tpu.memref_slice %arg2[%dma_start3A_176, %dma_start3A_177] : memref<50000x512xf32, #tpu.memory_space<hbm>> -> memref<50000x512xf32, #tpu.memory_space<hbm>>
        %dma_start3A_179 = tpu.memref_slice %arg9[%rem3A_159, %dma_start3A_170] : memref<3x2x!tpu.dma_semaphore, #tpu.memory_space<semaphore_mem>> -> memref<1x1x!tpu.dma_semaphore, #tpu.memory_space<semaphore_mem>>
        %dma_start3A_180 = tpu.memref_squeeze %dma_start3A_179 : memref<1x1x!tpu.dma_semaphore, #tpu.memory_space<semaphore_mem>> -> memref<!tpu.dma_semaphore, #tpu.memory_space<semaphore_mem>>
        tpu.enqueue_indirect_dma source(%dma_start3A_178 : memref<50000x512xf32, #tpu.memory_space<hbm>>) target(%dma_start3A_174 : memref<16x512xf32, #tpu.memory_space<vmem>>) offsets(%dma_start3A_175 : memref<16xi32, #tpu.memory_space<vmem>>) semaphore(%dma_start3A_180 : memref<!tpu.dma_semaphore, #tpu.memory_space<semaphore_mem>>)
        %dma_start3A_181 = arith.constant 1 : i32
        %dma_start3A_182 = arith.constant 0 : i32
        %dma_start3A_183 = arith.constant 0 : i32
        %dma_start3A_184 = tpu.memref_slice %arg8[%rem3A_159, %dma_start3A_182, %dma_start3A_183] : memref<3x16x512xf32, #tpu.memory_space<vmem>> -> memref<1x16x512xf32, #tpu.memory_space<vmem>>
        %dma_start3A_185 = tpu.memref_squeeze %dma_start3A_184 : memref<1x16x512xf32, #tpu.memory_space<vmem>> -> memref<16x512xf32, #tpu.memory_space<vmem>>
        %dma_start3A_186 = tpu.memref_slice %arg6[%mul3A_169] : memref<1568xi32, #tpu.memory_space<vmem>> -> memref<16xi32, #tpu.memory_space<vmem>>
        %dma_start3A_187 = arith.constant 0 : i32
        %dma_start3A_188 = arith.constant 0 : i32
        %dma_start3A_189 = tpu.memref_slice %arg3[%dma_start3A_187, %dma_start3A_188] : memref<50000x512xf32, #tpu.memory_space<hbm>> -> memref<50000x512xf32, #tpu.memory_space<hbm>>
        %dma_start3A_190 = tpu.memref_slice %arg9[%rem3A_159, %dma_start3A_181] : memref<3x2x!tpu.dma_semaphore, #tpu.memory_space<semaphore_mem>> -> memref<1x1x!tpu.dma_semaphore, #tpu.memory_space<semaphore_mem>>
        %dma_start3A_191 = tpu.memref_squeeze %dma_start3A_190 : memref<1x1x!tpu.dma_semaphore, #tpu.memory_space<semaphore_mem>> -> memref<!tpu.dma_semaphore, #tpu.memory_space<semaphore_mem>>
        tpu.enqueue_indirect_dma source(%dma_start3A_189 : memref<50000x512xf32, #tpu.memory_space<hbm>>) target(%dma_start3A_185 : memref<16x512xf32, #tpu.memory_space<vmem>>) offsets(%dma_start3A_186 : memref<16xi32, #tpu.memory_space<vmem>>) semaphore(%dma_start3A_191 : memref<!tpu.dma_semaphore, #tpu.memory_space<semaphore_mem>>)
      } else {
      }
      %dma_wait3A = arith.constant 0 : i32
      %dma_wait3A_88 = arith.constant 0 : i32
      %dma_wait3A_89 = arith.constant 0 : i32
      %dma_wait3A_90 = tpu.memref_slice %arg7[%rem3A_80, %dma_wait3A_88, %dma_wait3A_89] : memref<3x16x512xf32, #tpu.memory_space<vmem>> -> memref<1x16x512xf32, #tpu.memory_space<vmem>>
      %dma_wait3A_91 = tpu.memref_squeeze %dma_wait3A_90 : memref<1x16x512xf32, #tpu.memory_space<vmem>> -> memref<16x512xf32, #tpu.memory_space<vmem>>
      %dma_wait3A_92 = arith.constant 0 : i32
      %dma_wait3A_93 = tpu.memref_slice %arg6[%dma_wait3A_92] : memref<1568xi32, #tpu.memory_space<vmem>> -> memref<16xi32, #tpu.memory_space<vmem>>
      %dma_wait3A_94 = arith.constant 0 : i32
      %dma_wait3A_95 = arith.constant 0 : i32
      %dma_wait3A_96 = tpu.memref_slice %arg2[%dma_wait3A_94, %dma_wait3A_95] : memref<50000x512xf32, #tpu.memory_space<hbm>> -> memref<50000x512xf32, #tpu.memory_space<hbm>>
      %dma_wait3A_97 = tpu.memref_slice %arg9[%rem3A_80, %dma_wait3A] : memref<3x2x!tpu.dma_semaphore, #tpu.memory_space<semaphore_mem>> -> memref<1x1x!tpu.dma_semaphore, #tpu.memory_space<semaphore_mem>>
      %dma_wait3A_98 = tpu.memref_squeeze %dma_wait3A_97 : memref<1x1x!tpu.dma_semaphore, #tpu.memory_space<semaphore_mem>> -> memref<!tpu.dma_semaphore, #tpu.memory_space<semaphore_mem>>
      tpu.wait_indirect_dma semaphore(%dma_wait3A_98 : memref<!tpu.dma_semaphore, #tpu.memory_space<semaphore_mem>>) src(%dma_wait3A_96 : memref<50000x512xf32, #tpu.memory_space<hbm>>) dst(%dma_wait3A_91 : memref<16x512xf32, #tpu.memory_space<vmem>>)
      %dma_wait3A_99 = arith.constant 1 : i32
      %dma_wait3A_100 = arith.constant 0 : i32
      %dma_wait3A_101 = arith.constant 0 : i32
      %dma_wait3A_102 = tpu.memref_slice %arg8[%rem3A_80, %dma_wait3A_100, %dma_wait3A_101] : memref<3x16x512xf32, #tpu.memory_space<vmem>> -> memref<1x16x512xf32, #tpu.memory_space<vmem>>
      %dma_wait3A_103 = tpu.memref_squeeze %dma_wait3A_102 : memref<1x16x512xf32, #tpu.memory_space<vmem>> -> memref<16x512xf32, #tpu.memory_space<vmem>>
      %dma_wait3A_104 = arith.constant 0 : i32
      %dma_wait3A_105 = tpu.memref_slice %arg6[%dma_wait3A_104] : memref<1568xi32, #tpu.memory_space<vmem>> -> memref<16xi32, #tpu.memory_space<vmem>>
      %dma_wait3A_106 = arith.constant 0 : i32
      %dma_wait3A_107 = arith.constant 0 : i32
      %dma_wait3A_108 = tpu.memref_slice %arg3[%dma_wait3A_106, %dma_wait3A_107] : memref<50000x512xf32, #tpu.memory_space<hbm>> -> memref<50000x512xf32, #tpu.memory_space<hbm>>
      %dma_wait3A_109 = tpu.memref_slice %arg9[%rem3A_80, %dma_wait3A_99] : memref<3x2x!tpu.dma_semaphore, #tpu.memory_space<semaphore_mem>> -> memref<1x1x!tpu.dma_semaphore, #tpu.memory_space<semaphore_mem>>
      %dma_wait3A_110 = tpu.memref_squeeze %dma_wait3A_109 : memref<1x1x!tpu.dma_semaphore, #tpu.memory_space<semaphore_mem>> -> memref<!tpu.dma_semaphore, #tpu.memory_space<semaphore_mem>>
      tpu.wait_indirect_dma semaphore(%dma_wait3A_110 : memref<!tpu.dma_semaphore, #tpu.memory_space<semaphore_mem>>) src(%dma_wait3A_108 : memref<50000x512xf32, #tpu.memory_space<hbm>>) dst(%dma_wait3A_103 : memref<16x512xf32, #tpu.memory_space<vmem>>)
      %scan3A = arith.constant 0 : i32
      %scan3A_111 = arith.constant 0 : i32
      %scan3A_112 = arith.constant 16 : i32
      %scan3A_113 = arith.addi %scan3A_111, %scan3A_112 : i32
      %scan3A_114 = arith.constant 1 : i32
      scf.for %scan3A_154 = %scan3A_111 to %scan3A_113 step %scan3A_114  : i32 {
        %get3A = arith.index_cast %rem3A_80 : i32 to index
        %get3A_155 = arith.index_cast %scan3A_154 : i32 to index
        %get3A_156 = arith.constant 0 : index
        %get3A_157 = tpu.vector_load %arg7[%get3A, %get3A_155, %get3A_156] {strides = array<i32>} : memref<3x16x512xf32, #tpu.memory_space<vmem>>, vector<1x1x16xf32>,
        %get3A_158 = vector.shape_cast %get3A_157 : vector<1x1x16xf32> to vector<16xf32>
        %get3A_159 = arith.index_cast %rem3A_80 : i32 to index
        %get3A_160 = arith.index_cast %scan3A_154 : i32 to index
        %get3A_161 = arith.constant 0 : index
        %get3A_162 = tpu.vector_load %arg8[%get3A_159, %get3A_160, %get3A_161] {strides = array<i32>} : memref<3x16x512xf32, #tpu.memory_space<vmem>>, vector<1x1x16xf32>,
        %get3A_163 = vector.shape_cast %get3A_162 : vector<1x1x16xf32> to vector<16xf32>
        %eq3A = arith.constant 0.000000e+00 : f32
        %eq3A_164 = vector.broadcast %eq3A : f32 to vector<16xf32>
        %eq3A_165 = arith.cmpf oeq, %get3A_158, %eq3A_164 : vector<16xf32>
        %max3A_166 = arith.constant 0.000000e+00 : f32
        %max3A_167 = vector.broadcast %max3A_166 : f32 to vector<16xf32>
        %max3A_168 = arith.maximumf %get3A_163, %max3A_167 : vector<16xf32>
        %jit3A_169 = arith.constant 0.000000e+00 : f32
        %broadcast_in_dim3A = vector.broadcast %jit3A_169 : f32 to vector<16xf32>
        %select_n3A_170 = arith.select %eq3A_165, %broadcast_in_dim3A, %max3A_168 : vector<16xi1>, vector<16xf32>
        %swap3A = arith.index_cast %rem3A_80 : i32 to index
        %swap3A_171 = arith.index_cast %scan3A_154 : i32 to index
        %swap3A_172 = arith.constant 0 : index
        %swap3A_173 = tpu.vector_load %arg8[%swap3A, %swap3A_171, %swap3A_172] {strides = array<i32>} : memref<3x16x512xf32, #tpu.memory_space<vmem>>, vector<1x1x16xf32>,
        %swap3A_174 = vector.shape_cast %swap3A_173 : vector<1x1x16xf32> to vector<16xf32>
        %swap3A_175 = vector.shape_cast %select_n3A_170 : vector<16xf32> to vector<1x1x16xf32>
        tpu.vector_store %arg8[%swap3A, %swap3A_171, %swap3A_172], %swap3A_175 {strides = array<i32>} : memref<3x16x512xf32, #tpu.memory_space<vmem>>, vector<1x1x16xf32>,
        %add3A_176 = arith.addf %get3A_158, %get3A_163 : vector<16xf32>
        %gt3A_177 = arith.constant 0.000000e+00 : f32
        %gt3A_178 = vector.broadcast %gt3A_177 : f32 to vector<16xf32>
        %gt3A_179 = arith.cmpf ogt, %add3A_176, %gt3A_178 : vector<16xf32>
        %jit3A_180 = arith.constant 0.000000e+00 : f32
        %broadcast_in_dim3A_181 = vector.broadcast %jit3A_180 : f32 to vector<16xf32>
        %select_n3A_182 = arith.select %gt3A_179, %get3A_158, %broadcast_in_dim3A_181 : vector<16xi1>, vector<16xf32>
        %swap3A_183 = arith.index_cast %rem3A_80 : i32 to index
        %swap3A_184 = arith.index_cast %scan3A_154 : i32 to index
        %swap3A_185 = arith.constant 0 : index
        %swap3A_186 = tpu.vector_load %arg7[%swap3A_183, %swap3A_184, %swap3A_185] {strides = array<i32>} : memref<3x16x512xf32, #tpu.memory_space<vmem>>, vector<1x1x16xf32>,
        %swap3A_187 = vector.shape_cast %swap3A_186 : vector<1x1x16xf32> to vector<16xf32>
        %swap3A_188 = vector.shape_cast %select_n3A_182 : vector<16xf32> to vector<1x1x16xf32>
        tpu.vector_store %arg7[%swap3A_183, %swap3A_184, %swap3A_185], %swap3A_188 {strides = array<i32>} : memref<3x16x512xf32, #tpu.memory_space<vmem>>, vector<1x1x16xf32>,
        %get3A_189 = arith.index_cast %rem3A_80 : i32 to index
        %get3A_190 = arith.index_cast %scan3A_154 : i32 to index
        %get3A_191 = arith.constant 16 : index
        %get3A_192 = tpu.vector_load %arg7[%get3A_189, %get3A_190, %get3A_191] {strides = array<i32>} : memref<3x16x512xf32, #tpu.memory_space<vmem>>, vector<1x1x16xf32>,
        %get3A_193 = vector.shape_cast %get3A_192 : vector<1x1x16xf32> to vector<16xf32>
        %get3A_194 = arith.index_cast %rem3A_80 : i32 to index
        %get3A_195 = arith.index_cast %scan3A_154 : i32 to index
        %get3A_196 = arith.constant 16 : index
        %get3A_197 = tpu.vector_load %arg8[%get3A_194, %get3A_195, %get3A_196] {strides = array<i32>} : memref<3x16x512xf32, #tpu.memory_space<vmem>>, vector<1x1x16xf32>,
        %get3A_198 = vector.shape_cast %get3A_197 : vector<1x1x16xf32> to vector<16xf32>
        %eq3A_199 = arith.constant 0.000000e+00 : f32
        %eq3A_200 = vector.broadcast %eq3A_199 : f32 to vector<16xf32>
        %eq3A_201 = arith.cmpf oeq, %get3A_193, %eq3A_200 : vector<16xf32>
        %max3A_202 = arith.constant 0.000000e+00 : f32
        %max3A_203 = vector.broadcast %max3A_202 : f32 to vector<16xf32>
        %max3A_204 = arith.maximumf %get3A_198, %max3A_203 : vector<16xf32>
        %jit3A_205 = arith.constant 0.000000e+00 : f32
        %broadcast_in_dim3A_206 = vector.broadcast %jit3A_205 : f32 to vector<16xf32>
        %select_n3A_207 = arith.select %eq3A_201, %broadcast_in_dim3A_206, %max3A_204 : vector<16xi1>, vector<16xf32>
        %swap3A_208 = arith.index_cast %rem3A_80 : i32 to index
        %swap3A_209 = arith.index_cast %scan3A_154 : i32 to index
        %swap3A_210 = arith.constant 16 : index
        %swap3A_211 = tpu.vector_load %arg8[%swap3A_208, %swap3A_209, %swap3A_210] {strides = array<i32>} : memref<3x16x512xf32, #tpu.memory_space<vmem>>, vector<1x1x16xf32>,
        %swap3A_212 = vector.shape_cast %swap3A_211 : vector<1x1x16xf32> to vector<16xf32>
        %swap3A_213 = vector.shape_cast %select_n3A_207 : vector<16xf32> to vector<1x1x16xf32>
        tpu.vector_store %arg8[%swap3A_208, %swap3A_209, %swap3A_210], %swap3A_213 {strides = array<i32>} : memref<3x16x512xf32, #tpu.memory_space<vmem>>, vector<1x1x16xf32>,
        %add3A_214 = arith.addf %get3A_193, %get3A_198 : vector<16xf32>
        %gt3A_215 = arith.constant 0.000000e+00 : f32
        %gt3A_216 = vector.broadcast %gt3A_215 : f32 to vector<16xf32>
        %gt3A_217 = arith.cmpf ogt, %add3A_214, %gt3A_216 : vector<16xf32>
        %jit3A_218 = arith.constant 0.000000e+00 : f32
        %broadcast_in_dim3A_219 = vector.broadcast %jit3A_218 : f32 to vector<16xf32>
        %select_n3A_220 = arith.select %gt3A_217, %get3A_193, %broadcast_in_dim3A_219 : vector<16xi1>, vector<16xf32>
        %swap3A_221 = arith.index_cast %rem3A_80 : i32 to index
        %swap3A_222 = arith.index_cast %scan3A_154 : i32 to index
        %swap3A_223 = arith.constant 16 : index
        %swap3A_224 = tpu.vector_load %arg7[%swap3A_221, %swap3A_222, %swap3A_223] {strides = array<i32>} : memref<3x16x512xf32, #tpu.memory_space<vmem>>, vector<1x1x16xf32>,
        %swap3A_225 = vector.shape_cast %swap3A_224 : vector<1x1x16xf32> to vector<16xf32>
        %swap3A_226 = vector.shape_cast %select_n3A_220 : vector<16xf32> to vector<1x1x16xf32>
        tpu.vector_store %arg7[%swap3A_221, %swap3A_222, %swap3A_223], %swap3A_226 {strides = array<i32>} : memref<3x16x512xf32, #tpu.memory_space<vmem>>, vector<1x1x16xf32>,
        %get3A_227 = arith.index_cast %rem3A_80 : i32 to index
        %get3A_228 = arith.index_cast %scan3A_154 : i32 to index
        %get3A_229 = arith.constant 32 : index
        %get3A_230 = tpu.vector_load %arg7[%get3A_227, %get3A_228, %get3A_229] {strides = array<i32>} : memref<3x16x512xf32, #tpu.memory_space<vmem>>, vector<1x1x16xf32>,
        %get3A_231 = vector.shape_cast %get3A_230 : vector<1x1x16xf32> to vector<16xf32>
        %get3A_232 = arith.index_cast %rem3A_80 : i32 to index
        %get3A_233 = arith.index_cast %scan3A_154 : i32 to index
        %get3A_234 = arith.constant 32 : index
        %get3A_235 = tpu.vector_load %arg8[%get3A_232, %get3A_233, %get3A_234] {strides = array<i32>} : memref<3x16x512xf32, #tpu.memory_space<vmem>>, vector<1x1x16xf32>,
        %get3A_236 = vector.shape_cast %get3A_235 : vector<1x1x16xf32> to vector<16xf32>
        %eq3A_237 = arith.constant 0.000000e+00 : f32
        %eq3A_238 = vector.broadcast %eq3A_237 : f32 to vector<16xf32>
        %eq3A_239 = arith.cmpf oeq, %get3A_231, %eq3A_238 : vector<16xf32>
        %max3A_240 = arith.constant 0.000000e+00 : f32
        %max3A_241 = vector.broadcast %max3A_240 : f32 to vector<16xf32>
        %max3A_242 = arith.maximumf %get3A_236, %max3A_241 : vector<16xf32>
        %jit3A_243 = arith.constant 0.000000e+00 : f32
        %broadcast_in_dim3A_244 = vector.broadcast %jit3A_243 : f32 to vector<16xf32>
        %select_n3A_245 = arith.select %eq3A_239, %broadcast_in_dim3A_244, %max3A_242 : vector<16xi1>, vector<16xf32>
        %swap3A_246 = arith.index_cast %rem3A_80 : i32 to index
        %swap3A_247 = arith.index_cast %scan3A_154 : i32 to index
        %swap3A_248 = arith.constant 32 : index
        %swap3A_249 = tpu.vector_load %arg8[%swap3A_246, %swap3A_247, %swap3A_248] {strides = array<i32>} : memref<3x16x512xf32, #tpu.memory_space<vmem>>, vector<1x1x16xf32>,
        %swap3A_250 = vector.shape_cast %swap3A_249 : vector<1x1x16xf32> to vector<16xf32>
        %swap3A_251 = vector.shape_cast %select_n3A_245 : vector<16xf32> to vector<1x1x16xf32>
        tpu.vector_store %arg8[%swap3A_246, %swap3A_247, %swap3A_248], %swap3A_251 {strides = array<i32>} : memref<3x16x512xf32, #tpu.memory_space<vmem>>, vector<1x1x16xf32>,
        %add3A_252 = arith.addf %get3A_231, %get3A_236 : vector<16xf32>
        %gt3A_253 = arith.constant 0.000000e+00 : f32
        %gt3A_254 = vector.broadcast %gt3A_253 : f32 to vector<16xf32>
        %gt3A_255 = arith.cmpf ogt, %add3A_252, %gt3A_254 : vector<16xf32>
        %jit3A_256 = arith.constant 0.000000e+00 : f32
        %broadcast_in_dim3A_257 = vector.broadcast %jit3A_256 : f32 to vector<16xf32>
        %select_n3A_258 = arith.select %gt3A_255, %get3A_231, %broadcast_in_dim3A_257 : vector<16xi1>, vector<16xf32>
        %swap3A_259 = arith.index_cast %rem3A_80 : i32 to index
        %swap3A_260 = arith.index_cast %scan3A_154 : i32 to index
        %swap3A_261 = arith.constant 32 : index
        %swap3A_262 = tpu.vector_load %arg7[%swap3A_259, %swap3A_260, %swap3A_261] {strides = array<i32>} : memref<3x16x512xf32, #tpu.memory_space<vmem>>, vector<1x1x16xf32>,
        %swap3A_263 = vector.shape_cast %swap3A_262 : vector<1x1x16xf32> to vector<16xf32>
        %swap3A_264 = vector.shape_cast %select_n3A_258 : vector<16xf32> to vector<1x1x16xf32>
        tpu.vector_store %arg7[%swap3A_259, %swap3A_260, %swap3A_261], %swap3A_264 {strides = array<i32>} : memref<3x16x512xf32, #tpu.memory_space<vmem>>, vector<1x1x16xf32>,
        %get3A_265 = arith.index_cast %rem3A_80 : i32 to index
        %get3A_266 = arith.index_cast %scan3A_154 : i32 to index
        %get3A_267 = arith.constant 48 : index
        %get3A_268 = tpu.vector_load %arg7[%get3A_265, %get3A_266, %get3A_267] {strides = array<i32>} : memref<3x16x512xf32, #tpu.memory_space<vmem>>, vector<1x1x16xf32>,
        %get3A_269 = vector.shape_cast %get3A_268 : vector<1x1x16xf32> to vector<16xf32>
        %get3A_270 = arith.index_cast %rem3A_80 : i32 to index
        %get3A_271 = arith.index_cast %scan3A_154 : i32 to index
        %get3A_272 = arith.constant 48 : index
        %get3A_273 = tpu.vector_load %arg8[%get3A_270, %get3A_271, %get3A_272] {strides = array<i32>} : memref<3x16x512xf32, #tpu.memory_space<vmem>>, vector<1x1x16xf32>,
        %get3A_274 = vector.shape_cast %get3A_273 : vector<1x1x16xf32> to vector<16xf32>
        %eq3A_275 = arith.constant 0.000000e+00 : f32
        %eq3A_276 = vector.broadcast %eq3A_275 : f32 to vector<16xf32>
        %eq3A_277 = arith.cmpf oeq, %get3A_269, %eq3A_276 : vector<16xf32>
        %max3A_278 = arith.constant 0.000000e+00 : f32
        %max3A_279 = vector.broadcast %max3A_278 : f32 to vector<16xf32>
        %max3A_280 = arith.maximumf %get3A_274, %max3A_279 : vector<16xf32>
        %jit3A_281 = arith.constant 0.000000e+00 : f32
        %broadcast_in_dim3A_282 = vector.broadcast %jit3A_281 : f32 to vector<16xf32>
        %select_n3A_283 = arith.select %eq3A_277, %broadcast_in_dim3A_282, %max3A_280 : vector<16xi1>, vector<16xf32>
        %swap3A_284 = arith.index_cast %rem3A_80 : i32 to index
        %swap3A_285 = arith.index_cast %scan3A_154 : i32 to index
        %swap3A_286 = arith.constant 48 : index
        %swap3A_287 = tpu.vector_load %arg8[%swap3A_284, %swap3A_285, %swap3A_286] {strides = array<i32>} : memref<3x16x512xf32, #tpu.memory_space<vmem>>, vector<1x1x16xf32>,
        %swap3A_288 = vector.shape_cast %swap3A_287 : vector<1x1x16xf32> to vector<16xf32>
        %swap3A_289 = vector.shape_cast %select_n3A_283 : vector<16xf32> to vector<1x1x16xf32>
        tpu.vector_store %arg8[%swap3A_284, %swap3A_285, %swap3A_286], %swap3A_289 {strides = array<i32>} : memref<3x16x512xf32, #tpu.memory_space<vmem>>, vector<1x1x16xf32>,
        %add3A_290 = arith.addf %get3A_269, %get3A_274 : vector<16xf32>
        %gt3A_291 = arith.constant 0.000000e+00 : f32
        %gt3A_292 = vector.broadcast %gt3A_291 : f32 to vector<16xf32>
        %gt3A_293 = arith.cmpf ogt, %add3A_290, %gt3A_292 : vector<16xf32>
        %jit3A_294 = arith.constant 0.000000e+00 : f32
        %broadcast_in_dim3A_295 = vector.broadcast %jit3A_294 : f32 to vector<16xf32>
        %select_n3A_296 = arith.select %gt3A_293, %get3A_269, %broadcast_in_dim3A_295 : vector<16xi1>, vector<16xf32>
        %swap3A_297 = arith.index_cast %rem3A_80 : i32 to index
        %swap3A_298 = arith.index_cast %scan3A_154 : i32 to index
        %swap3A_299 = arith.constant 48 : index
        %swap3A_300 = tpu.vector_load %arg7[%swap3A_297, %swap3A_298, %swap3A_299] {strides = array<i32>} : memref<3x16x512xf32, #tpu.memory_space<vmem>>, vector<1x1x16xf32>,
        %swap3A_301 = vector.shape_cast %swap3A_300 : vector<1x1x16xf32> to vector<16xf32>
        %swap3A_302 = vector.shape_cast %select_n3A_296 : vector<16xf32> to vector<1x1x16xf32>
        tpu.vector_store %arg7[%swap3A_297, %swap3A_298, %swap3A_299], %swap3A_302 {strides = array<i32>} : memref<3x16x512xf32, #tpu.memory_space<vmem>>, vector<1x1x16xf32>,
        %get3A_303 = arith.index_cast %rem3A_80 : i32 to index
        %get3A_304 = arith.index_cast %scan3A_154 : i32 to index
        %get3A_305 = arith.constant 64 : index
        %get3A_306 = tpu.vector_load %arg7[%get3A_303, %get3A_304, %get3A_305] {strides = array<i32>} : memref<3x16x512xf32, #tpu.memory_space<vmem>>, vector<1x1x16xf32>,
        %get3A_307 = vector.shape_cast %get3A_306 : vector<1x1x16xf32> to vector<16xf32>
        %get3A_308 = arith.index_cast %rem3A_80 : i32 to index
        %get3A_309 = arith.index_cast %scan3A_154 : i32 to index
        %get3A_310 = arith.constant 64 : index
        %get3A_311 = tpu.vector_load %arg8[%get3A_308, %get3A_309, %get3A_310] {strides = array<i32>} : memref<3x16x512xf32, #tpu.memory_space<vmem>>, vector<1x1x16xf32>,
        %get3A_312 = vector.shape_cast %get3A_311 : vector<1x1x16xf32> to vector<16xf32>
        %eq3A_313 = arith.constant 0.000000e+00 : f32
        %eq3A_314 = vector.broadcast %eq3A_313 : f32 to vector<16xf32>
        %eq3A_315 = arith.cmpf oeq, %get3A_307, %eq3A_314 : vector<16xf32>
        %max3A_316 = arith.constant 0.000000e+00 : f32
        %max3A_317 = vector.broadcast %max3A_316 : f32 to vector<16xf32>
        %max3A_318 = arith.maximumf %get3A_312, %max3A_317 : vector<16xf32>
        %jit3A_319 = arith.constant 0.000000e+00 : f32
        %broadcast_in_dim3A_320 = vector.broadcast %jit3A_319 : f32 to vector<16xf32>
        %select_n3A_321 = arith.select %eq3A_315, %broadcast_in_dim3A_320, %max3A_318 : vector<16xi1>, vector<16xf32>
        %swap3A_322 = arith.index_cast %rem3A_80 : i32 to index
        %swap3A_323 = arith.index_cast %scan3A_154 : i32 to index
        %swap3A_324 = arith.constant 64 : index
        %swap3A_325 = tpu.vector_load %arg8[%swap3A_322, %swap3A_323, %swap3A_324] {strides = array<i32>} : memref<3x16x512xf32, #tpu.memory_space<vmem>>, vector<1x1x16xf32>,
        %swap3A_326 = vector.shape_cast %swap3A_325 : vector<1x1x16xf32> to vector<16xf32>
        %swap3A_327 = vector.shape_cast %select_n3A_321 : vector<16xf32> to vector<1x1x16xf32>
        tpu.vector_store %arg8[%swap3A_322, %swap3A_323, %swap3A_324], %swap3A_327 {strides = array<i32>} : memref<3x16x512xf32, #tpu.memory_space<vmem>>, vector<1x1x16xf32>,
        %add3A_328 = arith.addf %get3A_307, %get3A_312 : vector<16xf32>
        %gt3A_329 = arith.constant 0.000000e+00 : f32
        %gt3A_330 = vector.broadcast %gt3A_329 : f32 to vector<16xf32>
        %gt3A_331 = arith.cmpf ogt, %add3A_328, %gt3A_330 : vector<16xf32>
        %jit3A_332 = arith.constant 0.000000e+00 : f32
        %broadcast_in_dim3A_333 = vector.broadcast %jit3A_332 : f32 to vector<16xf32>
        %select_n3A_334 = arith.select %gt3A_331, %get3A_307, %broadcast_in_dim3A_333 : vector<16xi1>, vector<16xf32>
        %swap3A_335 = arith.index_cast %rem3A_80 : i32 to index
        %swap3A_336 = arith.index_cast %scan3A_154 : i32 to index
        %swap3A_337 = arith.constant 64 : index
        %swap3A_338 = tpu.vector_load %arg7[%swap3A_335, %swap3A_336, %swap3A_337] {strides = array<i32>} : memref<3x16x512xf32, #tpu.memory_space<vmem>>, vector<1x1x16xf32>,
        %swap3A_339 = vector.shape_cast %swap3A_338 : vector<1x1x16xf32> to vector<16xf32>
        %swap3A_340 = vector.shape_cast %select_n3A_334 : vector<16xf32> to vector<1x1x16xf32>
        tpu.vector_store %arg7[%swap3A_335, %swap3A_336, %swap3A_337], %swap3A_340 {strides = array<i32>} : memref<3x16x512xf32, #tpu.memory_space<vmem>>, vector<1x1x16xf32>,
        %get3A_341 = arith.index_cast %rem3A_80 : i32 to index
        %get3A_342 = arith.index_cast %scan3A_154 : i32 to index
        %get3A_343 = arith.constant 80 : index
        %get3A_344 = tpu.vector_load %arg7[%get3A_341, %get3A_342, %get3A_343] {strides = array<i32>} : memref<3x16x512xf32, #tpu.memory_space<vmem>>, vector<1x1x16xf32>,
        %get3A_345 = vector.shape_cast %get3A_344 : vector<1x1x16xf32> to vector<16xf32>
        %get3A_346 = arith.index_cast %rem3A_80 : i32 to index
        %get3A_347 = arith.index_cast %scan3A_154 : i32 to index
        %get3A_348 = arith.constant 80 : index
        %get3A_349 = tpu.vector_load %arg8[%get3A_346, %get3A_347, %get3A_348] {strides = array<i32>} : memref<3x16x512xf32, #tpu.memory_space<vmem>>, vector<1x1x16xf32>,
        %get3A_350 = vector.shape_cast %get3A_349 : vector<1x1x16xf32> to vector<16xf32>
        %eq3A_351 = arith.constant 0.000000e+00 : f32
        %eq3A_352 = vector.broadcast %eq3A_351 : f32 to vector<16xf32>
        %eq3A_353 = arith.cmpf oeq, %get3A_345, %eq3A_352 : vector<16xf32>
        %max3A_354 = arith.constant 0.000000e+00 : f32
        %max3A_355 = vector.broadcast %max3A_354 : f32 to vector<16xf32>
        %max3A_356 = arith.maximumf %get3A_350, %max3A_355 : vector<16xf32>
        %jit3A_357 = arith.constant 0.000000e+00 : f32
        %broadcast_in_dim3A_358 = vector.broadcast %jit3A_357 : f32 to vector<16xf32>
        %select_n3A_359 = arith.select %eq3A_353, %broadcast_in_dim3A_358, %max3A_356 : vector<16xi1>, vector<16xf32>
        %swap3A_360 = arith.index_cast %rem3A_80 : i32 to index
        %swap3A_361 = arith.index_cast %scan3A_154 : i32 to index
        %swap3A_362 = arith.constant 80 : index
        %swap3A_363 = tpu.vector_load %arg8[%swap3A_360, %swap3A_361, %swap3A_362] {strides = array<i32>} : memref<3x16x512xf32, #tpu.memory_space<vmem>>, vector<1x1x16xf32>,
        %swap3A_364 = vector.shape_cast %swap3A_363 : vector<1x1x16xf32> to vector<16xf32>
        %swap3A_365 = vector.shape_cast %select_n3A_359 : vector<16xf32> to vector<1x1x16xf32>
        tpu.vector_store %arg8[%swap3A_360, %swap3A_361, %swap3A_362], %swap3A_365 {strides = array<i32>} : memref<3x16x512xf32, #tpu.memory_space<vmem>>, vector<1x1x16xf32>,
        %add3A_366 = arith.addf %get3A_345, %get3A_350 : vector<16xf32>
        %gt3A_367 = arith.constant 0.000000e+00 : f32
        %gt3A_368 = vector.broadcast %gt3A_367 : f32 to vector<16xf32>
        %gt3A_369 = arith.cmpf ogt, %add3A_366, %gt3A_368 : vector<16xf32>
        %jit3A_370 = arith.constant 0.000000e+00 : f32
        %broadcast_in_dim3A_371 = vector.broadcast %jit3A_370 : f32 to vector<16xf32>
        %select_n3A_372 = arith.select %gt3A_369, %get3A_345, %broadcast_in_dim3A_371 : vector<16xi1>, vector<16xf32>
        %swap3A_373 = arith.index_cast %rem3A_80 : i32 to index
        %swap3A_374 = arith.index_cast %scan3A_154 : i32 to index
        %swap3A_375 = arith.constant 80 : index
        %swap3A_376 = tpu.vector_load %arg7[%swap3A_373, %swap3A_374, %swap3A_375] {strides = array<i32>} : memref<3x16x512xf32, #tpu.memory_space<vmem>>, vector<1x1x16xf32>,
        %swap3A_377 = vector.shape_cast %swap3A_376 : vector<1x1x16xf32> to vector<16xf32>
        %swap3A_378 = vector.shape_cast %select_n3A_372 : vector<16xf32> to vector<1x1x16xf32>
        tpu.vector_store %arg7[%swap3A_373, %swap3A_374, %swap3A_375], %swap3A_378 {strides = array<i32>} : memref<3x16x512xf32, #tpu.memory_space<vmem>>, vector<1x1x16xf32>,
        %get3A_379 = arith.index_cast %rem3A_80 : i32 to index
        %get3A_380 = arith.index_cast %scan3A_154 : i32 to index
        %get3A_381 = arith.constant 96 : index
        %get3A_382 = tpu.vector_load %arg7[%get3A_379, %get3A_380, %get3A_381] {strides = array<i32>} : memref<3x16x512xf32, #tpu.memory_space<vmem>>, vector<1x1x16xf32>,
        %get3A_383 = vector.shape_cast %get3A_382 : vector<1x1x16xf32> to vector<16xf32>
        %get3A_384 = arith.index_cast %rem3A_80 : i32 to index
        %get3A_385 = arith.index_cast %scan3A_154 : i32 to index
        %get3A_386 = arith.constant 96 : index
        %get3A_387 = tpu.vector_load %arg8[%get3A_384, %get3A_385, %get3A_386] {strides = array<i32>} : memref<3x16x512xf32, #tpu.memory_space<vmem>>, vector<1x1x16xf32>,
        %get3A_388 = vector.shape_cast %get3A_387 : vector<1x1x16xf32> to vector<16xf32>
        %eq3A_389 = arith.constant 0.000000e+00 : f32
        %eq3A_390 = vector.broadcast %eq3A_389 : f32 to vector<16xf32>
        %eq3A_391 = arith.cmpf oeq, %get3A_383, %eq3A_390 : vector<16xf32>
        %max3A_392 = arith.constant 0.000000e+00 : f32
        %max3A_393 = vector.broadcast %max3A_392 : f32 to vector<16xf32>
        %max3A_394 = arith.maximumf %get3A_388, %max3A_393 : vector<16xf32>
        %jit3A_395 = arith.constant 0.000000e+00 : f32
        %broadcast_in_dim3A_396 = vector.broadcast %jit3A_395 : f32 to vector<16xf32>
        %select_n3A_397 = arith.select %eq3A_391, %broadcast_in_dim3A_396, %max3A_394 : vector<16xi1>, vector<16xf32>
        %swap3A_398 = arith.index_cast %rem3A_80 : i32 to index
        %swap3A_399 = arith.index_cast %scan3A_154 : i32 to index
        %swap3A_400 = arith.constant 96 : index
        %swap3A_401 = tpu.vector_load %arg8[%swap3A_398, %swap3A_399, %swap3A_400] {strides = array<i32>} : memref<3x16x512xf32, #tpu.memory_space<vmem>>, vector<1x1x16xf32>,
        %swap3A_402 = vector.shape_cast %swap3A_401 : vector<1x1x16xf32> to vector<16xf32>
        %swap3A_403 = vector.shape_cast %select_n3A_397 : vector<16xf32> to vector<1x1x16xf32>
        tpu.vector_store %arg8[%swap3A_398, %swap3A_399, %swap3A_400], %swap3A_403 {strides = array<i32>} : memref<3x16x512xf32, #tpu.memory_space<vmem>>, vector<1x1x16xf32>,
        %add3A_404 = arith.addf %get3A_383, %get3A_388 : vector<16xf32>
        %gt3A_405 = arith.constant 0.000000e+00 : f32
        %gt3A_406 = vector.broadcast %gt3A_405 : f32 to vector<16xf32>
        %gt3A_407 = arith.cmpf ogt, %add3A_404, %gt3A_406 : vector<16xf32>
        %jit3A_408 = arith.constant 0.000000e+00 : f32
        %broadcast_in_dim3A_409 = vector.broadcast %jit3A_408 : f32 to vector<16xf32>
        %select_n3A_410 = arith.select %gt3A_407, %get3A_383, %broadcast_in_dim3A_409 : vector<16xi1>, vector<16xf32>
        %swap3A_411 = arith.index_cast %rem3A_80 : i32 to index
        %swap3A_412 = arith.index_cast %scan3A_154 : i32 to index
        %swap3A_413 = arith.constant 96 : index
        %swap3A_414 = tpu.vector_load %arg7[%swap3A_411, %swap3A_412, %swap3A_413] {strides = array<i32>} : memref<3x16x512xf32, #tpu.memory_space<vmem>>, vector<1x1x16xf32>,
        %swap3A_415 = vector.shape_cast %swap3A_414 : vector<1x1x16xf32> to vector<16xf32>
        %swap3A_416 = vector.shape_cast %select_n3A_410 : vector<16xf32> to vector<1x1x16xf32>
        tpu.vector_store %arg7[%swap3A_411, %swap3A_412, %swap3A_413], %swap3A_416 {strides = array<i32>} : memref<3x16x512xf32, #tpu.memory_space<vmem>>, vector<1x1x16xf32>,
        %get3A_417 = arith.index_cast %rem3A_80 : i32 to index
        %get3A_418 = arith.index_cast %scan3A_154 : i32 to index
        %get3A_419 = arith.constant 112 : index
        %get3A_420 = tpu.vector_load %arg7[%get3A_417, %get3A_418, %get3A_419] {strides = array<i32>} : memref<3x16x512xf32, #tpu.memory_space<vmem>>, vector<1x1x16xf32>,
        %get3A_421 = vector.shape_cast %get3A_420 : vector<1x1x16xf32> to vector<16xf32>
        %get3A_422 = arith.index_cast %rem3A_80 : i32 to index
        %get3A_423 = arith.index_cast %scan3A_154 : i32 to index
        %get3A_424 = arith.constant 112 : index
        %get3A_425 = tpu.vector_load %arg8[%get3A_422, %get3A_423, %get3A_424] {strides = array<i32>} : memref<3x16x512xf32, #tpu.memory_space<vmem>>, vector<1x1x16xf32>,
        %get3A_426 = vector.shape_cast %get3A_425 : vector<1x1x16xf32> to vector<16xf32>
        %eq3A_427 = arith.constant 0.000000e+00 : f32
        %eq3A_428 = vector.broadcast %eq3A_427 : f32 to vector<16xf32>
        %eq3A_429 = arith.cmpf oeq, %get3A_421, %eq3A_428 : vector<16xf32>
        %max3A_430 = arith.constant 0.000000e+00 : f32
        %max3A_431 = vector.broadcast %max3A_430 : f32 to vector<16xf32>
        %max3A_432 = arith.maximumf %get3A_426, %max3A_431 : vector<16xf32>
        %jit3A_433 = arith.constant 0.000000e+00 : f32
        %broadcast_in_dim3A_434 = vector.broadcast %jit3A_433 : f32 to vector<16xf32>
        %select_n3A_435 = arith.select %eq3A_429, %broadcast_in_dim3A_434, %max3A_432 : vector<16xi1>, vector<16xf32>
        %swap3A_436 = arith.index_cast %rem3A_80 : i32 to index
        %swap3A_437 = arith.index_cast %scan3A_154 : i32 to index
        %swap3A_438 = arith.constant 112 : index
        %swap3A_439 = tpu.vector_load %arg8[%swap3A_436, %swap3A_437, %swap3A_438] {strides = array<i32>} : memref<3x16x512xf32, #tpu.memory_space<vmem>>, vector<1x1x16xf32>,
        %swap3A_440 = vector.shape_cast %swap3A_439 : vector<1x1x16xf32> to vector<16xf32>
        %swap3A_441 = vector.shape_cast %select_n3A_435 : vector<16xf32> to vector<1x1x16xf32>
        tpu.vector_store %arg8[%swap3A_436, %swap3A_437, %swap3A_438], %swap3A_441 {strides = array<i32>} : memref<3x16x512xf32, #tpu.memory_space<vmem>>, vector<1x1x16xf32>,
        %add3A_442 = arith.addf %get3A_421, %get3A_426 : vector<16xf32>
        %gt3A_443 = arith.constant 0.000000e+00 : f32
        %gt3A_444 = vector.broadcast %gt3A_443 : f32 to vector<16xf32>
        %gt3A_445 = arith.cmpf ogt, %add3A_442, %gt3A_444 : vector<16xf32>
        %jit3A_446 = arith.constant 0.000000e+00 : f32
        %broadcast_in_dim3A_447 = vector.broadcast %jit3A_446 : f32 to vector<16xf32>
        %select_n3A_448 = arith.select %gt3A_445, %get3A_421, %broadcast_in_dim3A_447 : vector<16xi1>, vector<16xf32>
        %swap3A_449 = arith.index_cast %rem3A_80 : i32 to index
        %swap3A_450 = arith.index_cast %scan3A_154 : i32 to index
        %swap3A_451 = arith.constant 112 : index
        %swap3A_452 = tpu.vector_load %arg7[%swap3A_449, %swap3A_450, %swap3A_451] {strides = array<i32>} : memref<3x16x512xf32, #tpu.memory_space<vmem>>, vector<1x1x16xf32>,
        %swap3A_453 = vector.shape_cast %swap3A_452 : vector<1x1x16xf32> to vector<16xf32>
        %swap3A_454 = vector.shape_cast %select_n3A_448 : vector<16xf32> to vector<1x1x16xf32>
        tpu.vector_store %arg7[%swap3A_449, %swap3A_450, %swap3A_451], %swap3A_454 {strides = array<i32>} : memref<3x16x512xf32, #tpu.memory_space<vmem>>, vector<1x1x16xf32>,
        %get3A_455 = arith.index_cast %rem3A_80 : i32 to index
        %get3A_456 = arith.index_cast %scan3A_154 : i32 to index
        %get3A_457 = arith.constant 128 : index
        %get3A_458 = tpu.vector_load %arg7[%get3A_455, %get3A_456, %get3A_457] {strides = array<i32>} : memref<3x16x512xf32, #tpu.memory_space<vmem>>, vector<1x1x16xf32>,
        %get3A_459 = vector.shape_cast %get3A_458 : vector<1x1x16xf32> to vector<16xf32>
        %get3A_460 = arith.index_cast %rem3A_80 : i32 to index
        %get3A_461 = arith.index_cast %scan3A_154 : i32 to index
        %get3A_462 = arith.constant 128 : index
        %get3A_463 = tpu.vector_load %arg8[%get3A_460, %get3A_461, %get3A_462] {strides = array<i32>} : memref<3x16x512xf32, #tpu.memory_space<vmem>>, vector<1x1x16xf32>,
        %get3A_464 = vector.shape_cast %get3A_463 : vector<1x1x16xf32> to vector<16xf32>
        %eq3A_465 = arith.constant 0.000000e+00 : f32
        %eq3A_466 = vector.broadcast %eq3A_465 : f32 to vector<16xf32>
        %eq3A_467 = arith.cmpf oeq, %get3A_459, %eq3A_466 : vector<16xf32>
        %max3A_468 = arith.constant 0.000000e+00 : f32
        %max3A_469 = vector.broadcast %max3A_468 : f32 to vector<16xf32>
        %max3A_470 = arith.maximumf %get3A_464, %max3A_469 : vector<16xf32>
        %jit3A_471 = arith.constant 0.000000e+00 : f32
        %broadcast_in_dim3A_472 = vector.broadcast %jit3A_471 : f32 to vector<16xf32>
        %select_n3A_473 = arith.select %eq3A_467, %broadcast_in_dim3A_472, %max3A_470 : vector<16xi1>, vector<16xf32>
        %swap3A_474 = arith.index_cast %rem3A_80 : i32 to index
        %swap3A_475 = arith.index_cast %scan3A_154 : i32 to index
        %swap3A_476 = arith.constant 128 : index
        %swap3A_477 = tpu.vector_load %arg8[%swap3A_474, %swap3A_475, %swap3A_476] {strides = array<i32>} : memref<3x16x512xf32, #tpu.memory_space<vmem>>, vector<1x1x16xf32>,
        %swap3A_478 = vector.shape_cast %swap3A_477 : vector<1x1x16xf32> to vector<16xf32>
        %swap3A_479 = vector.shape_cast %select_n3A_473 : vector<16xf32> to vector<1x1x16xf32>
        tpu.vector_store %arg8[%swap3A_474, %swap3A_475, %swap3A_476], %swap3A_479 {strides = array<i32>} : memref<3x16x512xf32, #tpu.memory_space<vmem>>, vector<1x1x16xf32>,
        %add3A_480 = arith.addf %get3A_459, %get3A_464 : vector<16xf32>
        %gt3A_481 = arith.constant 0.000000e+00 : f32
        %gt3A_482 = vector.broadcast %gt3A_481 : f32 to vector<16xf32>
        %gt3A_483 = arith.cmpf ogt, %add3A_480, %gt3A_482 : vector<16xf32>
        %jit3A_484 = arith.constant 0.000000e+00 : f32
        %broadcast_in_dim3A_485 = vector.broadcast %jit3A_484 : f32 to vector<16xf32>
        %select_n3A_486 = arith.select %gt3A_483, %get3A_459, %broadcast_in_dim3A_485 : vector<16xi1>, vector<16xf32>
        %swap3A_487 = arith.index_cast %rem3A_80 : i32 to index
        %swap3A_488 = arith.index_cast %scan3A_154 : i32 to index
        %swap3A_489 = arith.constant 128 : index
        %swap3A_490 = tpu.vector_load %arg7[%swap3A_487, %swap3A_488, %swap3A_489] {strides = array<i32>} : memref<3x16x512xf32, #tpu.memory_space<vmem>>, vector<1x1x16xf32>,
        %swap3A_491 = vector.shape_cast %swap3A_490 : vector<1x1x16xf32> to vector<16xf32>
        %swap3A_492 = vector.shape_cast %select_n3A_486 : vector<16xf32> to vector<1x1x16xf32>
        tpu.vector_store %arg7[%swap3A_487, %swap3A_488, %swap3A_489], %swap3A_492 {strides = array<i32>} : memref<3x16x512xf32, #tpu.memory_space<vmem>>, vector<1x1x16xf32>,
        %get3A_493 = arith.index_cast %rem3A_80 : i32 to index
        %get3A_494 = arith.index_cast %scan3A_154 : i32 to index
        %get3A_495 = arith.constant 144 : index
        %get3A_496 = tpu.vector_load %arg7[%get3A_493, %get3A_494, %get3A_495] {strides = array<i32>} : memref<3x16x512xf32, #tpu.memory_space<vmem>>, vector<1x1x16xf32>,
        %get3A_497 = vector.shape_cast %get3A_496 : vector<1x1x16xf32> to vector<16xf32>
        %get3A_498 = arith.index_cast %rem3A_80 : i32 to index
        %get3A_499 = arith.index_cast %scan3A_154 : i32 to index
        %get3A_500 = arith.constant 144 : index
        %get3A_501 = tpu.vector_load %arg8[%get3A_498, %get3A_499, %get3A_500] {strides = array<i32>} : memref<3x16x512xf32, #tpu.memory_space<vmem>>, vector<1x1x16xf32>,
        %get3A_502 = vector.shape_cast %get3A_501 : vector<1x1x16xf32> to vector<16xf32>
        %eq3A_503 = arith.constant 0.000000e+00 : f32
        %eq3A_504 = vector.broadcast %eq3A_503 : f32 to vector<16xf32>
        %eq3A_505 = arith.cmpf oeq, %get3A_497, %eq3A_504 : vector<16xf32>
        %max3A_506 = arith.constant 0.000000e+00 : f32
        %max3A_507 = vector.broadcast %max3A_506 : f32 to vector<16xf32>
        %max3A_508 = arith.maximumf %get3A_502, %max3A_507 : vector<16xf32>
        %jit3A_509 = arith.constant 0.000000e+00 : f32
        %broadcast_in_dim3A_510 = vector.broadcast %jit3A_509 : f32 to vector<16xf32>
        %select_n3A_511 = arith.select %eq3A_505, %broadcast_in_dim3A_510, %max3A_508 : vector<16xi1>, vector<16xf32>
        %swap3A_512 = arith.index_cast %rem3A_80 : i32 to index
        %swap3A_513 = arith.index_cast %scan3A_154 : i32 to index
        %swap3A_514 = arith.constant 144 : index
        %swap3A_515 = tpu.vector_load %arg8[%swap3A_512, %swap3A_513, %swap3A_514] {strides = array<i32>} : memref<3x16x512xf32, #tpu.memory_space<vmem>>, vector<1x1x16xf32>,
        %swap3A_516 = vector.shape_cast %swap3A_515 : vector<1x1x16xf32> to vector<16xf32>
        %swap3A_517 = vector.shape_cast %select_n3A_511 : vector<16xf32> to vector<1x1x16xf32>
        tpu.vector_store %arg8[%swap3A_512, %swap3A_513, %swap3A_514], %swap3A_517 {strides = array<i32>} : memref<3x16x512xf32, #tpu.memory_space<vmem>>, vector<1x1x16xf32>,
        %add3A_518 = arith.addf %get3A_497, %get3A_502 : vector<16xf32>
        %gt3A_519 = arith.constant 0.000000e+00 : f32
        %gt3A_520 = vector.broadcast %gt3A_519 : f32 to vector<16xf32>
        %gt3A_521 = arith.cmpf ogt, %add3A_518, %gt3A_520 : vector<16xf32>
        %jit3A_522 = arith.constant 0.000000e+00 : f32
        %broadcast_in_dim3A_523 = vector.broadcast %jit3A_522 : f32 to vector<16xf32>
        %select_n3A_524 = arith.select %gt3A_521, %get3A_497, %broadcast_in_dim3A_523 : vector<16xi1>, vector<16xf32>
        %swap3A_525 = arith.index_cast %rem3A_80 : i32 to index
        %swap3A_526 = arith.index_cast %scan3A_154 : i32 to index
        %swap3A_527 = arith.constant 144 : index
        %swap3A_528 = tpu.vector_load %arg7[%swap3A_525, %swap3A_526, %swap3A_527] {strides = array<i32>} : memref<3x16x512xf32, #tpu.memory_space<vmem>>, vector<1x1x16xf32>,
        %swap3A_529 = vector.shape_cast %swap3A_528 : vector<1x1x16xf32> to vector<16xf32>
        %swap3A_530 = vector.shape_cast %select_n3A_524 : vector<16xf32> to vector<1x1x16xf32>
        tpu.vector_store %arg7[%swap3A_525, %swap3A_526, %swap3A_527], %swap3A_530 {strides = array<i32>} : memref<3x16x512xf32, #tpu.memory_space<vmem>>, vector<1x1x16xf32>,
        %get3A_531 = arith.index_cast %rem3A_80 : i32 to index
        %get3A_532 = arith.index_cast %scan3A_154 : i32 to index
        %get3A_533 = arith.constant 160 : index
        %get3A_534 = tpu.vector_load %arg7[%get3A_531, %get3A_532, %get3A_533] {strides = array<i32>} : memref<3x16x512xf32, #tpu.memory_space<vmem>>, vector<1x1x16xf32>,
        %get3A_535 = vector.shape_cast %get3A_534 : vector<1x1x16xf32> to vector<16xf32>
        %get3A_536 = arith.index_cast %rem3A_80 : i32 to index
        %get3A_537 = arith.index_cast %scan3A_154 : i32 to index
        %get3A_538 = arith.constant 160 : index
        %get3A_539 = tpu.vector_load %arg8[%get3A_536, %get3A_537, %get3A_538] {strides = array<i32>} : memref<3x16x512xf32, #tpu.memory_space<vmem>>, vector<1x1x16xf32>,
        %get3A_540 = vector.shape_cast %get3A_539 : vector<1x1x16xf32> to vector<16xf32>
        %eq3A_541 = arith.constant 0.000000e+00 : f32
        %eq3A_542 = vector.broadcast %eq3A_541 : f32 to vector<16xf32>
        %eq3A_543 = arith.cmpf oeq, %get3A_535, %eq3A_542 : vector<16xf32>
        %max3A_544 = arith.constant 0.000000e+00 : f32
        %max3A_545 = vector.broadcast %max3A_544 : f32 to vector<16xf32>
        %max3A_546 = arith.maximumf %get3A_540, %max3A_545 : vector<16xf32>
        %jit3A_547 = arith.constant 0.000000e+00 : f32
        %broadcast_in_dim3A_548 = vector.broadcast %jit3A_547 : f32 to vector<16xf32>
        %select_n3A_549 = arith.select %eq3A_543, %broadcast_in_dim3A_548, %max3A_546 : vector<16xi1>, vector<16xf32>
        %swap3A_550 = arith.index_cast %rem3A_80 : i32 to index
        %swap3A_551 = arith.index_cast %scan3A_154 : i32 to index
        %swap3A_552 = arith.constant 160 : index
        %swap3A_553 = tpu.vector_load %arg8[%swap3A_550, %swap3A_551, %swap3A_552] {strides = array<i32>} : memref<3x16x512xf32, #tpu.memory_space<vmem>>, vector<1x1x16xf32>,
        %swap3A_554 = vector.shape_cast %swap3A_553 : vector<1x1x16xf32> to vector<16xf32>
        %swap3A_555 = vector.shape_cast %select_n3A_549 : vector<16xf32> to vector<1x1x16xf32>
        tpu.vector_store %arg8[%swap3A_550, %swap3A_551, %swap3A_552], %swap3A_555 {strides = array<i32>} : memref<3x16x512xf32, #tpu.memory_space<vmem>>, vector<1x1x16xf32>,
        %add3A_556 = arith.addf %get3A_535, %get3A_540 : vector<16xf32>
        %gt3A_557 = arith.constant 0.000000e+00 : f32
        %gt3A_558 = vector.broadcast %gt3A_557 : f32 to vector<16xf32>
        %gt3A_559 = arith.cmpf ogt, %add3A_556, %gt3A_558 : vector<16xf32>
        %jit3A_560 = arith.constant 0.000000e+00 : f32
        %broadcast_in_dim3A_561 = vector.broadcast %jit3A_560 : f32 to vector<16xf32>
        %select_n3A_562 = arith.select %gt3A_559, %get3A_535, %broadcast_in_dim3A_561 : vector<16xi1>, vector<16xf32>
        %swap3A_563 = arith.index_cast %rem3A_80 : i32 to index
        %swap3A_564 = arith.index_cast %scan3A_154 : i32 to index
        %swap3A_565 = arith.constant 160 : index
        %swap3A_566 = tpu.vector_load %arg7[%swap3A_563, %swap3A_564, %swap3A_565] {strides = array<i32>} : memref<3x16x512xf32, #tpu.memory_space<vmem>>, vector<1x1x16xf32>,
        %swap3A_567 = vector.shape_cast %swap3A_566 : vector<1x1x16xf32> to vector<16xf32>
        %swap3A_568 = vector.shape_cast %select_n3A_562 : vector<16xf32> to vector<1x1x16xf32>
        tpu.vector_store %arg7[%swap3A_563, %swap3A_564, %swap3A_565], %swap3A_568 {strides = array<i32>} : memref<3x16x512xf32, #tpu.memory_space<vmem>>, vector<1x1x16xf32>,
        %get3A_569 = arith.index_cast %rem3A_80 : i32 to index
        %get3A_570 = arith.index_cast %scan3A_154 : i32 to index
        %get3A_571 = arith.constant 176 : index
        %get3A_572 = tpu.vector_load %arg7[%get3A_569, %get3A_570, %get3A_571] {strides = array<i32>} : memref<3x16x512xf32, #tpu.memory_space<vmem>>, vector<1x1x16xf32>,
        %get3A_573 = vector.shape_cast %get3A_572 : vector<1x1x16xf32> to vector<16xf32>
        %get3A_574 = arith.index_cast %rem3A_80 : i32 to index
        %get3A_575 = arith.index_cast %scan3A_154 : i32 to index
        %get3A_576 = arith.constant 176 : index
        %get3A_577 = tpu.vector_load %arg8[%get3A_574, %get3A_575, %get3A_576] {strides = array<i32>} : memref<3x16x512xf32, #tpu.memory_space<vmem>>, vector<1x1x16xf32>,
        %get3A_578 = vector.shape_cast %get3A_577 : vector<1x1x16xf32> to vector<16xf32>
        %eq3A_579 = arith.constant 0.000000e+00 : f32
        %eq3A_580 = vector.broadcast %eq3A_579 : f32 to vector<16xf32>
        %eq3A_581 = arith.cmpf oeq, %get3A_573, %eq3A_580 : vector<16xf32>
        %max3A_582 = arith.constant 0.000000e+00 : f32
        %max3A_583 = vector.broadcast %max3A_582 : f32 to vector<16xf32>
        %max3A_584 = arith.maximumf %get3A_578, %max3A_583 : vector<16xf32>
        %jit3A_585 = arith.constant 0.000000e+00 : f32
        %broadcast_in_dim3A_586 = vector.broadcast %jit3A_585 : f32 to vector<16xf32>
        %select_n3A_587 = arith.select %eq3A_581, %broadcast_in_dim3A_586, %max3A_584 : vector<16xi1>, vector<16xf32>
        %swap3A_588 = arith.index_cast %rem3A_80 : i32 to index
        %swap3A_589 = arith.index_cast %scan3A_154 : i32 to index
        %swap3A_590 = arith.constant 176 : index
        %swap3A_591 = tpu.vector_load %arg8[%swap3A_588, %swap3A_589, %swap3A_590] {strides = array<i32>} : memref<3x16x512xf32, #tpu.memory_space<vmem>>, vector<1x1x16xf32>,
        %swap3A_592 = vector.shape_cast %swap3A_591 : vector<1x1x16xf32> to vector<16xf32>
        %swap3A_593 = vector.shape_cast %select_n3A_587 : vector<16xf32> to vector<1x1x16xf32>
        tpu.vector_store %arg8[%swap3A_588, %swap3A_589, %swap3A_590], %swap3A_593 {strides = array<i32>} : memref<3x16x512xf32, #tpu.memory_space<vmem>>, vector<1x1x16xf32>,
        %add3A_594 = arith.addf %get3A_573, %get3A_578 : vector<16xf32>
        %gt3A_595 = arith.constant 0.000000e+00 : f32
        %gt3A_596 = vector.broadcast %gt3A_595 : f32 to vector<16xf32>
        %gt3A_597 = arith.cmpf ogt, %add3A_594, %gt3A_596 : vector<16xf32>
        %jit3A_598 = arith.constant 0.000000e+00 : f32
        %broadcast_in_dim3A_599 = vector.broadcast %jit3A_598 : f32 to vector<16xf32>
        %select_n3A_600 = arith.select %gt3A_597, %get3A_573, %broadcast_in_dim3A_599 : vector<16xi1>, vector<16xf32>
        %swap3A_601 = arith.index_cast %rem3A_80 : i32 to index
        %swap3A_602 = arith.index_cast %scan3A_154 : i32 to index
        %swap3A_603 = arith.constant 176 : index
        %swap3A_604 = tpu.vector_load %arg7[%swap3A_601, %swap3A_602, %swap3A_603] {strides = array<i32>} : memref<3x16x512xf32, #tpu.memory_space<vmem>>, vector<1x1x16xf32>,
        %swap3A_605 = vector.shape_cast %swap3A_604 : vector<1x1x16xf32> to vector<16xf32>
        %swap3A_606 = vector.shape_cast %select_n3A_600 : vector<16xf32> to vector<1x1x16xf32>
        tpu.vector_store %arg7[%swap3A_601, %swap3A_602, %swap3A_603], %swap3A_606 {strides = array<i32>} : memref<3x16x512xf32, #tpu.memory_space<vmem>>, vector<1x1x16xf32>,
        %get3A_607 = arith.index_cast %rem3A_80 : i32 to index
        %get3A_608 = arith.index_cast %scan3A_154 : i32 to index
        %get3A_609 = arith.constant 192 : index
        %get3A_610 = tpu.vector_load %arg7[%get3A_607, %get3A_608, %get3A_609] {strides = array<i32>} : memref<3x16x512xf32, #tpu.memory_space<vmem>>, vector<1x1x16xf32>,
        %get3A_611 = vector.shape_cast %get3A_610 : vector<1x1x16xf32> to vector<16xf32>
        %get3A_612 = arith.index_cast %rem3A_80 : i32 to index
        %get3A_613 = arith.index_cast %scan3A_154 : i32 to index
        %get3A_614 = arith.constant 192 : index
        %get3A_615 = tpu.vector_load %arg8[%get3A_612, %get3A_613, %get3A_614] {strides = array<i32>} : memref<3x16x512xf32, #tpu.memory_space<vmem>>, vector<1x1x16xf32>,
        %get3A_616 = vector.shape_cast %get3A_615 : vector<1x1x16xf32> to vector<16xf32>
        %eq3A_617 = arith.constant 0.000000e+00 : f32
        %eq3A_618 = vector.broadcast %eq3A_617 : f32 to vector<16xf32>
        %eq3A_619 = arith.cmpf oeq, %get3A_611, %eq3A_618 : vector<16xf32>
        %max3A_620 = arith.constant 0.000000e+00 : f32
        %max3A_621 = vector.broadcast %max3A_620 : f32 to vector<16xf32>
        %max3A_622 = arith.maximumf %get3A_616, %max3A_621 : vector<16xf32>
        %jit3A_623 = arith.constant 0.000000e+00 : f32
        %broadcast_in_dim3A_624 = vector.broadcast %jit3A_623 : f32 to vector<16xf32>
        %select_n3A_625 = arith.select %eq3A_619, %broadcast_in_dim3A_624, %max3A_622 : vector<16xi1>, vector<16xf32>
        %swap3A_626 = arith.index_cast %rem3A_80 : i32 to index
        %swap3A_627 = arith.index_cast %scan3A_154 : i32 to index
        %swap3A_628 = arith.constant 192 : index
        %swap3A_629 = tpu.vector_load %arg8[%swap3A_626, %swap3A_627, %swap3A_628] {strides = array<i32>} : memref<3x16x512xf32, #tpu.memory_space<vmem>>, vector<1x1x16xf32>,
        %swap3A_630 = vector.shape_cast %swap3A_629 : vector<1x1x16xf32> to vector<16xf32>
        %swap3A_631 = vector.shape_cast %select_n3A_625 : vector<16xf32> to vector<1x1x16xf32>
        tpu.vector_store %arg8[%swap3A_626, %swap3A_627, %swap3A_628], %swap3A_631 {strides = array<i32>} : memref<3x16x512xf32, #tpu.memory_space<vmem>>, vector<1x1x16xf32>,
        %add3A_632 = arith.addf %get3A_611, %get3A_616 : vector<16xf32>
        %gt3A_633 = arith.constant 0.000000e+00 : f32
        %gt3A_634 = vector.broadcast %gt3A_633 : f32 to vector<16xf32>
        %gt3A_635 = arith.cmpf ogt, %add3A_632, %gt3A_634 : vector<16xf32>
        %jit3A_636 = arith.constant 0.000000e+00 : f32
        %broadcast_in_dim3A_637 = vector.broadcast %jit3A_636 : f32 to vector<16xf32>
        %select_n3A_638 = arith.select %gt3A_635, %get3A_611, %broadcast_in_dim3A_637 : vector<16xi1>, vector<16xf32>
        %swap3A_639 = arith.index_cast %rem3A_80 : i32 to index
        %swap3A_640 = arith.index_cast %scan3A_154 : i32 to index
        %swap3A_641 = arith.constant 192 : index
        %swap3A_642 = tpu.vector_load %arg7[%swap3A_639, %swap3A_640, %swap3A_641] {strides = array<i32>} : memref<3x16x512xf32, #tpu.memory_space<vmem>>, vector<1x1x16xf32>,
        %swap3A_643 = vector.shape_cast %swap3A_642 : vector<1x1x16xf32> to vector<16xf32>
        %swap3A_644 = vector.shape_cast %select_n3A_638 : vector<16xf32> to vector<1x1x16xf32>
        tpu.vector_store %arg7[%swap3A_639, %swap3A_640, %swap3A_641], %swap3A_644 {strides = array<i32>} : memref<3x16x512xf32, #tpu.memory_space<vmem>>, vector<1x1x16xf32>,
        %get3A_645 = arith.index_cast %rem3A_80 : i32 to index
        %get3A_646 = arith.index_cast %scan3A_154 : i32 to index
        %get3A_647 = arith.constant 208 : index
        %get3A_648 = tpu.vector_load %arg7[%get3A_645, %get3A_646, %get3A_647] {strides = array<i32>} : memref<3x16x512xf32, #tpu.memory_space<vmem>>, vector<1x1x16xf32>,
        %get3A_649 = vector.shape_cast %get3A_648 : vector<1x1x16xf32> to vector<16xf32>
        %get3A_650 = arith.index_cast %rem3A_80 : i32 to index
        %get3A_651 = arith.index_cast %scan3A_154 : i32 to index
        %get3A_652 = arith.constant 208 : index
        %get3A_653 = tpu.vector_load %arg8[%get3A_650, %get3A_651, %get3A_652] {strides = array<i32>} : memref<3x16x512xf32, #tpu.memory_space<vmem>>, vector<1x1x16xf32>,
        %get3A_654 = vector.shape_cast %get3A_653 : vector<1x1x16xf32> to vector<16xf32>
        %eq3A_655 = arith.constant 0.000000e+00 : f32
        %eq3A_656 = vector.broadcast %eq3A_655 : f32 to vector<16xf32>
        %eq3A_657 = arith.cmpf oeq, %get3A_649, %eq3A_656 : vector<16xf32>
        %max3A_658 = arith.constant 0.000000e+00 : f32
        %max3A_659 = vector.broadcast %max3A_658 : f32 to vector<16xf32>
        %max3A_660 = arith.maximumf %get3A_654, %max3A_659 : vector<16xf32>
        %jit3A_661 = arith.constant 0.000000e+00 : f32
        %broadcast_in_dim3A_662 = vector.broadcast %jit3A_661 : f32 to vector<16xf32>
        %select_n3A_663 = arith.select %eq3A_657, %broadcast_in_dim3A_662, %max3A_660 : vector<16xi1>, vector<16xf32>
        %swap3A_664 = arith.index_cast %rem3A_80 : i32 to index
        %swap3A_665 = arith.index_cast %scan3A_154 : i32 to index
        %swap3A_666 = arith.constant 208 : index
        %swap3A_667 = tpu.vector_load %arg8[%swap3A_664, %swap3A_665, %swap3A_666] {strides = array<i32>} : memref<3x16x512xf32, #tpu.memory_space<vmem>>, vector<1x1x16xf32>,
        %swap3A_668 = vector.shape_cast %swap3A_667 : vector<1x1x16xf32> to vector<16xf32>
        %swap3A_669 = vector.shape_cast %select_n3A_663 : vector<16xf32> to vector<1x1x16xf32>
        tpu.vector_store %arg8[%swap3A_664, %swap3A_665, %swap3A_666], %swap3A_669 {strides = array<i32>} : memref<3x16x512xf32, #tpu.memory_space<vmem>>, vector<1x1x16xf32>,
        %add3A_670 = arith.addf %get3A_649, %get3A_654 : vector<16xf32>
        %gt3A_671 = arith.constant 0.000000e+00 : f32
        %gt3A_672 = vector.broadcast %gt3A_671 : f32 to vector<16xf32>
        %gt3A_673 = arith.cmpf ogt, %add3A_670, %gt3A_672 : vector<16xf32>
        %jit3A_674 = arith.constant 0.000000e+00 : f32
        %broadcast_in_dim3A_675 = vector.broadcast %jit3A_674 : f32 to vector<16xf32>
        %select_n3A_676 = arith.select %gt3A_673, %get3A_649, %broadcast_in_dim3A_675 : vector<16xi1>, vector<16xf32>
        %swap3A_677 = arith.index_cast %rem3A_80 : i32 to index
        %swap3A_678 = arith.index_cast %scan3A_154 : i32 to index
        %swap3A_679 = arith.constant 208 : index
        %swap3A_680 = tpu.vector_load %arg7[%swap3A_677, %swap3A_678, %swap3A_679] {strides = array<i32>} : memref<3x16x512xf32, #tpu.memory_space<vmem>>, vector<1x1x16xf32>,
        %swap3A_681 = vector.shape_cast %swap3A_680 : vector<1x1x16xf32> to vector<16xf32>
        %swap3A_682 = vector.shape_cast %select_n3A_676 : vector<16xf32> to vector<1x1x16xf32>
        tpu.vector_store %arg7[%swap3A_677, %swap3A_678, %swap3A_679], %swap3A_682 {strides = array<i32>} : memref<3x16x512xf32, #tpu.memory_space<vmem>>, vector<1x1x16xf32>,
        %get3A_683 = arith.index_cast %rem3A_80 : i32 to index
        %get3A_684 = arith.index_cast %scan3A_154 : i32 to index
        %get3A_685 = arith.constant 224 : index
        %get3A_686 = tpu.vector_load %arg7[%get3A_683, %get3A_684, %get3A_685] {strides = array<i32>} : memref<3x16x512xf32, #tpu.memory_space<vmem>>, vector<1x1x16xf32>,
        %get3A_687 = vector.shape_cast %get3A_686 : vector<1x1x16xf32> to vector<16xf32>
        %get3A_688 = arith.index_cast %rem3A_80 : i32 to index
        %get3A_689 = arith.index_cast %scan3A_154 : i32 to index
        %get3A_690 = arith.constant 224 : index
        %get3A_691 = tpu.vector_load %arg8[%get3A_688, %get3A_689, %get3A_690] {strides = array<i32>} : memref<3x16x512xf32, #tpu.memory_space<vmem>>, vector<1x1x16xf32>,
        %get3A_692 = vector.shape_cast %get3A_691 : vector<1x1x16xf32> to vector<16xf32>
        %eq3A_693 = arith.constant 0.000000e+00 : f32
        %eq3A_694 = vector.broadcast %eq3A_693 : f32 to vector<16xf32>
        %eq3A_695 = arith.cmpf oeq, %get3A_687, %eq3A_694 : vector<16xf32>
        %max3A_696 = arith.constant 0.000000e+00 : f32
        %max3A_697 = vector.broadcast %max3A_696 : f32 to vector<16xf32>
        %max3A_698 = arith.maximumf %get3A_692, %max3A_697 : vector<16xf32>
        %jit3A_699 = arith.constant 0.000000e+00 : f32
        %broadcast_in_dim3A_700 = vector.broadcast %jit3A_699 : f32 to vector<16xf32>
        %select_n3A_701 = arith.select %eq3A_695, %broadcast_in_dim3A_700, %max3A_698 : vector<16xi1>, vector<16xf32>
        %swap3A_702 = arith.index_cast %rem3A_80 : i32 to index
        %swap3A_703 = arith.index_cast %scan3A_154 : i32 to index
        %swap3A_704 = arith.constant 224 : index
        %swap3A_705 = tpu.vector_load %arg8[%swap3A_702, %swap3A_703, %swap3A_704] {strides = array<i32>} : memref<3x16x512xf32, #tpu.memory_space<vmem>>, vector<1x1x16xf32>,
        %swap3A_706 = vector.shape_cast %swap3A_705 : vector<1x1x16xf32> to vector<16xf32>
        %swap3A_707 = vector.shape_cast %select_n3A_701 : vector<16xf32> to vector<1x1x16xf32>
        tpu.vector_store %arg8[%swap3A_702, %swap3A_703, %swap3A_704], %swap3A_707 {strides = array<i32>} : memref<3x16x512xf32, #tpu.memory_space<vmem>>, vector<1x1x16xf32>,
        %add3A_708 = arith.addf %get3A_687, %get3A_692 : vector<16xf32>
        %gt3A_709 = arith.constant 0.000000e+00 : f32
        %gt3A_710 = vector.broadcast %gt3A_709 : f32 to vector<16xf32>
        %gt3A_711 = arith.cmpf ogt, %add3A_708, %gt3A_710 : vector<16xf32>
        %jit3A_712 = arith.constant 0.000000e+00 : f32
        %broadcast_in_dim3A_713 = vector.broadcast %jit3A_712 : f32 to vector<16xf32>
        %select_n3A_714 = arith.select %gt3A_711, %get3A_687, %broadcast_in_dim3A_713 : vector<16xi1>, vector<16xf32>
        %swap3A_715 = arith.index_cast %rem3A_80 : i32 to index
        %swap3A_716 = arith.index_cast %scan3A_154 : i32 to index
        %swap3A_717 = arith.constant 224 : index
        %swap3A_718 = tpu.vector_load %arg7[%swap3A_715, %swap3A_716, %swap3A_717] {strides = array<i32>} : memref<3x16x512xf32, #tpu.memory_space<vmem>>, vector<1x1x16xf32>,
        %swap3A_719 = vector.shape_cast %swap3A_718 : vector<1x1x16xf32> to vector<16xf32>
        %swap3A_720 = vector.shape_cast %select_n3A_714 : vector<16xf32> to vector<1x1x16xf32>
        tpu.vector_store %arg7[%swap3A_715, %swap3A_716, %swap3A_717], %swap3A_720 {strides = array<i32>} : memref<3x16x512xf32, #tpu.memory_space<vmem>>, vector<1x1x16xf32>,
        %get3A_721 = arith.index_cast %rem3A_80 : i32 to index
        %get3A_722 = arith.index_cast %scan3A_154 : i32 to index
        %get3A_723 = arith.constant 240 : index
        %get3A_724 = tpu.vector_load %arg7[%get3A_721, %get3A_722, %get3A_723] {strides = array<i32>} : memref<3x16x512xf32, #tpu.memory_space<vmem>>, vector<1x1x16xf32>,
        %get3A_725 = vector.shape_cast %get3A_724 : vector<1x1x16xf32> to vector<16xf32>
        %get3A_726 = arith.index_cast %rem3A_80 : i32 to index
        %get3A_727 = arith.index_cast %scan3A_154 : i32 to index
        %get3A_728 = arith.constant 240 : index
        %get3A_729 = tpu.vector_load %arg8[%get3A_726, %get3A_727, %get3A_728] {strides = array<i32>} : memref<3x16x512xf32, #tpu.memory_space<vmem>>, vector<1x1x16xf32>,
        %get3A_730 = vector.shape_cast %get3A_729 : vector<1x1x16xf32> to vector<16xf32>
        %eq3A_731 = arith.constant 0.000000e+00 : f32
        %eq3A_732 = vector.broadcast %eq3A_731 : f32 to vector<16xf32>
        %eq3A_733 = arith.cmpf oeq, %get3A_725, %eq3A_732 : vector<16xf32>
        %max3A_734 = arith.constant 0.000000e+00 : f32
        %max3A_735 = vector.broadcast %max3A_734 : f32 to vector<16xf32>
        %max3A_736 = arith.maximumf %get3A_730, %max3A_735 : vector<16xf32>
        %jit3A_737 = arith.constant 0.000000e+00 : f32
        %broadcast_in_dim3A_738 = vector.broadcast %jit3A_737 : f32 to vector<16xf32>
        %select_n3A_739 = arith.select %eq3A_733, %broadcast_in_dim3A_738, %max3A_736 : vector<16xi1>, vector<16xf32>
        %swap3A_740 = arith.index_cast %rem3A_80 : i32 to index
        %swap3A_741 = arith.index_cast %scan3A_154 : i32 to index
        %swap3A_742 = arith.constant 240 : index
        %swap3A_743 = tpu.vector_load %arg8[%swap3A_740, %swap3A_741, %swap3A_742] {strides = array<i32>} : memref<3x16x512xf32, #tpu.memory_space<vmem>>, vector<1x1x16xf32>,
        %swap3A_744 = vector.shape_cast %swap3A_743 : vector<1x1x16xf32> to vector<16xf32>
        %swap3A_745 = vector.shape_cast %select_n3A_739 : vector<16xf32> to vector<1x1x16xf32>
        tpu.vector_store %arg8[%swap3A_740, %swap3A_741, %swap3A_742], %swap3A_745 {strides = array<i32>} : memref<3x16x512xf32, #tpu.memory_space<vmem>>, vector<1x1x16xf32>,
        %add3A_746 = arith.addf %get3A_725, %get3A_730 : vector<16xf32>
        %gt3A_747 = arith.constant 0.000000e+00 : f32
        %gt3A_748 = vector.broadcast %gt3A_747 : f32 to vector<16xf32>
        %gt3A_749 = arith.cmpf ogt, %add3A_746, %gt3A_748 : vector<16xf32>
        %jit3A_750 = arith.constant 0.000000e+00 : f32
        %broadcast_in_dim3A_751 = vector.broadcast %jit3A_750 : f32 to vector<16xf32>
        %select_n3A_752 = arith.select %gt3A_749, %get3A_725, %broadcast_in_dim3A_751 : vector<16xi1>, vector<16xf32>
        %swap3A_753 = arith.index_cast %rem3A_80 : i32 to index
        %swap3A_754 = arith.index_cast %scan3A_154 : i32 to index
        %swap3A_755 = arith.constant 240 : index
        %swap3A_756 = tpu.vector_load %arg7[%swap3A_753, %swap3A_754, %swap3A_755] {strides = array<i32>} : memref<3x16x512xf32, #tpu.memory_space<vmem>>, vector<1x1x16xf32>,
        %swap3A_757 = vector.shape_cast %swap3A_756 : vector<1x1x16xf32> to vector<16xf32>
        %swap3A_758 = vector.shape_cast %select_n3A_752 : vector<16xf32> to vector<1x1x16xf32>
        tpu.vector_store %arg7[%swap3A_753, %swap3A_754, %swap3A_755], %swap3A_758 {strides = array<i32>} : memref<3x16x512xf32, #tpu.memory_space<vmem>>, vector<1x1x16xf32>,
        %get3A_759 = arith.index_cast %rem3A_80 : i32 to index
        %get3A_760 = arith.index_cast %scan3A_154 : i32 to index
        %get3A_761 = arith.constant 256 : index
        %get3A_762 = tpu.vector_load %arg7[%get3A_759, %get3A_760, %get3A_761] {strides = array<i32>} : memref<3x16x512xf32, #tpu.memory_space<vmem>>, vector<1x1x16xf32>,
        %get3A_763 = vector.shape_cast %get3A_762 : vector<1x1x16xf32> to vector<16xf32>
        %get3A_764 = arith.index_cast %rem3A_80 : i32 to index
        %get3A_765 = arith.index_cast %scan3A_154 : i32 to index
        %get3A_766 = arith.constant 256 : index
        %get3A_767 = tpu.vector_load %arg8[%get3A_764, %get3A_765, %get3A_766] {strides = array<i32>} : memref<3x16x512xf32, #tpu.memory_space<vmem>>, vector<1x1x16xf32>,
        %get3A_768 = vector.shape_cast %get3A_767 : vector<1x1x16xf32> to vector<16xf32>
        %eq3A_769 = arith.constant 0.000000e+00 : f32
        %eq3A_770 = vector.broadcast %eq3A_769 : f32 to vector<16xf32>
        %eq3A_771 = arith.cmpf oeq, %get3A_763, %eq3A_770 : vector<16xf32>
        %max3A_772 = arith.constant 0.000000e+00 : f32
        %max3A_773 = vector.broadcast %max3A_772 : f32 to vector<16xf32>
        %max3A_774 = arith.maximumf %get3A_768, %max3A_773 : vector<16xf32>
        %jit3A_775 = arith.constant 0.000000e+00 : f32
        %broadcast_in_dim3A_776 = vector.broadcast %jit3A_775 : f32 to vector<16xf32>
        %select_n3A_777 = arith.select %eq3A_771, %broadcast_in_dim3A_776, %max3A_774 : vector<16xi1>, vector<16xf32>
        %swap3A_778 = arith.index_cast %rem3A_80 : i32 to index
        %swap3A_779 = arith.index_cast %scan3A_154 : i32 to index
        %swap3A_780 = arith.constant 256 : index
        %swap3A_781 = tpu.vector_load %arg8[%swap3A_778, %swap3A_779, %swap3A_780] {strides = array<i32>} : memref<3x16x512xf32, #tpu.memory_space<vmem>>, vector<1x1x16xf32>,
        %swap3A_782 = vector.shape_cast %swap3A_781 : vector<1x1x16xf32> to vector<16xf32>
        %swap3A_783 = vector.shape_cast %select_n3A_777 : vector<16xf32> to vector<1x1x16xf32>
        tpu.vector_store %arg8[%swap3A_778, %swap3A_779, %swap3A_780], %swap3A_783 {strides = array<i32>} : memref<3x16x512xf32, #tpu.memory_space<vmem>>, vector<1x1x16xf32>,
        %add3A_784 = arith.addf %get3A_763, %get3A_768 : vector<16xf32>
        %gt3A_785 = arith.constant 0.000000e+00 : f32
        %gt3A_786 = vector.broadcast %gt3A_785 : f32 to vector<16xf32>
        %gt3A_787 = arith.cmpf ogt, %add3A_784, %gt3A_786 : vector<16xf32>
        %jit3A_788 = arith.constant 0.000000e+00 : f32
        %broadcast_in_dim3A_789 = vector.broadcast %jit3A_788 : f32 to vector<16xf32>
        %select_n3A_790 = arith.select %gt3A_787, %get3A_763, %broadcast_in_dim3A_789 : vector<16xi1>, vector<16xf32>
        %swap3A_791 = arith.index_cast %rem3A_80 : i32 to index
        %swap3A_792 = arith.index_cast %scan3A_154 : i32 to index
        %swap3A_793 = arith.constant 256 : index
        %swap3A_794 = tpu.vector_load %arg7[%swap3A_791, %swap3A_792, %swap3A_793] {strides = array<i32>} : memref<3x16x512xf32, #tpu.memory_space<vmem>>, vector<1x1x16xf32>,
        %swap3A_795 = vector.shape_cast %swap3A_794 : vector<1x1x16xf32> to vector<16xf32>
        %swap3A_796 = vector.shape_cast %select_n3A_790 : vector<16xf32> to vector<1x1x16xf32>
        tpu.vector_store %arg7[%swap3A_791, %swap3A_792, %swap3A_793], %swap3A_796 {strides = array<i32>} : memref<3x16x512xf32, #tpu.memory_space<vmem>>, vector<1x1x16xf32>,
        %get3A_797 = arith.index_cast %rem3A_80 : i32 to index
        %get3A_798 = arith.index_cast %scan3A_154 : i32 to index
        %get3A_799 = arith.constant 272 : index
        %get3A_800 = tpu.vector_load %arg7[%get3A_797, %get3A_798, %get3A_799] {strides = array<i32>} : memref<3x16x512xf32, #tpu.memory_space<vmem>>, vector<1x1x16xf32>,
        %get3A_801 = vector.shape_cast %get3A_800 : vector<1x1x16xf32> to vector<16xf32>
        %get3A_802 = arith.index_cast %rem3A_80 : i32 to index
        %get3A_803 = arith.index_cast %scan3A_154 : i32 to index
        %get3A_804 = arith.constant 272 : index
        %get3A_805 = tpu.vector_load %arg8[%get3A_802, %get3A_803, %get3A_804] {strides = array<i32>} : memref<3x16x512xf32, #tpu.memory_space<vmem>>, vector<1x1x16xf32>,
        %get3A_806 = vector.shape_cast %get3A_805 : vector<1x1x16xf32> to vector<16xf32>
        %eq3A_807 = arith.constant 0.000000e+00 : f32
        %eq3A_808 = vector.broadcast %eq3A_807 : f32 to vector<16xf32>
        %eq3A_809 = arith.cmpf oeq, %get3A_801, %eq3A_808 : vector<16xf32>
        %max3A_810 = arith.constant 0.000000e+00 : f32
        %max3A_811 = vector.broadcast %max3A_810 : f32 to vector<16xf32>
        %max3A_812 = arith.maximumf %get3A_806, %max3A_811 : vector<16xf32>
        %jit3A_813 = arith.constant 0.000000e+00 : f32
        %broadcast_in_dim3A_814 = vector.broadcast %jit3A_813 : f32 to vector<16xf32>
        %select_n3A_815 = arith.select %eq3A_809, %broadcast_in_dim3A_814, %max3A_812 : vector<16xi1>, vector<16xf32>
        %swap3A_816 = arith.index_cast %rem3A_80 : i32 to index
        %swap3A_817 = arith.index_cast %scan3A_154 : i32 to index
        %swap3A_818 = arith.constant 272 : index
        %swap3A_819 = tpu.vector_load %arg8[%swap3A_816, %swap3A_817, %swap3A_818] {strides = array<i32>} : memref<3x16x512xf32, #tpu.memory_space<vmem>>, vector<1x1x16xf32>,
        %swap3A_820 = vector.shape_cast %swap3A_819 : vector<1x1x16xf32> to vector<16xf32>
        %swap3A_821 = vector.shape_cast %select_n3A_815 : vector<16xf32> to vector<1x1x16xf32>
        tpu.vector_store %arg8[%swap3A_816, %swap3A_817, %swap3A_818], %swap3A_821 {strides = array<i32>} : memref<3x16x512xf32, #tpu.memory_space<vmem>>, vector<1x1x16xf32>,
        %add3A_822 = arith.addf %get3A_801, %get3A_806 : vector<16xf32>
        %gt3A_823 = arith.constant 0.000000e+00 : f32
        %gt3A_824 = vector.broadcast %gt3A_823 : f32 to vector<16xf32>
        %gt3A_825 = arith.cmpf ogt, %add3A_822, %gt3A_824 : vector<16xf32>
        %jit3A_826 = arith.constant 0.000000e+00 : f32
        %broadcast_in_dim3A_827 = vector.broadcast %jit3A_826 : f32 to vector<16xf32>
        %select_n3A_828 = arith.select %gt3A_825, %get3A_801, %broadcast_in_dim3A_827 : vector<16xi1>, vector<16xf32>
        %swap3A_829 = arith.index_cast %rem3A_80 : i32 to index
        %swap3A_830 = arith.index_cast %scan3A_154 : i32 to index
        %swap3A_831 = arith.constant 272 : index
        %swap3A_832 = tpu.vector_load %arg7[%swap3A_829, %swap3A_830, %swap3A_831] {strides = array<i32>} : memref<3x16x512xf32, #tpu.memory_space<vmem>>, vector<1x1x16xf32>,
        %swap3A_833 = vector.shape_cast %swap3A_832 : vector<1x1x16xf32> to vector<16xf32>
        %swap3A_834 = vector.shape_cast %select_n3A_828 : vector<16xf32> to vector<1x1x16xf32>
        tpu.vector_store %arg7[%swap3A_829, %swap3A_830, %swap3A_831], %swap3A_834 {strides = array<i32>} : memref<3x16x512xf32, #tpu.memory_space<vmem>>, vector<1x1x16xf32>,
        %get3A_835 = arith.index_cast %rem3A_80 : i32 to index
        %get3A_836 = arith.index_cast %scan3A_154 : i32 to index
        %get3A_837 = arith.constant 288 : index
        %get3A_838 = tpu.vector_load %arg7[%get3A_835, %get3A_836, %get3A_837] {strides = array<i32>} : memref<3x16x512xf32, #tpu.memory_space<vmem>>, vector<1x1x16xf32>,
        %get3A_839 = vector.shape_cast %get3A_838 : vector<1x1x16xf32> to vector<16xf32>
        %get3A_840 = arith.index_cast %rem3A_80 : i32 to index
        %get3A_841 = arith.index_cast %scan3A_154 : i32 to index
        %get3A_842 = arith.constant 288 : index
        %get3A_843 = tpu.vector_load %arg8[%get3A_840, %get3A_841, %get3A_842] {strides = array<i32>} : memref<3x16x512xf32, #tpu.memory_space<vmem>>, vector<1x1x16xf32>,
        %get3A_844 = vector.shape_cast %get3A_843 : vector<1x1x16xf32> to vector<16xf32>
        %eq3A_845 = arith.constant 0.000000e+00 : f32
        %eq3A_846 = vector.broadcast %eq3A_845 : f32 to vector<16xf32>
        %eq3A_847 = arith.cmpf oeq, %get3A_839, %eq3A_846 : vector<16xf32>
        %max3A_848 = arith.constant 0.000000e+00 : f32
        %max3A_849 = vector.broadcast %max3A_848 : f32 to vector<16xf32>
        %max3A_850 = arith.maximumf %get3A_844, %max3A_849 : vector<16xf32>
        %jit3A_851 = arith.constant 0.000000e+00 : f32
        %broadcast_in_dim3A_852 = vector.broadcast %jit3A_851 : f32 to vector<16xf32>
        %select_n3A_853 = arith.select %eq3A_847, %broadcast_in_dim3A_852, %max3A_850 : vector<16xi1>, vector<16xf32>
        %swap3A_854 = arith.index_cast %rem3A_80 : i32 to index
        %swap3A_855 = arith.index_cast %scan3A_154 : i32 to index
        %swap3A_856 = arith.constant 288 : index
        %swap3A_857 = tpu.vector_load %arg8[%swap3A_854, %swap3A_855, %swap3A_856] {strides = array<i32>} : memref<3x16x512xf32, #tpu.memory_space<vmem>>, vector<1x1x16xf32>,
        %swap3A_858 = vector.shape_cast %swap3A_857 : vector<1x1x16xf32> to vector<16xf32>
        %swap3A_859 = vector.shape_cast %select_n3A_853 : vector<16xf32> to vector<1x1x16xf32>
        tpu.vector_store %arg8[%swap3A_854, %swap3A_855, %swap3A_856], %swap3A_859 {strides = array<i32>} : memref<3x16x512xf32, #tpu.memory_space<vmem>>, vector<1x1x16xf32>,
        %add3A_860 = arith.addf %get3A_839, %get3A_844 : vector<16xf32>
        %gt3A_861 = arith.constant 0.000000e+00 : f32
        %gt3A_862 = vector.broadcast %gt3A_861 : f32 to vector<16xf32>
        %gt3A_863 = arith.cmpf ogt, %add3A_860, %gt3A_862 : vector<16xf32>
        %jit3A_864 = arith.constant 0.000000e+00 : f32
        %broadcast_in_dim3A_865 = vector.broadcast %jit3A_864 : f32 to vector<16xf32>
        %select_n3A_866 = arith.select %gt3A_863, %get3A_839, %broadcast_in_dim3A_865 : vector<16xi1>, vector<16xf32>
        %swap3A_867 = arith.index_cast %rem3A_80 : i32 to index
        %swap3A_868 = arith.index_cast %scan3A_154 : i32 to index
        %swap3A_869 = arith.constant 288 : index
        %swap3A_870 = tpu.vector_load %arg7[%swap3A_867, %swap3A_868, %swap3A_869] {strides = array<i32>} : memref<3x16x512xf32, #tpu.memory_space<vmem>>, vector<1x1x16xf32>,
        %swap3A_871 = vector.shape_cast %swap3A_870 : vector<1x1x16xf32> to vector<16xf32>
        %swap3A_872 = vector.shape_cast %select_n3A_866 : vector<16xf32> to vector<1x1x16xf32>
        tpu.vector_store %arg7[%swap3A_867, %swap3A_868, %swap3A_869], %swap3A_872 {strides = array<i32>} : memref<3x16x512xf32, #tpu.memory_space<vmem>>, vector<1x1x16xf32>,
        %get3A_873 = arith.index_cast %rem3A_80 : i32 to index
        %get3A_874 = arith.index_cast %scan3A_154 : i32 to index
        %get3A_875 = arith.constant 304 : index
        %get3A_876 = tpu.vector_load %arg7[%get3A_873, %get3A_874, %get3A_875] {strides = array<i32>} : memref<3x16x512xf32, #tpu.memory_space<vmem>>, vector<1x1x16xf32>,
        %get3A_877 = vector.shape_cast %get3A_876 : vector<1x1x16xf32> to vector<16xf32>
        %get3A_878 = arith.index_cast %rem3A_80 : i32 to index
        %get3A_879 = arith.index_cast %scan3A_154 : i32 to index
        %get3A_880 = arith.constant 304 : index
        %get3A_881 = tpu.vector_load %arg8[%get3A_878, %get3A_879, %get3A_880] {strides = array<i32>} : memref<3x16x512xf32, #tpu.memory_space<vmem>>, vector<1x1x16xf32>,
        %get3A_882 = vector.shape_cast %get3A_881 : vector<1x1x16xf32> to vector<16xf32>
        %eq3A_883 = arith.constant 0.000000e+00 : f32
        %eq3A_884 = vector.broadcast %eq3A_883 : f32 to vector<16xf32>
        %eq3A_885 = arith.cmpf oeq, %get3A_877, %eq3A_884 : vector<16xf32>
        %max3A_886 = arith.constant 0.000000e+00 : f32
        %max3A_887 = vector.broadcast %max3A_886 : f32 to vector<16xf32>
        %max3A_888 = arith.maximumf %get3A_882, %max3A_887 : vector<16xf32>
        %jit3A_889 = arith.constant 0.000000e+00 : f32
        %broadcast_in_dim3A_890 = vector.broadcast %jit3A_889 : f32 to vector<16xf32>
        %select_n3A_891 = arith.select %eq3A_885, %broadcast_in_dim3A_890, %max3A_888 : vector<16xi1>, vector<16xf32>
        %swap3A_892 = arith.index_cast %rem3A_80 : i32 to index
        %swap3A_893 = arith.index_cast %scan3A_154 : i32 to index
        %swap3A_894 = arith.constant 304 : index
        %swap3A_895 = tpu.vector_load %arg8[%swap3A_892, %swap3A_893, %swap3A_894] {strides = array<i32>} : memref<3x16x512xf32, #tpu.memory_space<vmem>>, vector<1x1x16xf32>,
        %swap3A_896 = vector.shape_cast %swap3A_895 : vector<1x1x16xf32> to vector<16xf32>
        %swap3A_897 = vector.shape_cast %select_n3A_891 : vector<16xf32> to vector<1x1x16xf32>
        tpu.vector_store %arg8[%swap3A_892, %swap3A_893, %swap3A_894], %swap3A_897 {strides = array<i32>} : memref<3x16x512xf32, #tpu.memory_space<vmem>>, vector<1x1x16xf32>,
        %add3A_898 = arith.addf %get3A_877, %get3A_882 : vector<16xf32>
        %gt3A_899 = arith.constant 0.000000e+00 : f32
        %gt3A_900 = vector.broadcast %gt3A_899 : f32 to vector<16xf32>
        %gt3A_901 = arith.cmpf ogt, %add3A_898, %gt3A_900 : vector<16xf32>
        %jit3A_902 = arith.constant 0.000000e+00 : f32
        %broadcast_in_dim3A_903 = vector.broadcast %jit3A_902 : f32 to vector<16xf32>
        %select_n3A_904 = arith.select %gt3A_901, %get3A_877, %broadcast_in_dim3A_903 : vector<16xi1>, vector<16xf32>
        %swap3A_905 = arith.index_cast %rem3A_80 : i32 to index
        %swap3A_906 = arith.index_cast %scan3A_154 : i32 to index
        %swap3A_907 = arith.constant 304 : index
        %swap3A_908 = tpu.vector_load %arg7[%swap3A_905, %swap3A_906, %swap3A_907] {strides = array<i32>} : memref<3x16x512xf32, #tpu.memory_space<vmem>>, vector<1x1x16xf32>,
        %swap3A_909 = vector.shape_cast %swap3A_908 : vector<1x1x16xf32> to vector<16xf32>
        %swap3A_910 = vector.shape_cast %select_n3A_904 : vector<16xf32> to vector<1x1x16xf32>
        tpu.vector_store %arg7[%swap3A_905, %swap3A_906, %swap3A_907], %swap3A_910 {strides = array<i32>} : memref<3x16x512xf32, #tpu.memory_space<vmem>>, vector<1x1x16xf32>,
        %get3A_911 = arith.index_cast %rem3A_80 : i32 to index
        %get3A_912 = arith.index_cast %scan3A_154 : i32 to index
        %get3A_913 = arith.constant 320 : index
        %get3A_914 = tpu.vector_load %arg7[%get3A_911, %get3A_912, %get3A_913] {strides = array<i32>} : memref<3x16x512xf32, #tpu.memory_space<vmem>>, vector<1x1x16xf32>,
        %get3A_915 = vector.shape_cast %get3A_914 : vector<1x1x16xf32> to vector<16xf32>
        %get3A_916 = arith.index_cast %rem3A_80 : i32 to index
        %get3A_917 = arith.index_cast %scan3A_154 : i32 to index
        %get3A_918 = arith.constant 320 : index
        %get3A_919 = tpu.vector_load %arg8[%get3A_916, %get3A_917, %get3A_918] {strides = array<i32>} : memref<3x16x512xf32, #tpu.memory_space<vmem>>, vector<1x1x16xf32>,
        %get3A_920 = vector.shape_cast %get3A_919 : vector<1x1x16xf32> to vector<16xf32>
        %eq3A_921 = arith.constant 0.000000e+00 : f32
        %eq3A_922 = vector.broadcast %eq3A_921 : f32 to vector<16xf32>
        %eq3A_923 = arith.cmpf oeq, %get3A_915, %eq3A_922 : vector<16xf32>
        %max3A_924 = arith.constant 0.000000e+00 : f32
        %max3A_925 = vector.broadcast %max3A_924 : f32 to vector<16xf32>
        %max3A_926 = arith.maximumf %get3A_920, %max3A_925 : vector<16xf32>
        %jit3A_927 = arith.constant 0.000000e+00 : f32
        %broadcast_in_dim3A_928 = vector.broadcast %jit3A_927 : f32 to vector<16xf32>
        %select_n3A_929 = arith.select %eq3A_923, %broadcast_in_dim3A_928, %max3A_926 : vector<16xi1>, vector<16xf32>
        %swap3A_930 = arith.index_cast %rem3A_80 : i32 to index
        %swap3A_931 = arith.index_cast %scan3A_154 : i32 to index
        %swap3A_932 = arith.constant 320 : index
        %swap3A_933 = tpu.vector_load %arg8[%swap3A_930, %swap3A_931, %swap3A_932] {strides = array<i32>} : memref<3x16x512xf32, #tpu.memory_space<vmem>>, vector<1x1x16xf32>,
        %swap3A_934 = vector.shape_cast %swap3A_933 : vector<1x1x16xf32> to vector<16xf32>
        %swap3A_935 = vector.shape_cast %select_n3A_929 : vector<16xf32> to vector<1x1x16xf32>
        tpu.vector_store %arg8[%swap3A_930, %swap3A_931, %swap3A_932], %swap3A_935 {strides = array<i32>} : memref<3x16x512xf32, #tpu.memory_space<vmem>>, vector<1x1x16xf32>,
        %add3A_936 = arith.addf %get3A_915, %get3A_920 : vector<16xf32>
        %gt3A_937 = arith.constant 0.000000e+00 : f32
        %gt3A_938 = vector.broadcast %gt3A_937 : f32 to vector<16xf32>
        %gt3A_939 = arith.cmpf ogt, %add3A_936, %gt3A_938 : vector<16xf32>
        %jit3A_940 = arith.constant 0.000000e+00 : f32
        %broadcast_in_dim3A_941 = vector.broadcast %jit3A_940 : f32 to vector<16xf32>
        %select_n3A_942 = arith.select %gt3A_939, %get3A_915, %broadcast_in_dim3A_941 : vector<16xi1>, vector<16xf32>
        %swap3A_943 = arith.index_cast %rem3A_80 : i32 to index
        %swap3A_944 = arith.index_cast %scan3A_154 : i32 to index
        %swap3A_945 = arith.constant 320 : index
        %swap3A_946 = tpu.vector_load %arg7[%swap3A_943, %swap3A_944, %swap3A_945] {strides = array<i32>} : memref<3x16x512xf32, #tpu.memory_space<vmem>>, vector<1x1x16xf32>,
        %swap3A_947 = vector.shape_cast %swap3A_946 : vector<1x1x16xf32> to vector<16xf32>
        %swap3A_948 = vector.shape_cast %select_n3A_942 : vector<16xf32> to vector<1x1x16xf32>
        tpu.vector_store %arg7[%swap3A_943, %swap3A_944, %swap3A_945], %swap3A_948 {strides = array<i32>} : memref<3x16x512xf32, #tpu.memory_space<vmem>>, vector<1x1x16xf32>,
        %get3A_949 = arith.index_cast %rem3A_80 : i32 to index
        %get3A_950 = arith.index_cast %scan3A_154 : i32 to index
        %get3A_951 = arith.constant 336 : index
        %get3A_952 = tpu.vector_load %arg7[%get3A_949, %get3A_950, %get3A_951] {strides = array<i32>} : memref<3x16x512xf32, #tpu.memory_space<vmem>>, vector<1x1x16xf32>,
        %get3A_953 = vector.shape_cast %get3A_952 : vector<1x1x16xf32> to vector<16xf32>
        %get3A_954 = arith.index_cast %rem3A_80 : i32 to index
        %get3A_955 = arith.index_cast %scan3A_154 : i32 to index
        %get3A_956 = arith.constant 336 : index
        %get3A_957 = tpu.vector_load %arg8[%get3A_954, %get3A_955, %get3A_956] {strides = array<i32>} : memref<3x16x512xf32, #tpu.memory_space<vmem>>, vector<1x1x16xf32>,
        %get3A_958 = vector.shape_cast %get3A_957 : vector<1x1x16xf32> to vector<16xf32>
        %eq3A_959 = arith.constant 0.000000e+00 : f32
        %eq3A_960 = vector.broadcast %eq3A_959 : f32 to vector<16xf32>
        %eq3A_961 = arith.cmpf oeq, %get3A_953, %eq3A_960 : vector<16xf32>
        %max3A_962 = arith.constant 0.000000e+00 : f32
        %max3A_963 = vector.broadcast %max3A_962 : f32 to vector<16xf32>
        %max3A_964 = arith.maximumf %get3A_958, %max3A_963 : vector<16xf32>
        %jit3A_965 = arith.constant 0.000000e+00 : f32
        %broadcast_in_dim3A_966 = vector.broadcast %jit3A_965 : f32 to vector<16xf32>
        %select_n3A_967 = arith.select %eq3A_961, %broadcast_in_dim3A_966, %max3A_964 : vector<16xi1>, vector<16xf32>
        %swap3A_968 = arith.index_cast %rem3A_80 : i32 to index
        %swap3A_969 = arith.index_cast %scan3A_154 : i32 to index
        %swap3A_970 = arith.constant 336 : index
        %swap3A_971 = tpu.vector_load %arg8[%swap3A_968, %swap3A_969, %swap3A_970] {strides = array<i32>} : memref<3x16x512xf32, #tpu.memory_space<vmem>>, vector<1x1x16xf32>,
        %swap3A_972 = vector.shape_cast %swap3A_971 : vector<1x1x16xf32> to vector<16xf32>
        %swap3A_973 = vector.shape_cast %select_n3A_967 : vector<16xf32> to vector<1x1x16xf32>
        tpu.vector_store %arg8[%swap3A_968, %swap3A_969, %swap3A_970], %swap3A_973 {strides = array<i32>} : memref<3x16x512xf32, #tpu.memory_space<vmem>>, vector<1x1x16xf32>,
        %add3A_974 = arith.addf %get3A_953, %get3A_958 : vector<16xf32>
        %gt3A_975 = arith.constant 0.000000e+00 : f32
        %gt3A_976 = vector.broadcast %gt3A_975 : f32 to vector<16xf32>
        %gt3A_977 = arith.cmpf ogt, %add3A_974, %gt3A_976 : vector<16xf32>
        %jit3A_978 = arith.constant 0.000000e+00 : f32
        %broadcast_in_dim3A_979 = vector.broadcast %jit3A_978 : f32 to vector<16xf32>
        %select_n3A_980 = arith.select %gt3A_977, %get3A_953, %broadcast_in_dim3A_979 : vector<16xi1>, vector<16xf32>
        %swap3A_981 = arith.index_cast %rem3A_80 : i32 to index
        %swap3A_982 = arith.index_cast %scan3A_154 : i32 to index
        %swap3A_983 = arith.constant 336 : index
        %swap3A_984 = tpu.vector_load %arg7[%swap3A_981, %swap3A_982, %swap3A_983] {strides = array<i32>} : memref<3x16x512xf32, #tpu.memory_space<vmem>>, vector<1x1x16xf32>,
        %swap3A_985 = vector.shape_cast %swap3A_984 : vector<1x1x16xf32> to vector<16xf32>
        %swap3A_986 = vector.shape_cast %select_n3A_980 : vector<16xf32> to vector<1x1x16xf32>
        tpu.vector_store %arg7[%swap3A_981, %swap3A_982, %swap3A_983], %swap3A_986 {strides = array<i32>} : memref<3x16x512xf32, #tpu.memory_space<vmem>>, vector<1x1x16xf32>,
        %get3A_987 = arith.index_cast %rem3A_80 : i32 to index
        %get3A_988 = arith.index_cast %scan3A_154 : i32 to index
        %get3A_989 = arith.constant 352 : index
        %get3A_990 = tpu.vector_load %arg7[%get3A_987, %get3A_988, %get3A_989] {strides = array<i32>} : memref<3x16x512xf32, #tpu.memory_space<vmem>>, vector<1x1x16xf32>,
        %get3A_991 = vector.shape_cast %get3A_990 : vector<1x1x16xf32> to vector<16xf32>
        %get3A_992 = arith.index_cast %rem3A_80 : i32 to index
        %get3A_993 = arith.index_cast %scan3A_154 : i32 to index
        %get3A_994 = arith.constant 352 : index
        %get3A_995 = tpu.vector_load %arg8[%get3A_992, %get3A_993, %get3A_994] {strides = array<i32>} : memref<3x16x512xf32, #tpu.memory_space<vmem>>, vector<1x1x16xf32>,
        %get3A_996 = vector.shape_cast %get3A_995 : vector<1x1x16xf32> to vector<16xf32>
        %eq3A_997 = arith.constant 0.000000e+00 : f32
        %eq3A_998 = vector.broadcast %eq3A_997 : f32 to vector<16xf32>
        %eq3A_999 = arith.cmpf oeq, %get3A_991, %eq3A_998 : vector<16xf32>
        %max3A_1000 = arith.constant 0.000000e+00 : f32
        %max3A_1001 = vector.broadcast %max3A_1000 : f32 to vector<16xf32>
        %max3A_1002 = arith.maximumf %get3A_996, %max3A_1001 : vector<16xf32>
        %jit3A_1003 = arith.constant 0.000000e+00 : f32
        %broadcast_in_dim3A_1004 = vector.broadcast %jit3A_1003 : f32 to vector<16xf32>
        %select_n3A_1005 = arith.select %eq3A_999, %broadcast_in_dim3A_1004, %max3A_1002 : vector<16xi1>, vector<16xf32>
        %swap3A_1006 = arith.index_cast %rem3A_80 : i32 to index
        %swap3A_1007 = arith.index_cast %scan3A_154 : i32 to index
        %swap3A_1008 = arith.constant 352 : index
        %swap3A_1009 = tpu.vector_load %arg8[%swap3A_1006, %swap3A_1007, %swap3A_1008] {strides = array<i32>} : memref<3x16x512xf32, #tpu.memory_space<vmem>>, vector<1x1x16xf32>,
        %swap3A_1010 = vector.shape_cast %swap3A_1009 : vector<1x1x16xf32> to vector<16xf32>
        %swap3A_1011 = vector.shape_cast %select_n3A_1005 : vector<16xf32> to vector<1x1x16xf32>
        tpu.vector_store %arg8[%swap3A_1006, %swap3A_1007, %swap3A_1008], %swap3A_1011 {strides = array<i32>} : memref<3x16x512xf32, #tpu.memory_space<vmem>>, vector<1x1x16xf32>,
        %add3A_1012 = arith.addf %get3A_991, %get3A_996 : vector<16xf32>
        %gt3A_1013 = arith.constant 0.000000e+00 : f32
        %gt3A_1014 = vector.broadcast %gt3A_1013 : f32 to vector<16xf32>
        %gt3A_1015 = arith.cmpf ogt, %add3A_1012, %gt3A_1014 : vector<16xf32>
        %jit3A_1016 = arith.constant 0.000000e+00 : f32
        %broadcast_in_dim3A_1017 = vector.broadcast %jit3A_1016 : f32 to vector<16xf32>
        %select_n3A_1018 = arith.select %gt3A_1015, %get3A_991, %broadcast_in_dim3A_1017 : vector<16xi1>, vector<16xf32>
        %swap3A_1019 = arith.index_cast %rem3A_80 : i32 to index
        %swap3A_1020 = arith.index_cast %scan3A_154 : i32 to index
        %swap3A_1021 = arith.constant 352 : index
        %swap3A_1022 = tpu.vector_load %arg7[%swap3A_1019, %swap3A_1020, %swap3A_1021] {strides = array<i32>} : memref<3x16x512xf32, #tpu.memory_space<vmem>>, vector<1x1x16xf32>,
        %swap3A_1023 = vector.shape_cast %swap3A_1022 : vector<1x1x16xf32> to vector<16xf32>
        %swap3A_1024 = vector.shape_cast %select_n3A_1018 : vector<16xf32> to vector<1x1x16xf32>
        tpu.vector_store %arg7[%swap3A_1019, %swap3A_1020, %swap3A_1021], %swap3A_1024 {strides = array<i32>} : memref<3x16x512xf32, #tpu.memory_space<vmem>>, vector<1x1x16xf32>,
        %get3A_1025 = arith.index_cast %rem3A_80 : i32 to index
        %get3A_1026 = arith.index_cast %scan3A_154 : i32 to index
        %get3A_1027 = arith.constant 368 : index
        %get3A_1028 = tpu.vector_load %arg7[%get3A_1025, %get3A_1026, %get3A_1027] {strides = array<i32>} : memref<3x16x512xf32, #tpu.memory_space<vmem>>, vector<1x1x16xf32>,
        %get3A_1029 = vector.shape_cast %get3A_1028 : vector<1x1x16xf32> to vector<16xf32>
        %get3A_1030 = arith.index_cast %rem3A_80 : i32 to index
        %get3A_1031 = arith.index_cast %scan3A_154 : i32 to index
        %get3A_1032 = arith.constant 368 : index
        %get3A_1033 = tpu.vector_load %arg8[%get3A_1030, %get3A_1031, %get3A_1032] {strides = array<i32>} : memref<3x16x512xf32, #tpu.memory_space<vmem>>, vector<1x1x16xf32>,
        %get3A_1034 = vector.shape_cast %get3A_1033 : vector<1x1x16xf32> to vector<16xf32>
        %eq3A_1035 = arith.constant 0.000000e+00 : f32
        %eq3A_1036 = vector.broadcast %eq3A_1035 : f32 to vector<16xf32>
        %eq3A_1037 = arith.cmpf oeq, %get3A_1029, %eq3A_1036 : vector<16xf32>
        %max3A_1038 = arith.constant 0.000000e+00 : f32
        %max3A_1039 = vector.broadcast %max3A_1038 : f32 to vector<16xf32>
        %max3A_1040 = arith.maximumf %get3A_1034, %max3A_1039 : vector<16xf32>
        %jit3A_1041 = arith.constant 0.000000e+00 : f32
        %broadcast_in_dim3A_1042 = vector.broadcast %jit3A_1041 : f32 to vector<16xf32>
        %select_n3A_1043 = arith.select %eq3A_1037, %broadcast_in_dim3A_1042, %max3A_1040 : vector<16xi1>, vector<16xf32>
        %swap3A_1044 = arith.index_cast %rem3A_80 : i32 to index
        %swap3A_1045 = arith.index_cast %scan3A_154 : i32 to index
        %swap3A_1046 = arith.constant 368 : index
        %swap3A_1047 = tpu.vector_load %arg8[%swap3A_1044, %swap3A_1045, %swap3A_1046] {strides = array<i32>} : memref<3x16x512xf32, #tpu.memory_space<vmem>>, vector<1x1x16xf32>,
        %swap3A_1048 = vector.shape_cast %swap3A_1047 : vector<1x1x16xf32> to vector<16xf32>
        %swap3A_1049 = vector.shape_cast %select_n3A_1043 : vector<16xf32> to vector<1x1x16xf32>
        tpu.vector_store %arg8[%swap3A_1044, %swap3A_1045, %swap3A_1046], %swap3A_1049 {strides = array<i32>} : memref<3x16x512xf32, #tpu.memory_space<vmem>>, vector<1x1x16xf32>,
        %add3A_1050 = arith.addf %get3A_1029, %get3A_1034 : vector<16xf32>
        %gt3A_1051 = arith.constant 0.000000e+00 : f32
        %gt3A_1052 = vector.broadcast %gt3A_1051 : f32 to vector<16xf32>
        %gt3A_1053 = arith.cmpf ogt, %add3A_1050, %gt3A_1052 : vector<16xf32>
        %jit3A_1054 = arith.constant 0.000000e+00 : f32
        %broadcast_in_dim3A_1055 = vector.broadcast %jit3A_1054 : f32 to vector<16xf32>
        %select_n3A_1056 = arith.select %gt3A_1053, %get3A_1029, %broadcast_in_dim3A_1055 : vector<16xi1>, vector<16xf32>
        %swap3A_1057 = arith.index_cast %rem3A_80 : i32 to index
        %swap3A_1058 = arith.index_cast %scan3A_154 : i32 to index
        %swap3A_1059 = arith.constant 368 : index
        %swap3A_1060 = tpu.vector_load %arg7[%swap3A_1057, %swap3A_1058, %swap3A_1059] {strides = array<i32>} : memref<3x16x512xf32, #tpu.memory_space<vmem>>, vector<1x1x16xf32>,
        %swap3A_1061 = vector.shape_cast %swap3A_1060 : vector<1x1x16xf32> to vector<16xf32>
        %swap3A_1062 = vector.shape_cast %select_n3A_1056 : vector<16xf32> to vector<1x1x16xf32>
        tpu.vector_store %arg7[%swap3A_1057, %swap3A_1058, %swap3A_1059], %swap3A_1062 {strides = array<i32>} : memref<3x16x512xf32, #tpu.memory_space<vmem>>, vector<1x1x16xf32>,
        %get3A_1063 = arith.index_cast %rem3A_80 : i32 to index
        %get3A_1064 = arith.index_cast %scan3A_154 : i32 to index
        %get3A_1065 = arith.constant 384 : index
        %get3A_1066 = tpu.vector_load %arg7[%get3A_1063, %get3A_1064, %get3A_1065] {strides = array<i32>} : memref<3x16x512xf32, #tpu.memory_space<vmem>>, vector<1x1x16xf32>,
        %get3A_1067 = vector.shape_cast %get3A_1066 : vector<1x1x16xf32> to vector<16xf32>
        %get3A_1068 = arith.index_cast %rem3A_80 : i32 to index
        %get3A_1069 = arith.index_cast %scan3A_154 : i32 to index
        %get3A_1070 = arith.constant 384 : index
        %get3A_1071 = tpu.vector_load %arg8[%get3A_1068, %get3A_1069, %get3A_1070] {strides = array<i32>} : memref<3x16x512xf32, #tpu.memory_space<vmem>>, vector<1x1x16xf32>,
        %get3A_1072 = vector.shape_cast %get3A_1071 : vector<1x1x16xf32> to vector<16xf32>
        %eq3A_1073 = arith.constant 0.000000e+00 : f32
        %eq3A_1074 = vector.broadcast %eq3A_1073 : f32 to vector<16xf32>
        %eq3A_1075 = arith.cmpf oeq, %get3A_1067, %eq3A_1074 : vector<16xf32>
        %max3A_1076 = arith.constant 0.000000e+00 : f32
        %max3A_1077 = vector.broadcast %max3A_1076 : f32 to vector<16xf32>
        %max3A_1078 = arith.maximumf %get3A_1072, %max3A_1077 : vector<16xf32>
        %jit3A_1079 = arith.constant 0.000000e+00 : f32
        %broadcast_in_dim3A_1080 = vector.broadcast %jit3A_1079 : f32 to vector<16xf32>
        %select_n3A_1081 = arith.select %eq3A_1075, %broadcast_in_dim3A_1080, %max3A_1078 : vector<16xi1>, vector<16xf32>
        %swap3A_1082 = arith.index_cast %rem3A_80 : i32 to index
        %swap3A_1083 = arith.index_cast %scan3A_154 : i32 to index
        %swap3A_1084 = arith.constant 384 : index
        %swap3A_1085 = tpu.vector_load %arg8[%swap3A_1082, %swap3A_1083, %swap3A_1084] {strides = array<i32>} : memref<3x16x512xf32, #tpu.memory_space<vmem>>, vector<1x1x16xf32>,
        %swap3A_1086 = vector.shape_cast %swap3A_1085 : vector<1x1x16xf32> to vector<16xf32>
        %swap3A_1087 = vector.shape_cast %select_n3A_1081 : vector<16xf32> to vector<1x1x16xf32>
        tpu.vector_store %arg8[%swap3A_1082, %swap3A_1083, %swap3A_1084], %swap3A_1087 {strides = array<i32>} : memref<3x16x512xf32, #tpu.memory_space<vmem>>, vector<1x1x16xf32>,
        %add3A_1088 = arith.addf %get3A_1067, %get3A_1072 : vector<16xf32>
        %gt3A_1089 = arith.constant 0.000000e+00 : f32
        %gt3A_1090 = vector.broadcast %gt3A_1089 : f32 to vector<16xf32>
        %gt3A_1091 = arith.cmpf ogt, %add3A_1088, %gt3A_1090 : vector<16xf32>
        %jit3A_1092 = arith.constant 0.000000e+00 : f32
        %broadcast_in_dim3A_1093 = vector.broadcast %jit3A_1092 : f32 to vector<16xf32>
        %select_n3A_1094 = arith.select %gt3A_1091, %get3A_1067, %broadcast_in_dim3A_1093 : vector<16xi1>, vector<16xf32>
        %swap3A_1095 = arith.index_cast %rem3A_80 : i32 to index
        %swap3A_1096 = arith.index_cast %scan3A_154 : i32 to index
        %swap3A_1097 = arith.constant 384 : index
        %swap3A_1098 = tpu.vector_load %arg7[%swap3A_1095, %swap3A_1096, %swap3A_1097] {strides = array<i32>} : memref<3x16x512xf32, #tpu.memory_space<vmem>>, vector<1x1x16xf32>,
        %swap3A_1099 = vector.shape_cast %swap3A_1098 : vector<1x1x16xf32> to vector<16xf32>
        %swap3A_1100 = vector.shape_cast %select_n3A_1094 : vector<16xf32> to vector<1x1x16xf32>
        tpu.vector_store %arg7[%swap3A_1095, %swap3A_1096, %swap3A_1097], %swap3A_1100 {strides = array<i32>} : memref<3x16x512xf32, #tpu.memory_space<vmem>>, vector<1x1x16xf32>,
        %get3A_1101 = arith.index_cast %rem3A_80 : i32 to index
        %get3A_1102 = arith.index_cast %scan3A_154 : i32 to index
        %get3A_1103 = arith.constant 400 : index
        %get3A_1104 = tpu.vector_load %arg7[%get3A_1101, %get3A_1102, %get3A_1103] {strides = array<i32>} : memref<3x16x512xf32, #tpu.memory_space<vmem>>, vector<1x1x16xf32>,
        %get3A_1105 = vector.shape_cast %get3A_1104 : vector<1x1x16xf32> to vector<16xf32>
        %get3A_1106 = arith.index_cast %rem3A_80 : i32 to index
        %get3A_1107 = arith.index_cast %scan3A_154 : i32 to index
        %get3A_1108 = arith.constant 400 : index
        %get3A_1109 = tpu.vector_load %arg8[%get3A_1106, %get3A_1107, %get3A_1108] {strides = array<i32>} : memref<3x16x512xf32, #tpu.memory_space<vmem>>, vector<1x1x16xf32>,
        %get3A_1110 = vector.shape_cast %get3A_1109 : vector<1x1x16xf32> to vector<16xf32>
        %eq3A_1111 = arith.constant 0.000000e+00 : f32
        %eq3A_1112 = vector.broadcast %eq3A_1111 : f32 to vector<16xf32>
        %eq3A_1113 = arith.cmpf oeq, %get3A_1105, %eq3A_1112 : vector<16xf32>
        %max3A_1114 = arith.constant 0.000000e+00 : f32
        %max3A_1115 = vector.broadcast %max3A_1114 : f32 to vector<16xf32>
        %max3A_1116 = arith.maximumf %get3A_1110, %max3A_1115 : vector<16xf32>
        %jit3A_1117 = arith.constant 0.000000e+00 : f32
        %broadcast_in_dim3A_1118 = vector.broadcast %jit3A_1117 : f32 to vector<16xf32>
        %select_n3A_1119 = arith.select %eq3A_1113, %broadcast_in_dim3A_1118, %max3A_1116 : vector<16xi1>, vector<16xf32>
        %swap3A_1120 = arith.index_cast %rem3A_80 : i32 to index
        %swap3A_1121 = arith.index_cast %scan3A_154 : i32 to index
        %swap3A_1122 = arith.constant 400 : index
        %swap3A_1123 = tpu.vector_load %arg8[%swap3A_1120, %swap3A_1121, %swap3A_1122] {strides = array<i32>} : memref<3x16x512xf32, #tpu.memory_space<vmem>>, vector<1x1x16xf32>,
        %swap3A_1124 = vector.shape_cast %swap3A_1123 : vector<1x1x16xf32> to vector<16xf32>
        %swap3A_1125 = vector.shape_cast %select_n3A_1119 : vector<16xf32> to vector<1x1x16xf32>
        tpu.vector_store %arg8[%swap3A_1120, %swap3A_1121, %swap3A_1122], %swap3A_1125 {strides = array<i32>} : memref<3x16x512xf32, #tpu.memory_space<vmem>>, vector<1x1x16xf32>,
        %add3A_1126 = arith.addf %get3A_1105, %get3A_1110 : vector<16xf32>
        %gt3A_1127 = arith.constant 0.000000e+00 : f32
        %gt3A_1128 = vector.broadcast %gt3A_1127 : f32 to vector<16xf32>
        %gt3A_1129 = arith.cmpf ogt, %add3A_1126, %gt3A_1128 : vector<16xf32>
        %jit3A_1130 = arith.constant 0.000000e+00 : f32
        %broadcast_in_dim3A_1131 = vector.broadcast %jit3A_1130 : f32 to vector<16xf32>
        %select_n3A_1132 = arith.select %gt3A_1129, %get3A_1105, %broadcast_in_dim3A_1131 : vector<16xi1>, vector<16xf32>
        %swap3A_1133 = arith.index_cast %rem3A_80 : i32 to index
        %swap3A_1134 = arith.index_cast %scan3A_154 : i32 to index
        %swap3A_1135 = arith.constant 400 : index
        %swap3A_1136 = tpu.vector_load %arg7[%swap3A_1133, %swap3A_1134, %swap3A_1135] {strides = array<i32>} : memref<3x16x512xf32, #tpu.memory_space<vmem>>, vector<1x1x16xf32>,
        %swap3A_1137 = vector.shape_cast %swap3A_1136 : vector<1x1x16xf32> to vector<16xf32>
        %swap3A_1138 = vector.shape_cast %select_n3A_1132 : vector<16xf32> to vector<1x1x16xf32>
        tpu.vector_store %arg7[%swap3A_1133, %swap3A_1134, %swap3A_1135], %swap3A_1138 {strides = array<i32>} : memref<3x16x512xf32, #tpu.memory_space<vmem>>, vector<1x1x16xf32>,
        %get3A_1139 = arith.index_cast %rem3A_80 : i32 to index
        %get3A_1140 = arith.index_cast %scan3A_154 : i32 to index
        %get3A_1141 = arith.constant 416 : index
        %get3A_1142 = tpu.vector_load %arg7[%get3A_1139, %get3A_1140, %get3A_1141] {strides = array<i32>} : memref<3x16x512xf32, #tpu.memory_space<vmem>>, vector<1x1x16xf32>,
        %get3A_1143 = vector.shape_cast %get3A_1142 : vector<1x1x16xf32> to vector<16xf32>
        %get3A_1144 = arith.index_cast %rem3A_80 : i32 to index
        %get3A_1145 = arith.index_cast %scan3A_154 : i32 to index
        %get3A_1146 = arith.constant 416 : index
        %get3A_1147 = tpu.vector_load %arg8[%get3A_1144, %get3A_1145, %get3A_1146] {strides = array<i32>} : memref<3x16x512xf32, #tpu.memory_space<vmem>>, vector<1x1x16xf32>,
        %get3A_1148 = vector.shape_cast %get3A_1147 : vector<1x1x16xf32> to vector<16xf32>
        %eq3A_1149 = arith.constant 0.000000e+00 : f32
        %eq3A_1150 = vector.broadcast %eq3A_1149 : f32 to vector<16xf32>
        %eq3A_1151 = arith.cmpf oeq, %get3A_1143, %eq3A_1150 : vector<16xf32>
        %max3A_1152 = arith.constant 0.000000e+00 : f32
        %max3A_1153 = vector.broadcast %max3A_1152 : f32 to vector<16xf32>
        %max3A_1154 = arith.maximumf %get3A_1148, %max3A_1153 : vector<16xf32>
        %jit3A_1155 = arith.constant 0.000000e+00 : f32
        %broadcast_in_dim3A_1156 = vector.broadcast %jit3A_1155 : f32 to vector<16xf32>
        %select_n3A_1157 = arith.select %eq3A_1151, %broadcast_in_dim3A_1156, %max3A_1154 : vector<16xi1>, vector<16xf32>
        %swap3A_1158 = arith.index_cast %rem3A_80 : i32 to index
        %swap3A_1159 = arith.index_cast %scan3A_154 : i32 to index
        %swap3A_1160 = arith.constant 416 : index
        %swap3A_1161 = tpu.vector_load %arg8[%swap3A_1158, %swap3A_1159, %swap3A_1160] {strides = array<i32>} : memref<3x16x512xf32, #tpu.memory_space<vmem>>, vector<1x1x16xf32>,
        %swap3A_1162 = vector.shape_cast %swap3A_1161 : vector<1x1x16xf32> to vector<16xf32>
        %swap3A_1163 = vector.shape_cast %select_n3A_1157 : vector<16xf32> to vector<1x1x16xf32>
        tpu.vector_store %arg8[%swap3A_1158, %swap3A_1159, %swap3A_1160], %swap3A_1163 {strides = array<i32>} : memref<3x16x512xf32, #tpu.memory_space<vmem>>, vector<1x1x16xf32>,
        %add3A_1164 = arith.addf %get3A_1143, %get3A_1148 : vector<16xf32>
        %gt3A_1165 = arith.constant 0.000000e+00 : f32
        %gt3A_1166 = vector.broadcast %gt3A_1165 : f32 to vector<16xf32>
        %gt3A_1167 = arith.cmpf ogt, %add3A_1164, %gt3A_1166 : vector<16xf32>
        %jit3A_1168 = arith.constant 0.000000e+00 : f32
        %broadcast_in_dim3A_1169 = vector.broadcast %jit3A_1168 : f32 to vector<16xf32>
        %select_n3A_1170 = arith.select %gt3A_1167, %get3A_1143, %broadcast_in_dim3A_1169 : vector<16xi1>, vector<16xf32>
        %swap3A_1171 = arith.index_cast %rem3A_80 : i32 to index
        %swap3A_1172 = arith.index_cast %scan3A_154 : i32 to index
        %swap3A_1173 = arith.constant 416 : index
        %swap3A_1174 = tpu.vector_load %arg7[%swap3A_1171, %swap3A_1172, %swap3A_1173] {strides = array<i32>} : memref<3x16x512xf32, #tpu.memory_space<vmem>>, vector<1x1x16xf32>,
        %swap3A_1175 = vector.shape_cast %swap3A_1174 : vector<1x1x16xf32> to vector<16xf32>
        %swap3A_1176 = vector.shape_cast %select_n3A_1170 : vector<16xf32> to vector<1x1x16xf32>
        tpu.vector_store %arg7[%swap3A_1171, %swap3A_1172, %swap3A_1173], %swap3A_1176 {strides = array<i32>} : memref<3x16x512xf32, #tpu.memory_space<vmem>>, vector<1x1x16xf32>,
        %get3A_1177 = arith.index_cast %rem3A_80 : i32 to index
        %get3A_1178 = arith.index_cast %scan3A_154 : i32 to index
        %get3A_1179 = arith.constant 432 : index
        %get3A_1180 = tpu.vector_load %arg7[%get3A_1177, %get3A_1178, %get3A_1179] {strides = array<i32>} : memref<3x16x512xf32, #tpu.memory_space<vmem>>, vector<1x1x16xf32>,
        %get3A_1181 = vector.shape_cast %get3A_1180 : vector<1x1x16xf32> to vector<16xf32>
        %get3A_1182 = arith.index_cast %rem3A_80 : i32 to index
        %get3A_1183 = arith.index_cast %scan3A_154 : i32 to index
        %get3A_1184 = arith.constant 432 : index
        %get3A_1185 = tpu.vector_load %arg8[%get3A_1182, %get3A_1183, %get3A_1184] {strides = array<i32>} : memref<3x16x512xf32, #tpu.memory_space<vmem>>, vector<1x1x16xf32>,
        %get3A_1186 = vector.shape_cast %get3A_1185 : vector<1x1x16xf32> to vector<16xf32>
        %eq3A_1187 = arith.constant 0.000000e+00 : f32
        %eq3A_1188 = vector.broadcast %eq3A_1187 : f32 to vector<16xf32>
        %eq3A_1189 = arith.cmpf oeq, %get3A_1181, %eq3A_1188 : vector<16xf32>
        %max3A_1190 = arith.constant 0.000000e+00 : f32
        %max3A_1191 = vector.broadcast %max3A_1190 : f32 to vector<16xf32>
        %max3A_1192 = arith.maximumf %get3A_1186, %max3A_1191 : vector<16xf32>
        %jit3A_1193 = arith.constant 0.000000e+00 : f32
        %broadcast_in_dim3A_1194 = vector.broadcast %jit3A_1193 : f32 to vector<16xf32>
        %select_n3A_1195 = arith.select %eq3A_1189, %broadcast_in_dim3A_1194, %max3A_1192 : vector<16xi1>, vector<16xf32>
        %swap3A_1196 = arith.index_cast %rem3A_80 : i32 to index
        %swap3A_1197 = arith.index_cast %scan3A_154 : i32 to index
        %swap3A_1198 = arith.constant 432 : index
        %swap3A_1199 = tpu.vector_load %arg8[%swap3A_1196, %swap3A_1197, %swap3A_1198] {strides = array<i32>} : memref<3x16x512xf32, #tpu.memory_space<vmem>>, vector<1x1x16xf32>,
        %swap3A_1200 = vector.shape_cast %swap3A_1199 : vector<1x1x16xf32> to vector<16xf32>
        %swap3A_1201 = vector.shape_cast %select_n3A_1195 : vector<16xf32> to vector<1x1x16xf32>
        tpu.vector_store %arg8[%swap3A_1196, %swap3A_1197, %swap3A_1198], %swap3A_1201 {strides = array<i32>} : memref<3x16x512xf32, #tpu.memory_space<vmem>>, vector<1x1x16xf32>,
        %add3A_1202 = arith.addf %get3A_1181, %get3A_1186 : vector<16xf32>
        %gt3A_1203 = arith.constant 0.000000e+00 : f32
        %gt3A_1204 = vector.broadcast %gt3A_1203 : f32 to vector<16xf32>
        %gt3A_1205 = arith.cmpf ogt, %add3A_1202, %gt3A_1204 : vector<16xf32>
        %jit3A_1206 = arith.constant 0.000000e+00 : f32
        %broadcast_in_dim3A_1207 = vector.broadcast %jit3A_1206 : f32 to vector<16xf32>
        %select_n3A_1208 = arith.select %gt3A_1205, %get3A_1181, %broadcast_in_dim3A_1207 : vector<16xi1>, vector<16xf32>
        %swap3A_1209 = arith.index_cast %rem3A_80 : i32 to index
        %swap3A_1210 = arith.index_cast %scan3A_154 : i32 to index
        %swap3A_1211 = arith.constant 432 : index
        %swap3A_1212 = tpu.vector_load %arg7[%swap3A_1209, %swap3A_1210, %swap3A_1211] {strides = array<i32>} : memref<3x16x512xf32, #tpu.memory_space<vmem>>, vector<1x1x16xf32>,
        %swap3A_1213 = vector.shape_cast %swap3A_1212 : vector<1x1x16xf32> to vector<16xf32>
        %swap3A_1214 = vector.shape_cast %select_n3A_1208 : vector<16xf32> to vector<1x1x16xf32>
        tpu.vector_store %arg7[%swap3A_1209, %swap3A_1210, %swap3A_1211], %swap3A_1214 {strides = array<i32>} : memref<3x16x512xf32, #tpu.memory_space<vmem>>, vector<1x1x16xf32>,
        %get3A_1215 = arith.index_cast %rem3A_80 : i32 to index
        %get3A_1216 = arith.index_cast %scan3A_154 : i32 to index
        %get3A_1217 = arith.constant 448 : index
        %get3A_1218 = tpu.vector_load %arg7[%get3A_1215, %get3A_1216, %get3A_1217] {strides = array<i32>} : memref<3x16x512xf32, #tpu.memory_space<vmem>>, vector<1x1x16xf32>,
        %get3A_1219 = vector.shape_cast %get3A_1218 : vector<1x1x16xf32> to vector<16xf32>
        %get3A_1220 = arith.index_cast %rem3A_80 : i32 to index
        %get3A_1221 = arith.index_cast %scan3A_154 : i32 to index
        %get3A_1222 = arith.constant 448 : index
        %get3A_1223 = tpu.vector_load %arg8[%get3A_1220, %get3A_1221, %get3A_1222] {strides = array<i32>} : memref<3x16x512xf32, #tpu.memory_space<vmem>>, vector<1x1x16xf32>,
        %get3A_1224 = vector.shape_cast %get3A_1223 : vector<1x1x16xf32> to vector<16xf32>
        %eq3A_1225 = arith.constant 0.000000e+00 : f32
        %eq3A_1226 = vector.broadcast %eq3A_1225 : f32 to vector<16xf32>
        %eq3A_1227 = arith.cmpf oeq, %get3A_1219, %eq3A_1226 : vector<16xf32>
        %max3A_1228 = arith.constant 0.000000e+00 : f32
        %max3A_1229 = vector.broadcast %max3A_1228 : f32 to vector<16xf32>
        %max3A_1230 = arith.maximumf %get3A_1224, %max3A_1229 : vector<16xf32>
        %jit3A_1231 = arith.constant 0.000000e+00 : f32
        %broadcast_in_dim3A_1232 = vector.broadcast %jit3A_1231 : f32 to vector<16xf32>
        %select_n3A_1233 = arith.select %eq3A_1227, %broadcast_in_dim3A_1232, %max3A_1230 : vector<16xi1>, vector<16xf32>
        %swap3A_1234 = arith.index_cast %rem3A_80 : i32 to index
        %swap3A_1235 = arith.index_cast %scan3A_154 : i32 to index
        %swap3A_1236 = arith.constant 448 : index
        %swap3A_1237 = tpu.vector_load %arg8[%swap3A_1234, %swap3A_1235, %swap3A_1236] {strides = array<i32>} : memref<3x16x512xf32, #tpu.memory_space<vmem>>, vector<1x1x16xf32>,
        %swap3A_1238 = vector.shape_cast %swap3A_1237 : vector<1x1x16xf32> to vector<16xf32>
        %swap3A_1239 = vector.shape_cast %select_n3A_1233 : vector<16xf32> to vector<1x1x16xf32>
        tpu.vector_store %arg8[%swap3A_1234, %swap3A_1235, %swap3A_1236], %swap3A_1239 {strides = array<i32>} : memref<3x16x512xf32, #tpu.memory_space<vmem>>, vector<1x1x16xf32>,
        %add3A_1240 = arith.addf %get3A_1219, %get3A_1224 : vector<16xf32>
        %gt3A_1241 = arith.constant 0.000000e+00 : f32
        %gt3A_1242 = vector.broadcast %gt3A_1241 : f32 to vector<16xf32>
        %gt3A_1243 = arith.cmpf ogt, %add3A_1240, %gt3A_1242 : vector<16xf32>
        %jit3A_1244 = arith.constant 0.000000e+00 : f32
        %broadcast_in_dim3A_1245 = vector.broadcast %jit3A_1244 : f32 to vector<16xf32>
        %select_n3A_1246 = arith.select %gt3A_1243, %get3A_1219, %broadcast_in_dim3A_1245 : vector<16xi1>, vector<16xf32>
        %swap3A_1247 = arith.index_cast %rem3A_80 : i32 to index
        %swap3A_1248 = arith.index_cast %scan3A_154 : i32 to index
        %swap3A_1249 = arith.constant 448 : index
        %swap3A_1250 = tpu.vector_load %arg7[%swap3A_1247, %swap3A_1248, %swap3A_1249] {strides = array<i32>} : memref<3x16x512xf32, #tpu.memory_space<vmem>>, vector<1x1x16xf32>,
        %swap3A_1251 = vector.shape_cast %swap3A_1250 : vector<1x1x16xf32> to vector<16xf32>
        %swap3A_1252 = vector.shape_cast %select_n3A_1246 : vector<16xf32> to vector<1x1x16xf32>
        tpu.vector_store %arg7[%swap3A_1247, %swap3A_1248, %swap3A_1249], %swap3A_1252 {strides = array<i32>} : memref<3x16x512xf32, #tpu.memory_space<vmem>>, vector<1x1x16xf32>,
        %get3A_1253 = arith.index_cast %rem3A_80 : i32 to index
        %get3A_1254 = arith.index_cast %scan3A_154 : i32 to index
        %get3A_1255 = arith.constant 464 : index
        %get3A_1256 = tpu.vector_load %arg7[%get3A_1253, %get3A_1254, %get3A_1255] {strides = array<i32>} : memref<3x16x512xf32, #tpu.memory_space<vmem>>, vector<1x1x16xf32>,
        %get3A_1257 = vector.shape_cast %get3A_1256 : vector<1x1x16xf32> to vector<16xf32>
        %get3A_1258 = arith.index_cast %rem3A_80 : i32 to index
        %get3A_1259 = arith.index_cast %scan3A_154 : i32 to index
        %get3A_1260 = arith.constant 464 : index
        %get3A_1261 = tpu.vector_load %arg8[%get3A_1258, %get3A_1259, %get3A_1260] {strides = array<i32>} : memref<3x16x512xf32, #tpu.memory_space<vmem>>, vector<1x1x16xf32>,
        %get3A_1262 = vector.shape_cast %get3A_1261 : vector<1x1x16xf32> to vector<16xf32>
        %eq3A_1263 = arith.constant 0.000000e+00 : f32
        %eq3A_1264 = vector.broadcast %eq3A_1263 : f32 to vector<16xf32>
        %eq3A_1265 = arith.cmpf oeq, %get3A_1257, %eq3A_1264 : vector<16xf32>
        %max3A_1266 = arith.constant 0.000000e+00 : f32
        %max3A_1267 = vector.broadcast %max3A_1266 : f32 to vector<16xf32>
        %max3A_1268 = arith.maximumf %get3A_1262, %max3A_1267 : vector<16xf32>
        %jit3A_1269 = arith.constant 0.000000e+00 : f32
        %broadcast_in_dim3A_1270 = vector.broadcast %jit3A_1269 : f32 to vector<16xf32>
        %select_n3A_1271 = arith.select %eq3A_1265, %broadcast_in_dim3A_1270, %max3A_1268 : vector<16xi1>, vector<16xf32>
        %swap3A_1272 = arith.index_cast %rem3A_80 : i32 to index
        %swap3A_1273 = arith.index_cast %scan3A_154 : i32 to index
        %swap3A_1274 = arith.constant 464 : index
        %swap3A_1275 = tpu.vector_load %arg8[%swap3A_1272, %swap3A_1273, %swap3A_1274] {strides = array<i32>} : memref<3x16x512xf32, #tpu.memory_space<vmem>>, vector<1x1x16xf32>,
        %swap3A_1276 = vector.shape_cast %swap3A_1275 : vector<1x1x16xf32> to vector<16xf32>
        %swap3A_1277 = vector.shape_cast %select_n3A_1271 : vector<16xf32> to vector<1x1x16xf32>
        tpu.vector_store %arg8[%swap3A_1272, %swap3A_1273, %swap3A_1274], %swap3A_1277 {strides = array<i32>} : memref<3x16x512xf32, #tpu.memory_space<vmem>>, vector<1x1x16xf32>,
        %add3A_1278 = arith.addf %get3A_1257, %get3A_1262 : vector<16xf32>
        %gt3A_1279 = arith.constant 0.000000e+00 : f32
        %gt3A_1280 = vector.broadcast %gt3A_1279 : f32 to vector<16xf32>
        %gt3A_1281 = arith.cmpf ogt, %add3A_1278, %gt3A_1280 : vector<16xf32>
        %jit3A_1282 = arith.constant 0.000000e+00 : f32
        %broadcast_in_dim3A_1283 = vector.broadcast %jit3A_1282 : f32 to vector<16xf32>
        %select_n3A_1284 = arith.select %gt3A_1281, %get3A_1257, %broadcast_in_dim3A_1283 : vector<16xi1>, vector<16xf32>
        %swap3A_1285 = arith.index_cast %rem3A_80 : i32 to index
        %swap3A_1286 = arith.index_cast %scan3A_154 : i32 to index
        %swap3A_1287 = arith.constant 464 : index
        %swap3A_1288 = tpu.vector_load %arg7[%swap3A_1285, %swap3A_1286, %swap3A_1287] {strides = array<i32>} : memref<3x16x512xf32, #tpu.memory_space<vmem>>, vector<1x1x16xf32>,
        %swap3A_1289 = vector.shape_cast %swap3A_1288 : vector<1x1x16xf32> to vector<16xf32>
        %swap3A_1290 = vector.shape_cast %select_n3A_1284 : vector<16xf32> to vector<1x1x16xf32>
        tpu.vector_store %arg7[%swap3A_1285, %swap3A_1286, %swap3A_1287], %swap3A_1290 {strides = array<i32>} : memref<3x16x512xf32, #tpu.memory_space<vmem>>, vector<1x1x16xf32>,
        %get3A_1291 = arith.index_cast %rem3A_80 : i32 to index
        %get3A_1292 = arith.index_cast %scan3A_154 : i32 to index
        %get3A_1293 = arith.constant 480 : index
        %get3A_1294 = tpu.vector_load %arg7[%get3A_1291, %get3A_1292, %get3A_1293] {strides = array<i32>} : memref<3x16x512xf32, #tpu.memory_space<vmem>>, vector<1x1x16xf32>,
        %get3A_1295 = vector.shape_cast %get3A_1294 : vector<1x1x16xf32> to vector<16xf32>
        %get3A_1296 = arith.index_cast %rem3A_80 : i32 to index
        %get3A_1297 = arith.index_cast %scan3A_154 : i32 to index
        %get3A_1298 = arith.constant 480 : index
        %get3A_1299 = tpu.vector_load %arg8[%get3A_1296, %get3A_1297, %get3A_1298] {strides = array<i32>} : memref<3x16x512xf32, #tpu.memory_space<vmem>>, vector<1x1x16xf32>,
        %get3A_1300 = vector.shape_cast %get3A_1299 : vector<1x1x16xf32> to vector<16xf32>
        %eq3A_1301 = arith.constant 0.000000e+00 : f32
        %eq3A_1302 = vector.broadcast %eq3A_1301 : f32 to vector<16xf32>
        %eq3A_1303 = arith.cmpf oeq, %get3A_1295, %eq3A_1302 : vector<16xf32>
        %max3A_1304 = arith.constant 0.000000e+00 : f32
        %max3A_1305 = vector.broadcast %max3A_1304 : f32 to vector<16xf32>
        %max3A_1306 = arith.maximumf %get3A_1300, %max3A_1305 : vector<16xf32>
        %jit3A_1307 = arith.constant 0.000000e+00 : f32
        %broadcast_in_dim3A_1308 = vector.broadcast %jit3A_1307 : f32 to vector<16xf32>
        %select_n3A_1309 = arith.select %eq3A_1303, %broadcast_in_dim3A_1308, %max3A_1306 : vector<16xi1>, vector<16xf32>
        %swap3A_1310 = arith.index_cast %rem3A_80 : i32 to index
        %swap3A_1311 = arith.index_cast %scan3A_154 : i32 to index
        %swap3A_1312 = arith.constant 480 : index
        %swap3A_1313 = tpu.vector_load %arg8[%swap3A_1310, %swap3A_1311, %swap3A_1312] {strides = array<i32>} : memref<3x16x512xf32, #tpu.memory_space<vmem>>, vector<1x1x16xf32>,
        %swap3A_1314 = vector.shape_cast %swap3A_1313 : vector<1x1x16xf32> to vector<16xf32>
        %swap3A_1315 = vector.shape_cast %select_n3A_1309 : vector<16xf32> to vector<1x1x16xf32>
        tpu.vector_store %arg8[%swap3A_1310, %swap3A_1311, %swap3A_1312], %swap3A_1315 {strides = array<i32>} : memref<3x16x512xf32, #tpu.memory_space<vmem>>, vector<1x1x16xf32>,
        %add3A_1316 = arith.addf %get3A_1295, %get3A_1300 : vector<16xf32>
        %gt3A_1317 = arith.constant 0.000000e+00 : f32
        %gt3A_1318 = vector.broadcast %gt3A_1317 : f32 to vector<16xf32>
        %gt3A_1319 = arith.cmpf ogt, %add3A_1316, %gt3A_1318 : vector<16xf32>
        %jit3A_1320 = arith.constant 0.000000e+00 : f32
        %broadcast_in_dim3A_1321 = vector.broadcast %jit3A_1320 : f32 to vector<16xf32>
        %select_n3A_1322 = arith.select %gt3A_1319, %get3A_1295, %broadcast_in_dim3A_1321 : vector<16xi1>, vector<16xf32>
        %swap3A_1323 = arith.index_cast %rem3A_80 : i32 to index
        %swap3A_1324 = arith.index_cast %scan3A_154 : i32 to index
        %swap3A_1325 = arith.constant 480 : index
        %swap3A_1326 = tpu.vector_load %arg7[%swap3A_1323, %swap3A_1324, %swap3A_1325] {strides = array<i32>} : memref<3x16x512xf32, #tpu.memory_space<vmem>>, vector<1x1x16xf32>,
        %swap3A_1327 = vector.shape_cast %swap3A_1326 : vector<1x1x16xf32> to vector<16xf32>
        %swap3A_1328 = vector.shape_cast %select_n3A_1322 : vector<16xf32> to vector<1x1x16xf32>
        tpu.vector_store %arg7[%swap3A_1323, %swap3A_1324, %swap3A_1325], %swap3A_1328 {strides = array<i32>} : memref<3x16x512xf32, #tpu.memory_space<vmem>>, vector<1x1x16xf32>,
        %get3A_1329 = arith.index_cast %rem3A_80 : i32 to index
        %get3A_1330 = arith.index_cast %scan3A_154 : i32 to index
        %get3A_1331 = arith.constant 496 : index
        %get3A_1332 = tpu.vector_load %arg7[%get3A_1329, %get3A_1330, %get3A_1331] {strides = array<i32>} : memref<3x16x512xf32, #tpu.memory_space<vmem>>, vector<1x1x16xf32>,
        %get3A_1333 = vector.shape_cast %get3A_1332 : vector<1x1x16xf32> to vector<16xf32>
        %get3A_1334 = arith.index_cast %rem3A_80 : i32 to index
        %get3A_1335 = arith.index_cast %scan3A_154 : i32 to index
        %get3A_1336 = arith.constant 496 : index
        %get3A_1337 = tpu.vector_load %arg8[%get3A_1334, %get3A_1335, %get3A_1336] {strides = array<i32>} : memref<3x16x512xf32, #tpu.memory_space<vmem>>, vector<1x1x16xf32>,
        %get3A_1338 = vector.shape_cast %get3A_1337 : vector<1x1x16xf32> to vector<16xf32>
        %eq3A_1339 = arith.constant 0.000000e+00 : f32
        %eq3A_1340 = vector.broadcast %eq3A_1339 : f32 to vector<16xf32>
        %eq3A_1341 = arith.cmpf oeq, %get3A_1333, %eq3A_1340 : vector<16xf32>
        %max3A_1342 = arith.constant 0.000000e+00 : f32
        %max3A_1343 = vector.broadcast %max3A_1342 : f32 to vector<16xf32>
        %max3A_1344 = arith.maximumf %get3A_1338, %max3A_1343 : vector<16xf32>
        %jit3A_1345 = arith.constant 0.000000e+00 : f32
        %broadcast_in_dim3A_1346 = vector.broadcast %jit3A_1345 : f32 to vector<16xf32>
        %select_n3A_1347 = arith.select %eq3A_1341, %broadcast_in_dim3A_1346, %max3A_1344 : vector<16xi1>, vector<16xf32>
        %swap3A_1348 = arith.index_cast %rem3A_80 : i32 to index
        %swap3A_1349 = arith.index_cast %scan3A_154 : i32 to index
        %swap3A_1350 = arith.constant 496 : index
        %swap3A_1351 = tpu.vector_load %arg8[%swap3A_1348, %swap3A_1349, %swap3A_1350] {strides = array<i32>} : memref<3x16x512xf32, #tpu.memory_space<vmem>>, vector<1x1x16xf32>,
        %swap3A_1352 = vector.shape_cast %swap3A_1351 : vector<1x1x16xf32> to vector<16xf32>
        %swap3A_1353 = vector.shape_cast %select_n3A_1347 : vector<16xf32> to vector<1x1x16xf32>
        tpu.vector_store %arg8[%swap3A_1348, %swap3A_1349, %swap3A_1350], %swap3A_1353 {strides = array<i32>} : memref<3x16x512xf32, #tpu.memory_space<vmem>>, vector<1x1x16xf32>,
        %add3A_1354 = arith.addf %get3A_1333, %get3A_1338 : vector<16xf32>
        %gt3A_1355 = arith.constant 0.000000e+00 : f32
        %gt3A_1356 = vector.broadcast %gt3A_1355 : f32 to vector<16xf32>
        %gt3A_1357 = arith.cmpf ogt, %add3A_1354, %gt3A_1356 : vector<16xf32>
        %jit3A_1358 = arith.constant 0.000000e+00 : f32
        %broadcast_in_dim3A_1359 = vector.broadcast %jit3A_1358 : f32 to vector<16xf32>
        %select_n3A_1360 = arith.select %gt3A_1357, %get3A_1333, %broadcast_in_dim3A_1359 : vector<16xi1>, vector<16xf32>
        %swap3A_1361 = arith.index_cast %rem3A_80 : i32 to index
        %swap3A_1362 = arith.index_cast %scan3A_154 : i32 to index
        %swap3A_1363 = arith.constant 496 : index
        %swap3A_1364 = tpu.vector_load %arg7[%swap3A_1361, %swap3A_1362, %swap3A_1363] {strides = array<i32>} : memref<3x16x512xf32, #tpu.memory_space<vmem>>, vector<1x1x16xf32>,
        %swap3A_1365 = vector.shape_cast %swap3A_1364 : vector<1x1x16xf32> to vector<16xf32>
        %swap3A_1366 = vector.shape_cast %select_n3A_1360 : vector<16xf32> to vector<1x1x16xf32>
        tpu.vector_store %arg7[%swap3A_1361, %swap3A_1362, %swap3A_1363], %swap3A_1366 {strides = array<i32>} : memref<3x16x512xf32, #tpu.memory_space<vmem>>, vector<1x1x16xf32>,
      }
      %scan3A_115 = arith.constant 16 : i32
      %mul3A_116 = arith.constant 16 : i32
      %mul3A_117 = arith.muli %while3A_78, %mul3A_116 : i32
      %add3A_118 = arith.addi %mul3A_49, %mul3A_117 : i32
      %dma_start3A = arith.constant 0 : i32
      %dma_start3A_119 = arith.constant 0 : i32
      %dma_start3A_120 = arith.constant 0 : i32
      %dma_start3A_121 = arith.constant 0 : i32
      %dma_start3A_122 = tpu.memref_slice %arg7[%rem3A_80, %dma_start3A_120, %dma_start3A_121] : memref<3x16x512xf32, #tpu.memory_space<vmem>> -> memref<1x16x512xf32, #tpu.memory_space<vmem>>
      %dma_start3A_123 = tpu.memref_squeeze %dma_start3A_122 : memref<1x16x512xf32, #tpu.memory_space<vmem>> -> memref<16x512xf32, #tpu.memory_space<vmem>>
      %dma_start3A_124 = arith.constant 0 : i32
      %dma_start3A_125 = tpu.memref_slice %arg5[%dma_start3A, %add3A_118, %dma_start3A_124] : memref<2x50000x512xf32, #tpu.memory_space<hbm>> -> memref<1x16x512xf32, #tpu.memory_space<hbm>>
      %dma_start3A_126 = tpu.memref_squeeze %dma_start3A_125 : memref<1x16x512xf32, #tpu.memory_space<hbm>> -> memref<16x512xf32, #tpu.memory_space<hbm>>
      %dma_start3A_127 = tpu.memref_slice %arg10[%rem3A_80, %dma_start3A_119] : memref<3x2x!tpu.dma_semaphore, #tpu.memory_space<semaphore_mem>> -> memref<1x1x!tpu.dma_semaphore, #tpu.memory_space<semaphore_mem>>
      %dma_start3A_128 = tpu.memref_squeeze %dma_start3A_127 : memref<1x1x!tpu.dma_semaphore, #tpu.memory_space<semaphore_mem>> -> memref<!tpu.dma_semaphore, #tpu.memory_space<semaphore_mem>>
      %dma_start3A_129 = arith.constant 0 : i32
      %dma_start3A_130 = tpu.memref_slice %arg5[%dma_start3A, %add3A_118, %dma_start3A_129] : memref<2x50000x512xf32, #tpu.memory_space<hbm>> -> memref<1x16x512xf32, #tpu.memory_space<hbm>>
      %dma_start3A_131 = tpu.memref_squeeze %dma_start3A_130 : memref<1x16x512xf32, #tpu.memory_space<hbm>> -> memref<16x512xf32, #tpu.memory_space<hbm>>
      %dma_start3A_132 = arith.constant 0 : i32
      %dma_start3A_133 = arith.constant 0 : i32
      %dma_start3A_134 = tpu.memref_slice %arg7[%rem3A_80, %dma_start3A_132, %dma_start3A_133] : memref<3x16x512xf32, #tpu.memory_space<vmem>> -> memref<1x16x512xf32, #tpu.memory_space<vmem>>
      %dma_start3A_135 = tpu.memref_squeeze %dma_start3A_134 : memref<1x16x512xf32, #tpu.memory_space<vmem>> -> memref<16x512xf32, #tpu.memory_space<vmem>>
      tpu.enqueue_dma source(%dma_start3A_135 : memref<16x512xf32, #tpu.memory_space<vmem>>) target(%dma_start3A_131 : memref<16x512xf32, #tpu.memory_space<hbm>>) target_semaphore(%dma_start3A_128 : memref<!tpu.dma_semaphore, #tpu.memory_space<semaphore_mem>>)
      %dma_start3A_136 = arith.constant 1 : i32
      %dma_start3A_137 = arith.constant 1 : i32
      %dma_start3A_138 = arith.constant 0 : i32
      %dma_start3A_139 = arith.constant 0 : i32
      %dma_start3A_140 = tpu.memref_slice %arg8[%rem3A_80, %dma_start3A_138, %dma_start3A_139] : memref<3x16x512xf32, #tpu.memory_space<vmem>> -> memref<1x16x512xf32, #tpu.memory_space<vmem>>
      %dma_start3A_141 = tpu.memref_squeeze %dma_start3A_140 : memref<1x16x512xf32, #tpu.memory_space<vmem>> -> memref<16x512xf32, #tpu.memory_space<vmem>>
      %dma_start3A_142 = arith.constant 0 : i32
      %dma_start3A_143 = tpu.memref_slice %arg5[%dma_start3A_136, %add3A_118, %dma_start3A_142] : memref<2x50000x512xf32, #tpu.memory_space<hbm>> -> memref<1x16x512xf32, #tpu.memory_space<hbm>>
      %dma_start3A_144 = tpu.memref_squeeze %dma_start3A_143 : memref<1x16x512xf32, #tpu.memory_space<hbm>> -> memref<16x512xf32, #tpu.memory_space<hbm>>
      %dma_start3A_145 = tpu.memref_slice %arg10[%rem3A_80, %dma_start3A_137] : memref<3x2x!tpu.dma_semaphore, #tpu.memory_space<semaphore_mem>> -> memref<1x1x!tpu.dma_semaphore, #tpu.memory_space<semaphore_mem>>
      %dma_start3A_146 = tpu.memref_squeeze %dma_start3A_145 : memref<1x1x!tpu.dma_semaphore, #tpu.memory_space<semaphore_mem>> -> memref<!tpu.dma_semaphore, #tpu.memory_space<semaphore_mem>>
      %dma_start3A_147 = arith.constant 0 : i32
      %dma_start3A_148 = tpu.memref_slice %arg5[%dma_start3A_136, %add3A_118, %dma_start3A_147] : memref<2x50000x512xf32, #tpu.memory_space<hbm>> -> memref<1x16x512xf32, #tpu.memory_space<hbm>>
      %dma_start3A_149 = tpu.memref_squeeze %dma_start3A_148 : memref<1x16x512xf32, #tpu.memory_space<hbm>> -> memref<16x512xf32, #tpu.memory_space<hbm>>
      %dma_start3A_150 = arith.constant 0 : i32
      %dma_start3A_151 = arith.constant 0 : i32
      %dma_start3A_152 = tpu.memref_slice %arg8[%rem3A_80, %dma_start3A_150, %dma_start3A_151] : memref<3x16x512xf32, #tpu.memory_space<vmem>> -> memref<1x16x512xf32, #tpu.memory_space<vmem>>
      %dma_start3A_153 = tpu.memref_squeeze %dma_start3A_152 : memref<1x16x512xf32, #tpu.memory_space<vmem>> -> memref<16x512xf32, #tpu.memory_space<vmem>>
      tpu.enqueue_dma source(%dma_start3A_153 : memref<16x512xf32, #tpu.memory_space<vmem>>) target(%dma_start3A_149 : memref<16x512xf32, #tpu.memory_space<hbm>>) target_semaphore(%dma_start3A_146 : memref<!tpu.dma_semaphore, #tpu.memory_space<semaphore_mem>>)
    }
    %while3A_65 = arith.constant 1 : i32
    scf.for %while3A_78 = %while3A_63 to %while3A_59 step %while3A_65  : i32 {
      %rem3A_79 = arith.constant 3 : i32
      %rem3A_80 = arith.remsi %while3A_78, %rem3A_79 : i32
      %add3A_81 = arith.constant 3 : i32
      %add3A_82 = arith.addi %while3A_78, %add3A_81 : i32
      %sub3A_83 = arith.constant 1 : i32
      %sub3A_84 = arith.subi %add3A_82, %sub3A_83 : i32
      %lt3A = arith.cmpi slt, %sub3A_84, %sub3A_47 : i32
      %convert_element_type3A_85 = arith.extui %lt3A : i1 to i32
      %cond3A_86 = arith.constant 0 : i32
      %cond3A_87 = arith.cmpi ne, %convert_element_type3A_85, %cond3A_86 : i32
      scf.if %cond3A_87 {
        %add3A_154 = arith.constant 3 : i32
        %add3A_155 = arith.addi %while3A_78, %add3A_154 : i32
        %sub3A_156 = arith.constant 1 : i32
        %sub3A_157 = arith.subi %add3A_155, %sub3A_156 : i32
        %rem3A_158 = arith.constant 3 : i32
        %rem3A_159 = arith.remsi %sub3A_157, %rem3A_158 : i32
        %ge3A = arith.constant 1 : i32
        %ge3A_160 = arith.cmpi sge, %while3A_78, %ge3A : i32
        %convert_element_type3A_161 = arith.extui %ge3A_160 : i1 to i32
        %cond3A_162 = arith.constant 0 : i32
        %cond3A_163 = arith.cmpi ne, %convert_element_type3A_161, %cond3A_162 : i32
        scf.if %cond3A_163 {
          %dma_wait3A_192 = arith.constant 0 : i32
          %dma_wait3A_193 = arith.constant 0 : i32
          %dma_wait3A_194 = arith.constant 0 : i32
          %dma_wait3A_195 = arith.constant 0 : i32
          %dma_wait3A_196 = tpu.memref_slice %arg7[%rem3A_159, %dma_wait3A_194, %dma_wait3A_195] : memref<3x16x512xf32, #tpu.memory_space<vmem>> -> memref<1x16x512xf32, #tpu.memory_space<vmem>>
          %dma_wait3A_197 = tpu.memref_squeeze %dma_wait3A_196 : memref<1x16x512xf32, #tpu.memory_space<vmem>> -> memref<16x512xf32, #tpu.memory_space<vmem>>
          %dma_wait3A_198 = arith.constant 0 : i32
          %dma_wait3A_199 = arith.constant 0 : i32
          %dma_wait3A_200 = tpu.memref_slice %arg5[%dma_wait3A_192, %dma_wait3A_198, %dma_wait3A_199] : memref<2x50000x512xf32, #tpu.memory_space<hbm>> -> memref<1x16x512xf32, #tpu.memory_space<hbm>>
          %dma_wait3A_201 = tpu.memref_squeeze %dma_wait3A_200 : memref<1x16x512xf32, #tpu.memory_space<hbm>> -> memref<16x512xf32, #tpu.memory_space<hbm>>
          %dma_wait3A_202 = tpu.memref_slice %arg10[%rem3A_159, %dma_wait3A_193] : memref<3x2x!tpu.dma_semaphore, #tpu.memory_space<semaphore_mem>> -> memref<1x1x!tpu.dma_semaphore, #tpu.memory_space<semaphore_mem>>
          %dma_wait3A_203 = tpu.memref_squeeze %dma_wait3A_202 : memref<1x1x!tpu.dma_semaphore, #tpu.memory_space<semaphore_mem>> -> memref<!tpu.dma_semaphore, #tpu.memory_space<semaphore_mem>>
          %dma_wait3A_204 = arith.constant 0 : i32
          %dma_wait3A_205 = arith.constant 0 : i32
          %dma_wait3A_206 = tpu.memref_slice %arg5[%dma_wait3A_192, %dma_wait3A_204, %dma_wait3A_205] : memref<2x50000x512xf32, #tpu.memory_space<hbm>> -> memref<1x16x512xf32, #tpu.memory_space<hbm>>
          %dma_wait3A_207 = tpu.memref_squeeze %dma_wait3A_206 : memref<1x16x512xf32, #tpu.memory_space<hbm>> -> memref<16x512xf32, #tpu.memory_space<hbm>>
          %dma_wait3A_208 = arith.constant 0 : i32
          %dma_wait3A_209 = arith.constant 0 : i32
          %dma_wait3A_210 = tpu.memref_slice %arg7[%rem3A_159, %dma_wait3A_208, %dma_wait3A_209] : memref<3x16x512xf32, #tpu.memory_space<vmem>> -> memref<1x16x512xf32, #tpu.memory_space<vmem>>
          %dma_wait3A_211 = tpu.memref_squeeze %dma_wait3A_210 : memref<1x16x512xf32, #tpu.memory_space<vmem>> -> memref<16x512xf32, #tpu.memory_space<vmem>>
          tpu.wait_dma2 semaphore(%dma_wait3A_203 : memref<!tpu.dma_semaphore, #tpu.memory_space<semaphore_mem>>) src(%dma_wait3A_211 : memref<16x512xf32, #tpu.memory_space<vmem>>) dst(%dma_wait3A_207 : memref<16x512xf32, #tpu.memory_space<hbm>>)
          %dma_wait3A_212 = arith.constant 1 : i32
          %dma_wait3A_213 = arith.constant 1 : i32
          %dma_wait3A_214 = arith.constant 0 : i32
          %dma_wait3A_215 = arith.constant 0 : i32
          %dma_wait3A_216 = tpu.memref_slice %arg8[%rem3A_159, %dma_wait3A_214, %dma_wait3A_215] : memref<3x16x512xf32, #tpu.memory_space<vmem>> -> memref<1x16x512xf32, #tpu.memory_space<vmem>>
          %dma_wait3A_217 = tpu.memref_squeeze %dma_wait3A_216 : memref<1x16x512xf32, #tpu.memory_space<vmem>> -> memref<16x512xf32, #tpu.memory_space<vmem>>
          %dma_wait3A_218 = arith.constant 0 : i32
          %dma_wait3A_219 = arith.constant 0 : i32
          %dma_wait3A_220 = tpu.memref_slice %arg5[%dma_wait3A_212, %dma_wait3A_218, %dma_wait3A_219] : memref<2x50000x512xf32, #tpu.memory_space<hbm>> -> memref<1x16x512xf32, #tpu.memory_space<hbm>>
          %dma_wait3A_221 = tpu.memref_squeeze %dma_wait3A_220 : memref<1x16x512xf32, #tpu.memory_space<hbm>> -> memref<16x512xf32, #tpu.memory_space<hbm>>
          %dma_wait3A_222 = tpu.memref_slice %arg10[%rem3A_159, %dma_wait3A_213] : memref<3x2x!tpu.dma_semaphore, #tpu.memory_space<semaphore_mem>> -> memref<1x1x!tpu.dma_semaphore, #tpu.memory_space<semaphore_mem>>
          %dma_wait3A_223 = tpu.memref_squeeze %dma_wait3A_222 : memref<1x1x!tpu.dma_semaphore, #tpu.memory_space<semaphore_mem>> -> memref<!tpu.dma_semaphore, #tpu.memory_space<semaphore_mem>>
          %dma_wait3A_224 = arith.constant 0 : i32
          %dma_wait3A_225 = arith.constant 0 : i32
          %dma_wait3A_226 = tpu.memref_slice %arg5[%dma_wait3A_212, %dma_wait3A_224, %dma_wait3A_225] : memref<2x50000x512xf32, #tpu.memory_space<hbm>> -> memref<1x16x512xf32, #tpu.memory_space<hbm>>
          %dma_wait3A_227 = tpu.memref_squeeze %dma_wait3A_226 : memref<1x16x512xf32, #tpu.memory_space<hbm>> -> memref<16x512xf32, #tpu.memory_space<hbm>>
          %dma_wait3A_228 = arith.constant 0 : i32
          %dma_wait3A_229 = arith.constant 0 : i32
          %dma_wait3A_230 = tpu.memref_slice %arg8[%rem3A_159, %dma_wait3A_228, %dma_wait3A_229] : memref<3x16x512xf32, #tpu.memory_space<vmem>> -> memref<1x16x512xf32, #tpu.memory_space<vmem>>
          %dma_wait3A_231 = tpu.memref_squeeze %dma_wait3A_230 : memref<1x16x512xf32, #tpu.memory_space<vmem>> -> memref<16x512xf32, #tpu.memory_space<vmem>>
          tpu.wait_dma2 semaphore(%dma_wait3A_223 : memref<!tpu.dma_semaphore, #tpu.memory_space<semaphore_mem>>) src(%dma_wait3A_231 : memref<16x512xf32, #tpu.memory_space<vmem>>) dst(%dma_wait3A_227 : memref<16x512xf32, #tpu.memory_space<hbm>>)
        } else {
        }
        %add3A_164 = arith.constant 3 : i32
        %add3A_165 = arith.addi %while3A_78, %add3A_164 : i32
        %sub3A_166 = arith.constant 1 : i32
        %sub3A_167 = arith.subi %add3A_165, %sub3A_166 : i32
        %mul3A_168 = arith.constant 16 : i32
        %mul3A_169 = arith.muli %sub3A_167, %mul3A_168 : i32
        %dma_start3A_170 = arith.constant 0 : i32
        %dma_start3A_171 = arith.constant 0 : i32
        %dma_start3A_172 = arith.constant 0 : i32
        %dma_start3A_173 = tpu.memref_slice %arg7[%rem3A_159, %dma_start3A_171, %dma_start3A_172] : memref<3x16x512xf32, #tpu.memory_space<vmem>> -> memref<1x16x512xf32, #tpu.memory_space<vmem>>
        %dma_start3A_174 = tpu.memref_squeeze %dma_start3A_173 : memref<1x16x512xf32, #tpu.memory_space<vmem>> -> memref<16x512xf32, #tpu.memory_space<vmem>>
        %dma_start3A_175 = tpu.memref_slice %arg6[%mul3A_169] : memref<1568xi32, #tpu.memory_space<vmem>> -> memref<16xi32, #tpu.memory_space<vmem>>
        %dma_start3A_176 = arith.constant 0 : i32
        %dma_start3A_177 = arith.constant 0 : i32
        %dma_start3A_178 = tpu.memref_slice %arg2[%dma_start3A_176, %dma_start3A_177] : memref<50000x512xf32, #tpu.memory_space<hbm>> -> memref<50000x512xf32, #tpu.memory_space<hbm>>
        %dma_start3A_179 = tpu.memref_slice %arg9[%rem3A_159, %dma_start3A_170] : memref<3x2x!tpu.dma_semaphore, #tpu.memory_space<semaphore_mem>> -> memref<1x1x!tpu.dma_semaphore, #tpu.memory_space<semaphore_mem>>
        %dma_start3A_180 = tpu.memref_squeeze %dma_start3A_179 : memref<1x1x!tpu.dma_semaphore, #tpu.memory_space<semaphore_mem>> -> memref<!tpu.dma_semaphore, #tpu.memory_space<semaphore_mem>>
        tpu.enqueue_indirect_dma source(%dma_start3A_178 : memref<50000x512xf32, #tpu.memory_space<hbm>>) target(%dma_start3A_174 : memref<16x512xf32, #tpu.memory_space<vmem>>) offsets(%dma_start3A_175 : memref<16xi32, #tpu.memory_space<vmem>>) semaphore(%dma_start3A_180 : memref<!tpu.dma_semaphore, #tpu.memory_space<semaphore_mem>>)
        %dma_start3A_181 = arith.constant 1 : i32
        %dma_start3A_182 = arith.constant 0 : i32
        %dma_start3A_183 = arith.constant 0 : i32
        %dma_start3A_184 = tpu.memref_slice %arg8[%rem3A_159, %dma_start3A_182, %dma_start3A_183] : memref<3x16x512xf32, #tpu.memory_space<vmem>> -> memref<1x16x512xf32, #tpu.memory_space<vmem>>
        %dma_start3A_185 = tpu.memref_squeeze %dma_start3A_184 : memref<1x16x512xf32, #tpu.memory_space<vmem>> -> memref<16x512xf32, #tpu.memory_space<vmem>>
        %dma_start3A_186 = tpu.memref_slice %arg6[%mul3A_169] : memref<1568xi32, #tpu.memory_space<vmem>> -> memref<16xi32, #tpu.memory_space<vmem>>
        %dma_start3A_187 = arith.constant 0 : i32
        %dma_start3A_188 = arith.constant 0 : i32
        %dma_start3A_189 = tpu.memref_slice %arg3[%dma_start3A_187, %dma_start3A_188] : memref<50000x512xf32, #tpu.memory_space<hbm>> -> memref<50000x512xf32, #tpu.memory_space<hbm>>
        %dma_start3A_190 = tpu.memref_slice %arg9[%rem3A_159, %dma_start3A_181] : memref<3x2x!tpu.dma_semaphore, #tpu.memory_space<semaphore_mem>> -> memref<1x1x!tpu.dma_semaphore, #tpu.memory_space<semaphore_mem>>
        %dma_start3A_191 = tpu.memref_squeeze %dma_start3A_190 : memref<1x1x!tpu.dma_semaphore, #tpu.memory_space<semaphore_mem>> -> memref<!tpu.dma_semaphore, #tpu.memory_space<semaphore_mem>>
        tpu.enqueue_indirect_dma source(%dma_start3A_189 : memref<50000x512xf32, #tpu.memory_space<hbm>>) target(%dma_start3A_185 : memref<16x512xf32, #tpu.memory_space<vmem>>) offsets(%dma_start3A_186 : memref<16xi32, #tpu.memory_space<vmem>>) semaphore(%dma_start3A_191 : memref<!tpu.dma_semaphore, #tpu.memory_space<semaphore_mem>>)
      } else {
      }
      %dma_wait3A = arith.constant 0 : i32
      %dma_wait3A_88 = arith.constant 0 : i32
      %dma_wait3A_89 = arith.constant 0 : i32
      %dma_wait3A_90 = tpu.memref_slice %arg7[%rem3A_80, %dma_wait3A_88, %dma_wait3A_89] : memref<3x16x512xf32, #tpu.memory_space<vmem>> -> memref<1x16x512xf32, #tpu.memory_space<vmem>>
      %dma_wait3A_91 = tpu.memref_squeeze %dma_wait3A_90 : memref<1x16x512xf32, #tpu.memory_space<vmem>> -> memref<16x512xf32, #tpu.memory_space<vmem>>
      %dma_wait3A_92 = arith.constant 0 : i32
      %dma_wait3A_93 = tpu.memref_slice %arg6[%dma_wait3A_92] : memref<1568xi32, #tpu.memory_space<vmem>> -> memref<16xi32, #tpu.memory_space<vmem>>
      %dma_wait3A_94 = arith.constant 0 : i32
      %dma_wait3A_95 = arith.constant 0 : i32
      %dma_wait3A_96 = tpu.memref_slice %arg2[%dma_wait3A_94, %dma_wait3A_95] : memref<50000x512xf32, #tpu.memory_space<hbm>> -> memref<50000x512xf32, #tpu.memory_space<hbm>>
      %dma_wait3A_97 = tpu.memref_slice %arg9[%rem3A_80, %dma_wait3A] : memref<3x2x!tpu.dma_semaphore, #tpu.memory_space<semaphore_mem>> -> memref<1x1x!tpu.dma_semaphore, #tpu.memory_space<semaphore_mem>>
      %dma_wait3A_98 = tpu.memref_squeeze %dma_wait3A_97 : memref<1x1x!tpu.dma_semaphore, #tpu.memory_space<semaphore_mem>> -> memref<!tpu.dma_semaphore, #tpu.memory_space<semaphore_mem>>
      tpu.wait_indirect_dma semaphore(%dma_wait3A_98 : memref<!tpu.dma_semaphore, #tpu.memory_space<semaphore_mem>>) src(%dma_wait3A_96 : memref<50000x512xf32, #tpu.memory_space<hbm>>) dst(%dma_wait3A_91 : memref<16x512xf32, #tpu.memory_space<vmem>>)
      %dma_wait3A_99 = arith.constant 1 : i32
      %dma_wait3A_100 = arith.constant 0 : i32
      %dma_wait3A_101 = arith.constant 0 : i32
      %dma_wait3A_102 = tpu.memref_slice %arg8[%rem3A_80, %dma_wait3A_100, %dma_wait3A_101] : memref<3x16x512xf32, #tpu.memory_space<vmem>> -> memref<1x16x512xf32, #tpu.memory_space<vmem>>
      %dma_wait3A_103 = tpu.memref_squeeze %dma_wait3A_102 : memref<1x16x512xf32, #tpu.memory_space<vmem>> -> memref<16x512xf32, #tpu.memory_space<vmem>>
      %dma_wait3A_104 = arith.constant 0 : i32
      %dma_wait3A_105 = tpu.memref_slice %arg6[%dma_wait3A_104] : memref<1568xi32, #tpu.memory_space<vmem>> -> memref<16xi32, #tpu.memory_space<vmem>>
      %dma_wait3A_106 = arith.constant 0 : i32
      %dma_wait3A_107 = arith.constant 0 : i32
      %dma_wait3A_108 = tpu.memref_slice %arg3[%dma_wait3A_106, %dma_wait3A_107] : memref<50000x512xf32, #tpu.memory_space<hbm>> -> memref<50000x512xf32, #tpu.memory_space<hbm>>
      %dma_wait3A_109 = tpu.memref_slice %arg9[%rem3A_80, %dma_wait3A_99] : memref<3x2x!tpu.dma_semaphore, #tpu.memory_space<semaphore_mem>> -> memref<1x1x!tpu.dma_semaphore, #tpu.memory_space<semaphore_mem>>
      %dma_wait3A_110 = tpu.memref_squeeze %dma_wait3A_109 : memref<1x1x!tpu.dma_semaphore, #tpu.memory_space<semaphore_mem>> -> memref<!tpu.dma_semaphore, #tpu.memory_space<semaphore_mem>>
      tpu.wait_indirect_dma semaphore(%dma_wait3A_110 : memref<!tpu.dma_semaphore, #tpu.memory_space<semaphore_mem>>) src(%dma_wait3A_108 : memref<50000x512xf32, #tpu.memory_space<hbm>>) dst(%dma_wait3A_103 : memref<16x512xf32, #tpu.memory_space<vmem>>)
      %scan3A = arith.constant 0 : i32
      %scan3A_111 = arith.constant 0 : i32
      %scan3A_112 = arith.constant 16 : i32
      %scan3A_113 = arith.addi %scan3A_111, %scan3A_112 : i32
      %scan3A_114 = arith.constant 1 : i32
      scf.for %scan3A_154 = %scan3A_111 to %scan3A_113 step %scan3A_114  : i32 {
        %get3A = arith.index_cast %rem3A_80 : i32 to index
        %get3A_155 = arith.index_cast %scan3A_154 : i32 to index
        %get3A_156 = arith.constant 0 : index
        %get3A_157 = tpu.vector_load %arg7[%get3A, %get3A_155, %get3A_156] {strides = array<i32>} : memref<3x16x512xf32, #tpu.memory_space<vmem>>, vector<1x1x16xf32>,
        %get3A_158 = vector.shape_cast %get3A_157 : vector<1x1x16xf32> to vector<16xf32>
        %get3A_159 = arith.index_cast %rem3A_80 : i32 to index
        %get3A_160 = arith.index_cast %scan3A_154 : i32 to index
        %get3A_161 = arith.constant 0 : index
        %get3A_162 = tpu.vector_load %arg8[%get3A_159, %get3A_160, %get3A_161] {strides = array<i32>} : memref<3x16x512xf32, #tpu.memory_space<vmem>>, vector<1x1x16xf32>,
        %get3A_163 = vector.shape_cast %get3A_162 : vector<1x1x16xf32> to vector<16xf32>
        %eq3A = arith.constant 0.000000e+00 : f32
        %eq3A_164 = vector.broadcast %eq3A : f32 to vector<16xf32>
        %eq3A_165 = arith.cmpf oeq, %get3A_158, %eq3A_164 : vector<16xf32>
        %max3A_166 = arith.constant 0.000000e+00 : f32
        %max3A_167 = vector.broadcast %max3A_166 : f32 to vector<16xf32>
        %max3A_168 = arith.maximumf %get3A_163, %max3A_167 : vector<16xf32>
        %jit3A_169 = arith.constant 0.000000e+00 : f32
        %broadcast_in_dim3A = vector.broadcast %jit3A_169 : f32 to vector<16xf32>
        %select_n3A_170 = arith.select %eq3A_165, %broadcast_in_dim3A, %max3A_168 : vector<16xi1>, vector<16xf32>
        %swap3A = arith.index_cast %rem3A_80 : i32 to index
        %swap3A_171 = arith.index_cast %scan3A_154 : i32 to index
        %swap3A_172 = arith.constant 0 : index
        %swap3A_173 = tpu.vector_load %arg8[%swap3A, %swap3A_171, %swap3A_172] {strides = array<i32>} : memref<3x16x512xf32, #tpu.memory_space<vmem>>, vector<1x1x16xf32>,
        %swap3A_174 = vector.shape_cast %swap3A_173 : vector<1x1x16xf32> to vector<16xf32>
        %swap3A_175 = vector.shape_cast %select_n3A_170 : vector<16xf32> to vector<1x1x16xf32>
        tpu.vector_store %arg8[%swap3A, %swap3A_171, %swap3A_172], %swap3A_175 {strides = array<i32>} : memref<3x16x512xf32, #tpu.memory_space<vmem>>, vector<1x1x16xf32>,
        %add3A_176 = arith.addf %get3A_158, %get3A_163 : vector<16xf32>
        %gt3A_177 = arith.constant 0.000000e+00 : f32
        %gt3A_178 = vector.broadcast %gt3A_177 : f32 to vector<16xf32>
        %gt3A_179 = arith.cmpf ogt, %add3A_176, %gt3A_178 : vector<16xf32>
        %jit3A_180 = arith.constant 0.000000e+00 : f32
        %broadcast_in_dim3A_181 = vector.broadcast %jit3A_180 : f32 to vector<16xf32>
        %select_n3A_182 = arith.select %gt3A_179, %get3A_158, %broadcast_in_dim3A_181 : vector<16xi1>, vector<16xf32>
        %swap3A_183 = arith.index_cast %rem3A_80 : i32 to index
        %swap3A_184 = arith.index_cast %scan3A_154 : i32 to index
        %swap3A_185 = arith.constant 0 : index
        %swap3A_186 = tpu.vector_load %arg7[%swap3A_183, %swap3A_184, %swap3A_185] {strides = array<i32>} : memref<3x16x512xf32, #tpu.memory_space<vmem>>, vector<1x1x16xf32>,
        %swap3A_187 = vector.shape_cast %swap3A_186 : vector<1x1x16xf32> to vector<16xf32>
        %swap3A_188 = vector.shape_cast %select_n3A_182 : vector<16xf32> to vector<1x1x16xf32>
        tpu.vector_store %arg7[%swap3A_183, %swap3A_184, %swap3A_185], %swap3A_188 {strides = array<i32>} : memref<3x16x512xf32, #tpu.memory_space<vmem>>, vector<1x1x16xf32>,
        %get3A_189 = arith.index_cast %rem3A_80 : i32 to index
        %get3A_190 = arith.index_cast %scan3A_154 : i32 to index
        %get3A_191 = arith.constant 16 : index
        %get3A_192 = tpu.vector_load %arg7[%get3A_189, %get3A_190, %get3A_191] {strides = array<i32>} : memref<3x16x512xf32, #tpu.memory_space<vmem>>, vector<1x1x16xf32>,
        %get3A_193 = vector.shape_cast %get3A_192 : vector<1x1x16xf32> to vector<16xf32>
        %get3A_194 = arith.index_cast %rem3A_80 : i32 to index
        %get3A_195 = arith.index_cast %scan3A_154 : i32 to index
        %get3A_196 = arith.constant 16 : index
        %get3A_197 = tpu.vector_load %arg8[%get3A_194, %get3A_195, %get3A_196] {strides = array<i32>} : memref<3x16x512xf32, #tpu.memory_space<vmem>>, vector<1x1x16xf32>,
        %get3A_198 = vector.shape_cast %get3A_197 : vector<1x1x16xf32> to vector<16xf32>
        %eq3A_199 = arith.constant 0.000000e+00 : f32
        %eq3A_200 = vector.broadcast %eq3A_199 : f32 to vector<16xf32>
        %eq3A_201 = arith.cmpf oeq, %get3A_193, %eq3A_200 : vector<16xf32>
        %max3A_202 = arith.constant 0.000000e+00 : f32
        %max3A_203 = vector.broadcast %max3A_202 : f32 to vector<16xf32>
        %max3A_204 = arith.maximumf %get3A_198, %max3A_203 : vector<16xf32>
        %jit3A_205 = arith.constant 0.000000e+00 : f32
        %broadcast_in_dim3A_206 = vector.broadcast %jit3A_205 : f32 to vector<16xf32>
        %select_n3A_207 = arith.select %eq3A_201, %broadcast_in_dim3A_206, %max3A_204 : vector<16xi1>, vector<16xf32>
        %swap3A_208 = arith.index_cast %rem3A_80 : i32 to index
        %swap3A_209 = arith.index_cast %scan3A_154 : i32 to index
        %swap3A_210 = arith.constant 16 : index
        %swap3A_211 = tpu.vector_load %arg8[%swap3A_208, %swap3A_209, %swap3A_210] {strides = array<i32>} : memref<3x16x512xf32, #tpu.memory_space<vmem>>, vector<1x1x16xf32>,
        %swap3A_212 = vector.shape_cast %swap3A_211 : vector<1x1x16xf32> to vector<16xf32>
        %swap3A_213 = vector.shape_cast %select_n3A_207 : vector<16xf32> to vector<1x1x16xf32>
        tpu.vector_store %arg8[%swap3A_208, %swap3A_209, %swap3A_210], %swap3A_213 {strides = array<i32>} : memref<3x16x512xf32, #tpu.memory_space<vmem>>, vector<1x1x16xf32>,
        %add3A_214 = arith.addf %get3A_193, %get3A_198 : vector<16xf32>
        %gt3A_215 = arith.constant 0.000000e+00 : f32
        %gt3A_216 = vector.broadcast %gt3A_215 : f32 to vector<16xf32>
        %gt3A_217 = arith.cmpf ogt, %add3A_214, %gt3A_216 : vector<16xf32>
        %jit3A_218 = arith.constant 0.000000e+00 : f32
        %broadcast_in_dim3A_219 = vector.broadcast %jit3A_218 : f32 to vector<16xf32>
        %select_n3A_220 = arith.select %gt3A_217, %get3A_193, %broadcast_in_dim3A_219 : vector<16xi1>, vector<16xf32>
        %swap3A_221 = arith.index_cast %rem3A_80 : i32 to index
        %swap3A_222 = arith.index_cast %scan3A_154 : i32 to index
        %swap3A_223 = arith.constant 16 : index
        %swap3A_224 = tpu.vector_load %arg7[%swap3A_221, %swap3A_222, %swap3A_223] {strides = array<i32>} : memref<3x16x512xf32, #tpu.memory_space<vmem>>, vector<1x1x16xf32>,
        %swap3A_225 = vector.shape_cast %swap3A_224 : vector<1x1x16xf32> to vector<16xf32>
        %swap3A_226 = vector.shape_cast %select_n3A_220 : vector<16xf32> to vector<1x1x16xf32>
        tpu.vector_store %arg7[%swap3A_221, %swap3A_222, %swap3A_223], %swap3A_226 {strides = array<i32>} : memref<3x16x512xf32, #tpu.memory_space<vmem>>, vector<1x1x16xf32>,
        %get3A_227 = arith.index_cast %rem3A_80 : i32 to index
        %get3A_228 = arith.index_cast %scan3A_154 : i32 to index
        %get3A_229 = arith.constant 32 : index
        %get3A_230 = tpu.vector_load %arg7[%get3A_227, %get3A_228, %get3A_229] {strides = array<i32>} : memref<3x16x512xf32, #tpu.memory_space<vmem>>, vector<1x1x16xf32>,
        %get3A_231 = vector.shape_cast %get3A_230 : vector<1x1x16xf32> to vector<16xf32>
        %get3A_232 = arith.index_cast %rem3A_80 : i32 to index
        %get3A_233 = arith.index_cast %scan3A_154 : i32 to index
        %get3A_234 = arith.constant 32 : index
        %get3A_235 = tpu.vector_load %arg8[%get3A_232, %get3A_233, %get3A_234] {strides = array<i32>} : memref<3x16x512xf32, #tpu.memory_space<vmem>>, vector<1x1x16xf32>,
        %get3A_236 = vector.shape_cast %get3A_235 : vector<1x1x16xf32> to vector<16xf32>
        %eq3A_237 = arith.constant 0.000000e+00 : f32
        %eq3A_238 = vector.broadcast %eq3A_237 : f32 to vector<16xf32>
        %eq3A_239 = arith.cmpf oeq, %get3A_231, %eq3A_238 : vector<16xf32>
        %max3A_240 = arith.constant 0.000000e+00 : f32
        %max3A_241 = vector.broadcast %max3A_240 : f32 to vector<16xf32>
        %max3A_242 = arith.maximumf %get3A_236, %max3A_241 : vector<16xf32>
        %jit3A_243 = arith.constant 0.000000e+00 : f32
        %broadcast_in_dim3A_244 = vector.broadcast %jit3A_243 : f32 to vector<16xf32>
        %select_n3A_245 = arith.select %eq3A_239, %broadcast_in_dim3A_244, %max3A_242 : vector<16xi1>, vector<16xf32>
        %swap3A_246 = arith.index_cast %rem3A_80 : i32 to index
        %swap3A_247 = arith.index_cast %scan3A_154 : i32 to index
        %swap3A_248 = arith.constant 32 : index
        %swap3A_249 = tpu.vector_load %arg8[%swap3A_246, %swap3A_247, %swap3A_248] {strides = array<i32>} : memref<3x16x512xf32, #tpu.memory_space<vmem>>, vector<1x1x16xf32>,
        %swap3A_250 = vector.shape_cast %swap3A_249 : vector<1x1x16xf32> to vector<16xf32>
        %swap3A_251 = vector.shape_cast %select_n3A_245 : vector<16xf32> to vector<1x1x16xf32>
        tpu.vector_store %arg8[%swap3A_246, %swap3A_247, %swap3A_248], %swap3A_251 {strides = array<i32>} : memref<3x16x512xf32, #tpu.memory_space<vmem>>, vector<1x1x16xf32>,
        %add3A_252 = arith.addf %get3A_231, %get3A_236 : vector<16xf32>
        %gt3A_253 = arith.constant 0.000000e+00 : f32
        %gt3A_254 = vector.broadcast %gt3A_253 : f32 to vector<16xf32>
        %gt3A_255 = arith.cmpf ogt, %add3A_252, %gt3A_254 : vector<16xf32>
        %jit3A_256 = arith.constant 0.000000e+00 : f32
        %broadcast_in_dim3A_257 = vector.broadcast %jit3A_256 : f32 to vector<16xf32>
        %select_n3A_258 = arith.select %gt3A_255, %get3A_231, %broadcast_in_dim3A_257 : vector<16xi1>, vector<16xf32>
        %swap3A_259 = arith.index_cast %rem3A_80 : i32 to index
        %swap3A_260 = arith.index_cast %scan3A_154 : i32 to index
        %swap3A_261 = arith.constant 32 : index
        %swap3A_262 = tpu.vector_load %arg7[%swap3A_259, %swap3A_260, %swap3A_261] {strides = array<i32>} : memref<3x16x512xf32, #tpu.memory_space<vmem>>, vector<1x1x16xf32>,
        %swap3A_263 = vector.shape_cast %swap3A_262 : vector<1x1x16xf32> to vector<16xf32>
        %swap3A_264 = vector.shape_cast %select_n3A_258 : vector<16xf32> to vector<1x1x16xf32>
        tpu.vector_store %arg7[%swap3A_259, %swap3A_260, %swap3A_261], %swap3A_264 {strides = array<i32>} : memref<3x16x512xf32, #tpu.memory_space<vmem>>, vector<1x1x16xf32>,
        %get3A_265 = arith.index_cast %rem3A_80 : i32 to index
        %get3A_266 = arith.index_cast %scan3A_154 : i32 to index
        %get3A_267 = arith.constant 48 : index
        %get3A_268 = tpu.vector_load %arg7[%get3A_265, %get3A_266, %get3A_267] {strides = array<i32>} : memref<3x16x512xf32, #tpu.memory_space<vmem>>, vector<1x1x16xf32>,
        %get3A_269 = vector.shape_cast %get3A_268 : vector<1x1x16xf32> to vector<16xf32>
        %get3A_270 = arith.index_cast %rem3A_80 : i32 to index
        %get3A_271 = arith.index_cast %scan3A_154 : i32 to index
        %get3A_272 = arith.constant 48 : index
        %get3A_273 = tpu.vector_load %arg8[%get3A_270, %get3A_271, %get3A_272] {strides = array<i32>} : memref<3x16x512xf32, #tpu.memory_space<vmem>>, vector<1x1x16xf32>,
        %get3A_274 = vector.shape_cast %get3A_273 : vector<1x1x16xf32> to vector<16xf32>
        %eq3A_275 = arith.constant 0.000000e+00 : f32
        %eq3A_276 = vector.broadcast %eq3A_275 : f32 to vector<16xf32>
        %eq3A_277 = arith.cmpf oeq, %get3A_269, %eq3A_276 : vector<16xf32>
        %max3A_278 = arith.constant 0.000000e+00 : f32
        %max3A_279 = vector.broadcast %max3A_278 : f32 to vector<16xf32>
        %max3A_280 = arith.maximumf %get3A_274, %max3A_279 : vector<16xf32>
        %jit3A_281 = arith.constant 0.000000e+00 : f32
        %broadcast_in_dim3A_282 = vector.broadcast %jit3A_281 : f32 to vector<16xf32>
        %select_n3A_283 = arith.select %eq3A_277, %broadcast_in_dim3A_282, %max3A_280 : vector<16xi1>, vector<16xf32>
        %swap3A_284 = arith.index_cast %rem3A_80 : i32 to index
        %swap3A_285 = arith.index_cast %scan3A_154 : i32 to index
        %swap3A_286 = arith.constant 48 : index
        %swap3A_287 = tpu.vector_load %arg8[%swap3A_284, %swap3A_285, %swap3A_286] {strides = array<i32>} : memref<3x16x512xf32, #tpu.memory_space<vmem>>, vector<1x1x16xf32>,
        %swap3A_288 = vector.shape_cast %swap3A_287 : vector<1x1x16xf32> to vector<16xf32>
        %swap3A_289 = vector.shape_cast %select_n3A_283 : vector<16xf32> to vector<1x1x16xf32>
        tpu.vector_store %arg8[%swap3A_284, %swap3A_285, %swap3A_286], %swap3A_289 {strides = array<i32>} : memref<3x16x512xf32, #tpu.memory_space<vmem>>, vector<1x1x16xf32>,
        %add3A_290 = arith.addf %get3A_269, %get3A_274 : vector<16xf32>
        %gt3A_291 = arith.constant 0.000000e+00 : f32
        %gt3A_292 = vector.broadcast %gt3A_291 : f32 to vector<16xf32>
        %gt3A_293 = arith.cmpf ogt, %add3A_290, %gt3A_292 : vector<16xf32>
        %jit3A_294 = arith.constant 0.000000e+00 : f32
        %broadcast_in_dim3A_295 = vector.broadcast %jit3A_294 : f32 to vector<16xf32>
        %select_n3A_296 = arith.select %gt3A_293, %get3A_269, %broadcast_in_dim3A_295 : vector<16xi1>, vector<16xf32>
        %swap3A_297 = arith.index_cast %rem3A_80 : i32 to index
        %swap3A_298 = arith.index_cast %scan3A_154 : i32 to index
        %swap3A_299 = arith.constant 48 : index
        %swap3A_300 = tpu.vector_load %arg7[%swap3A_297, %swap3A_298, %swap3A_299] {strides = array<i32>} : memref<3x16x512xf32, #tpu.memory_space<vmem>>, vector<1x1x16xf32>,
        %swap3A_301 = vector.shape_cast %swap3A_300 : vector<1x1x16xf32> to vector<16xf32>
        %swap3A_302 = vector.shape_cast %select_n3A_296 : vector<16xf32> to vector<1x1x16xf32>
        tpu.vector_store %arg7[%swap3A_297, %swap3A_298, %swap3A_299], %swap3A_302 {strides = array<i32>} : memref<3x16x512xf32, #tpu.memory_space<vmem>>, vector<1x1x16xf32>,
        %get3A_303 = arith.index_cast %rem3A_80 : i32 to index
        %get3A_304 = arith.index_cast %scan3A_154 : i32 to index
        %get3A_305 = arith.constant 64 : index
        %get3A_306 = tpu.vector_load %arg7[%get3A_303, %get3A_304, %get3A_305] {strides = array<i32>} : memref<3x16x512xf32, #tpu.memory_space<vmem>>, vector<1x1x16xf32>,
        %get3A_307 = vector.shape_cast %get3A_306 : vector<1x1x16xf32> to vector<16xf32>
        %get3A_308 = arith.index_cast %rem3A_80 : i32 to index
        %get3A_309 = arith.index_cast %scan3A_154 : i32 to index
        %get3A_310 = arith.constant 64 : index
        %get3A_311 = tpu.vector_load %arg8[%get3A_308, %get3A_309, %get3A_310] {strides = array<i32>} : memref<3x16x512xf32, #tpu.memory_space<vmem>>, vector<1x1x16xf32>,
        %get3A_312 = vector.shape_cast %get3A_311 : vector<1x1x16xf32> to vector<16xf32>
        %eq3A_313 = arith.constant 0.000000e+00 : f32
        %eq3A_314 = vector.broadcast %eq3A_313 : f32 to vector<16xf32>
        %eq3A_315 = arith.cmpf oeq, %get3A_307, %eq3A_314 : vector<16xf32>
        %max3A_316 = arith.constant 0.000000e+00 : f32
        %max3A_317 = vector.broadcast %max3A_316 : f32 to vector<16xf32>
        %max3A_318 = arith.maximumf %get3A_312, %max3A_317 : vector<16xf32>
        %jit3A_319 = arith.constant 0.000000e+00 : f32
        %broadcast_in_dim3A_320 = vector.broadcast %jit3A_319 : f32 to vector<16xf32>
        %select_n3A_321 = arith.select %eq3A_315, %broadcast_in_dim3A_320, %max3A_318 : vector<16xi1>, vector<16xf32>
        %swap3A_322 = arith.index_cast %rem3A_80 : i32 to index
        %swap3A_323 = arith.index_cast %scan3A_154 : i32 to index
        %swap3A_324 = arith.constant 64 : index
        %swap3A_325 = tpu.vector_load %arg8[%swap3A_322, %swap3A_323, %swap3A_324] {strides = array<i32>} : memref<3x16x512xf32, #tpu.memory_space<vmem>>, vector<1x1x16xf32>,
        %swap3A_326 = vector.shape_cast %swap3A_325 : vector<1x1x16xf32> to vector<16xf32>
        %swap3A_327 = vector.shape_cast %select_n3A_321 : vector<16xf32> to vector<1x1x16xf32>
        tpu.vector_store %arg8[%swap3A_322, %swap3A_323, %swap3A_324], %swap3A_327 {strides = array<i32>} : memref<3x16x512xf32, #tpu.memory_space<vmem>>, vector<1x1x16xf32>,
        %add3A_328 = arith.addf %get3A_307, %get3A_312 : vector<16xf32>
        %gt3A_329 = arith.constant 0.000000e+00 : f32
        %gt3A_330 = vector.broadcast %gt3A_329 : f32 to vector<16xf32>
        %gt3A_331 = arith.cmpf ogt, %add3A_328, %gt3A_330 : vector<16xf32>
        %jit3A_332 = arith.constant 0.000000e+00 : f32
        %broadcast_in_dim3A_333 = vector.broadcast %jit3A_332 : f32 to vector<16xf32>
        %select_n3A_334 = arith.select %gt3A_331, %get3A_307, %broadcast_in_dim3A_333 : vector<16xi1>, vector<16xf32>
        %swap3A_335 = arith.index_cast %rem3A_80 : i32 to index
        %swap3A_336 = arith.index_cast %scan3A_154 : i32 to index
        %swap3A_337 = arith.constant 64 : index
        %swap3A_338 = tpu.vector_load %arg7[%swap3A_335, %swap3A_336, %swap3A_337] {strides = array<i32>} : memref<3x16x512xf32, #tpu.memory_space<vmem>>, vector<1x1x16xf32>,
        %swap3A_339 = vector.shape_cast %swap3A_338 : vector<1x1x16xf32> to vector<16xf32>
        %swap3A_340 = vector.shape_cast %select_n3A_334 : vector<16xf32> to vector<1x1x16xf32>
        tpu.vector_store %arg7[%swap3A_335, %swap3A_336, %swap3A_337], %swap3A_340 {strides = array<i32>} : memref<3x16x512xf32, #tpu.memory_space<vmem>>, vector<1x1x16xf32>,
        %get3A_341 = arith.index_cast %rem3A_80 : i32 to index
        %get3A_342 = arith.index_cast %scan3A_154 : i32 to index
        %get3A_343 = arith.constant 80 : index
        %get3A_344 = tpu.vector_load %arg7[%get3A_341, %get3A_342, %get3A_343] {strides = array<i32>} : memref<3x16x512xf32, #tpu.memory_space<vmem>>, vector<1x1x16xf32>,
        %get3A_345 = vector.shape_cast %get3A_344 : vector<1x1x16xf32> to vector<16xf32>
        %get3A_346 = arith.index_cast %rem3A_80 : i32 to index
        %get3A_347 = arith.index_cast %scan3A_154 : i32 to index
        %get3A_348 = arith.constant 80 : index
        %get3A_349 = tpu.vector_load %arg8[%get3A_346, %get3A_347, %get3A_348] {strides = array<i32>} : memref<3x16x512xf32, #tpu.memory_space<vmem>>, vector<1x1x16xf32>,
        %get3A_350 = vector.shape_cast %get3A_349 : vector<1x1x16xf32> to vector<16xf32>
        %eq3A_351 = arith.constant 0.000000e+00 : f32
        %eq3A_352 = vector.broadcast %eq3A_351 : f32 to vector<16xf32>
        %eq3A_353 = arith.cmpf oeq, %get3A_345, %eq3A_352 : vector<16xf32>
        %max3A_354 = arith.constant 0.000000e+00 : f32
        %max3A_355 = vector.broadcast %max3A_354 : f32 to vector<16xf32>
        %max3A_356 = arith.maximumf %get3A_350, %max3A_355 : vector<16xf32>
        %jit3A_357 = arith.constant 0.000000e+00 : f32
        %broadcast_in_dim3A_358 = vector.broadcast %jit3A_357 : f32 to vector<16xf32>
        %select_n3A_359 = arith.select %eq3A_353, %broadcast_in_dim3A_358, %max3A_356 : vector<16xi1>, vector<16xf32>
        %swap3A_360 = arith.index_cast %rem3A_80 : i32 to index
        %swap3A_361 = arith.index_cast %scan3A_154 : i32 to index
        %swap3A_362 = arith.constant 80 : index
        %swap3A_363 = tpu.vector_load %arg8[%swap3A_360, %swap3A_361, %swap3A_362] {strides = array<i32>} : memref<3x16x512xf32, #tpu.memory_space<vmem>>, vector<1x1x16xf32>,
        %swap3A_364 = vector.shape_cast %swap3A_363 : vector<1x1x16xf32> to vector<16xf32>
        %swap3A_365 = vector.shape_cast %select_n3A_359 : vector<16xf32> to vector<1x1x16xf32>
        tpu.vector_store %arg8[%swap3A_360, %swap3A_361, %swap3A_362], %swap3A_365 {strides = array<i32>} : memref<3x16x512xf32, #tpu.memory_space<vmem>>, vector<1x1x16xf32>,
        %add3A_366 = arith.addf %get3A_345, %get3A_350 : vector<16xf32>
        %gt3A_367 = arith.constant 0.000000e+00 : f32
        %gt3A_368 = vector.broadcast %gt3A_367 : f32 to vector<16xf32>
        %gt3A_369 = arith.cmpf ogt, %add3A_366, %gt3A_368 : vector<16xf32>
        %jit3A_370 = arith.constant 0.000000e+00 : f32
        %broadcast_in_dim3A_371 = vector.broadcast %jit3A_370 : f32 to vector<16xf32>
        %select_n3A_372 = arith.select %gt3A_369, %get3A_345, %broadcast_in_dim3A_371 : vector<16xi1>, vector<16xf32>
        %swap3A_373 = arith.index_cast %rem3A_80 : i32 to index
        %swap3A_374 = arith.index_cast %scan3A_154 : i32 to index
        %swap3A_375 = arith.constant 80 : index
        %swap3A_376 = tpu.vector_load %arg7[%swap3A_373, %swap3A_374, %swap3A_375] {strides = array<i32>} : memref<3x16x512xf32, #tpu.memory_space<vmem>>, vector<1x1x16xf32>,
        %swap3A_377 = vector.shape_cast %swap3A_376 : vector<1x1x16xf32> to vector<16xf32>
        %swap3A_378 = vector.shape_cast %select_n3A_372 : vector<16xf32> to vector<1x1x16xf32>
        tpu.vector_store %arg7[%swap3A_373, %swap3A_374, %swap3A_375], %swap3A_378 {strides = array<i32>} : memref<3x16x512xf32, #tpu.memory_space<vmem>>, vector<1x1x16xf32>,
        %get3A_379 = arith.index_cast %rem3A_80 : i32 to index
        %get3A_380 = arith.index_cast %scan3A_154 : i32 to index
        %get3A_381 = arith.constant 96 : index
        %get3A_382 = tpu.vector_load %arg7[%get3A_379, %get3A_380, %get3A_381] {strides = array<i32>} : memref<3x16x512xf32, #tpu.memory_space<vmem>>, vector<1x1x16xf32>,
        %get3A_383 = vector.shape_cast %get3A_382 : vector<1x1x16xf32> to vector<16xf32>
        %get3A_384 = arith.index_cast %rem3A_80 : i32 to index
        %get3A_385 = arith.index_cast %scan3A_154 : i32 to index
        %get3A_386 = arith.constant 96 : index
        %get3A_387 = tpu.vector_load %arg8[%get3A_384, %get3A_385, %get3A_386] {strides = array<i32>} : memref<3x16x512xf32, #tpu.memory_space<vmem>>, vector<1x1x16xf32>,
        %get3A_388 = vector.shape_cast %get3A_387 : vector<1x1x16xf32> to vector<16xf32>
        %eq3A_389 = arith.constant 0.000000e+00 : f32
        %eq3A_390 = vector.broadcast %eq3A_389 : f32 to vector<16xf32>
        %eq3A_391 = arith.cmpf oeq, %get3A_383, %eq3A_390 : vector<16xf32>
        %max3A_392 = arith.constant 0.000000e+00 : f32
        %max3A_393 = vector.broadcast %max3A_392 : f32 to vector<16xf32>
        %max3A_394 = arith.maximumf %get3A_388, %max3A_393 : vector<16xf32>
        %jit3A_395 = arith.constant 0.000000e+00 : f32
        %broadcast_in_dim3A_396 = vector.broadcast %jit3A_395 : f32 to vector<16xf32>
        %select_n3A_397 = arith.select %eq3A_391, %broadcast_in_dim3A_396, %max3A_394 : vector<16xi1>, vector<16xf32>
        %swap3A_398 = arith.index_cast %rem3A_80 : i32 to index
        %swap3A_399 = arith.index_cast %scan3A_154 : i32 to index
        %swap3A_400 = arith.constant 96 : index
        %swap3A_401 = tpu.vector_load %arg8[%swap3A_398, %swap3A_399, %swap3A_400] {strides = array<i32>} : memref<3x16x512xf32, #tpu.memory_space<vmem>>, vector<1x1x16xf32>,
        %swap3A_402 = vector.shape_cast %swap3A_401 : vector<1x1x16xf32> to vector<16xf32>
        %swap3A_403 = vector.shape_cast %select_n3A_397 : vector<16xf32> to vector<1x1x16xf32>
        tpu.vector_store %arg8[%swap3A_398, %swap3A_399, %swap3A_400], %swap3A_403 {strides = array<i32>} : memref<3x16x512xf32, #tpu.memory_space<vmem>>, vector<1x1x16xf32>,
        %add3A_404 = arith.addf %get3A_383, %get3A_388 : vector<16xf32>
        %gt3A_405 = arith.constant 0.000000e+00 : f32
        %gt3A_406 = vector.broadcast %gt3A_405 : f32 to vector<16xf32>
        %gt3A_407 = arith.cmpf ogt, %add3A_404, %gt3A_406 : vector<16xf32>
        %jit3A_408 = arith.constant 0.000000e+00 : f32
        %broadcast_in_dim3A_409 = vector.broadcast %jit3A_408 : f32 to vector<16xf32>
        %select_n3A_410 = arith.select %gt3A_407, %get3A_383, %broadcast_in_dim3A_409 : vector<16xi1>, vector<16xf32>
        %swap3A_411 = arith.index_cast %rem3A_80 : i32 to index
        %swap3A_412 = arith.index_cast %scan3A_154 : i32 to index
        %swap3A_413 = arith.constant 96 : index
        %swap3A_414 = tpu.vector_load %arg7[%swap3A_411, %swap3A_412, %swap3A_413] {strides = array<i32>} : memref<3x16x512xf32, #tpu.memory_space<vmem>>, vector<1x1x16xf32>,
        %swap3A_415 = vector.shape_cast %swap3A_414 : vector<1x1x16xf32> to vector<16xf32>
        %swap3A_416 = vector.shape_cast %select_n3A_410 : vector<16xf32> to vector<1x1x16xf32>
        tpu.vector_store %arg7[%swap3A_411, %swap3A_412, %swap3A_413], %swap3A_416 {strides = array<i32>} : memref<3x16x512xf32, #tpu.memory_space<vmem>>, vector<1x1x16xf32>,
        %get3A_417 = arith.index_cast %rem3A_80 : i32 to index
        %get3A_418 = arith.index_cast %scan3A_154 : i32 to index
        %get3A_419 = arith.constant 112 : index
        %get3A_420 = tpu.vector_load %arg7[%get3A_417, %get3A_418, %get3A_419] {strides = array<i32>} : memref<3x16x512xf32, #tpu.memory_space<vmem>>, vector<1x1x16xf32>,
        %get3A_421 = vector.shape_cast %get3A_420 : vector<1x1x16xf32> to vector<16xf32>
        %get3A_422 = arith.index_cast %rem3A_80 : i32 to index
        %get3A_423 = arith.index_cast %scan3A_154 : i32 to index
        %get3A_424 = arith.constant 112 : index
        %get3A_425 = tpu.vector_load %arg8[%get3A_422, %get3A_423, %get3A_424] {strides = array<i32>} : memref<3x16x512xf32, #tpu.memory_space<vmem>>, vector<1x1x16xf32>,
        %get3A_426 = vector.shape_cast %get3A_425 : vector<1x1x16xf32> to vector<16xf32>
        %eq3A_427 = arith.constant 0.000000e+00 : f32
        %eq3A_428 = vector.broadcast %eq3A_427 : f32 to vector<16xf32>
        %eq3A_429 = arith.cmpf oeq, %get3A_421, %eq3A_428 : vector<16xf32>
        %max3A_430 = arith.constant 0.000000e+00 : f32
        %max3A_431 = vector.broadcast %max3A_430 : f32 to vector<16xf32>
        %max3A_432 = arith.maximumf %get3A_426, %max3A_431 : vector<16xf32>
        %jit3A_433 = arith.constant 0.000000e+00 : f32
        %broadcast_in_dim3A_434 = vector.broadcast %jit3A_433 : f32 to vector<16xf32>
        %select_n3A_435 = arith.select %eq3A_429, %broadcast_in_dim3A_434, %max3A_432 : vector<16xi1>, vector<16xf32>
        %swap3A_436 = arith.index_cast %rem3A_80 : i32 to index
        %swap3A_437 = arith.index_cast %scan3A_154 : i32 to index
        %swap3A_438 = arith.constant 112 : index
        %swap3A_439 = tpu.vector_load %arg8[%swap3A_436, %swap3A_437, %swap3A_438] {strides = array<i32>} : memref<3x16x512xf32, #tpu.memory_space<vmem>>, vector<1x1x16xf32>,
        %swap3A_440 = vector.shape_cast %swap3A_439 : vector<1x1x16xf32> to vector<16xf32>
        %swap3A_441 = vector.shape_cast %select_n3A_435 : vector<16xf32> to vector<1x1x16xf32>
        tpu.vector_store %arg8[%swap3A_436, %swap3A_437, %swap3A_438], %swap3A_441 {strides = array<i32>} : memref<3x16x512xf32, #tpu.memory_space<vmem>>, vector<1x1x16xf32>,
        %add3A_442 = arith.addf %get3A_421, %get3A_426 : vector<16xf32>
        %gt3A_443 = arith.constant 0.000000e+00 : f32
        %gt3A_444 = vector.broadcast %gt3A_443 : f32 to vector<16xf32>
        %gt3A_445 = arith.cmpf ogt, %add3A_442, %gt3A_444 : vector<16xf32>
        %jit3A_446 = arith.constant 0.000000e+00 : f32
        %broadcast_in_dim3A_447 = vector.broadcast %jit3A_446 : f32 to vector<16xf32>
        %select_n3A_448 = arith.select %gt3A_445, %get3A_421, %broadcast_in_dim3A_447 : vector<16xi1>, vector<16xf32>
        %swap3A_449 = arith.index_cast %rem3A_80 : i32 to index
        %swap3A_450 = arith.index_cast %scan3A_154 : i32 to index
        %swap3A_451 = arith.constant 112 : index
        %swap3A_452 = tpu.vector_load %arg7[%swap3A_449, %swap3A_450, %swap3A_451] {strides = array<i32>} : memref<3x16x512xf32, #tpu.memory_space<vmem>>, vector<1x1x16xf32>,
        %swap3A_453 = vector.shape_cast %swap3A_452 : vector<1x1x16xf32> to vector<16xf32>
        %swap3A_454 = vector.shape_cast %select_n3A_448 : vector<16xf32> to vector<1x1x16xf32>
        tpu.vector_store %arg7[%swap3A_449, %swap3A_450, %swap3A_451], %swap3A_454 {strides = array<i32>} : memref<3x16x512xf32, #tpu.memory_space<vmem>>, vector<1x1x16xf32>,
        %get3A_455 = arith.index_cast %rem3A_80 : i32 to index
        %get3A_456 = arith.index_cast %scan3A_154 : i32 to index
        %get3A_457 = arith.constant 128 : index
        %get3A_458 = tpu.vector_load %arg7[%get3A_455, %get3A_456, %get3A_457] {strides = array<i32>} : memref<3x16x512xf32, #tpu.memory_space<vmem>>, vector<1x1x16xf32>,
        %get3A_459 = vector.shape_cast %get3A_458 : vector<1x1x16xf32> to vector<16xf32>
        %get3A_460 = arith.index_cast %rem3A_80 : i32 to index
        %get3A_461 = arith.index_cast %scan3A_154 : i32 to index
        %get3A_462 = arith.constant 128 : index
        %get3A_463 = tpu.vector_load %arg8[%get3A_460, %get3A_461, %get3A_462] {strides = array<i32>} : memref<3x16x512xf32, #tpu.memory_space<vmem>>, vector<1x1x16xf32>,
        %get3A_464 = vector.shape_cast %get3A_463 : vector<1x1x16xf32> to vector<16xf32>
        %eq3A_465 = arith.constant 0.000000e+00 : f32
        %eq3A_466 = vector.broadcast %eq3A_465 : f32 to vector<16xf32>
        %eq3A_467 = arith.cmpf oeq, %get3A_459, %eq3A_466 : vector<16xf32>
        %max3A_468 = arith.constant 0.000000e+00 : f32
        %max3A_469 = vector.broadcast %max3A_468 : f32 to vector<16xf32>
        %max3A_470 = arith.maximumf %get3A_464, %max3A_469 : vector<16xf32>
        %jit3A_471 = arith.constant 0.000000e+00 : f32
        %broadcast_in_dim3A_472 = vector.broadcast %jit3A_471 : f32 to vector<16xf32>
        %select_n3A_473 = arith.select %eq3A_467, %broadcast_in_dim3A_472, %max3A_470 : vector<16xi1>, vector<16xf32>
        %swap3A_474 = arith.index_cast %rem3A_80 : i32 to index
        %swap3A_475 = arith.index_cast %scan3A_154 : i32 to index
        %swap3A_476 = arith.constant 128 : index
        %swap3A_477 = tpu.vector_load %arg8[%swap3A_474, %swap3A_475, %swap3A_476] {strides = array<i32>} : memref<3x16x512xf32, #tpu.memory_space<vmem>>, vector<1x1x16xf32>,
        %swap3A_478 = vector.shape_cast %swap3A_477 : vector<1x1x16xf32> to vector<16xf32>
        %swap3A_479 = vector.shape_cast %select_n3A_473 : vector<16xf32> to vector<1x1x16xf32>
        tpu.vector_store %arg8[%swap3A_474, %swap3A_475, %swap3A_476], %swap3A_479 {strides = array<i32>} : memref<3x16x512xf32, #tpu.memory_space<vmem>>, vector<1x1x16xf32>,
        %add3A_480 = arith.addf %get3A_459, %get3A_464 : vector<16xf32>
        %gt3A_481 = arith.constant 0.000000e+00 : f32
        %gt3A_482 = vector.broadcast %gt3A_481 : f32 to vector<16xf32>
        %gt3A_483 = arith.cmpf ogt, %add3A_480, %gt3A_482 : vector<16xf32>
        %jit3A_484 = arith.constant 0.000000e+00 : f32
        %broadcast_in_dim3A_485 = vector.broadcast %jit3A_484 : f32 to vector<16xf32>
        %select_n3A_486 = arith.select %gt3A_483, %get3A_459, %broadcast_in_dim3A_485 : vector<16xi1>, vector<16xf32>
        %swap3A_487 = arith.index_cast %rem3A_80 : i32 to index
        %swap3A_488 = arith.index_cast %scan3A_154 : i32 to index
        %swap3A_489 = arith.constant 128 : index
        %swap3A_490 = tpu.vector_load %arg7[%swap3A_487, %swap3A_488, %swap3A_489] {strides = array<i32>} : memref<3x16x512xf32, #tpu.memory_space<vmem>>, vector<1x1x16xf32>,
        %swap3A_491 = vector.shape_cast %swap3A_490 : vector<1x1x16xf32> to vector<16xf32>
        %swap3A_492 = vector.shape_cast %select_n3A_486 : vector<16xf32> to vector<1x1x16xf32>
        tpu.vector_store %arg7[%swap3A_487, %swap3A_488, %swap3A_489], %swap3A_492 {strides = array<i32>} : memref<3x16x512xf32, #tpu.memory_space<vmem>>, vector<1x1x16xf32>,
        %get3A_493 = arith.index_cast %rem3A_80 : i32 to index
        %get3A_494 = arith.index_cast %scan3A_154 : i32 to index
        %get3A_495 = arith.constant 144 : index
        %get3A_496 = tpu.vector_load %arg7[%get3A_493, %get3A_494, %get3A_495] {strides = array<i32>} : memref<3x16x512xf32, #tpu.memory_space<vmem>>, vector<1x1x16xf32>,
        %get3A_497 = vector.shape_cast %get3A_496 : vector<1x1x16xf32> to vector<16xf32>
        %get3A_498 = arith.index_cast %rem3A_80 : i32 to index
        %get3A_499 = arith.index_cast %scan3A_154 : i32 to index
        %get3A_500 = arith.constant 144 : index
        %get3A_501 = tpu.vector_load %arg8[%get3A_498, %get3A_499, %get3A_500] {strides = array<i32>} : memref<3x16x512xf32, #tpu.memory_space<vmem>>, vector<1x1x16xf32>,
        %get3A_502 = vector.shape_cast %get3A_501 : vector<1x1x16xf32> to vector<16xf32>
        %eq3A_503 = arith.constant 0.000000e+00 : f32
        %eq3A_504 = vector.broadcast %eq3A_503 : f32 to vector<16xf32>
        %eq3A_505 = arith.cmpf oeq, %get3A_497, %eq3A_504 : vector<16xf32>
        %max3A_506 = arith.constant 0.000000e+00 : f32
        %max3A_507 = vector.broadcast %max3A_506 : f32 to vector<16xf32>
        %max3A_508 = arith.maximumf %get3A_502, %max3A_507 : vector<16xf32>
        %jit3A_509 = arith.constant 0.000000e+00 : f32
        %broadcast_in_dim3A_510 = vector.broadcast %jit3A_509 : f32 to vector<16xf32>
        %select_n3A_511 = arith.select %eq3A_505, %broadcast_in_dim3A_510, %max3A_508 : vector<16xi1>, vector<16xf32>
        %swap3A_512 = arith.index_cast %rem3A_80 : i32 to index
        %swap3A_513 = arith.index_cast %scan3A_154 : i32 to index
        %swap3A_514 = arith.constant 144 : index
        %swap3A_515 = tpu.vector_load %arg8[%swap3A_512, %swap3A_513, %swap3A_514] {strides = array<i32>} : memref<3x16x512xf32, #tpu.memory_space<vmem>>, vector<1x1x16xf32>,
        %swap3A_516 = vector.shape_cast %swap3A_515 : vector<1x1x16xf32> to vector<16xf32>
        %swap3A_517 = vector.shape_cast %select_n3A_511 : vector<16xf32> to vector<1x1x16xf32>
        tpu.vector_store %arg8[%swap3A_512, %swap3A_513, %swap3A_514], %swap3A_517 {strides = array<i32>} : memref<3x16x512xf32, #tpu.memory_space<vmem>>, vector<1x1x16xf32>,
        %add3A_518 = arith.addf %get3A_497, %get3A_502 : vector<16xf32>
        %gt3A_519 = arith.constant 0.000000e+00 : f32
        %gt3A_520 = vector.broadcast %gt3A_519 : f32 to vector<16xf32>
        %gt3A_521 = arith.cmpf ogt, %add3A_518, %gt3A_520 : vector<16xf32>
        %jit3A_522 = arith.constant 0.000000e+00 : f32
        %broadcast_in_dim3A_523 = vector.broadcast %jit3A_522 : f32 to vector<16xf32>
        %select_n3A_524 = arith.select %gt3A_521, %get3A_497, %broadcast_in_dim3A_523 : vector<16xi1>, vector<16xf32>
        %swap3A_525 = arith.index_cast %rem3A_80 : i32 to index
        %swap3A_526 = arith.index_cast %scan3A_154 : i32 to index
        %swap3A_527 = arith.constant 144 : index
        %swap3A_528 = tpu.vector_load %arg7[%swap3A_525, %swap3A_526, %swap3A_527] {strides = array<i32>} : memref<3x16x512xf32, #tpu.memory_space<vmem>>, vector<1x1x16xf32>,
        %swap3A_529 = vector.shape_cast %swap3A_528 : vector<1x1x16xf32> to vector<16xf32>
        %swap3A_530 = vector.shape_cast %select_n3A_524 : vector<16xf32> to vector<1x1x16xf32>
        tpu.vector_store %arg7[%swap3A_525, %swap3A_526, %swap3A_527], %swap3A_530 {strides = array<i32>} : memref<3x16x512xf32, #tpu.memory_space<vmem>>, vector<1x1x16xf32>,
        %get3A_531 = arith.index_cast %rem3A_80 : i32 to index
        %get3A_532 = arith.index_cast %scan3A_154 : i32 to index
        %get3A_533 = arith.constant 160 : index
        %get3A_534 = tpu.vector_load %arg7[%get3A_531, %get3A_532, %get3A_533] {strides = array<i32>} : memref<3x16x512xf32, #tpu.memory_space<vmem>>, vector<1x1x16xf32>,
        %get3A_535 = vector.shape_cast %get3A_534 : vector<1x1x16xf32> to vector<16xf32>
        %get3A_536 = arith.index_cast %rem3A_80 : i32 to index
        %get3A_537 = arith.index_cast %scan3A_154 : i32 to index
        %get3A_538 = arith.constant 160 : index
        %get3A_539 = tpu.vector_load %arg8[%get3A_536, %get3A_537, %get3A_538] {strides = array<i32>} : memref<3x16x512xf32, #tpu.memory_space<vmem>>, vector<1x1x16xf32>,
        %get3A_540 = vector.shape_cast %get3A_539 : vector<1x1x16xf32> to vector<16xf32>
        %eq3A_541 = arith.constant 0.000000e+00 : f32
        %eq3A_542 = vector.broadcast %eq3A_541 : f32 to vector<16xf32>
        %eq3A_543 = arith.cmpf oeq, %get3A_535, %eq3A_542 : vector<16xf32>
        %max3A_544 = arith.constant 0.000000e+00 : f32
        %max3A_545 = vector.broadcast %max3A_544 : f32 to vector<16xf32>
        %max3A_546 = arith.maximumf %get3A_540, %max3A_545 : vector<16xf32>
        %jit3A_547 = arith.constant 0.000000e+00 : f32
        %broadcast_in_dim3A_548 = vector.broadcast %jit3A_547 : f32 to vector<16xf32>
        %select_n3A_549 = arith.select %eq3A_543, %broadcast_in_dim3A_548, %max3A_546 : vector<16xi1>, vector<16xf32>
        %swap3A_550 = arith.index_cast %rem3A_80 : i32 to index
        %swap3A_551 = arith.index_cast %scan3A_154 : i32 to index
        %swap3A_552 = arith.constant 160 : index
        %swap3A_553 = tpu.vector_load %arg8[%swap3A_550, %swap3A_551, %swap3A_552] {strides = array<i32>} : memref<3x16x512xf32, #tpu.memory_space<vmem>>, vector<1x1x16xf32>,
        %swap3A_554 = vector.shape_cast %swap3A_553 : vector<1x1x16xf32> to vector<16xf32>
        %swap3A_555 = vector.shape_cast %select_n3A_549 : vector<16xf32> to vector<1x1x16xf32>
        tpu.vector_store %arg8[%swap3A_550, %swap3A_551, %swap3A_552], %swap3A_555 {strides = array<i32>} : memref<3x16x512xf32, #tpu.memory_space<vmem>>, vector<1x1x16xf32>,
        %add3A_556 = arith.addf %get3A_535, %get3A_540 : vector<16xf32>
        %gt3A_557 = arith.constant 0.000000e+00 : f32
        %gt3A_558 = vector.broadcast %gt3A_557 : f32 to vector<16xf32>
        %gt3A_559 = arith.cmpf ogt, %add3A_556, %gt3A_558 : vector<16xf32>
        %jit3A_560 = arith.constant 0.000000e+00 : f32
        %broadcast_in_dim3A_561 = vector.broadcast %jit3A_560 : f32 to vector<16xf32>
        %select_n3A_562 = arith.select %gt3A_559, %get3A_535, %broadcast_in_dim3A_561 : vector<16xi1>, vector<16xf32>
        %swap3A_563 = arith.index_cast %rem3A_80 : i32 to index
        %swap3A_564 = arith.index_cast %scan3A_154 : i32 to index
        %swap3A_565 = arith.constant 160 : index
        %swap3A_566 = tpu.vector_load %arg7[%swap3A_563, %swap3A_564, %swap3A_565] {strides = array<i32>} : memref<3x16x512xf32, #tpu.memory_space<vmem>>, vector<1x1x16xf32>,
        %swap3A_567 = vector.shape_cast %swap3A_566 : vector<1x1x16xf32> to vector<16xf32>
        %swap3A_568 = vector.shape_cast %select_n3A_562 : vector<16xf32> to vector<1x1x16xf32>
        tpu.vector_store %arg7[%swap3A_563, %swap3A_564, %swap3A_565], %swap3A_568 {strides = array<i32>} : memref<3x16x512xf32, #tpu.memory_space<vmem>>, vector<1x1x16xf32>,
        %get3A_569 = arith.index_cast %rem3A_80 : i32 to index
        %get3A_570 = arith.index_cast %scan3A_154 : i32 to index
        %get3A_571 = arith.constant 176 : index
        %get3A_572 = tpu.vector_load %arg7[%get3A_569, %get3A_570, %get3A_571] {strides = array<i32>} : memref<3x16x512xf32, #tpu.memory_space<vmem>>, vector<1x1x16xf32>,
        %get3A_573 = vector.shape_cast %get3A_572 : vector<1x1x16xf32> to vector<16xf32>
        %get3A_574 = arith.index_cast %rem3A_80 : i32 to index
        %get3A_575 = arith.index_cast %scan3A_154 : i32 to index
        %get3A_576 = arith.constant 176 : index
        %get3A_577 = tpu.vector_load %arg8[%get3A_574, %get3A_575, %get3A_576] {strides = array<i32>} : memref<3x16x512xf32, #tpu.memory_space<vmem>>, vector<1x1x16xf32>,
        %get3A_578 = vector.shape_cast %get3A_577 : vector<1x1x16xf32> to vector<16xf32>
        %eq3A_579 = arith.constant 0.000000e+00 : f32
        %eq3A_580 = vector.broadcast %eq3A_579 : f32 to vector<16xf32>
        %eq3A_581 = arith.cmpf oeq, %get3A_573, %eq3A_580 : vector<16xf32>
        %max3A_582 = arith.constant 0.000000e+00 : f32
        %max3A_583 = vector.broadcast %max3A_582 : f32 to vector<16xf32>
        %max3A_584 = arith.maximumf %get3A_578, %max3A_583 : vector<16xf32>
        %jit3A_585 = arith.constant 0.000000e+00 : f32
        %broadcast_in_dim3A_586 = vector.broadcast %jit3A_585 : f32 to vector<16xf32>
        %select_n3A_587 = arith.select %eq3A_581, %broadcast_in_dim3A_586, %max3A_584 : vector<16xi1>, vector<16xf32>
        %swap3A_588 = arith.index_cast %rem3A_80 : i32 to index
        %swap3A_589 = arith.index_cast %scan3A_154 : i32 to index
        %swap3A_590 = arith.constant 176 : index
        %swap3A_591 = tpu.vector_load %arg8[%swap3A_588, %swap3A_589, %swap3A_590] {strides = array<i32>} : memref<3x16x512xf32, #tpu.memory_space<vmem>>, vector<1x1x16xf32>,
        %swap3A_592 = vector.shape_cast %swap3A_591 : vector<1x1x16xf32> to vector<16xf32>
        %swap3A_593 = vector.shape_cast %select_n3A_587 : vector<16xf32> to vector<1x1x16xf32>
        tpu.vector_store %arg8[%swap3A_588, %swap3A_589, %swap3A_590], %swap3A_593 {strides = array<i32>} : memref<3x16x512xf32, #tpu.memory_space<vmem>>, vector<1x1x16xf32>,
        %add3A_594 = arith.addf %get3A_573, %get3A_578 : vector<16xf32>
        %gt3A_595 = arith.constant 0.000000e+00 : f32
        %gt3A_596 = vector.broadcast %gt3A_595 : f32 to vector<16xf32>
        %gt3A_597 = arith.cmpf ogt, %add3A_594, %gt3A_596 : vector<16xf32>
        %jit3A_598 = arith.constant 0.000000e+00 : f32
        %broadcast_in_dim3A_599 = vector.broadcast %jit3A_598 : f32 to vector<16xf32>
        %select_n3A_600 = arith.select %gt3A_597, %get3A_573, %broadcast_in_dim3A_599 : vector<16xi1>, vector<16xf32>
        %swap3A_601 = arith.index_cast %rem3A_80 : i32 to index
        %swap3A_602 = arith.index_cast %scan3A_154 : i32 to index
        %swap3A_603 = arith.constant 176 : index
        %swap3A_604 = tpu.vector_load %arg7[%swap3A_601, %swap3A_602, %swap3A_603] {strides = array<i32>} : memref<3x16x512xf32, #tpu.memory_space<vmem>>, vector<1x1x16xf32>,
        %swap3A_605 = vector.shape_cast %swap3A_604 : vector<1x1x16xf32> to vector<16xf32>
        %swap3A_606 = vector.shape_cast %select_n3A_600 : vector<16xf32> to vector<1x1x16xf32>
        tpu.vector_store %arg7[%swap3A_601, %swap3A_602, %swap3A_603], %swap3A_606 {strides = array<i32>} : memref<3x16x512xf32, #tpu.memory_space<vmem>>, vector<1x1x16xf32>,
        %get3A_607 = arith.index_cast %rem3A_80 : i32 to index
        %get3A_608 = arith.index_cast %scan3A_154 : i32 to index
        %get3A_609 = arith.constant 192 : index
        %get3A_610 = tpu.vector_load %arg7[%get3A_607, %get3A_608, %get3A_609] {strides = array<i32>} : memref<3x16x512xf32, #tpu.memory_space<vmem>>, vector<1x1x16xf32>,
        %get3A_611 = vector.shape_cast %get3A_610 : vector<1x1x16xf32> to vector<16xf32>
        %get3A_612 = arith.index_cast %rem3A_80 : i32 to index
        %get3A_613 = arith.index_cast %scan3A_154 : i32 to index
        %get3A_614 = arith.constant 192 : index
        %get3A_615 = tpu.vector_load %arg8[%get3A_612, %get3A_613, %get3A_614] {strides = array<i32>} : memref<3x16x512xf32, #tpu.memory_space<vmem>>, vector<1x1x16xf32>,
        %get3A_616 = vector.shape_cast %get3A_615 : vector<1x1x16xf32> to vector<16xf32>
        %eq3A_617 = arith.constant 0.000000e+00 : f32
        %eq3A_618 = vector.broadcast %eq3A_617 : f32 to vector<16xf32>
        %eq3A_619 = arith.cmpf oeq, %get3A_611, %eq3A_618 : vector<16xf32>
        %max3A_620 = arith.constant 0.000000e+00 : f32
        %max3A_621 = vector.broadcast %max3A_620 : f32 to vector<16xf32>
        %max3A_622 = arith.maximumf %get3A_616, %max3A_621 : vector<16xf32>
        %jit3A_623 = arith.constant 0.000000e+00 : f32
        %broadcast_in_dim3A_624 = vector.broadcast %jit3A_623 : f32 to vector<16xf32>
        %select_n3A_625 = arith.select %eq3A_619, %broadcast_in_dim3A_624, %max3A_622 : vector<16xi1>, vector<16xf32>
        %swap3A_626 = arith.index_cast %rem3A_80 : i32 to index
        %swap3A_627 = arith.index_cast %scan3A_154 : i32 to index
        %swap3A_628 = arith.constant 192 : index
        %swap3A_629 = tpu.vector_load %arg8[%swap3A_626, %swap3A_627, %swap3A_628] {strides = array<i32>} : memref<3x16x512xf32, #tpu.memory_space<vmem>>, vector<1x1x16xf32>,
        %swap3A_630 = vector.shape_cast %swap3A_629 : vector<1x1x16xf32> to vector<16xf32>
        %swap3A_631 = vector.shape_cast %select_n3A_625 : vector<16xf32> to vector<1x1x16xf32>
        tpu.vector_store %arg8[%swap3A_626, %swap3A_627, %swap3A_628], %swap3A_631 {strides = array<i32>} : memref<3x16x512xf32, #tpu.memory_space<vmem>>, vector<1x1x16xf32>,
        %add3A_632 = arith.addf %get3A_611, %get3A_616 : vector<16xf32>
        %gt3A_633 = arith.constant 0.000000e+00 : f32
        %gt3A_634 = vector.broadcast %gt3A_633 : f32 to vector<16xf32>
        %gt3A_635 = arith.cmpf ogt, %add3A_632, %gt3A_634 : vector<16xf32>
        %jit3A_636 = arith.constant 0.000000e+00 : f32
        %broadcast_in_dim3A_637 = vector.broadcast %jit3A_636 : f32 to vector<16xf32>
        %select_n3A_638 = arith.select %gt3A_635, %get3A_611, %broadcast_in_dim3A_637 : vector<16xi1>, vector<16xf32>
        %swap3A_639 = arith.index_cast %rem3A_80 : i32 to index
        %swap3A_640 = arith.index_cast %scan3A_154 : i32 to index
        %swap3A_641 = arith.constant 192 : index
        %swap3A_642 = tpu.vector_load %arg7[%swap3A_639, %swap3A_640, %swap3A_641] {strides = array<i32>} : memref<3x16x512xf32, #tpu.memory_space<vmem>>, vector<1x1x16xf32>,
        %swap3A_643 = vector.shape_cast %swap3A_642 : vector<1x1x16xf32> to vector<16xf32>
        %swap3A_644 = vector.shape_cast %select_n3A_638 : vector<16xf32> to vector<1x1x16xf32>
        tpu.vector_store %arg7[%swap3A_639, %swap3A_640, %swap3A_641], %swap3A_644 {strides = array<i32>} : memref<3x16x512xf32, #tpu.memory_space<vmem>>, vector<1x1x16xf32>,
        %get3A_645 = arith.index_cast %rem3A_80 : i32 to index
        %get3A_646 = arith.index_cast %scan3A_154 : i32 to index
        %get3A_647 = arith.constant 208 : index
        %get3A_648 = tpu.vector_load %arg7[%get3A_645, %get3A_646, %get3A_647] {strides = array<i32>} : memref<3x16x512xf32, #tpu.memory_space<vmem>>, vector<1x1x16xf32>,
        %get3A_649 = vector.shape_cast %get3A_648 : vector<1x1x16xf32> to vector<16xf32>
        %get3A_650 = arith.index_cast %rem3A_80 : i32 to index
        %get3A_651 = arith.index_cast %scan3A_154 : i32 to index
        %get3A_652 = arith.constant 208 : index
        %get3A_653 = tpu.vector_load %arg8[%get3A_650, %get3A_651, %get3A_652] {strides = array<i32>} : memref<3x16x512xf32, #tpu.memory_space<vmem>>, vector<1x1x16xf32>,
        %get3A_654 = vector.shape_cast %get3A_653 : vector<1x1x16xf32> to vector<16xf32>
        %eq3A_655 = arith.constant 0.000000e+00 : f32
        %eq3A_656 = vector.broadcast %eq3A_655 : f32 to vector<16xf32>
        %eq3A_657 = arith.cmpf oeq, %get3A_649, %eq3A_656 : vector<16xf32>
        %max3A_658 = arith.constant 0.000000e+00 : f32
        %max3A_659 = vector.broadcast %max3A_658 : f32 to vector<16xf32>
        %max3A_660 = arith.maximumf %get3A_654, %max3A_659 : vector<16xf32>
        %jit3A_661 = arith.constant 0.000000e+00 : f32
        %broadcast_in_dim3A_662 = vector.broadcast %jit3A_661 : f32 to vector<16xf32>
        %select_n3A_663 = arith.select %eq3A_657, %broadcast_in_dim3A_662, %max3A_660 : vector<16xi1>, vector<16xf32>
        %swap3A_664 = arith.index_cast %rem3A_80 : i32 to index
        %swap3A_665 = arith.index_cast %scan3A_154 : i32 to index
        %swap3A_666 = arith.constant 208 : index
        %swap3A_667 = tpu.vector_load %arg8[%swap3A_664, %swap3A_665, %swap3A_666] {strides = array<i32>} : memref<3x16x512xf32, #tpu.memory_space<vmem>>, vector<1x1x16xf32>,
        %swap3A_668 = vector.shape_cast %swap3A_667 : vector<1x1x16xf32> to vector<16xf32>
        %swap3A_669 = vector.shape_cast %select_n3A_663 : vector<16xf32> to vector<1x1x16xf32>
        tpu.vector_store %arg8[%swap3A_664, %swap3A_665, %swap3A_666], %swap3A_669 {strides = array<i32>} : memref<3x16x512xf32, #tpu.memory_space<vmem>>, vector<1x1x16xf32>,
        %add3A_670 = arith.addf %get3A_649, %get3A_654 : vector<16xf32>
        %gt3A_671 = arith.constant 0.000000e+00 : f32
        %gt3A_672 = vector.broadcast %gt3A_671 : f32 to vector<16xf32>
        %gt3A_673 = arith.cmpf ogt, %add3A_670, %gt3A_672 : vector<16xf32>
        %jit3A_674 = arith.constant 0.000000e+00 : f32
        %broadcast_in_dim3A_675 = vector.broadcast %jit3A_674 : f32 to vector<16xf32>
        %select_n3A_676 = arith.select %gt3A_673, %get3A_649, %broadcast_in_dim3A_675 : vector<16xi1>, vector<16xf32>
        %swap3A_677 = arith.index_cast %rem3A_80 : i32 to index
        %swap3A_678 = arith.index_cast %scan3A_154 : i32 to index
        %swap3A_679 = arith.constant 208 : index
        %swap3A_680 = tpu.vector_load %arg7[%swap3A_677, %swap3A_678, %swap3A_679] {strides = array<i32>} : memref<3x16x512xf32, #tpu.memory_space<vmem>>, vector<1x1x16xf32>,
        %swap3A_681 = vector.shape_cast %swap3A_680 : vector<1x1x16xf32> to vector<16xf32>
        %swap3A_682 = vector.shape_cast %select_n3A_676 : vector<16xf32> to vector<1x1x16xf32>
        tpu.vector_store %arg7[%swap3A_677, %swap3A_678, %swap3A_679], %swap3A_682 {strides = array<i32>} : memref<3x16x512xf32, #tpu.memory_space<vmem>>, vector<1x1x16xf32>,
        %get3A_683 = arith.index_cast %rem3A_80 : i32 to index
        %get3A_684 = arith.index_cast %scan3A_154 : i32 to index
        %get3A_685 = arith.constant 224 : index
        %get3A_686 = tpu.vector_load %arg7[%get3A_683, %get3A_684, %get3A_685] {strides = array<i32>} : memref<3x16x512xf32, #tpu.memory_space<vmem>>, vector<1x1x16xf32>,
        %get3A_687 = vector.shape_cast %get3A_686 : vector<1x1x16xf32> to vector<16xf32>
        %get3A_688 = arith.index_cast %rem3A_80 : i32 to index
        %get3A_689 = arith.index_cast %scan3A_154 : i32 to index
        %get3A_690 = arith.constant 224 : index
        %get3A_691 = tpu.vector_load %arg8[%get3A_688, %get3A_689, %get3A_690] {strides = array<i32>} : memref<3x16x512xf32, #tpu.memory_space<vmem>>, vector<1x1x16xf32>,
        %get3A_692 = vector.shape_cast %get3A_691 : vector<1x1x16xf32> to vector<16xf32>
        %eq3A_693 = arith.constant 0.000000e+00 : f32
        %eq3A_694 = vector.broadcast %eq3A_693 : f32 to vector<16xf32>
        %eq3A_695 = arith.cmpf oeq, %get3A_687, %eq3A_694 : vector<16xf32>
        %max3A_696 = arith.constant 0.000000e+00 : f32
        %max3A_697 = vector.broadcast %max3A_696 : f32 to vector<16xf32>
        %max3A_698 = arith.maximumf %get3A_692, %max3A_697 : vector<16xf32>
        %jit3A_699 = arith.constant 0.000000e+00 : f32
        %broadcast_in_dim3A_700 = vector.broadcast %jit3A_699 : f32 to vector<16xf32>
        %select_n3A_701 = arith.select %eq3A_695, %broadcast_in_dim3A_700, %max3A_698 : vector<16xi1>, vector<16xf32>
        %swap3A_702 = arith.index_cast %rem3A_80 : i32 to index
        %swap3A_703 = arith.index_cast %scan3A_154 : i32 to index
        %swap3A_704 = arith.constant 224 : index
        %swap3A_705 = tpu.vector_load %arg8[%swap3A_702, %swap3A_703, %swap3A_704] {strides = array<i32>} : memref<3x16x512xf32, #tpu.memory_space<vmem>>, vector<1x1x16xf32>,
        %swap3A_706 = vector.shape_cast %swap3A_705 : vector<1x1x16xf32> to vector<16xf32>
        %swap3A_707 = vector.shape_cast %select_n3A_701 : vector<16xf32> to vector<1x1x16xf32>
        tpu.vector_store %arg8[%swap3A_702, %swap3A_703, %swap3A_704], %swap3A_707 {strides = array<i32>} : memref<3x16x512xf32, #tpu.memory_space<vmem>>, vector<1x1x16xf32>,
        %add3A_708 = arith.addf %get3A_687, %get3A_692 : vector<16xf32>
        %gt3A_709 = arith.constant 0.000000e+00 : f32
        %gt3A_710 = vector.broadcast %gt3A_709 : f32 to vector<16xf32>
        %gt3A_711 = arith.cmpf ogt, %add3A_708, %gt3A_710 : vector<16xf32>
        %jit3A_712 = arith.constant 0.000000e+00 : f32
        %broadcast_in_dim3A_713 = vector.broadcast %jit3A_712 : f32 to vector<16xf32>
        %select_n3A_714 = arith.select %gt3A_711, %get3A_687, %broadcast_in_dim3A_713 : vector<16xi1>, vector<16xf32>
        %swap3A_715 = arith.index_cast %rem3A_80 : i32 to index
        %swap3A_716 = arith.index_cast %scan3A_154 : i32 to index
        %swap3A_717 = arith.constant 224 : index
        %swap3A_718 = tpu.vector_load %arg7[%swap3A_715, %swap3A_716, %swap3A_717] {strides = array<i32>} : memref<3x16x512xf32, #tpu.memory_space<vmem>>, vector<1x1x16xf32>,
        %swap3A_719 = vector.shape_cast %swap3A_718 : vector<1x1x16xf32> to vector<16xf32>
        %swap3A_720 = vector.shape_cast %select_n3A_714 : vector<16xf32> to vector<1x1x16xf32>
        tpu.vector_store %arg7[%swap3A_715, %swap3A_716, %swap3A_717], %swap3A_720 {strides = array<i32>} : memref<3x16x512xf32, #tpu.memory_space<vmem>>, vector<1x1x16xf32>,
        %get3A_721 = arith.index_cast %rem3A_80 : i32 to index
        %get3A_722 = arith.index_cast %scan3A_154 : i32 to index
        %get3A_723 = arith.constant 240 : index
        %get3A_724 = tpu.vector_load %arg7[%get3A_721, %get3A_722, %get3A_723] {strides = array<i32>} : memref<3x16x512xf32, #tpu.memory_space<vmem>>, vector<1x1x16xf32>,
        %get3A_725 = vector.shape_cast %get3A_724 : vector<1x1x16xf32> to vector<16xf32>
        %get3A_726 = arith.index_cast %rem3A_80 : i32 to index
        %get3A_727 = arith.index_cast %scan3A_154 : i32 to index
        %get3A_728 = arith.constant 240 : index
        %get3A_729 = tpu.vector_load %arg8[%get3A_726, %get3A_727, %get3A_728] {strides = array<i32>} : memref<3x16x512xf32, #tpu.memory_space<vmem>>, vector<1x1x16xf32>,
        %get3A_730 = vector.shape_cast %get3A_729 : vector<1x1x16xf32> to vector<16xf32>
        %eq3A_731 = arith.constant 0.000000e+00 : f32
        %eq3A_732 = vector.broadcast %eq3A_731 : f32 to vector<16xf32>
        %eq3A_733 = arith.cmpf oeq, %get3A_725, %eq3A_732 : vector<16xf32>
        %max3A_734 = arith.constant 0.000000e+00 : f32
        %max3A_735 = vector.broadcast %max3A_734 : f32 to vector<16xf32>
        %max3A_736 = arith.maximumf %get3A_730, %max3A_735 : vector<16xf32>
        %jit3A_737 = arith.constant 0.000000e+00 : f32
        %broadcast_in_dim3A_738 = vector.broadcast %jit3A_737 : f32 to vector<16xf32>
        %select_n3A_739 = arith.select %eq3A_733, %broadcast_in_dim3A_738, %max3A_736 : vector<16xi1>, vector<16xf32>
        %swap3A_740 = arith.index_cast %rem3A_80 : i32 to index
        %swap3A_741 = arith.index_cast %scan3A_154 : i32 to index
        %swap3A_742 = arith.constant 240 : index
        %swap3A_743 = tpu.vector_load %arg8[%swap3A_740, %swap3A_741, %swap3A_742] {strides = array<i32>} : memref<3x16x512xf32, #tpu.memory_space<vmem>>, vector<1x1x16xf32>,
        %swap3A_744 = vector.shape_cast %swap3A_743 : vector<1x1x16xf32> to vector<16xf32>
        %swap3A_745 = vector.shape_cast %select_n3A_739 : vector<16xf32> to vector<1x1x16xf32>
        tpu.vector_store %arg8[%swap3A_740, %swap3A_741, %swap3A_742], %swap3A_745 {strides = array<i32>} : memref<3x16x512xf32, #tpu.memory_space<vmem>>, vector<1x1x16xf32>,
        %add3A_746 = arith.addf %get3A_725, %get3A_730 : vector<16xf32>
        %gt3A_747 = arith.constant 0.000000e+00 : f32
        %gt3A_748 = vector.broadcast %gt3A_747 : f32 to vector<16xf32>
        %gt3A_749 = arith.cmpf ogt, %add3A_746, %gt3A_748 : vector<16xf32>
        %jit3A_750 = arith.constant 0.000000e+00 : f32
        %broadcast_in_dim3A_751 = vector.broadcast %jit3A_750 : f32 to vector<16xf32>
        %select_n3A_752 = arith.select %gt3A_749, %get3A_725, %broadcast_in_dim3A_751 : vector<16xi1>, vector<16xf32>
        %swap3A_753 = arith.index_cast %rem3A_80 : i32 to index
        %swap3A_754 = arith.index_cast %scan3A_154 : i32 to index
        %swap3A_755 = arith.constant 240 : index
        %swap3A_756 = tpu.vector_load %arg7[%swap3A_753, %swap3A_754, %swap3A_755] {strides = array<i32>} : memref<3x16x512xf32, #tpu.memory_space<vmem>>, vector<1x1x16xf32>,
        %swap3A_757 = vector.shape_cast %swap3A_756 : vector<1x1x16xf32> to vector<16xf32>
        %swap3A_758 = vector.shape_cast %select_n3A_752 : vector<16xf32> to vector<1x1x16xf32>
        tpu.vector_store %arg7[%swap3A_753, %swap3A_754, %swap3A_755], %swap3A_758 {strides = array<i32>} : memref<3x16x512xf32, #tpu.memory_space<vmem>>, vector<1x1x16xf32>,
        %get3A_759 = arith.index_cast %rem3A_80 : i32 to index
        %get3A_760 = arith.index_cast %scan3A_154 : i32 to index
        %get3A_761 = arith.constant 256 : index
        %get3A_762 = tpu.vector_load %arg7[%get3A_759, %get3A_760, %get3A_761] {strides = array<i32>} : memref<3x16x512xf32, #tpu.memory_space<vmem>>, vector<1x1x16xf32>,
        %get3A_763 = vector.shape_cast %get3A_762 : vector<1x1x16xf32> to vector<16xf32>
        %get3A_764 = arith.index_cast %rem3A_80 : i32 to index
        %get3A_765 = arith.index_cast %scan3A_154 : i32 to index
        %get3A_766 = arith.constant 256 : index
        %get3A_767 = tpu.vector_load %arg8[%get3A_764, %get3A_765, %get3A_766] {strides = array<i32>} : memref<3x16x512xf32, #tpu.memory_space<vmem>>, vector<1x1x16xf32>,
        %get3A_768 = vector.shape_cast %get3A_767 : vector<1x1x16xf32> to vector<16xf32>
        %eq3A_769 = arith.constant 0.000000e+00 : f32
        %eq3A_770 = vector.broadcast %eq3A_769 : f32 to vector<16xf32>
        %eq3A_771 = arith.cmpf oeq, %get3A_763, %eq3A_770 : vector<16xf32>
        %max3A_772 = arith.constant 0.000000e+00 : f32
        %max3A_773 = vector.broadcast %max3A_772 : f32 to vector<16xf32>
        %max3A_774 = arith.maximumf %get3A_768, %max3A_773 : vector<16xf32>
        %jit3A_775 = arith.constant 0.000000e+00 : f32
        %broadcast_in_dim3A_776 = vector.broadcast %jit3A_775 : f32 to vector<16xf32>
        %select_n3A_777 = arith.select %eq3A_771, %broadcast_in_dim3A_776, %max3A_774 : vector<16xi1>, vector<16xf32>
        %swap3A_778 = arith.index_cast %rem3A_80 : i32 to index
        %swap3A_779 = arith.index_cast %scan3A_154 : i32 to index
        %swap3A_780 = arith.constant 256 : index
        %swap3A_781 = tpu.vector_load %arg8[%swap3A_778, %swap3A_779, %swap3A_780] {strides = array<i32>} : memref<3x16x512xf32, #tpu.memory_space<vmem>>, vector<1x1x16xf32>,
        %swap3A_782 = vector.shape_cast %swap3A_781 : vector<1x1x16xf32> to vector<16xf32>
        %swap3A_783 = vector.shape_cast %select_n3A_777 : vector<16xf32> to vector<1x1x16xf32>
        tpu.vector_store %arg8[%swap3A_778, %swap3A_779, %swap3A_780], %swap3A_783 {strides = array<i32>} : memref<3x16x512xf32, #tpu.memory_space<vmem>>, vector<1x1x16xf32>,
        %add3A_784 = arith.addf %get3A_763, %get3A_768 : vector<16xf32>
        %gt3A_785 = arith.constant 0.000000e+00 : f32
        %gt3A_786 = vector.broadcast %gt3A_785 : f32 to vector<16xf32>
        %gt3A_787 = arith.cmpf ogt, %add3A_784, %gt3A_786 : vector<16xf32>
        %jit3A_788 = arith.constant 0.000000e+00 : f32
        %broadcast_in_dim3A_789 = vector.broadcast %jit3A_788 : f32 to vector<16xf32>
        %select_n3A_790 = arith.select %gt3A_787, %get3A_763, %broadcast_in_dim3A_789 : vector<16xi1>, vector<16xf32>
        %swap3A_791 = arith.index_cast %rem3A_80 : i32 to index
        %swap3A_792 = arith.index_cast %scan3A_154 : i32 to index
        %swap3A_793 = arith.constant 256 : index
        %swap3A_794 = tpu.vector_load %arg7[%swap3A_791, %swap3A_792, %swap3A_793] {strides = array<i32>} : memref<3x16x512xf32, #tpu.memory_space<vmem>>, vector<1x1x16xf32>,
        %swap3A_795 = vector.shape_cast %swap3A_794 : vector<1x1x16xf32> to vector<16xf32>
        %swap3A_796 = vector.shape_cast %select_n3A_790 : vector<16xf32> to vector<1x1x16xf32>
        tpu.vector_store %arg7[%swap3A_791, %swap3A_792, %swap3A_793], %swap3A_796 {strides = array<i32>} : memref<3x16x512xf32, #tpu.memory_space<vmem>>, vector<1x1x16xf32>,
        %get3A_797 = arith.index_cast %rem3A_80 : i32 to index
        %get3A_798 = arith.index_cast %scan3A_154 : i32 to index
        %get3A_799 = arith.constant 272 : index
        %get3A_800 = tpu.vector_load %arg7[%get3A_797, %get3A_798, %get3A_799] {strides = array<i32>} : memref<3x16x512xf32, #tpu.memory_space<vmem>>, vector<1x1x16xf32>,
        %get3A_801 = vector.shape_cast %get3A_800 : vector<1x1x16xf32> to vector<16xf32>
        %get3A_802 = arith.index_cast %rem3A_80 : i32 to index
        %get3A_803 = arith.index_cast %scan3A_154 : i32 to index
        %get3A_804 = arith.constant 272 : index
        %get3A_805 = tpu.vector_load %arg8[%get3A_802, %get3A_803, %get3A_804] {strides = array<i32>} : memref<3x16x512xf32, #tpu.memory_space<vmem>>, vector<1x1x16xf32>,
        %get3A_806 = vector.shape_cast %get3A_805 : vector<1x1x16xf32> to vector<16xf32>
        %eq3A_807 = arith.constant 0.000000e+00 : f32
        %eq3A_808 = vector.broadcast %eq3A_807 : f32 to vector<16xf32>
        %eq3A_809 = arith.cmpf oeq, %get3A_801, %eq3A_808 : vector<16xf32>
        %max3A_810 = arith.constant 0.000000e+00 : f32
        %max3A_811 = vector.broadcast %max3A_810 : f32 to vector<16xf32>
        %max3A_812 = arith.maximumf %get3A_806, %max3A_811 : vector<16xf32>
        %jit3A_813 = arith.constant 0.000000e+00 : f32
        %broadcast_in_dim3A_814 = vector.broadcast %jit3A_813 : f32 to vector<16xf32>
        %select_n3A_815 = arith.select %eq3A_809, %broadcast_in_dim3A_814, %max3A_812 : vector<16xi1>, vector<16xf32>
        %swap3A_816 = arith.index_cast %rem3A_80 : i32 to index
        %swap3A_817 = arith.index_cast %scan3A_154 : i32 to index
        %swap3A_818 = arith.constant 272 : index
        %swap3A_819 = tpu.vector_load %arg8[%swap3A_816, %swap3A_817, %swap3A_818] {strides = array<i32>} : memref<3x16x512xf32, #tpu.memory_space<vmem>>, vector<1x1x16xf32>,
        %swap3A_820 = vector.shape_cast %swap3A_819 : vector<1x1x16xf32> to vector<16xf32>
        %swap3A_821 = vector.shape_cast %select_n3A_815 : vector<16xf32> to vector<1x1x16xf32>
        tpu.vector_store %arg8[%swap3A_816, %swap3A_817, %swap3A_818], %swap3A_821 {strides = array<i32>} : memref<3x16x512xf32, #tpu.memory_space<vmem>>, vector<1x1x16xf32>,
        %add3A_822 = arith.addf %get3A_801, %get3A_806 : vector<16xf32>
        %gt3A_823 = arith.constant 0.000000e+00 : f32
        %gt3A_824 = vector.broadcast %gt3A_823 : f32 to vector<16xf32>
        %gt3A_825 = arith.cmpf ogt, %add3A_822, %gt3A_824 : vector<16xf32>
        %jit3A_826 = arith.constant 0.000000e+00 : f32
        %broadcast_in_dim3A_827 = vector.broadcast %jit3A_826 : f32 to vector<16xf32>
        %select_n3A_828 = arith.select %gt3A_825, %get3A_801, %broadcast_in_dim3A_827 : vector<16xi1>, vector<16xf32>
        %swap3A_829 = arith.index_cast %rem3A_80 : i32 to index
        %swap3A_830 = arith.index_cast %scan3A_154 : i32 to index
        %swap3A_831 = arith.constant 272 : index
        %swap3A_832 = tpu.vector_load %arg7[%swap3A_829, %swap3A_830, %swap3A_831] {strides = array<i32>} : memref<3x16x512xf32, #tpu.memory_space<vmem>>, vector<1x1x16xf32>,
        %swap3A_833 = vector.shape_cast %swap3A_832 : vector<1x1x16xf32> to vector<16xf32>
        %swap3A_834 = vector.shape_cast %select_n3A_828 : vector<16xf32> to vector<1x1x16xf32>
        tpu.vector_store %arg7[%swap3A_829, %swap3A_830, %swap3A_831], %swap3A_834 {strides = array<i32>} : memref<3x16x512xf32, #tpu.memory_space<vmem>>, vector<1x1x16xf32>,
        %get3A_835 = arith.index_cast %rem3A_80 : i32 to index
        %get3A_836 = arith.index_cast %scan3A_154 : i32 to index
        %get3A_837 = arith.constant 288 : index
        %get3A_838 = tpu.vector_load %arg7[%get3A_835, %get3A_836, %get3A_837] {strides = array<i32>} : memref<3x16x512xf32, #tpu.memory_space<vmem>>, vector<1x1x16xf32>,
        %get3A_839 = vector.shape_cast %get3A_838 : vector<1x1x16xf32> to vector<16xf32>
        %get3A_840 = arith.index_cast %rem3A_80 : i32 to index
        %get3A_841 = arith.index_cast %scan3A_154 : i32 to index
        %get3A_842 = arith.constant 288 : index
        %get3A_843 = tpu.vector_load %arg8[%get3A_840, %get3A_841, %get3A_842] {strides = array<i32>} : memref<3x16x512xf32, #tpu.memory_space<vmem>>, vector<1x1x16xf32>,
        %get3A_844 = vector.shape_cast %get3A_843 : vector<1x1x16xf32> to vector<16xf32>
        %eq3A_845 = arith.constant 0.000000e+00 : f32
        %eq3A_846 = vector.broadcast %eq3A_845 : f32 to vector<16xf32>
        %eq3A_847 = arith.cmpf oeq, %get3A_839, %eq3A_846 : vector<16xf32>
        %max3A_848 = arith.constant 0.000000e+00 : f32
        %max3A_849 = vector.broadcast %max3A_848 : f32 to vector<16xf32>
        %max3A_850 = arith.maximumf %get3A_844, %max3A_849 : vector<16xf32>
        %jit3A_851 = arith.constant 0.000000e+00 : f32
        %broadcast_in_dim3A_852 = vector.broadcast %jit3A_851 : f32 to vector<16xf32>
        %select_n3A_853 = arith.select %eq3A_847, %broadcast_in_dim3A_852, %max3A_850 : vector<16xi1>, vector<16xf32>
        %swap3A_854 = arith.index_cast %rem3A_80 : i32 to index
        %swap3A_855 = arith.index_cast %scan3A_154 : i32 to index
        %swap3A_856 = arith.constant 288 : index
        %swap3A_857 = tpu.vector_load %arg8[%swap3A_854, %swap3A_855, %swap3A_856] {strides = array<i32>} : memref<3x16x512xf32, #tpu.memory_space<vmem>>, vector<1x1x16xf32>,
        %swap3A_858 = vector.shape_cast %swap3A_857 : vector<1x1x16xf32> to vector<16xf32>
        %swap3A_859 = vector.shape_cast %select_n3A_853 : vector<16xf32> to vector<1x1x16xf32>
        tpu.vector_store %arg8[%swap3A_854, %swap3A_855, %swap3A_856], %swap3A_859 {strides = array<i32>} : memref<3x16x512xf32, #tpu.memory_space<vmem>>, vector<1x1x16xf32>,
        %add3A_860 = arith.addf %get3A_839, %get3A_844 : vector<16xf32>
        %gt3A_861 = arith.constant 0.000000e+00 : f32
        %gt3A_862 = vector.broadcast %gt3A_861 : f32 to vector<16xf32>
        %gt3A_863 = arith.cmpf ogt, %add3A_860, %gt3A_862 : vector<16xf32>
        %jit3A_864 = arith.constant 0.000000e+00 : f32
        %broadcast_in_dim3A_865 = vector.broadcast %jit3A_864 : f32 to vector<16xf32>
        %select_n3A_866 = arith.select %gt3A_863, %get3A_839, %broadcast_in_dim3A_865 : vector<16xi1>, vector<16xf32>
        %swap3A_867 = arith.index_cast %rem3A_80 : i32 to index
        %swap3A_868 = arith.index_cast %scan3A_154 : i32 to index
        %swap3A_869 = arith.constant 288 : index
        %swap3A_870 = tpu.vector_load %arg7[%swap3A_867, %swap3A_868, %swap3A_869] {strides = array<i32>} : memref<3x16x512xf32, #tpu.memory_space<vmem>>, vector<1x1x16xf32>,
        %swap3A_871 = vector.shape_cast %swap3A_870 : vector<1x1x16xf32> to vector<16xf32>
        %swap3A_872 = vector.shape_cast %select_n3A_866 : vector<16xf32> to vector<1x1x16xf32>
        tpu.vector_store %arg7[%swap3A_867, %swap3A_868, %swap3A_869], %swap3A_872 {strides = array<i32>} : memref<3x16x512xf32, #tpu.memory_space<vmem>>, vector<1x1x16xf32>,
        %get3A_873 = arith.index_cast %rem3A_80 : i32 to index
        %get3A_874 = arith.index_cast %scan3A_154 : i32 to index
        %get3A_875 = arith.constant 304 : index
        %get3A_876 = tpu.vector_load %arg7[%get3A_873, %get3A_874, %get3A_875] {strides = array<i32>} : memref<3x16x512xf32, #tpu.memory_space<vmem>>, vector<1x1x16xf32>,
        %get3A_877 = vector.shape_cast %get3A_876 : vector<1x1x16xf32> to vector<16xf32>
        %get3A_878 = arith.index_cast %rem3A_80 : i32 to index
        %get3A_879 = arith.index_cast %scan3A_154 : i32 to index
        %get3A_880 = arith.constant 304 : index
        %get3A_881 = tpu.vector_load %arg8[%get3A_878, %get3A_879, %get3A_880] {strides = array<i32>} : memref<3x16x512xf32, #tpu.memory_space<vmem>>, vector<1x1x16xf32>,
        %get3A_882 = vector.shape_cast %get3A_881 : vector<1x1x16xf32> to vector<16xf32>
        %eq3A_883 = arith.constant 0.000000e+00 : f32
        %eq3A_884 = vector.broadcast %eq3A_883 : f32 to vector<16xf32>
        %eq3A_885 = arith.cmpf oeq, %get3A_877, %eq3A_884 : vector<16xf32>
        %max3A_886 = arith.constant 0.000000e+00 : f32
        %max3A_887 = vector.broadcast %max3A_886 : f32 to vector<16xf32>
        %max3A_888 = arith.maximumf %get3A_882, %max3A_887 : vector<16xf32>
        %jit3A_889 = arith.constant 0.000000e+00 : f32
        %broadcast_in_dim3A_890 = vector.broadcast %jit3A_889 : f32 to vector<16xf32>
        %select_n3A_891 = arith.select %eq3A_885, %broadcast_in_dim3A_890, %max3A_888 : vector<16xi1>, vector<16xf32>
        %swap3A_892 = arith.index_cast %rem3A_80 : i32 to index
        %swap3A_893 = arith.index_cast %scan3A_154 : i32 to index
        %swap3A_894 = arith.constant 304 : index
        %swap3A_895 = tpu.vector_load %arg8[%swap3A_892, %swap3A_893, %swap3A_894] {strides = array<i32>} : memref<3x16x512xf32, #tpu.memory_space<vmem>>, vector<1x1x16xf32>,
        %swap3A_896 = vector.shape_cast %swap3A_895 : vector<1x1x16xf32> to vector<16xf32>
        %swap3A_897 = vector.shape_cast %select_n3A_891 : vector<16xf32> to vector<1x1x16xf32>
        tpu.vector_store %arg8[%swap3A_892, %swap3A_893, %swap3A_894], %swap3A_897 {strides = array<i32>} : memref<3x16x512xf32, #tpu.memory_space<vmem>>, vector<1x1x16xf32>,
        %add3A_898 = arith.addf %get3A_877, %get3A_882 : vector<16xf32>
        %gt3A_899 = arith.constant 0.000000e+00 : f32
        %gt3A_900 = vector.broadcast %gt3A_899 : f32 to vector<16xf32>
        %gt3A_901 = arith.cmpf ogt, %add3A_898, %gt3A_900 : vector<16xf32>
        %jit3A_902 = arith.constant 0.000000e+00 : f32
        %broadcast_in_dim3A_903 = vector.broadcast %jit3A_902 : f32 to vector<16xf32>
        %select_n3A_904 = arith.select %gt3A_901, %get3A_877, %broadcast_in_dim3A_903 : vector<16xi1>, vector<16xf32>
        %swap3A_905 = arith.index_cast %rem3A_80 : i32 to index
        %swap3A_906 = arith.index_cast %scan3A_154 : i32 to index
        %swap3A_907 = arith.constant 304 : index
        %swap3A_908 = tpu.vector_load %arg7[%swap3A_905, %swap3A_906, %swap3A_907] {strides = array<i32>} : memref<3x16x512xf32, #tpu.memory_space<vmem>>, vector<1x1x16xf32>,
        %swap3A_909 = vector.shape_cast %swap3A_908 : vector<1x1x16xf32> to vector<16xf32>
        %swap3A_910 = vector.shape_cast %select_n3A_904 : vector<16xf32> to vector<1x1x16xf32>
        tpu.vector_store %arg7[%swap3A_905, %swap3A_906, %swap3A_907], %swap3A_910 {strides = array<i32>} : memref<3x16x512xf32, #tpu.memory_space<vmem>>, vector<1x1x16xf32>,
        %get3A_911 = arith.index_cast %rem3A_80 : i32 to index
        %get3A_912 = arith.index_cast %scan3A_154 : i32 to index
        %get3A_913 = arith.constant 320 : index
        %get3A_914 = tpu.vector_load %arg7[%get3A_911, %get3A_912, %get3A_913] {strides = array<i32>} : memref<3x16x512xf32, #tpu.memory_space<vmem>>, vector<1x1x16xf32>,
        %get3A_915 = vector.shape_cast %get3A_914 : vector<1x1x16xf32> to vector<16xf32>
        %get3A_916 = arith.index_cast %rem3A_80 : i32 to index
        %get3A_917 = arith.index_cast %scan3A_154 : i32 to index
        %get3A_918 = arith.constant 320 : index
        %get3A_919 = tpu.vector_load %arg8[%get3A_916, %get3A_917, %get3A_918] {strides = array<i32>} : memref<3x16x512xf32, #tpu.memory_space<vmem>>, vector<1x1x16xf32>,
        %get3A_920 = vector.shape_cast %get3A_919 : vector<1x1x16xf32> to vector<16xf32>
        %eq3A_921 = arith.constant 0.000000e+00 : f32
        %eq3A_922 = vector.broadcast %eq3A_921 : f32 to vector<16xf32>
        %eq3A_923 = arith.cmpf oeq, %get3A_915, %eq3A_922 : vector<16xf32>
        %max3A_924 = arith.constant 0.000000e+00 : f32
        %max3A_925 = vector.broadcast %max3A_924 : f32 to vector<16xf32>
        %max3A_926 = arith.maximumf %get3A_920, %max3A_925 : vector<16xf32>
        %jit3A_927 = arith.constant 0.000000e+00 : f32
        %broadcast_in_dim3A_928 = vector.broadcast %jit3A_927 : f32 to vector<16xf32>
        %select_n3A_929 = arith.select %eq3A_923, %broadcast_in_dim3A_928, %max3A_926 : vector<16xi1>, vector<16xf32>
        %swap3A_930 = arith.index_cast %rem3A_80 : i32 to index
        %swap3A_931 = arith.index_cast %scan3A_154 : i32 to index
        %swap3A_932 = arith.constant 320 : index
        %swap3A_933 = tpu.vector_load %arg8[%swap3A_930, %swap3A_931, %swap3A_932] {strides = array<i32>} : memref<3x16x512xf32, #tpu.memory_space<vmem>>, vector<1x1x16xf32>,
        %swap3A_934 = vector.shape_cast %swap3A_933 : vector<1x1x16xf32> to vector<16xf32>
        %swap3A_935 = vector.shape_cast %select_n3A_929 : vector<16xf32> to vector<1x1x16xf32>
        tpu.vector_store %arg8[%swap3A_930, %swap3A_931, %swap3A_932], %swap3A_935 {strides = array<i32>} : memref<3x16x512xf32, #tpu.memory_space<vmem>>, vector<1x1x16xf32>,
        %add3A_936 = arith.addf %get3A_915, %get3A_920 : vector<16xf32>
        %gt3A_937 = arith.constant 0.000000e+00 : f32
        %gt3A_938 = vector.broadcast %gt3A_937 : f32 to vector<16xf32>
        %gt3A_939 = arith.cmpf ogt, %add3A_936, %gt3A_938 : vector<16xf32>
        %jit3A_940 = arith.constant 0.000000e+00 : f32
        %broadcast_in_dim3A_941 = vector.broadcast %jit3A_940 : f32 to vector<16xf32>
        %select_n3A_942 = arith.select %gt3A_939, %get3A_915, %broadcast_in_dim3A_941 : vector<16xi1>, vector<16xf32>
        %swap3A_943 = arith.index_cast %rem3A_80 : i32 to index
        %swap3A_944 = arith.index_cast %scan3A_154 : i32 to index
        %swap3A_945 = arith.constant 320 : index
        %swap3A_946 = tpu.vector_load %arg7[%swap3A_943, %swap3A_944, %swap3A_945] {strides = array<i32>} : memref<3x16x512xf32, #tpu.memory_space<vmem>>, vector<1x1x16xf32>,
        %swap3A_947 = vector.shape_cast %swap3A_946 : vector<1x1x16xf32> to vector<16xf32>
        %swap3A_948 = vector.shape_cast %select_n3A_942 : vector<16xf32> to vector<1x1x16xf32>
        tpu.vector_store %arg7[%swap3A_943, %swap3A_944, %swap3A_945], %swap3A_948 {strides = array<i32>} : memref<3x16x512xf32, #tpu.memory_space<vmem>>, vector<1x1x16xf32>,
        %get3A_949 = arith.index_cast %rem3A_80 : i32 to index
        %get3A_950 = arith.index_cast %scan3A_154 : i32 to index
        %get3A_951 = arith.constant 336 : index
        %get3A_952 = tpu.vector_load %arg7[%get3A_949, %get3A_950, %get3A_951] {strides = array<i32>} : memref<3x16x512xf32, #tpu.memory_space<vmem>>, vector<1x1x16xf32>,
        %get3A_953 = vector.shape_cast %get3A_952 : vector<1x1x16xf32> to vector<16xf32>
        %get3A_954 = arith.index_cast %rem3A_80 : i32 to index
        %get3A_955 = arith.index_cast %scan3A_154 : i32 to index
        %get3A_956 = arith.constant 336 : index
        %get3A_957 = tpu.vector_load %arg8[%get3A_954, %get3A_955, %get3A_956] {strides = array<i32>} : memref<3x16x512xf32, #tpu.memory_space<vmem>>, vector<1x1x16xf32>,
        %get3A_958 = vector.shape_cast %get3A_957 : vector<1x1x16xf32> to vector<16xf32>
        %eq3A_959 = arith.constant 0.000000e+00 : f32
        %eq3A_960 = vector.broadcast %eq3A_959 : f32 to vector<16xf32>
        %eq3A_961 = arith.cmpf oeq, %get3A_953, %eq3A_960 : vector<16xf32>
        %max3A_962 = arith.constant 0.000000e+00 : f32
        %max3A_963 = vector.broadcast %max3A_962 : f32 to vector<16xf32>
        %max3A_964 = arith.maximumf %get3A_958, %max3A_963 : vector<16xf32>
        %jit3A_965 = arith.constant 0.000000e+00 : f32
        %broadcast_in_dim3A_966 = vector.broadcast %jit3A_965 : f32 to vector<16xf32>
        %select_n3A_967 = arith.select %eq3A_961, %broadcast_in_dim3A_966, %max3A_964 : vector<16xi1>, vector<16xf32>
        %swap3A_968 = arith.index_cast %rem3A_80 : i32 to index
        %swap3A_969 = arith.index_cast %scan3A_154 : i32 to index
        %swap3A_970 = arith.constant 336 : index
        %swap3A_971 = tpu.vector_load %arg8[%swap3A_968, %swap3A_969, %swap3A_970] {strides = array<i32>} : memref<3x16x512xf32, #tpu.memory_space<vmem>>, vector<1x1x16xf32>,
        %swap3A_972 = vector.shape_cast %swap3A_971 : vector<1x1x16xf32> to vector<16xf32>
        %swap3A_973 = vector.shape_cast %select_n3A_967 : vector<16xf32> to vector<1x1x16xf32>
        tpu.vector_store %arg8[%swap3A_968, %swap3A_969, %swap3A_970], %swap3A_973 {strides = array<i32>} : memref<3x16x512xf32, #tpu.memory_space<vmem>>, vector<1x1x16xf32>,
        %add3A_974 = arith.addf %get3A_953, %get3A_958 : vector<16xf32>
        %gt3A_975 = arith.constant 0.000000e+00 : f32
        %gt3A_976 = vector.broadcast %gt3A_975 : f32 to vector<16xf32>
        %gt3A_977 = arith.cmpf ogt, %add3A_974, %gt3A_976 : vector<16xf32>
        %jit3A_978 = arith.constant 0.000000e+00 : f32
        %broadcast_in_dim3A_979 = vector.broadcast %jit3A_978 : f32 to vector<16xf32>
        %select_n3A_980 = arith.select %gt3A_977, %get3A_953, %broadcast_in_dim3A_979 : vector<16xi1>, vector<16xf32>
        %swap3A_981 = arith.index_cast %rem3A_80 : i32 to index
        %swap3A_982 = arith.index_cast %scan3A_154 : i32 to index
        %swap3A_983 = arith.constant 336 : index
        %swap3A_984 = tpu.vector_load %arg7[%swap3A_981, %swap3A_982, %swap3A_983] {strides = array<i32>} : memref<3x16x512xf32, #tpu.memory_space<vmem>>, vector<1x1x16xf32>,
        %swap3A_985 = vector.shape_cast %swap3A_984 : vector<1x1x16xf32> to vector<16xf32>
        %swap3A_986 = vector.shape_cast %select_n3A_980 : vector<16xf32> to vector<1x1x16xf32>
        tpu.vector_store %arg7[%swap3A_981, %swap3A_982, %swap3A_983], %swap3A_986 {strides = array<i32>} : memref<3x16x512xf32, #tpu.memory_space<vmem>>, vector<1x1x16xf32>,
        %get3A_987 = arith.index_cast %rem3A_80 : i32 to index
        %get3A_988 = arith.index_cast %scan3A_154 : i32 to index
        %get3A_989 = arith.constant 352 : index
        %get3A_990 = tpu.vector_load %arg7[%get3A_987, %get3A_988, %get3A_989] {strides = array<i32>} : memref<3x16x512xf32, #tpu.memory_space<vmem>>, vector<1x1x16xf32>,
        %get3A_991 = vector.shape_cast %get3A_990 : vector<1x1x16xf32> to vector<16xf32>
        %get3A_992 = arith.index_cast %rem3A_80 : i32 to index
        %get3A_993 = arith.index_cast %scan3A_154 : i32 to index
        %get3A_994 = arith.constant 352 : index
        %get3A_995 = tpu.vector_load %arg8[%get3A_992, %get3A_993, %get3A_994] {strides = array<i32>} : memref<3x16x512xf32, #tpu.memory_space<vmem>>, vector<1x1x16xf32>,
        %get3A_996 = vector.shape_cast %get3A_995 : vector<1x1x16xf32> to vector<16xf32>
        %eq3A_997 = arith.constant 0.000000e+00 : f32
        %eq3A_998 = vector.broadcast %eq3A_997 : f32 to vector<16xf32>
        %eq3A_999 = arith.cmpf oeq, %get3A_991, %eq3A_998 : vector<16xf32>
        %max3A_1000 = arith.constant 0.000000e+00 : f32
        %max3A_1001 = vector.broadcast %max3A_1000 : f32 to vector<16xf32>
        %max3A_1002 = arith.maximumf %get3A_996, %max3A_1001 : vector<16xf32>
        %jit3A_1003 = arith.constant 0.000000e+00 : f32
        %broadcast_in_dim3A_1004 = vector.broadcast %jit3A_1003 : f32 to vector<16xf32>
        %select_n3A_1005 = arith.select %eq3A_999, %broadcast_in_dim3A_1004, %max3A_1002 : vector<16xi1>, vector<16xf32>
        %swap3A_1006 = arith.index_cast %rem3A_80 : i32 to index
        %swap3A_1007 = arith.index_cast %scan3A_154 : i32 to index
        %swap3A_1008 = arith.constant 352 : index
        %swap3A_1009 = tpu.vector_load %arg8[%swap3A_1006, %swap3A_1007, %swap3A_1008] {strides = array<i32>} : memref<3x16x512xf32, #tpu.memory_space<vmem>>, vector<1x1x16xf32>,
        %swap3A_1010 = vector.shape_cast %swap3A_1009 : vector<1x1x16xf32> to vector<16xf32>
        %swap3A_1011 = vector.shape_cast %select_n3A_1005 : vector<16xf32> to vector<1x1x16xf32>
        tpu.vector_store %arg8[%swap3A_1006, %swap3A_1007, %swap3A_1008], %swap3A_1011 {strides = array<i32>} : memref<3x16x512xf32, #tpu.memory_space<vmem>>, vector<1x1x16xf32>,
        %add3A_1012 = arith.addf %get3A_991, %get3A_996 : vector<16xf32>
        %gt3A_1013 = arith.constant 0.000000e+00 : f32
        %gt3A_1014 = vector.broadcast %gt3A_1013 : f32 to vector<16xf32>
        %gt3A_1015 = arith.cmpf ogt, %add3A_1012, %gt3A_1014 : vector<16xf32>
        %jit3A_1016 = arith.constant 0.000000e+00 : f32
        %broadcast_in_dim3A_1017 = vector.broadcast %jit3A_1016 : f32 to vector<16xf32>
        %select_n3A_1018 = arith.select %gt3A_1015, %get3A_991, %broadcast_in_dim3A_1017 : vector<16xi1>, vector<16xf32>
        %swap3A_1019 = arith.index_cast %rem3A_80 : i32 to index
        %swap3A_1020 = arith.index_cast %scan3A_154 : i32 to index
        %swap3A_1021 = arith.constant 352 : index
        %swap3A_1022 = tpu.vector_load %arg7[%swap3A_1019, %swap3A_1020, %swap3A_1021] {strides = array<i32>} : memref<3x16x512xf32, #tpu.memory_space<vmem>>, vector<1x1x16xf32>,
        %swap3A_1023 = vector.shape_cast %swap3A_1022 : vector<1x1x16xf32> to vector<16xf32>
        %swap3A_1024 = vector.shape_cast %select_n3A_1018 : vector<16xf32> to vector<1x1x16xf32>
        tpu.vector_store %arg7[%swap3A_1019, %swap3A_1020, %swap3A_1021], %swap3A_1024 {strides = array<i32>} : memref<3x16x512xf32, #tpu.memory_space<vmem>>, vector<1x1x16xf32>,
        %get3A_1025 = arith.index_cast %rem3A_80 : i32 to index
        %get3A_1026 = arith.index_cast %scan3A_154 : i32 to index
        %get3A_1027 = arith.constant 368 : index
        %get3A_1028 = tpu.vector_load %arg7[%get3A_1025, %get3A_1026, %get3A_1027] {strides = array<i32>} : memref<3x16x512xf32, #tpu.memory_space<vmem>>, vector<1x1x16xf32>,
        %get3A_1029 = vector.shape_cast %get3A_1028 : vector<1x1x16xf32> to vector<16xf32>
        %get3A_1030 = arith.index_cast %rem3A_80 : i32 to index
        %get3A_1031 = arith.index_cast %scan3A_154 : i32 to index
        %get3A_1032 = arith.constant 368 : index
        %get3A_1033 = tpu.vector_load %arg8[%get3A_1030, %get3A_1031, %get3A_1032] {strides = array<i32>} : memref<3x16x512xf32, #tpu.memory_space<vmem>>, vector<1x1x16xf32>,
        %get3A_1034 = vector.shape_cast %get3A_1033 : vector<1x1x16xf32> to vector<16xf32>
        %eq3A_1035 = arith.constant 0.000000e+00 : f32
        %eq3A_1036 = vector.broadcast %eq3A_1035 : f32 to vector<16xf32>
        %eq3A_1037 = arith.cmpf oeq, %get3A_1029, %eq3A_1036 : vector<16xf32>
        %max3A_1038 = arith.constant 0.000000e+00 : f32
        %max3A_1039 = vector.broadcast %max3A_1038 : f32 to vector<16xf32>
        %max3A_1040 = arith.maximumf %get3A_1034, %max3A_1039 : vector<16xf32>
        %jit3A_1041 = arith.constant 0.000000e+00 : f32
        %broadcast_in_dim3A_1042 = vector.broadcast %jit3A_1041 : f32 to vector<16xf32>
        %select_n3A_1043 = arith.select %eq3A_1037, %broadcast_in_dim3A_1042, %max3A_1040 : vector<16xi1>, vector<16xf32>
        %swap3A_1044 = arith.index_cast %rem3A_80 : i32 to index
        %swap3A_1045 = arith.index_cast %scan3A_154 : i32 to index
        %swap3A_1046 = arith.constant 368 : index
        %swap3A_1047 = tpu.vector_load %arg8[%swap3A_1044, %swap3A_1045, %swap3A_1046] {strides = array<i32>} : memref<3x16x512xf32, #tpu.memory_space<vmem>>, vector<1x1x16xf32>,
        %swap3A_1048 = vector.shape_cast %swap3A_1047 : vector<1x1x16xf32> to vector<16xf32>
        %swap3A_1049 = vector.shape_cast %select_n3A_1043 : vector<16xf32> to vector<1x1x16xf32>
        tpu.vector_store %arg8[%swap3A_1044, %swap3A_1045, %swap3A_1046], %swap3A_1049 {strides = array<i32>} : memref<3x16x512xf32, #tpu.memory_space<vmem>>, vector<1x1x16xf32>,
        %add3A_1050 = arith.addf %get3A_1029, %get3A_1034 : vector<16xf32>
        %gt3A_1051 = arith.constant 0.000000e+00 : f32
        %gt3A_1052 = vector.broadcast %gt3A_1051 : f32 to vector<16xf32>
        %gt3A_1053 = arith.cmpf ogt, %add3A_1050, %gt3A_1052 : vector<16xf32>
        %jit3A_1054 = arith.constant 0.000000e+00 : f32
        %broadcast_in_dim3A_1055 = vector.broadcast %jit3A_1054 : f32 to vector<16xf32>
        %select_n3A_1056 = arith.select %gt3A_1053, %get3A_1029, %broadcast_in_dim3A_1055 : vector<16xi1>, vector<16xf32>
        %swap3A_1057 = arith.index_cast %rem3A_80 : i32 to index
        %swap3A_1058 = arith.index_cast %scan3A_154 : i32 to index
        %swap3A_1059 = arith.constant 368 : index
        %swap3A_1060 = tpu.vector_load %arg7[%swap3A_1057, %swap3A_1058, %swap3A_1059] {strides = array<i32>} : memref<3x16x512xf32, #tpu.memory_space<vmem>>, vector<1x1x16xf32>,
        %swap3A_1061 = vector.shape_cast %swap3A_1060 : vector<1x1x16xf32> to vector<16xf32>
        %swap3A_1062 = vector.shape_cast %select_n3A_1056 : vector<16xf32> to vector<1x1x16xf32>
        tpu.vector_store %arg7[%swap3A_1057, %swap3A_1058, %swap3A_1059], %swap3A_1062 {strides = array<i32>} : memref<3x16x512xf32, #tpu.memory_space<vmem>>, vector<1x1x16xf32>,
        %get3A_1063 = arith.index_cast %rem3A_80 : i32 to index
        %get3A_1064 = arith.index_cast %scan3A_154 : i32 to index
        %get3A_1065 = arith.constant 384 : index
        %get3A_1066 = tpu.vector_load %arg7[%get3A_1063, %get3A_1064, %get3A_1065] {strides = array<i32>} : memref<3x16x512xf32, #tpu.memory_space<vmem>>, vector<1x1x16xf32>,
        %get3A_1067 = vector.shape_cast %get3A_1066 : vector<1x1x16xf32> to vector<16xf32>
        %get3A_1068 = arith.index_cast %rem3A_80 : i32 to index
        %get3A_1069 = arith.index_cast %scan3A_154 : i32 to index
        %get3A_1070 = arith.constant 384 : index
        %get3A_1071 = tpu.vector_load %arg8[%get3A_1068, %get3A_1069, %get3A_1070] {strides = array<i32>} : memref<3x16x512xf32, #tpu.memory_space<vmem>>, vector<1x1x16xf32>,
        %get3A_1072 = vector.shape_cast %get3A_1071 : vector<1x1x16xf32> to vector<16xf32>
        %eq3A_1073 = arith.constant 0.000000e+00 : f32
        %eq3A_1074 = vector.broadcast %eq3A_1073 : f32 to vector<16xf32>
        %eq3A_1075 = arith.cmpf oeq, %get3A_1067, %eq3A_1074 : vector<16xf32>
        %max3A_1076 = arith.constant 0.000000e+00 : f32
        %max3A_1077 = vector.broadcast %max3A_1076 : f32 to vector<16xf32>
        %max3A_1078 = arith.maximumf %get3A_1072, %max3A_1077 : vector<16xf32>
        %jit3A_1079 = arith.constant 0.000000e+00 : f32
        %broadcast_in_dim3A_1080 = vector.broadcast %jit3A_1079 : f32 to vector<16xf32>
        %select_n3A_1081 = arith.select %eq3A_1075, %broadcast_in_dim3A_1080, %max3A_1078 : vector<16xi1>, vector<16xf32>
        %swap3A_1082 = arith.index_cast %rem3A_80 : i32 to index
        %swap3A_1083 = arith.index_cast %scan3A_154 : i32 to index
        %swap3A_1084 = arith.constant 384 : index
        %swap3A_1085 = tpu.vector_load %arg8[%swap3A_1082, %swap3A_1083, %swap3A_1084] {strides = array<i32>} : memref<3x16x512xf32, #tpu.memory_space<vmem>>, vector<1x1x16xf32>,
        %swap3A_1086 = vector.shape_cast %swap3A_1085 : vector<1x1x16xf32> to vector<16xf32>
        %swap3A_1087 = vector.shape_cast %select_n3A_1081 : vector<16xf32> to vector<1x1x16xf32>
        tpu.vector_store %arg8[%swap3A_1082, %swap3A_1083, %swap3A_1084], %swap3A_1087 {strides = array<i32>} : memref<3x16x512xf32, #tpu.memory_space<vmem>>, vector<1x1x16xf32>,
        %add3A_1088 = arith.addf %get3A_1067, %get3A_1072 : vector<16xf32>
        %gt3A_1089 = arith.constant 0.000000e+00 : f32
        %gt3A_1090 = vector.broadcast %gt3A_1089 : f32 to vector<16xf32>
        %gt3A_1091 = arith.cmpf ogt, %add3A_1088, %gt3A_1090 : vector<16xf32>
        %jit3A_1092 = arith.constant 0.000000e+00 : f32
        %broadcast_in_dim3A_1093 = vector.broadcast %jit3A_1092 : f32 to vector<16xf32>
        %select_n3A_1094 = arith.select %gt3A_1091, %get3A_1067, %broadcast_in_dim3A_1093 : vector<16xi1>, vector<16xf32>
        %swap3A_1095 = arith.index_cast %rem3A_80 : i32 to index
        %swap3A_1096 = arith.index_cast %scan3A_154 : i32 to index
        %swap3A_1097 = arith.constant 384 : index
        %swap3A_1098 = tpu.vector_load %arg7[%swap3A_1095, %swap3A_1096, %swap3A_1097] {strides = array<i32>} : memref<3x16x512xf32, #tpu.memory_space<vmem>>, vector<1x1x16xf32>,
        %swap3A_1099 = vector.shape_cast %swap3A_1098 : vector<1x1x16xf32> to vector<16xf32>
        %swap3A_1100 = vector.shape_cast %select_n3A_1094 : vector<16xf32> to vector<1x1x16xf32>
        tpu.vector_store %arg7[%swap3A_1095, %swap3A_1096, %swap3A_1097], %swap3A_1100 {strides = array<i32>} : memref<3x16x512xf32, #tpu.memory_space<vmem>>, vector<1x1x16xf32>,
        %get3A_1101 = arith.index_cast %rem3A_80 : i32 to index
        %get3A_1102 = arith.index_cast %scan3A_154 : i32 to index
        %get3A_1103 = arith.constant 400 : index
        %get3A_1104 = tpu.vector_load %arg7[%get3A_1101, %get3A_1102, %get3A_1103] {strides = array<i32>} : memref<3x16x512xf32, #tpu.memory_space<vmem>>, vector<1x1x16xf32>,
        %get3A_1105 = vector.shape_cast %get3A_1104 : vector<1x1x16xf32> to vector<16xf32>
        %get3A_1106 = arith.index_cast %rem3A_80 : i32 to index
        %get3A_1107 = arith.index_cast %scan3A_154 : i32 to index
        %get3A_1108 = arith.constant 400 : index
        %get3A_1109 = tpu.vector_load %arg8[%get3A_1106, %get3A_1107, %get3A_1108] {strides = array<i32>} : memref<3x16x512xf32, #tpu.memory_space<vmem>>, vector<1x1x16xf32>,
        %get3A_1110 = vector.shape_cast %get3A_1109 : vector<1x1x16xf32> to vector<16xf32>
        %eq3A_1111 = arith.constant 0.000000e+00 : f32
        %eq3A_1112 = vector.broadcast %eq3A_1111 : f32 to vector<16xf32>
        %eq3A_1113 = arith.cmpf oeq, %get3A_1105, %eq3A_1112 : vector<16xf32>
        %max3A_1114 = arith.constant 0.000000e+00 : f32
        %max3A_1115 = vector.broadcast %max3A_1114 : f32 to vector<16xf32>
        %max3A_1116 = arith.maximumf %get3A_1110, %max3A_1115 : vector<16xf32>
        %jit3A_1117 = arith.constant 0.000000e+00 : f32
        %broadcast_in_dim3A_1118 = vector.broadcast %jit3A_1117 : f32 to vector<16xf32>
        %select_n3A_1119 = arith.select %eq3A_1113, %broadcast_in_dim3A_1118, %max3A_1116 : vector<16xi1>, vector<16xf32>
        %swap3A_1120 = arith.index_cast %rem3A_80 : i32 to index
        %swap3A_1121 = arith.index_cast %scan3A_154 : i32 to index
        %swap3A_1122 = arith.constant 400 : index
        %swap3A_1123 = tpu.vector_load %arg8[%swap3A_1120, %swap3A_1121, %swap3A_1122] {strides = array<i32>} : memref<3x16x512xf32, #tpu.memory_space<vmem>>, vector<1x1x16xf32>,
        %swap3A_1124 = vector.shape_cast %swap3A_1123 : vector<1x1x16xf32> to vector<16xf32>
        %swap3A_1125 = vector.shape_cast %select_n3A_1119 : vector<16xf32> to vector<1x1x16xf32>
        tpu.vector_store %arg8[%swap3A_1120, %swap3A_1121, %swap3A_1122], %swap3A_1125 {strides = array<i32>} : memref<3x16x512xf32, #tpu.memory_space<vmem>>, vector<1x1x16xf32>,
        %add3A_1126 = arith.addf %get3A_1105, %get3A_1110 : vector<16xf32>
        %gt3A_1127 = arith.constant 0.000000e+00 : f32
        %gt3A_1128 = vector.broadcast %gt3A_1127 : f32 to vector<16xf32>
        %gt3A_1129 = arith.cmpf ogt, %add3A_1126, %gt3A_1128 : vector<16xf32>
        %jit3A_1130 = arith.constant 0.000000e+00 : f32
        %broadcast_in_dim3A_1131 = vector.broadcast %jit3A_1130 : f32 to vector<16xf32>
        %select_n3A_1132 = arith.select %gt3A_1129, %get3A_1105, %broadcast_in_dim3A_1131 : vector<16xi1>, vector<16xf32>
        %swap3A_1133 = arith.index_cast %rem3A_80 : i32 to index
        %swap3A_1134 = arith.index_cast %scan3A_154 : i32 to index
        %swap3A_1135 = arith.constant 400 : index
        %swap3A_1136 = tpu.vector_load %arg7[%swap3A_1133, %swap3A_1134, %swap3A_1135] {strides = array<i32>} : memref<3x16x512xf32, #tpu.memory_space<vmem>>, vector<1x1x16xf32>,
        %swap3A_1137 = vector.shape_cast %swap3A_1136 : vector<1x1x16xf32> to vector<16xf32>
        %swap3A_1138 = vector.shape_cast %select_n3A_1132 : vector<16xf32> to vector<1x1x16xf32>
        tpu.vector_store %arg7[%swap3A_1133, %swap3A_1134, %swap3A_1135], %swap3A_1138 {strides = array<i32>} : memref<3x16x512xf32, #tpu.memory_space<vmem>>, vector<1x1x16xf32>,
        %get3A_1139 = arith.index_cast %rem3A_80 : i32 to index
        %get3A_1140 = arith.index_cast %scan3A_154 : i32 to index
        %get3A_1141 = arith.constant 416 : index
        %get3A_1142 = tpu.vector_load %arg7[%get3A_1139, %get3A_1140, %get3A_1141] {strides = array<i32>} : memref<3x16x512xf32, #tpu.memory_space<vmem>>, vector<1x1x16xf32>,
        %get3A_1143 = vector.shape_cast %get3A_1142 : vector<1x1x16xf32> to vector<16xf32>
        %get3A_1144 = arith.index_cast %rem3A_80 : i32 to index
        %get3A_1145 = arith.index_cast %scan3A_154 : i32 to index
        %get3A_1146 = arith.constant 416 : index
        %get3A_1147 = tpu.vector_load %arg8[%get3A_1144, %get3A_1145, %get3A_1146] {strides = array<i32>} : memref<3x16x512xf32, #tpu.memory_space<vmem>>, vector<1x1x16xf32>,
        %get3A_1148 = vector.shape_cast %get3A_1147 : vector<1x1x16xf32> to vector<16xf32>
        %eq3A_1149 = arith.constant 0.000000e+00 : f32
        %eq3A_1150 = vector.broadcast %eq3A_1149 : f32 to vector<16xf32>
        %eq3A_1151 = arith.cmpf oeq, %get3A_1143, %eq3A_1150 : vector<16xf32>
        %max3A_1152 = arith.constant 0.000000e+00 : f32
        %max3A_1153 = vector.broadcast %max3A_1152 : f32 to vector<16xf32>
        %max3A_1154 = arith.maximumf %get3A_1148, %max3A_1153 : vector<16xf32>
        %jit3A_1155 = arith.constant 0.000000e+00 : f32
        %broadcast_in_dim3A_1156 = vector.broadcast %jit3A_1155 : f32 to vector<16xf32>
        %select_n3A_1157 = arith.select %eq3A_1151, %broadcast_in_dim3A_1156, %max3A_1154 : vector<16xi1>, vector<16xf32>
        %swap3A_1158 = arith.index_cast %rem3A_80 : i32 to index
        %swap3A_1159 = arith.index_cast %scan3A_154 : i32 to index
        %swap3A_1160 = arith.constant 416 : index
        %swap3A_1161 = tpu.vector_load %arg8[%swap3A_1158, %swap3A_1159, %swap3A_1160] {strides = array<i32>} : memref<3x16x512xf32, #tpu.memory_space<vmem>>, vector<1x1x16xf32>,
        %swap3A_1162 = vector.shape_cast %swap3A_1161 : vector<1x1x16xf32> to vector<16xf32>
        %swap3A_1163 = vector.shape_cast %select_n3A_1157 : vector<16xf32> to vector<1x1x16xf32>
        tpu.vector_store %arg8[%swap3A_1158, %swap3A_1159, %swap3A_1160], %swap3A_1163 {strides = array<i32>} : memref<3x16x512xf32, #tpu.memory_space<vmem>>, vector<1x1x16xf32>,
        %add3A_1164 = arith.addf %get3A_1143, %get3A_1148 : vector<16xf32>
        %gt3A_1165 = arith.constant 0.000000e+00 : f32
        %gt3A_1166 = vector.broadcast %gt3A_1165 : f32 to vector<16xf32>
        %gt3A_1167 = arith.cmpf ogt, %add3A_1164, %gt3A_1166 : vector<16xf32>
        %jit3A_1168 = arith.constant 0.000000e+00 : f32
        %broadcast_in_dim3A_1169 = vector.broadcast %jit3A_1168 : f32 to vector<16xf32>
        %select_n3A_1170 = arith.select %gt3A_1167, %get3A_1143, %broadcast_in_dim3A_1169 : vector<16xi1>, vector<16xf32>
        %swap3A_1171 = arith.index_cast %rem3A_80 : i32 to index
        %swap3A_1172 = arith.index_cast %scan3A_154 : i32 to index
        %swap3A_1173 = arith.constant 416 : index
        %swap3A_1174 = tpu.vector_load %arg7[%swap3A_1171, %swap3A_1172, %swap3A_1173] {strides = array<i32>} : memref<3x16x512xf32, #tpu.memory_space<vmem>>, vector<1x1x16xf32>,
        %swap3A_1175 = vector.shape_cast %swap3A_1174 : vector<1x1x16xf32> to vector<16xf32>
        %swap3A_1176 = vector.shape_cast %select_n3A_1170 : vector<16xf32> to vector<1x1x16xf32>
        tpu.vector_store %arg7[%swap3A_1171, %swap3A_1172, %swap3A_1173], %swap3A_1176 {strides = array<i32>} : memref<3x16x512xf32, #tpu.memory_space<vmem>>, vector<1x1x16xf32>,
        %get3A_1177 = arith.index_cast %rem3A_80 : i32 to index
        %get3A_1178 = arith.index_cast %scan3A_154 : i32 to index
        %get3A_1179 = arith.constant 432 : index
        %get3A_1180 = tpu.vector_load %arg7[%get3A_1177, %get3A_1178, %get3A_1179] {strides = array<i32>} : memref<3x16x512xf32, #tpu.memory_space<vmem>>, vector<1x1x16xf32>,
        %get3A_1181 = vector.shape_cast %get3A_1180 : vector<1x1x16xf32> to vector<16xf32>
        %get3A_1182 = arith.index_cast %rem3A_80 : i32 to index
        %get3A_1183 = arith.index_cast %scan3A_154 : i32 to index
        %get3A_1184 = arith.constant 432 : index
        %get3A_1185 = tpu.vector_load %arg8[%get3A_1182, %get3A_1183, %get3A_1184] {strides = array<i32>} : memref<3x16x512xf32, #tpu.memory_space<vmem>>, vector<1x1x16xf32>,
        %get3A_1186 = vector.shape_cast %get3A_1185 : vector<1x1x16xf32> to vector<16xf32>
        %eq3A_1187 = arith.constant 0.000000e+00 : f32
        %eq3A_1188 = vector.broadcast %eq3A_1187 : f32 to vector<16xf32>
        %eq3A_1189 = arith.cmpf oeq, %get3A_1181, %eq3A_1188 : vector<16xf32>
        %max3A_1190 = arith.constant 0.000000e+00 : f32
        %max3A_1191 = vector.broadcast %max3A_1190 : f32 to vector<16xf32>
        %max3A_1192 = arith.maximumf %get3A_1186, %max3A_1191 : vector<16xf32>
        %jit3A_1193 = arith.constant 0.000000e+00 : f32
        %broadcast_in_dim3A_1194 = vector.broadcast %jit3A_1193 : f32 to vector<16xf32>
        %select_n3A_1195 = arith.select %eq3A_1189, %broadcast_in_dim3A_1194, %max3A_1192 : vector<16xi1>, vector<16xf32>
        %swap3A_1196 = arith.index_cast %rem3A_80 : i32 to index
        %swap3A_1197 = arith.index_cast %scan3A_154 : i32 to index
        %swap3A_1198 = arith.constant 432 : index
        %swap3A_1199 = tpu.vector_load %arg8[%swap3A_1196, %swap3A_1197, %swap3A_1198] {strides = array<i32>} : memref<3x16x512xf32, #tpu.memory_space<vmem>>, vector<1x1x16xf32>,
        %swap3A_1200 = vector.shape_cast %swap3A_1199 : vector<1x1x16xf32> to vector<16xf32>
        %swap3A_1201 = vector.shape_cast %select_n3A_1195 : vector<16xf32> to vector<1x1x16xf32>
        tpu.vector_store %arg8[%swap3A_1196, %swap3A_1197, %swap3A_1198], %swap3A_1201 {strides = array<i32>} : memref<3x16x512xf32, #tpu.memory_space<vmem>>, vector<1x1x16xf32>,
        %add3A_1202 = arith.addf %get3A_1181, %get3A_1186 : vector<16xf32>
        %gt3A_1203 = arith.constant 0.000000e+00 : f32
        %gt3A_1204 = vector.broadcast %gt3A_1203 : f32 to vector<16xf32>
        %gt3A_1205 = arith.cmpf ogt, %add3A_1202, %gt3A_1204 : vector<16xf32>
        %jit3A_1206 = arith.constant 0.000000e+00 : f32
        %broadcast_in_dim3A_1207 = vector.broadcast %jit3A_1206 : f32 to vector<16xf32>
        %select_n3A_1208 = arith.select %gt3A_1205, %get3A_1181, %broadcast_in_dim3A_1207 : vector<16xi1>, vector<16xf32>
        %swap3A_1209 = arith.index_cast %rem3A_80 : i32 to index
        %swap3A_1210 = arith.index_cast %scan3A_154 : i32 to index
        %swap3A_1211 = arith.constant 432 : index
        %swap3A_1212 = tpu.vector_load %arg7[%swap3A_1209, %swap3A_1210, %swap3A_1211] {strides = array<i32>} : memref<3x16x512xf32, #tpu.memory_space<vmem>>, vector<1x1x16xf32>,
        %swap3A_1213 = vector.shape_cast %swap3A_1212 : vector<1x1x16xf32> to vector<16xf32>
        %swap3A_1214 = vector.shape_cast %select_n3A_1208 : vector<16xf32> to vector<1x1x16xf32>
        tpu.vector_store %arg7[%swap3A_1209, %swap3A_1210, %swap3A_1211], %swap3A_1214 {strides = array<i32>} : memref<3x16x512xf32, #tpu.memory_space<vmem>>, vector<1x1x16xf32>,
        %get3A_1215 = arith.index_cast %rem3A_80 : i32 to index
        %get3A_1216 = arith.index_cast %scan3A_154 : i32 to index
        %get3A_1217 = arith.constant 448 : index
        %get3A_1218 = tpu.vector_load %arg7[%get3A_1215, %get3A_1216, %get3A_1217] {strides = array<i32>} : memref<3x16x512xf32, #tpu.memory_space<vmem>>, vector<1x1x16xf32>,
        %get3A_1219 = vector.shape_cast %get3A_1218 : vector<1x1x16xf32> to vector<16xf32>
        %get3A_1220 = arith.index_cast %rem3A_80 : i32 to index
        %get3A_1221 = arith.index_cast %scan3A_154 : i32 to index
        %get3A_1222 = arith.constant 448 : index
        %get3A_1223 = tpu.vector_load %arg8[%get3A_1220, %get3A_1221, %get3A_1222] {strides = array<i32>} : memref<3x16x512xf32, #tpu.memory_space<vmem>>, vector<1x1x16xf32>,
        %get3A_1224 = vector.shape_cast %get3A_1223 : vector<1x1x16xf32> to vector<16xf32>
        %eq3A_1225 = arith.constant 0.000000e+00 : f32
        %eq3A_1226 = vector.broadcast %eq3A_1225 : f32 to vector<16xf32>
        %eq3A_1227 = arith.cmpf oeq, %get3A_1219, %eq3A_1226 : vector<16xf32>
        %max3A_1228 = arith.constant 0.000000e+00 : f32
        %max3A_1229 = vector.broadcast %max3A_1228 : f32 to vector<16xf32>
        %max3A_1230 = arith.maximumf %get3A_1224, %max3A_1229 : vector<16xf32>
        %jit3A_1231 = arith.constant 0.000000e+00 : f32
        %broadcast_in_dim3A_1232 = vector.broadcast %jit3A_1231 : f32 to vector<16xf32>
        %select_n3A_1233 = arith.select %eq3A_1227, %broadcast_in_dim3A_1232, %max3A_1230 : vector<16xi1>, vector<16xf32>
        %swap3A_1234 = arith.index_cast %rem3A_80 : i32 to index
        %swap3A_1235 = arith.index_cast %scan3A_154 : i32 to index
        %swap3A_1236 = arith.constant 448 : index
        %swap3A_1237 = tpu.vector_load %arg8[%swap3A_1234, %swap3A_1235, %swap3A_1236] {strides = array<i32>} : memref<3x16x512xf32, #tpu.memory_space<vmem>>, vector<1x1x16xf32>,
        %swap3A_1238 = vector.shape_cast %swap3A_1237 : vector<1x1x16xf32> to vector<16xf32>
        %swap3A_1239 = vector.shape_cast %select_n3A_1233 : vector<16xf32> to vector<1x1x16xf32>
        tpu.vector_store %arg8[%swap3A_1234, %swap3A_1235, %swap3A_1236], %swap3A_1239 {strides = array<i32>} : memref<3x16x512xf32, #tpu.memory_space<vmem>>, vector<1x1x16xf32>,
        %add3A_1240 = arith.addf %get3A_1219, %get3A_1224 : vector<16xf32>
        %gt3A_1241 = arith.constant 0.000000e+00 : f32
        %gt3A_1242 = vector.broadcast %gt3A_1241 : f32 to vector<16xf32>
        %gt3A_1243 = arith.cmpf ogt, %add3A_1240, %gt3A_1242 : vector<16xf32>
        %jit3A_1244 = arith.constant 0.000000e+00 : f32
        %broadcast_in_dim3A_1245 = vector.broadcast %jit3A_1244 : f32 to vector<16xf32>
        %select_n3A_1246 = arith.select %gt3A_1243, %get3A_1219, %broadcast_in_dim3A_1245 : vector<16xi1>, vector<16xf32>
        %swap3A_1247 = arith.index_cast %rem3A_80 : i32 to index
        %swap3A_1248 = arith.index_cast %scan3A_154 : i32 to index
        %swap3A_1249 = arith.constant 448 : index
        %swap3A_1250 = tpu.vector_load %arg7[%swap3A_1247, %swap3A_1248, %swap3A_1249] {strides = array<i32>} : memref<3x16x512xf32, #tpu.memory_space<vmem>>, vector<1x1x16xf32>,
        %swap3A_1251 = vector.shape_cast %swap3A_1250 : vector<1x1x16xf32> to vector<16xf32>
        %swap3A_1252 = vector.shape_cast %select_n3A_1246 : vector<16xf32> to vector<1x1x16xf32>
        tpu.vector_store %arg7[%swap3A_1247, %swap3A_1248, %swap3A_1249], %swap3A_1252 {strides = array<i32>} : memref<3x16x512xf32, #tpu.memory_space<vmem>>, vector<1x1x16xf32>,
        %get3A_1253 = arith.index_cast %rem3A_80 : i32 to index
        %get3A_1254 = arith.index_cast %scan3A_154 : i32 to index
        %get3A_1255 = arith.constant 464 : index
        %get3A_1256 = tpu.vector_load %arg7[%get3A_1253, %get3A_1254, %get3A_1255] {strides = array<i32>} : memref<3x16x512xf32, #tpu.memory_space<vmem>>, vector<1x1x16xf32>,
        %get3A_1257 = vector.shape_cast %get3A_1256 : vector<1x1x16xf32> to vector<16xf32>
        %get3A_1258 = arith.index_cast %rem3A_80 : i32 to index
        %get3A_1259 = arith.index_cast %scan3A_154 : i32 to index
        %get3A_1260 = arith.constant 464 : index
        %get3A_1261 = tpu.vector_load %arg8[%get3A_1258, %get3A_1259, %get3A_1260] {strides = array<i32>} : memref<3x16x512xf32, #tpu.memory_space<vmem>>, vector<1x1x16xf32>,
        %get3A_1262 = vector.shape_cast %get3A_1261 : vector<1x1x16xf32> to vector<16xf32>
        %eq3A_1263 = arith.constant 0.000000e+00 : f32
        %eq3A_1264 = vector.broadcast %eq3A_1263 : f32 to vector<16xf32>
        %eq3A_1265 = arith.cmpf oeq, %get3A_1257, %eq3A_1264 : vector<16xf32>
        %max3A_1266 = arith.constant 0.000000e+00 : f32
        %max3A_1267 = vector.broadcast %max3A_1266 : f32 to vector<16xf32>
        %max3A_1268 = arith.maximumf %get3A_1262, %max3A_1267 : vector<16xf32>
        %jit3A_1269 = arith.constant 0.000000e+00 : f32
        %broadcast_in_dim3A_1270 = vector.broadcast %jit3A_1269 : f32 to vector<16xf32>
        %select_n3A_1271 = arith.select %eq3A_1265, %broadcast_in_dim3A_1270, %max3A_1268 : vector<16xi1>, vector<16xf32>
        %swap3A_1272 = arith.index_cast %rem3A_80 : i32 to index
        %swap3A_1273 = arith.index_cast %scan3A_154 : i32 to index
        %swap3A_1274 = arith.constant 464 : index
        %swap3A_1275 = tpu.vector_load %arg8[%swap3A_1272, %swap3A_1273, %swap3A_1274] {strides = array<i32>} : memref<3x16x512xf32, #tpu.memory_space<vmem>>, vector<1x1x16xf32>,
        %swap3A_1276 = vector.shape_cast %swap3A_1275 : vector<1x1x16xf32> to vector<16xf32>
        %swap3A_1277 = vector.shape_cast %select_n3A_1271 : vector<16xf32> to vector<1x1x16xf32>
        tpu.vector_store %arg8[%swap3A_1272, %swap3A_1273, %swap3A_1274], %swap3A_1277 {strides = array<i32>} : memref<3x16x512xf32, #tpu.memory_space<vmem>>, vector<1x1x16xf32>,
        %add3A_1278 = arith.addf %get3A_1257, %get3A_1262 : vector<16xf32>
        %gt3A_1279 = arith.constant 0.000000e+00 : f32
        %gt3A_1280 = vector.broadcast %gt3A_1279 : f32 to vector<16xf32>
        %gt3A_1281 = arith.cmpf ogt, %add3A_1278, %gt3A_1280 : vector<16xf32>
        %jit3A_1282 = arith.constant 0.000000e+00 : f32
        %broadcast_in_dim3A_1283 = vector.broadcast %jit3A_1282 : f32 to vector<16xf32>
        %select_n3A_1284 = arith.select %gt3A_1281, %get3A_1257, %broadcast_in_dim3A_1283 : vector<16xi1>, vector<16xf32>
        %swap3A_1285 = arith.index_cast %rem3A_80 : i32 to index
        %swap3A_1286 = arith.index_cast %scan3A_154 : i32 to index
        %swap3A_1287 = arith.constant 464 : index
        %swap3A_1288 = tpu.vector_load %arg7[%swap3A_1285, %swap3A_1286, %swap3A_1287] {strides = array<i32>} : memref<3x16x512xf32, #tpu.memory_space<vmem>>, vector<1x1x16xf32>,
        %swap3A_1289 = vector.shape_cast %swap3A_1288 : vector<1x1x16xf32> to vector<16xf32>
        %swap3A_1290 = vector.shape_cast %select_n3A_1284 : vector<16xf32> to vector<1x1x16xf32>
        tpu.vector_store %arg7[%swap3A_1285, %swap3A_1286, %swap3A_1287], %swap3A_1290 {strides = array<i32>} : memref<3x16x512xf32, #tpu.memory_space<vmem>>, vector<1x1x16xf32>,
        %get3A_1291 = arith.index_cast %rem3A_80 : i32 to index
        %get3A_1292 = arith.index_cast %scan3A_154 : i32 to index
        %get3A_1293 = arith.constant 480 : index
        %get3A_1294 = tpu.vector_load %arg7[%get3A_1291, %get3A_1292, %get3A_1293] {strides = array<i32>} : memref<3x16x512xf32, #tpu.memory_space<vmem>>, vector<1x1x16xf32>,
        %get3A_1295 = vector.shape_cast %get3A_1294 : vector<1x1x16xf32> to vector<16xf32>
        %get3A_1296 = arith.index_cast %rem3A_80 : i32 to index
        %get3A_1297 = arith.index_cast %scan3A_154 : i32 to index
        %get3A_1298 = arith.constant 480 : index
        %get3A_1299 = tpu.vector_load %arg8[%get3A_1296, %get3A_1297, %get3A_1298] {strides = array<i32>} : memref<3x16x512xf32, #tpu.memory_space<vmem>>, vector<1x1x16xf32>,
        %get3A_1300 = vector.shape_cast %get3A_1299 : vector<1x1x16xf32> to vector<16xf32>
        %eq3A_1301 = arith.constant 0.000000e+00 : f32
        %eq3A_1302 = vector.broadcast %eq3A_1301 : f32 to vector<16xf32>
        %eq3A_1303 = arith.cmpf oeq, %get3A_1295, %eq3A_1302 : vector<16xf32>
        %max3A_1304 = arith.constant 0.000000e+00 : f32
        %max3A_1305 = vector.broadcast %max3A_1304 : f32 to vector<16xf32>
        %max3A_1306 = arith.maximumf %get3A_1300, %max3A_1305 : vector<16xf32>
        %jit3A_1307 = arith.constant 0.000000e+00 : f32
        %broadcast_in_dim3A_1308 = vector.broadcast %jit3A_1307 : f32 to vector<16xf32>
        %select_n3A_1309 = arith.select %eq3A_1303, %broadcast_in_dim3A_1308, %max3A_1306 : vector<16xi1>, vector<16xf32>
        %swap3A_1310 = arith.index_cast %rem3A_80 : i32 to index
        %swap3A_1311 = arith.index_cast %scan3A_154 : i32 to index
        %swap3A_1312 = arith.constant 480 : index
        %swap3A_1313 = tpu.vector_load %arg8[%swap3A_1310, %swap3A_1311, %swap3A_1312] {strides = array<i32>} : memref<3x16x512xf32, #tpu.memory_space<vmem>>, vector<1x1x16xf32>,
        %swap3A_1314 = vector.shape_cast %swap3A_1313 : vector<1x1x16xf32> to vector<16xf32>
        %swap3A_1315 = vector.shape_cast %select_n3A_1309 : vector<16xf32> to vector<1x1x16xf32>
        tpu.vector_store %arg8[%swap3A_1310, %swap3A_1311, %swap3A_1312], %swap3A_1315 {strides = array<i32>} : memref<3x16x512xf32, #tpu.memory_space<vmem>>, vector<1x1x16xf32>,
        %add3A_1316 = arith.addf %get3A_1295, %get3A_1300 : vector<16xf32>
        %gt3A_1317 = arith.constant 0.000000e+00 : f32
        %gt3A_1318 = vector.broadcast %gt3A_1317 : f32 to vector<16xf32>
        %gt3A_1319 = arith.cmpf ogt, %add3A_1316, %gt3A_1318 : vector<16xf32>
        %jit3A_1320 = arith.constant 0.000000e+00 : f32
        %broadcast_in_dim3A_1321 = vector.broadcast %jit3A_1320 : f32 to vector<16xf32>
        %select_n3A_1322 = arith.select %gt3A_1319, %get3A_1295, %broadcast_in_dim3A_1321 : vector<16xi1>, vector<16xf32>
        %swap3A_1323 = arith.index_cast %rem3A_80 : i32 to index
        %swap3A_1324 = arith.index_cast %scan3A_154 : i32 to index
        %swap3A_1325 = arith.constant 480 : index
        %swap3A_1326 = tpu.vector_load %arg7[%swap3A_1323, %swap3A_1324, %swap3A_1325] {strides = array<i32>} : memref<3x16x512xf32, #tpu.memory_space<vmem>>, vector<1x1x16xf32>,
        %swap3A_1327 = vector.shape_cast %swap3A_1326 : vector<1x1x16xf32> to vector<16xf32>
        %swap3A_1328 = vector.shape_cast %select_n3A_1322 : vector<16xf32> to vector<1x1x16xf32>
        tpu.vector_store %arg7[%swap3A_1323, %swap3A_1324, %swap3A_1325], %swap3A_1328 {strides = array<i32>} : memref<3x16x512xf32, #tpu.memory_space<vmem>>, vector<1x1x16xf32>,
        %get3A_1329 = arith.index_cast %rem3A_80 : i32 to index
        %get3A_1330 = arith.index_cast %scan3A_154 : i32 to index
        %get3A_1331 = arith.constant 496 : index
        %get3A_1332 = tpu.vector_load %arg7[%get3A_1329, %get3A_1330, %get3A_1331] {strides = array<i32>} : memref<3x16x512xf32, #tpu.memory_space<vmem>>, vector<1x1x16xf32>,
        %get3A_1333 = vector.shape_cast %get3A_1332 : vector<1x1x16xf32> to vector<16xf32>
        %get3A_1334 = arith.index_cast %rem3A_80 : i32 to index
        %get3A_1335 = arith.index_cast %scan3A_154 : i32 to index
        %get3A_1336 = arith.constant 496 : index
        %get3A_1337 = tpu.vector_load %arg8[%get3A_1334, %get3A_1335, %get3A_1336] {strides = array<i32>} : memref<3x16x512xf32, #tpu.memory_space<vmem>>, vector<1x1x16xf32>,
        %get3A_1338 = vector.shape_cast %get3A_1337 : vector<1x1x16xf32> to vector<16xf32>
        %eq3A_1339 = arith.constant 0.000000e+00 : f32
        %eq3A_1340 = vector.broadcast %eq3A_1339 : f32 to vector<16xf32>
        %eq3A_1341 = arith.cmpf oeq, %get3A_1333, %eq3A_1340 : vector<16xf32>
        %max3A_1342 = arith.constant 0.000000e+00 : f32
        %max3A_1343 = vector.broadcast %max3A_1342 : f32 to vector<16xf32>
        %max3A_1344 = arith.maximumf %get3A_1338, %max3A_1343 : vector<16xf32>
        %jit3A_1345 = arith.constant 0.000000e+00 : f32
        %broadcast_in_dim3A_1346 = vector.broadcast %jit3A_1345 : f32 to vector<16xf32>
        %select_n3A_1347 = arith.select %eq3A_1341, %broadcast_in_dim3A_1346, %max3A_1344 : vector<16xi1>, vector<16xf32>
        %swap3A_1348 = arith.index_cast %rem3A_80 : i32 to index
        %swap3A_1349 = arith.index_cast %scan3A_154 : i32 to index
        %swap3A_1350 = arith.constant 496 : index
        %swap3A_1351 = tpu.vector_load %arg8[%swap3A_1348, %swap3A_1349, %swap3A_1350] {strides = array<i32>} : memref<3x16x512xf32, #tpu.memory_space<vmem>>, vector<1x1x16xf32>,
        %swap3A_1352 = vector.shape_cast %swap3A_1351 : vector<1x1x16xf32> to vector<16xf32>
        %swap3A_1353 = vector.shape_cast %select_n3A_1347 : vector<16xf32> to vector<1x1x16xf32>
        tpu.vector_store %arg8[%swap3A_1348, %swap3A_1349, %swap3A_1350], %swap3A_1353 {strides = array<i32>} : memref<3x16x512xf32, #tpu.memory_space<vmem>>, vector<1x1x16xf32>,
        %add3A_1354 = arith.addf %get3A_1333, %get3A_1338 : vector<16xf32>
        %gt3A_1355 = arith.constant 0.000000e+00 : f32
        %gt3A_1356 = vector.broadcast %gt3A_1355 : f32 to vector<16xf32>
        %gt3A_1357 = arith.cmpf ogt, %add3A_1354, %gt3A_1356 : vector<16xf32>
        %jit3A_1358 = arith.constant 0.000000e+00 : f32
        %broadcast_in_dim3A_1359 = vector.broadcast %jit3A_1358 : f32 to vector<16xf32>
        %select_n3A_1360 = arith.select %gt3A_1357, %get3A_1333, %broadcast_in_dim3A_1359 : vector<16xi1>, vector<16xf32>
        %swap3A_1361 = arith.index_cast %rem3A_80 : i32 to index
        %swap3A_1362 = arith.index_cast %scan3A_154 : i32 to index
        %swap3A_1363 = arith.constant 496 : index
        %swap3A_1364 = tpu.vector_load %arg7[%swap3A_1361, %swap3A_1362, %swap3A_1363] {strides = array<i32>} : memref<3x16x512xf32, #tpu.memory_space<vmem>>, vector<1x1x16xf32>,
        %swap3A_1365 = vector.shape_cast %swap3A_1364 : vector<1x1x16xf32> to vector<16xf32>
        %swap3A_1366 = vector.shape_cast %select_n3A_1360 : vector<16xf32> to vector<1x1x16xf32>
        tpu.vector_store %arg7[%swap3A_1361, %swap3A_1362, %swap3A_1363], %swap3A_1366 {strides = array<i32>} : memref<3x16x512xf32, #tpu.memory_space<vmem>>, vector<1x1x16xf32>,
      }
      %scan3A_115 = arith.constant 16 : i32
      %mul3A_116 = arith.constant 16 : i32
      %mul3A_117 = arith.muli %while3A_78, %mul3A_116 : i32
      %add3A_118 = arith.addi %mul3A_49, %mul3A_117 : i32
      %dma_start3A = arith.constant 0 : i32
      %dma_start3A_119 = arith.constant 0 : i32
      %dma_start3A_120 = arith.constant 0 : i32
      %dma_start3A_121 = arith.constant 0 : i32
      %dma_start3A_122 = tpu.memref_slice %arg7[%rem3A_80, %dma_start3A_120, %dma_start3A_121] : memref<3x16x512xf32, #tpu.memory_space<vmem>> -> memref<1x16x512xf32, #tpu.memory_space<vmem>>
      %dma_start3A_123 = tpu.memref_squeeze %dma_start3A_122 : memref<1x16x512xf32, #tpu.memory_space<vmem>> -> memref<16x512xf32, #tpu.memory_space<vmem>>
      %dma_start3A_124 = arith.constant 0 : i32
      %dma_start3A_125 = tpu.memref_slice %arg5[%dma_start3A, %add3A_118, %dma_start3A_124] : memref<2x50000x512xf32, #tpu.memory_space<hbm>> -> memref<1x16x512xf32, #tpu.memory_space<hbm>>
      %dma_start3A_126 = tpu.memref_squeeze %dma_start3A_125 : memref<1x16x512xf32, #tpu.memory_space<hbm>> -> memref<16x512xf32, #tpu.memory_space<hbm>>
      %dma_start3A_127 = tpu.memref_slice %arg10[%rem3A_80, %dma_start3A_119] : memref<3x2x!tpu.dma_semaphore, #tpu.memory_space<semaphore_mem>> -> memref<1x1x!tpu.dma_semaphore, #tpu.memory_space<semaphore_mem>>
      %dma_start3A_128 = tpu.memref_squeeze %dma_start3A_127 : memref<1x1x!tpu.dma_semaphore, #tpu.memory_space<semaphore_mem>> -> memref<!tpu.dma_semaphore, #tpu.memory_space<semaphore_mem>>
      %dma_start3A_129 = arith.constant 0 : i32
      %dma_start3A_130 = tpu.memref_slice %arg5[%dma_start3A, %add3A_118, %dma_start3A_129] : memref<2x50000x512xf32, #tpu.memory_space<hbm>> -> memref<1x16x512xf32, #tpu.memory_space<hbm>>
      %dma_start3A_131 = tpu.memref_squeeze %dma_start3A_130 : memref<1x16x512xf32, #tpu.memory_space<hbm>> -> memref<16x512xf32, #tpu.memory_space<hbm>>
      %dma_start3A_132 = arith.constant 0 : i32
      %dma_start3A_133 = arith.constant 0 : i32
      %dma_start3A_134 = tpu.memref_slice %arg7[%rem3A_80, %dma_start3A_132, %dma_start3A_133] : memref<3x16x512xf32, #tpu.memory_space<vmem>> -> memref<1x16x512xf32, #tpu.memory_space<vmem>>
      %dma_start3A_135 = tpu.memref_squeeze %dma_start3A_134 : memref<1x16x512xf32, #tpu.memory_space<vmem>> -> memref<16x512xf32, #tpu.memory_space<vmem>>
      tpu.enqueue_dma source(%dma_start3A_135 : memref<16x512xf32, #tpu.memory_space<vmem>>) target(%dma_start3A_131 : memref<16x512xf32, #tpu.memory_space<hbm>>) target_semaphore(%dma_start3A_128 : memref<!tpu.dma_semaphore, #tpu.memory_space<semaphore_mem>>)
      %dma_start3A_136 = arith.constant 1 : i32
      %dma_start3A_137 = arith.constant 1 : i32
      %dma_start3A_138 = arith.constant 0 : i32
      %dma_start3A_139 = arith.constant 0 : i32
      %dma_start3A_140 = tpu.memref_slice %arg8[%rem3A_80, %dma_start3A_138, %dma_start3A_139] : memref<3x16x512xf32, #tpu.memory_space<vmem>> -> memref<1x16x512xf32, #tpu.memory_space<vmem>>
      %dma_start3A_141 = tpu.memref_squeeze %dma_start3A_140 : memref<1x16x512xf32, #tpu.memory_space<vmem>> -> memref<16x512xf32, #tpu.memory_space<vmem>>
      %dma_start3A_142 = arith.constant 0 : i32
      %dma_start3A_143 = tpu.memref_slice %arg5[%dma_start3A_136, %add3A_118, %dma_start3A_142] : memref<2x50000x512xf32, #tpu.memory_space<hbm>> -> memref<1x16x512xf32, #tpu.memory_space<hbm>>
      %dma_start3A_144 = tpu.memref_squeeze %dma_start3A_143 : memref<1x16x512xf32, #tpu.memory_space<hbm>> -> memref<16x512xf32, #tpu.memory_space<hbm>>
      %dma_start3A_145 = tpu.memref_slice %arg10[%rem3A_80, %dma_start3A_137] : memref<3x2x!tpu.dma_semaphore, #tpu.memory_space<semaphore_mem>> -> memref<1x1x!tpu.dma_semaphore, #tpu.memory_space<semaphore_mem>>
      %dma_start3A_146 = tpu.memref_squeeze %dma_start3A_145 : memref<1x1x!tpu.dma_semaphore, #tpu.memory_space<semaphore_mem>> -> memref<!tpu.dma_semaphore, #tpu.memory_space<semaphore_mem>>
      %dma_start3A_147 = arith.constant 0 : i32
      %dma_start3A_148 = tpu.memref_slice %arg5[%dma_start3A_136, %add3A_118, %dma_start3A_147] : memref<2x50000x512xf32, #tpu.memory_space<hbm>> -> memref<1x16x512xf32, #tpu.memory_space<hbm>>
      %dma_start3A_149 = tpu.memref_squeeze %dma_start3A_148 : memref<1x16x512xf32, #tpu.memory_space<hbm>> -> memref<16x512xf32, #tpu.memory_space<hbm>>
      %dma_start3A_150 = arith.constant 0 : i32
      %dma_start3A_151 = arith.constant 0 : i32
      %dma_start3A_152 = tpu.memref_slice %arg8[%rem3A_80, %dma_start3A_150, %dma_start3A_151] : memref<3x16x512xf32, #tpu.memory_space<vmem>> -> memref<1x16x512xf32, #tpu.memory_space<vmem>>
      %dma_start3A_153 = tpu.memref_squeeze %dma_start3A_152 : memref<1x16x512xf32, #tpu.memory_space<vmem>> -> memref<16x512xf32, #tpu.memory_space<vmem>>
      tpu.enqueue_dma source(%dma_start3A_153 : memref<16x512xf32, #tpu.memory_space<vmem>>) target(%dma_start3A_149 : memref<16x512xf32, #tpu.memory_space<hbm>>) target_semaphore(%dma_start3A_146 : memref<!tpu.dma_semaphore, #tpu.memory_space<semaphore_mem>>)
    }
    %sub3A_66 = arith.constant 3 : i32
    %sub3A_67 = arith.subi %sub3A_47, %sub3A_66 : i32
    %max3A = arith.constant 0 : i32
    %max3A_68 = arith.maxsi %sub3A_67, %max3A : i32
    %while3A_69 = arith.constant 0 : i32
    %while3A_70 = arith.subi %sub3A_47, %max3A_68 : i32
    %while3A_71 = arith.addi %max3A_68, %while3A_70 : i32
    %while3A_72 = arith.constant 1 : i32
    %while3A_73 = arith.divsi %while3A_70, %while3A_72 : i32
    %while3A_74 = arith.muli %while3A_73, %while3A_72 : i32
    %while3A_75 = arith.addi %max3A_68, %while3A_74 : i32
    %while3A_76 = arith.constant 1 : i32
    scf.for %while3A_78 = %max3A_68 to %while3A_75 step %while3A_76  : i32 {
      %rem3A_79 = arith.constant 3 : i32
      %rem3A_80 = arith.remsi %while3A_78, %rem3A_79 : i32
      %dma_wait3A = arith.constant 0 : i32
      %dma_wait3A_81 = arith.constant 0 : i32
      %dma_wait3A_82 = arith.constant 0 : i32
      %dma_wait3A_83 = arith.constant 0 : i32
      %dma_wait3A_84 = tpu.memref_slice %arg7[%rem3A_80, %dma_wait3A_82, %dma_wait3A_83] : memref<3x16x512xf32, #tpu.memory_space<vmem>> -> memref<1x16x512xf32, #tpu.memory_space<vmem>>
      %dma_wait3A_85 = tpu.memref_squeeze %dma_wait3A_84 : memref<1x16x512xf32, #tpu.memory_space<vmem>> -> memref<16x512xf32, #tpu.memory_space<vmem>>
      %dma_wait3A_86 = arith.constant 0 : i32
      %dma_wait3A_87 = arith.constant 0 : i32
      %dma_wait3A_88 = tpu.memref_slice %arg5[%dma_wait3A, %dma_wait3A_86, %dma_wait3A_87] : memref<2x50000x512xf32, #tpu.memory_space<hbm>> -> memref<1x16x512xf32, #tpu.memory_space<hbm>>
      %dma_wait3A_89 = tpu.memref_squeeze %dma_wait3A_88 : memref<1x16x512xf32, #tpu.memory_space<hbm>> -> memref<16x512xf32, #tpu.memory_space<hbm>>
      %dma_wait3A_90 = tpu.memref_slice %arg10[%rem3A_80, %dma_wait3A_81] : memref<3x2x!tpu.dma_semaphore, #tpu.memory_space<semaphore_mem>> -> memref<1x1x!tpu.dma_semaphore, #tpu.memory_space<semaphore_mem>>
      %dma_wait3A_91 = tpu.memref_squeeze %dma_wait3A_90 : memref<1x1x!tpu.dma_semaphore, #tpu.memory_space<semaphore_mem>> -> memref<!tpu.dma_semaphore, #tpu.memory_space<semaphore_mem>>
      %dma_wait3A_92 = arith.constant 0 : i32
      %dma_wait3A_93 = arith.constant 0 : i32
      %dma_wait3A_94 = tpu.memref_slice %arg5[%dma_wait3A, %dma_wait3A_92, %dma_wait3A_93] : memref<2x50000x512xf32, #tpu.memory_space<hbm>> -> memref<1x16x512xf32, #tpu.memory_space<hbm>>
      %dma_wait3A_95 = tpu.memref_squeeze %dma_wait3A_94 : memref<1x16x512xf32, #tpu.memory_space<hbm>> -> memref<16x512xf32, #tpu.memory_space<hbm>>
      %dma_wait3A_96 = arith.constant 0 : i32
      %dma_wait3A_97 = arith.constant 0 : i32
      %dma_wait3A_98 = tpu.memref_slice %arg7[%rem3A_80, %dma_wait3A_96, %dma_wait3A_97] : memref<3x16x512xf32, #tpu.memory_space<vmem>> -> memref<1x16x512xf32, #tpu.memory_space<vmem>>
      %dma_wait3A_99 = tpu.memref_squeeze %dma_wait3A_98 : memref<1x16x512xf32, #tpu.memory_space<vmem>> -> memref<16x512xf32, #tpu.memory_space<vmem>>
      tpu.wait_dma2 semaphore(%dma_wait3A_91 : memref<!tpu.dma_semaphore, #tpu.memory_space<semaphore_mem>>) src(%dma_wait3A_99 : memref<16x512xf32, #tpu.memory_space<vmem>>) dst(%dma_wait3A_95 : memref<16x512xf32, #tpu.memory_space<hbm>>)
      %dma_wait3A_100 = arith.constant 1 : i32
      %dma_wait3A_101 = arith.constant 1 : i32
      %dma_wait3A_102 = arith.constant 0 : i32
      %dma_wait3A_103 = arith.constant 0 : i32
      %dma_wait3A_104 = tpu.memref_slice %arg8[%rem3A_80, %dma_wait3A_102, %dma_wait3A_103] : memref<3x16x512xf32, #tpu.memory_space<vmem>> -> memref<1x16x512xf32, #tpu.memory_space<vmem>>
      %dma_wait3A_105 = tpu.memref_squeeze %dma_wait3A_104 : memref<1x16x512xf32, #tpu.memory_space<vmem>> -> memref<16x512xf32, #tpu.memory_space<vmem>>
      %dma_wait3A_106 = arith.constant 0 : i32
      %dma_wait3A_107 = arith.constant 0 : i32
      %dma_wait3A_108 = tpu.memref_slice %arg5[%dma_wait3A_100, %dma_wait3A_106, %dma_wait3A_107] : memref<2x50000x512xf32, #tpu.memory_space<hbm>> -> memref<1x16x512xf32, #tpu.memory_space<hbm>>
      %dma_wait3A_109 = tpu.memref_squeeze %dma_wait3A_108 : memref<1x16x512xf32, #tpu.memory_space<hbm>> -> memref<16x512xf32, #tpu.memory_space<hbm>>
      %dma_wait3A_110 = tpu.memref_slice %arg10[%rem3A_80, %dma_wait3A_101] : memref<3x2x!tpu.dma_semaphore, #tpu.memory_space<semaphore_mem>> -> memref<1x1x!tpu.dma_semaphore, #tpu.memory_space<semaphore_mem>>
      %dma_wait3A_111 = tpu.memref_squeeze %dma_wait3A_110 : memref<1x1x!tpu.dma_semaphore, #tpu.memory_space<semaphore_mem>> -> memref<!tpu.dma_semaphore, #tpu.memory_space<semaphore_mem>>
      %dma_wait3A_112 = arith.constant 0 : i32
      %dma_wait3A_113 = arith.constant 0 : i32
      %dma_wait3A_114 = tpu.memref_slice %arg5[%dma_wait3A_100, %dma_wait3A_112, %dma_wait3A_113] : memref<2x50000x512xf32, #tpu.memory_space<hbm>> -> memref<1x16x512xf32, #tpu.memory_space<hbm>>
      %dma_wait3A_115 = tpu.memref_squeeze %dma_wait3A_114 : memref<1x16x512xf32, #tpu.memory_space<hbm>> -> memref<16x512xf32, #tpu.memory_space<hbm>>
      %dma_wait3A_116 = arith.constant 0 : i32
      %dma_wait3A_117 = arith.constant 0 : i32
      %dma_wait3A_118 = tpu.memref_slice %arg8[%rem3A_80, %dma_wait3A_116, %dma_wait3A_117] : memref<3x16x512xf32, #tpu.memory_space<vmem>> -> memref<1x16x512xf32, #tpu.memory_space<vmem>>
      %dma_wait3A_119 = tpu.memref_squeeze %dma_wait3A_118 : memref<1x16x512xf32, #tpu.memory_space<vmem>> -> memref<16x512xf32, #tpu.memory_space<vmem>>
      tpu.wait_dma2 semaphore(%dma_wait3A_111 : memref<!tpu.dma_semaphore, #tpu.memory_space<semaphore_mem>>) src(%dma_wait3A_119 : memref<16x512xf32, #tpu.memory_space<vmem>>) dst(%dma_wait3A_115 : memref<16x512xf32, #tpu.memory_space<hbm>>)
    }
    %while3A_77 = arith.constant 1 : i32
    scf.for %while3A_78 = %while3A_75 to %while3A_71 step %while3A_77  : i32 {
      %rem3A_79 = arith.constant 3 : i32
      %rem3A_80 = arith.remsi %while3A_78, %rem3A_79 : i32
      %dma_wait3A = arith.constant 0 : i32
      %dma_wait3A_81 = arith.constant 0 : i32
      %dma_wait3A_82 = arith.constant 0 : i32
      %dma_wait3A_83 = arith.constant 0 : i32
      %dma_wait3A_84 = tpu.memref_slice %arg7[%rem3A_80, %dma_wait3A_82, %dma_wait3A_83] : memref<3x16x512xf32, #tpu.memory_space<vmem>> -> memref<1x16x512xf32, #tpu.memory_space<vmem>>
      %dma_wait3A_85 = tpu.memref_squeeze %dma_wait3A_84 : memref<1x16x512xf32, #tpu.memory_space<vmem>> -> memref<16x512xf32, #tpu.memory_space<vmem>>
      %dma_wait3A_86 = arith.constant 0 : i32
      %dma_wait3A_87 = arith.constant 0 : i32
      %dma_wait3A_88 = tpu.memref_slice %arg5[%dma_wait3A, %dma_wait3A_86, %dma_wait3A_87] : memref<2x50000x512xf32, #tpu.memory_space<hbm>> -> memref<1x16x512xf32, #tpu.memory_space<hbm>>
      %dma_wait3A_89 = tpu.memref_squeeze %dma_wait3A_88 : memref<1x16x512xf32, #tpu.memory_space<hbm>> -> memref<16x512xf32, #tpu.memory_space<hbm>>
      %dma_wait3A_90 = tpu.memref_slice %arg10[%rem3A_80, %dma_wait3A_81] : memref<3x2x!tpu.dma_semaphore, #tpu.memory_space<semaphore_mem>> -> memref<1x1x!tpu.dma_semaphore, #tpu.memory_space<semaphore_mem>>
      %dma_wait3A_91 = tpu.memref_squeeze %dma_wait3A_90 : memref<1x1x!tpu.dma_semaphore, #tpu.memory_space<semaphore_mem>> -> memref<!tpu.dma_semaphore, #tpu.memory_space<semaphore_mem>>
      %dma_wait3A_92 = arith.constant 0 : i32
      %dma_wait3A_93 = arith.constant 0 : i32
      %dma_wait3A_94 = tpu.memref_slice %arg5[%dma_wait3A, %dma_wait3A_92, %dma_wait3A_93] : memref<2x50000x512xf32, #tpu.memory_space<hbm>> -> memref<1x16x512xf32, #tpu.memory_space<hbm>>
      %dma_wait3A_95 = tpu.memref_squeeze %dma_wait3A_94 : memref<1x16x512xf32, #tpu.memory_space<hbm>> -> memref<16x512xf32, #tpu.memory_space<hbm>>
      %dma_wait3A_96 = arith.constant 0 : i32
      %dma_wait3A_97 = arith.constant 0 : i32
      %dma_wait3A_98 = tpu.memref_slice %arg7[%rem3A_80, %dma_wait3A_96, %dma_wait3A_97] : memref<3x16x512xf32, #tpu.memory_space<vmem>> -> memref<1x16x512xf32, #tpu.memory_space<vmem>>
      %dma_wait3A_99 = tpu.memref_squeeze %dma_wait3A_98 : memref<1x16x512xf32, #tpu.memory_space<vmem>> -> memref<16x512xf32, #tpu.memory_space<vmem>>
      tpu.wait_dma2 semaphore(%dma_wait3A_91 : memref<!tpu.dma_semaphore, #tpu.memory_space<semaphore_mem>>) src(%dma_wait3A_99 : memref<16x512xf32, #tpu.memory_space<vmem>>) dst(%dma_wait3A_95 : memref<16x512xf32, #tpu.memory_space<hbm>>)
      %dma_wait3A_100 = arith.constant 1 : i32
      %dma_wait3A_101 = arith.constant 1 : i32
      %dma_wait3A_102 = arith.constant 0 : i32
      %dma_wait3A_103 = arith.constant 0 : i32
      %dma_wait3A_104 = tpu.memref_slice %arg8[%rem3A_80, %dma_wait3A_102, %dma_wait3A_103] : memref<3x16x512xf32, #tpu.memory_space<vmem>> -> memref<1x16x512xf32, #tpu.memory_space<vmem>>
      %dma_wait3A_105 = tpu.memref_squeeze %dma_wait3A_104 : memref<1x16x512xf32, #tpu.memory_space<vmem>> -> memref<16x512xf32, #tpu.memory_space<vmem>>
      %dma_wait3A_106 = arith.constant 0 : i32
      %dma_wait3A_107 = arith.constant 0 : i32
      %dma_wait3A_108 = tpu.memref_slice %arg5[%dma_wait3A_100, %dma_wait3A_106, %dma_wait3A_107] : memref<2x50000x512xf32, #tpu.memory_space<hbm>> -> memref<1x16x512xf32, #tpu.memory_space<hbm>>
      %dma_wait3A_109 = tpu.memref_squeeze %dma_wait3A_108 : memref<1x16x512xf32, #tpu.memory_space<hbm>> -> memref<16x512xf32, #tpu.memory_space<hbm>>
      %dma_wait3A_110 = tpu.memref_slice %arg10[%rem3A_80, %dma_wait3A_101] : memref<3x2x!tpu.dma_semaphore, #tpu.memory_space<semaphore_mem>> -> memref<1x1x!tpu.dma_semaphore, #tpu.memory_space<semaphore_mem>>
      %dma_wait3A_111 = tpu.memref_squeeze %dma_wait3A_110 : memref<1x1x!tpu.dma_semaphore, #tpu.memory_space<semaphore_mem>> -> memref<!tpu.dma_semaphore, #tpu.memory_space<semaphore_mem>>
      %dma_wait3A_112 = arith.constant 0 : i32
      %dma_wait3A_113 = arith.constant 0 : i32
      %dma_wait3A_114 = tpu.memref_slice %arg5[%dma_wait3A_100, %dma_wait3A_112, %dma_wait3A_113] : memref<2x50000x512xf32, #tpu.memory_space<hbm>> -> memref<1x16x512xf32, #tpu.memory_space<hbm>>
      %dma_wait3A_115 = tpu.memref_squeeze %dma_wait3A_114 : memref<1x16x512xf32, #tpu.memory_space<hbm>> -> memref<16x512xf32, #tpu.memory_space<hbm>>
      %dma_wait3A_116 = arith.constant 0 : i32
      %dma_wait3A_117 = arith.constant 0 : i32
      %dma_wait3A_118 = tpu.memref_slice %arg8[%rem3A_80, %dma_wait3A_116, %dma_wait3A_117] : memref<3x16x512xf32, #tpu.memory_space<vmem>> -> memref<1x16x512xf32, #tpu.memory_space<vmem>>
      %dma_wait3A_119 = tpu.memref_squeeze %dma_wait3A_118 : memref<1x16x512xf32, #tpu.memory_space<vmem>> -> memref<16x512xf32, #tpu.memory_space<vmem>>
      tpu.wait_dma2 semaphore(%dma_wait3A_111 : memref<!tpu.dma_semaphore, #tpu.memory_space<semaphore_mem>>) src(%dma_wait3A_119 : memref<16x512xf32, #tpu.memory_space<vmem>>) dst(%dma_wait3A_115 : memref<16x512xf32, #tpu.memory_space<hbm>>)
    }
    return
  }
}

</mosaic_0001>

<sc_bundles>
// kernel: _sc_call.3.cloned.1.call-start
scs
__scs_entry_jumppad:
0x0: {  	(pc) =	sbr.rel $0x88, $3  }
0x1: {  	(tag) =	ssettag $0x0;
	lr =	simm.s32 $0x1  }
0x2: {  	[smem:$0x3F9E] =	sst lr;
	_ =	strace $0xD0000000  }
0x3: {  	_ = 	snop  }
0x4: {  	_ = 	snop  }
0x5: {  	_ = 	snop  }
0x6: {  	_ = 	snop  }
0x7: {  	_ = 	snop  }
__scs_overlays_trampoline_lowered:
0x8: {  	[smem:$0x3FAD] =	sst s0  }
0x9: {  	[smem:$0x3FAE] =	sst s1  }
0xa: {  	[smem:$0x3FAF] =	sst s2  }
0xb: {  	[smem:$0x3FB0] =	sst s3  }
0xc: {  	[smem:$0x3FB1] =	sst s4  }
0xd: {  	[smem:$0x3FB2] =	sst s5  }
0xe: {  	[smem:$0x3FB3] =	sst s6  }
0xf: {  	[smem:$0x3FB4] =	sst s7  }
0x10: {  	[smem:$0x3FB5] =	sst s8  }
0x11: {  	[smem:$0x3FB6] =	sst s9;
	s0 =	simm.s32 @!p0 $0x0  }
0x12: {  	s1 =	sld [smem:$0x3F9C];
	s0 =	simm.s32 @p0 $0x1  }
0x13: {  	[smem:$0x3FB7] =	sst s0;
	s0 =	simm.s32 @!p1 $0x0  }
0x14: {  	s2 =	sld [smem:$0x3F9B];
	s0 =	simm.s32 @p1 $0x1  }
0x15: {  	[smem:$0x3FB8] =	sst s0;
	s0 =	simm.s32 @!p2 $0x0  }
0x16: {  	s3 =	sld [smem:$0x3FDB];
	s0 =	simm.s32 @p2 $0x1  }
0x17: {  	s4 =	simm.s32 $0x1BF5;
	[smem:$0x3FBA] =	sst s0  }
0x18: {  	s0 =	sld [smem:$0x3F9D];
	_ =	swait.ge [sflag:s4], $0x0  }
0x19: {  	s7 =	sld [smem:$0x3F9E]  }
0x1a: {  	s8 =	sadd.s32 $0xFFFFE003, lr  }
0x1b: {  	s9 =	sadd.s32 $0xFFFFFEF7, lr;
	s5 =	simm.s32 $0xFFFFFFFF;
	p2 =	slt.u32 s8, $0xFFFFF086  }
0x1c: {  	p1 =	slt.u32 s9, $0xF7A;
	s5 =	simm.s32 @!p2 $0x0  }
0x1d: {  	s5 =	simm.s32 @p1 $0x1;
	p0 =	seq.s32 s7, s2  }
0x1e: {  	s7 =	smul.u32 @!p0 $0xF7A, s2;
	p2 =	seq.s32 @!p0 s5, $0x0  }
0x1f: {  	s9 =	smul.u32 $0xF7A, s1;
	s8 =	simm.s32 @!p0 $0x1BF5;
	p2 =	por !p2, p0  }
0x20: {  	[sflag:s8] =	ssyncset.s32 @!p0 $0xFFFFF086;
	s6 =	sadd.s32 @!p0 s3, s7;
	s7 =	simm.s32 @!p0 $0x108  }
0x21: {  	s3 =	sadd.s32 s3, s9;
	s6 =	sadd.s32 @!p0 $0x88, s6;
	s7 =	simm.s32 @p2 $0x1082  }
0x22: {  	[simem:s7], [sflag:s8] =	dma.local @!p0 [hbm:s6], $0xF7A  }
0x23: {  	s9 =	sor.u32 $0xD0000000, s2;
	s6 =	simm.s32 $0x108;
	_ =	swait.ge @!p0 [sflag:s8], $0x0  }
0x24: {  	s3 =	sadd.s32 $0x88, s3;
	s6 =	simm.s32 @!p1 $0x1082;
	[sflag:s4] =	ssyncset.s32 $0xFFFFF086  }
0x25: {  	[simem:s6], [sflag:s4] =	dma.local [hbm:s3], $0xF7A  }
0x26: {  	[smem:$0x3F9E] =	sst s1;
	(tag) =	ssettag s2;
	_ =	strace s9  }
0x27: {  	s1 =	sld [smem:$0x3FAE]  }
0x28: {  	s2 =	sld [smem:$0x3FAF]  }
0x29: {  	s4 =	sld [smem:$0x3FB1]  }
0x2a: {  	p0 =	seq.s32 s5, $0x0;
	s5 =	sld [smem:$0x3FB2]  }
0x2b: {  	s6 =	sld [smem:$0x3FB3]  }
0x2c: {  	s7 =	sld [smem:$0x3FB4]  }
0x2d: {  	s3 =	simm.s32 $0x108;
	s8 =	sld [smem:$0x3FB5]  }
0x2e: {  	s3 =	simm.s32 @!p0 $0x1082;
	s9 =	sld [smem:$0x3FB6]  }
0x2f: {  	lr =	sadd.s32 s0, s3;
	s0 =	sld [smem:$0x3FAD]  }
0x30: {  	s3 =	sld [smem:$0x3FB0]  }
0x31: {  	[smem:$0x3FB9] =	sst s10  }
0x32: {  	s10 =	sld [smem:$0x3FB7];
	_ =	sdelay $0x3  }
0x33: {  	p0 =	seq.s32 s10, $0x1;
	s10 =	sld [smem:$0x3FB9];
	_ =	sdelay $0x3  }
0x34: {  	[smem:$0x3FB9] =	sst s10  }
0x35: {  	s10 =	sld [smem:$0x3FB8];
	_ =	sdelay $0x3  }
0x36: {  	p1 =	seq.s32 s10, $0x1;
	s10 =	sld [smem:$0x3FB9];
	_ =	sdelay $0x3  }
0x37: {  	[smem:$0x3FB9] =	sst s10  }
0x38: {  	s10 =	sld [smem:$0x3FBA]  }
0x39: {  	_ = 	snop;
	(pc) =	sbr.ind lr, $3  }
0x3a: {  	_ = 	snop  }
0x3b: {  	_ = 	snop  }
0x3c: {  	p2 =	seq.s32 s10, $0x1;
	s10 =	sld [smem:$0x3FB9]  }
0x3d: {  	_ =	shalt  }
0x3e: {  	_ =	shalt  }
0x3f: {  	_ =	shalt  }
0x40: {  	_ =	shalt  }
0x41: {  	_ =	shalt  }
0x42: {  	_ =	shalt  }
0x43: {  	_ =	shalt  }
0x44: {  	_ =	shalt  }
0x45: {  	_ =	shalt  }
0x46: {  	_ =	shalt  }
0x47: {  	_ =	shalt  }
0x48: {  	_ =	shalt  }
0x49: {  	_ =	shalt  }
0x4a: {  	_ =	shalt  }
0x4b: {  	_ =	shalt  }
0x4c: {  	_ =	shalt  }
0x4d: {  	_ =	shalt  }
0x4e: {  	_ =	shalt  }
0x4f: {  	_ =	shalt  }
0x50: {  	_ =	shalt  }
0x51: {  	_ =	shalt  }
0x52: {  	_ =	shalt  }
0x53: {  	_ =	shalt  }
0x54: {  	_ =	shalt  }
0x55: {  	_ =	shalt  }
0x56: {  	_ =	shalt  }
0x57: {  	_ =	shalt  }
0x58: {  	_ =	shalt  }
0x59: {  	_ =	shalt  }
0x5a: {  	_ =	shalt  }
0x5b: {  	_ =	shalt  }
0x5c: {  	_ =	shalt  }
0x5d: {  	_ =	shalt  }
0x5e: {  	_ =	shalt  }
0x5f: {  	_ =	shalt  }
0x60: {  	_ =	shalt  }
0x61: {  	_ =	shalt  }
0x62: {  	_ =	shalt  }
0x63: {  	_ =	shalt  }
0x64: {  	_ =	shalt  }
0x65: {  	_ =	shalt  }
0x66: {  	_ =	shalt  }
0x67: {  	_ =	shalt  }
0x68: {  	_ =	shalt  }
0x69: {  	_ =	shalt  }
0x6a: {  	_ =	shalt  }
0x6b: {  	_ =	shalt  }
0x6c: {  	_ =	shalt  }
0x6d: {  	_ =	shalt  }
0x6e: {  	_ =	shalt  }
0x6f: {  	_ =	shalt  }
0x70: {  	_ =	shalt  }
0x71: {  	_ =	shalt  }
0x72: {  	_ =	shalt  }
0x73: {  	_ =	shalt  }
0x74: {  	_ =	shalt  }
0x75: {  	_ =	shalt  }
0x76: {  	_ =	shalt  }
0x77: {  	_ =	shalt  }
0x78: {  	_ =	shalt  }
0x79: {  	_ =	shalt  }
0x7a: {  	_ =	shalt  }
0x7b: {  	_ =	shalt  }
0x7c: {  	_ =	shalt  }
0x7d: {  	_ =	shalt  }
0x7e: {  	_ =	shalt  }
0x7f: {  	_ =	shalt  }
0x80: {  	_ =	shalt  }
0x81: {  	_ =	shalt  }
0x82: {  	_ =	shalt  }
0x83: {  	_ =	shalt  }
0x84: {  	_ =	shalt  }
0x85: {  	_ =	shalt  }
0x86: {  	_ =	shalt  }
0x87: {  	_ =	shalt  }
.Lfunc_end0:
.L_simem_size_0:
called_computation_lowered:
.L_overlay_start_0:
0x88: {  	s2 =	sld [smem:$0x3FD9]  }
0x89: {  	s3 =	sld [smem:$0x3FFE];
	_ =	sdelay $0x1  }
0x8a: {  	s1 =	srdreg.scid  }
0x8b: {  	s0 =	sand.u32 $0x1, s1  }
0x8c: {  	s18 =	sshll.u32 s0, $0xA;
	s2 =	sadd.s32 s3, s2  }
0x8d: {  	s2 =	sadd.s32 s2, s18  }
0x8e: {  	[smem:$0x3FC5] =	sst s2  }
0x8f: {  	_ = 	snop  }
0x90: {  	s2 =	sld [smem:$0x3FC9]  }
0x91: {  	s19 =	sld [smem:$0x3FC8]  }
0x92: {  	s4 =	sld [smem:$0x3FC7]  }
0x93: {  	s5 =	sld [smem:$0x3FD0];
	(tm) =	ssettm $0x1  }
0x94: {  	s6 =	sld [smem:$0x3FFB];
	_ =	sdelay $0x3  }
0x95: {  	_ =	strace s6  }
0x96: {  	s6 =	sld [smem:$0x3FFC];
	_ =	sdelay $0x3  }
0x97: {  	_ =	strace s6  }
0x98: {  	s6 =	sld [smem:$0x3FFD];
	_ =	sdelay $0x3  }
0x99: {  	_ =	strace s6  }
0x9a: {  	_ =	strace $0x8FFFFFFF  }
0x9b: {  	s20 =	sld [smem:$0x3FDB];
	_ =	sdelay $0x1  }
0x9c: {  	s7 =	simm.s32 $_scs_section_size  }
0x9d: {  	s8 =	simm.s32 $_size__tile_overlayer_lowered;
	s9 =	simm.s32 $_tile_overlayer_lowered  }
0x9e: {  	s23 =	simm.s32 $0x1BFF;
	s22 =	sshll.u32 s9, $0x1;
	s6 =	sadd.s32 s7, s20  }
0x9f: {  	s10 =	simm.s32 $0x0;
	s21 =	sshll.u32 s8, $0x1;
	s8 =	sadd.s32 s22, s6  }
0xa0: {  	[timem:s10], [sflag:s23] =	dma.local [hbm:s8], s21  }
0xa1: {  	_ =	swait.ge [sflag:s23], s21  }
0xa2: {  	s7 =	ssub.s32 $0x0, s21;
	[sflag:s23] =	ssyncset.done $0x0  }
0xa3: {  	[sflag:s23] =	ssyncadd.s32 s7;
	_ =	sdelay $0x1  }
0xa4: {  	s24 =	simm.s32 $0x1B8B  }
0xa5: {  	_ =	swait.ge [sflag:s24], $0x1  }
0xa6: {  	[sflag:s24] =	ssyncset.done $0x0  }
0xa7: {  	s25 =	simm.s32 $0x1B8E;
	[sflag:s24] =	ssyncadd.s32 $0xFFFFFFFF  }
0xa8: {  	s26 =	simm.s32 $execute0_lowered;
	[smem:$0x3FD2] =	sst s25  }
0xa9: {  	s7 =	sshll.u32 s26, $0x1;
	_ =	strace $0x80000046;
	[dreg:$0x1] =	wrdreg $0xFFFFFFFF  }
0xaa: {  	s28 =	simm.s32 $_size_execute0_lowered;
	s6 =	sadd.s32 s6, s7;
	[dreg:$0x0] =	wrdreg $0x0  }
0xab: {  	s7 =	sshll.u32 s28, $0x1;
	[dreg:$0x2] =	wrdreg s6  }
0xac: {  	[dreg:$0x3] =	wrdreg s7  }
0xad: {  	[dreg:$0x4] =	wrdreg $0xC0  }
0xae: {  	_ =	task [dreg:s10], $0x5FFFF  }
0xaf: {  	[dreg:$0x1] =	wrdreg $0xFFFFFFFF  }
0xb0: {  	[dreg:$0x0] =	wrdreg $0x60  }
0xb1: {  	[dreg:$0x2] =	wrdreg s2  }
0xb2: {  	[dreg:$0x3] =	wrdreg s19  }
0xb3: {  	[dreg:$0x4] =	wrdreg s4  }
0xb4: {  	[dreg:$0x5] =	wrdreg s5  }
0xb5: {  	[dreg:$0x6] =	wrdreg $0x9  }
0xb6: {  	_ =	task.clear_ibuf [dreg:s10], $0x7FFFF;
	_ =	strace $0x90000046  }
0xb7: {  	s29 =	simm.s32 $0x9;
	_ =	strace $0x80000048  }
0xb8: {  	_ =	swait.ge [sflag:s29], $0x1  }
0xb9: {  	[sflag:s29] =	ssyncadd.s32 $0xFFFFFFFF  }
0xba: {  	_ =	strace $0x90000048  }
0xbb: {  	_ =	sfence  }
0xbc: {  	s30 =	sld [smem:$0x0];
	_ =	sdelay $0x2  }
0xbd: {  	s31 =	sshll.u32 s1, $0xD;
	s1 =	sshrl.u32 s1, $0x2  }
0xbe: {  	s3 =	sand.u32 $0x4000, s31;
	s1 =	sadd.s32 s1, s30  }
0xbf: {  	s0 =	sor.u32 s3, s0;
	s1 =	sshll.u32 s1, $0x11  }
0xc0: {  	s0 =	sor.u32 s1, s0  }
0xc1: {  	s0 =	sadd.s32 $0x8F2B, s0  }
0xc2: {  	[sflag:s0] =	ssyncadd.remote.s32 $0x1  }
0xc3: {  	_ =	sfence.sel $0xFFFF  }
0xc4: {  	[dreg:$0x0] =	wrdreg $0xFFFFFFFF;
	(pc) =	sbr.abs _section_cstart, $3  }
0xc5: {  	[dreg:$0x1] =	wrdreg $0xFFFFFFFF  }
0xc6: {  	_ =	task.clear_ibuf [dreg:s10], $0x2FFFF;
	_ =	strace $0x9FFFFFFF  }
0xc7: {  	(tm) =	ssettm $0x7FFFFFFF  }
tec
execute0_lowered:
.L_overlay_start_1:
0x0: {  	(tag) =	ssettag $0x1  }
0x1: {  	s1 =	rddreg [dreg:$0x0]  }
0x2: {  	s2 =	rddreg [dreg:$0x1]  }
0x3: {  	s0 =	rddreg [dreg:$0x2]  }
0x4: {  	s4 =	rddreg [dreg:$0x3]  }
0x5: {  	s5 =	simm.s32 $0x0;
	s3 =	srdreg.scid;
	s7 =	stileid.u32  }
0x6: {  	s14 =	simm.s32 $0xD;
	s17 =	simm.s32 $0x1680;
	s18 =	simm.s32 $0x1E80  }
0x7: {  	s19 =	simm.s32 $0x6680;
	s20 =	simm.s32 $0x6E80;
	s21 =	simm.s32 $0x7680  }
0x8: {  	s22 =	simm.s32 $0x7E80;
	s23 =	simm.s32 $0x0;
	s3 =	sand.u32 $0x1, s3  }
0x9: {  	s6 =	sshll.u32 s7, $0x1;
	s7 =	smul.u32 $0x186A, s7;
	[smem:$0x7FF] =	sst s5  }
0xa: {  	s8 =	ssub.s32 $0x2, s3;
	s6 =	sor.u32 s3, s6;
	s3 =	smul.u32 $0xC35, s3  }
0xb: {  	_ =	strace $0x80000047;
	s9 =	sshrl.u32 s8, $0x1;
	s10 =	smul.u32 $0xC35, s6  }
0xc: {  	s12 =	ssub.s32 s8, s9;
	s3 =	sadd.s32 s3, s7;
	s9 =	sadd.s32 $0x100, s1  }
0xd: {  	s6 =	sshrl.u32 s10, $0x5;
	s28 =	sadd.s32 $0xC35, s10;
	s29 =	sadd.s32 $0xC35, s3  }
0xe: {  	s3 =	sshrl.u32 s3, $0x5;
	s10 =	sadd.s32 $0x100, s2;
	s7 =	sshrl.u32 s28, $0x5  }
0xf: {  	s8 =	sshrl.u32 s29, $0x5;
	s30 =	sshll.u32 s6, $0x1;
	s7 =	ssub.s32 s7, s6  }
.Ltmp0:
0x10: {  	s3 =	ssub.s32 s8, s3;
	s8 =	sadd.s32 s0, s30;
	(pc) =	sbr.rel .LBB2_1-.Ltmp0, $4  }
0x11: {  	p0 =	sgt.s32 s7, $0x3;
	s0 =	smov.u32 s7;
	p1 =	sgt.s32 s3, $0x3  }
0x12: {  	v2 =	vlaneseq.u32;
	s12 =	smax.u32 s12, $0x1;
	s0 =	simm.s32 @!p0 $0x3;
	s3 =	simm.s32 @!p1 $0x3  }
0x13: {  	vm0 =	vmmov $0xffff;
	v1 =	vshrl.u32 v2, $0x3;
	v0 =	vand.u32 $0x7, v2;
	p1 =	seq.s32 s7, $0x1;
	s11 =	sadd.s32 $0xFFFFFFFD, s0;
	s31 =	sshll.u32 s3, $0x1  }
0x14: {  	v2 =	vor.u32 $0x8, v2;
	v1 =	vmul.u32 $0x8, v1;
	p0 =	slt.s32 s7, $0x1;
	vm1 =	vmmov @!p1 $0xffff;
	s13 =	sadd.s32 $0x7, s31;
	p2 =	sge.s32 s11, s7  }
.LBB2_8:
0x15: {  	s3 =	smov.u32 s13  }
.LBB2_13:
0x16: {  	s15 =	sadd.s32 @p3 $0xFFFFFFFA, s0;
	[sflag:s26] =	ssyncadd.s32 @p4 $0xFFFFE000  }
0x17: {  	s16 =	sshrl.u32 s24, $0x1;
	_ =	swait.ge @p3 [sflag:s15], $0x2000  }
0x18: {  	s0 =	sadd.s32 @p3 $0xFFFFFFFB, s0;
	s16 =	smul.u32 $0xFFFFFFE8, s16;
	[sflag:s15] =	ssyncset.done @p3 $0x0  }
0x19: {  	s3 =	sadd.s32 @p3 $0x2, s3;
	[sflag:s15] =	ssyncadd.s32 @p3 $0xFFFFE000;
	s15 =	smov.u32 s13  }
0x1a: {  	s16 =	sshra.s32 s16, $0x2;
	_ =	swait.ge @p3 [sflag:s0], $0x2000;
	s15 =	smov.u32 @p3 s3  }
0x1b: {  	s3 =	sadd.s32 s16, s15;
	[sflag:s0] =	ssyncset.done @p3 $0x0;
	s0 =	smov.u32 @p3 s0  }
0x1c: {  	s15 =	sadd.s32 $0xFFFFFFFA, s3;
	[sflag:s0] =	ssyncadd.s32 @p3 $0xFFFFE000  }
0x1d: {  	_ =	swait.ge [sflag:s15], $0x2000  }
0x1e: {  	[sflag:s15] =	ssyncset.done $0x0  }
0x1f: {  	s31 =	sadd.s32 $0xFFFFFFFB, s3;
	[sflag:s15] =	ssyncadd.s32 $0xFFFFE000  }
0x20: {  	_ =	swait.ge [sflag:s31], $0x2000  }
0x21: {  	[sflag:s31] =	ssyncset.done $0x0  }
0x22: {  	[sflag:s31] =	ssyncadd.s32 $0xFFFFE000  }
.LBB2_14:
0x23: {  	s23 =	sadd.s32 $0x1, s23  }
0x24: {  	p3 =	sne.s32 s23, s12  }
.Ltmp1:
0x25: {  	_ = 	snop;
	(pc) =	sbr.rel @!p3 .LBB2_15-.Ltmp1, $1  }
0x26: {  	_ =	sdelay $0x3  }
.LBB2_1:
.Ltmp2:
0x27: {  	(pc) =	sbr.rel @p0 .LBB2_6-.Ltmp2, $4  }
0x28: {  	[tilespmem:s5], [sflag:$0xD] =	stream.linear.gather [hbm4b:s8+s5], $0x620, $0x38;
	[tilespmem:$0xC680] =	vst v63  }
0x29: {  	_ =	swait.ge [sflag:s14], $0x620  }
0x2a: {  	[sflag:s14] =	ssyncset.done $0x0  }
0x2b: {  	[sflag:s14] =	ssyncadd.s32 $0xFFFFF9E0  }
0x2c: {  	v3 =	vld [tilespmem:$0x0];
	_ =	sdelay $0x4  }
0x2d: {  	v4 =	vshll.u32 v3, $0x2  }
0x2e: {  	v3 =	vand.u32 $0x7, v3;
	v4 =	vand.u32 $0xFFFFFFE0, v4  }
0x2f: {  	v3 =	vor.u32 v3, v4  }
0x30: {  	v4 =	vperm.xlane v3, v0;
	_ =	sdelay $0x1  }
0x31: {  	v4 =	vadd.s32 v1, v4;
	_ =	sdelay $0x1  }
0x32: {  	v3 =	vperm.xlane v3, v2;
	_ =	sdelay $0x1  }
0x33: {  	s0 =	simm.s32 $0x680;
	v3 =	vadd.s32 v1, v3  }
0x34: {  	[tilespmem:s0], [sflag:$0x1] =	stream.indirect_vreg.gather [hbm4b:s1+s5], $0x80, v4, vm0, $0xb8;
	[tilespmem:$0xC680] =	vst v63  }
0x35: {  	s31 =	simm.s32 $0xE80  }
0x36: {  	[tilespmem:s31], [sflag:$0x1] =	stream.indirect_vreg.gather [hbm4b:s9+s5], $0x80, v4, vm0, $0xb8;
	[tilespmem:$0xC680] =	vst v63  }
0x37: {  	_ = 	snop  }
0x38: {  	[tilespmem:s17], [sflag:$0x1] =	stream.indirect_vreg.gather [hbm4b:s1+s5], $0x80, v3, vm0, $0xb8;
	[tilespmem:$0xC680] =	vst v63  }
0x39: {  	_ = 	snop  }
0x3a: {  	[tilespmem:s18], [sflag:$0x1] =	stream.indirect_vreg.gather [hbm4b:s9+s5], $0x80, v3, vm0, $0xb8;
	[tilespmem:$0xC680] =	vst v63  }
0x3b: {  	v3 =	vld [tilespmem:$0x0];
	_ =	sdelay $0x4  }
0x3c: {  	v63 =	vshll.u32 v3, $0x2  }
0x3d: {  	v3 =	vand.u32 $0x7, v3;
	v4 =	vand.u32 $0xFFFFFFE0, v63  }
0x3e: {  	v3 =	vor.u32 v3, v4  }
0x3f: {  	v4 =	vperm.xlane v3, v0;
	_ =	sdelay $0x1  }
0x40: {  	v4 =	vadd.s32 v1, v4;
	_ =	sdelay $0x1  }
0x41: {  	v3 =	vperm.xlane v3, v2;
	_ =	sdelay $0x1  }
0x42: {  	v3 =	vadd.s32 v1, v3  }
0x43: {  	[tilespmem:s19], [sflag:$0x2] =	stream.indirect_vreg.gather [hbm4b:s2+s5], $0x80, v4, vm0, $0xb8;
	[tilespmem:$0xC680] =	vst v63  }
0x44: {  	_ = 	snop  }
0x45: {  	[tilespmem:s20], [sflag:$0x2] =	stream.indirect_vreg.gather [hbm4b:s10+s5], $0x80, v4, vm0, $0xb8;
	[tilespmem:$0xC680] =	vst v63  }
0x46: {  	_ = 	snop  }
0x47: {  	[tilespmem:s21], [sflag:$0x2] =	stream.indirect_vreg.gather [hbm4b:s2+s5], $0x80, v3, vm0, $0xb8;
	[tilespmem:$0xC680] =	vst v63  }
0x48: {  	_ = 	snop  }
0x49: {  	[tilespmem:s22], [sflag:$0x2] =	stream.indirect_vreg.gather [hbm4b:s10+s5], $0x80, v3, vm0, $0xb8;
	[tilespmem:$0xC680] =	vst v63  }
0x4a: {  	v3 =	vld @!p1 [tilespmem:$0x10];
	_ =	sdelay $0x4  }
0x4b: {  	v4 =	vshll.u32 @!p1 v3, $0x2  }
0x4c: {  	v5 =	vlaneseq.u32 @!p1;
	v3 =	vand.u32 @!p1 $0x7, v3;
	v4 =	vand.u32 @!p1 $0xFFFFFFE0, v4  }
0x4d: {  	v6 =	vshrl.u32 @!p1 v5, $0x3;
	v3 =	vor.u32 @!p1 v3, v4;
	v4 =	vand.u32 @!p1 $0x7, v5  }
0x4e: {  	v6 =	vmul.u32 @!p1 $0x8, v6;
	v7 =	vperm.xlane @!p1 v3, v4;
	_ =	sdelay $0x1  }
0x4f: {  	v7 =	vadd.s32 @!p1 v6, v7  }
0x50: {  	v5 =	vor.u32 @!p1 $0x8, v5  }
0x51: {  	v3 =	vperm.xlane @!p1 v3, v5;
	_ =	sdelay $0x1  }
0x52: {  	s3 =	simm.s32 @!p1 $0x2680;
	s0 =	simm.s32 @!p1 $0x0;
	v3 =	vadd.s32 @!p1 v6, v3  }
0x53: {  	[tilespmem:s3], [sflag:$0x3] =	stream.indirect_vreg.gather @!p1 [hbm4b:s1+s0], $0x80, v7, vm1, $0xb8;
	[tilespmem:$0xC680] =	vst v63  }
0x54: {  	s3 =	simm.s32 @!p1 $0x2E80  }
0x55: {  	[tilespmem:s3], [sflag:$0x3] =	stream.indirect_vreg.gather @!p1 [hbm4b:s9+s0], $0x80, v7, vm1, $0xb8;
	[tilespmem:$0xC680] =	vst v63  }
0x56: {  	s3 =	simm.s32 @!p1 $0x3680  }
0x57: {  	[tilespmem:s3], [sflag:$0x3] =	stream.indirect_vreg.gather @!p1 [hbm4b:s1+s0], $0x80, v3, vm1, $0xb8;
	[tilespmem:$0xC680] =	vst v63  }
0x58: {  	s3 =	simm.s32 @!p1 $0x3E80  }
0x59: {  	[tilespmem:s3], [sflag:$0x3] =	stream.indirect_vreg.gather @!p1 [hbm4b:s9+s0], $0x80, v3, vm1, $0xb8;
	[tilespmem:$0xC680] =	vst v63  }
0x5a: {  	v3 =	vld @!p1 [tilespmem:$0x10];
	_ =	sdelay $0x4  }
0x5b: {  	v7 =	vshll.u32 @!p1 v3, $0x2  }
0x5c: {  	v3 =	vand.u32 @!p1 $0x7, v3;
	v7 =	vand.u32 @!p1 $0xFFFFFFE0, v7  }
0x5d: {  	v3 =	vor.u32 @!p1 v3, v7  }
0x5e: {  	v4 =	vperm.xlane @!p1 v3, v4;
	_ =	sdelay $0x1  }
0x5f: {  	v4 =	vadd.s32 @!p1 v6, v4;
	_ =	sdelay $0x1  }
0x60: {  	v3 =	vperm.xlane @!p1 v3, v5;
	_ =	sdelay $0x1  }
0x61: {  	s3 =	simm.s32 @!p1 $0x8680;
	v3 =	vadd.s32 @!p1 v6, v3  }
0x62: {  	[tilespmem:s3], [sflag:$0x4] =	stream.indirect_vreg.gather @!p1 [hbm4b:s2+s0], $0x80, v4, vm1, $0xb8;
	[tilespmem:$0xC680] =	vst v63  }
0x63: {  	s3 =	simm.s32 @!p1 $0x8E80  }
0x64: {  	[tilespmem:s3], [sflag:$0x4] =	stream.indirect_vreg.gather @!p1 [hbm4b:s10+s0], $0x80, v4, vm1, $0xb8;
	[tilespmem:$0xC680] =	vst v63  }
0x65: {  	s3 =	simm.s32 @!p1 $0x9680  }
0x66: {  	[tilespmem:s3], [sflag:$0x4] =	stream.indirect_vreg.gather @!p1 [hbm4b:s2+s0], $0x80, v3, vm1, $0xb8;
	[tilespmem:$0xC680] =	vst v63  }
0x67: {  	s24 =	simm.s32 $0x0;
	s25 =	simm.s32 $0x0;
	s3 =	simm.s32 @!p1 $0x9E80  }
0x68: {  	[tilespmem:s3], [sflag:$0x4] =	stream.indirect_vreg.gather @!p1 [hbm4b:s10+s0], $0x80, v3, vm1, $0xb8;
	[tilespmem:$0xC680] =	vst v63  }
.LBB2_3:
0x69: {  	s0 =	sadd.s32 $0x2, s25  }
0x6a: {  	p3 =	sge.s32 s0, s7  }
0x6b: {  	s3 =	smulhi.u32 @!p3 $0xAAAAAAAB, s0;
	_ =	sdelay $0x1  }
0x6c: {  	s3 =	sshrl.u32 @!p3 s3, $0x1  }
0x6d: {  	s3 =	smul.u32 @!p3 $0x3, s3  }
0x6e: {  	p4 =	seq.s32 @!p3 s25, $0x0  }
0x6f: {  	p5 =	por p4, p3;
	s3 =	ssub.s32 @!p3 s0, s3  }
0x70: {  	s26 =	sshll.u32 @!p5 s3, $0x3  }
0x71: {  	s28 =	sshrl.u32 @!p5 s26, $0x2  }
0x72: {  	s29 =	sadd.s32 @!p5 $0x7, s28  }
0x73: {  	_ =	swait.ge @!p5 [sflag:s29], $0x2000  }
0x74: {  	[sflag:s29] =	ssyncset.done @!p5 $0x0  }
0x75: {  	s28 =	sadd.s32 @!p5 $0x8, s28;
	[sflag:s29] =	ssyncadd.s32 @!p5 $0xFFFFE000  }
0x76: {  	_ =	swait.ge @!p5 [sflag:s28], $0x2000  }
0x77: {  	s0 =	sshll.u32 @!p3 s0, $0x6;
	[sflag:s28] =	ssyncset.done @!p5 $0x0  }
0x78: {  	s0 =	sshra.s32 @!p3 s0, $0x2;
	[sflag:s28] =	ssyncadd.s32 @!p5 $0xFFFFE000  }
0x79: {  	v3 =	vld @!p3 [tilespmem:s0+$0x0];
	_ =	sdelay $0x4  }
0x7a: {  	v4 =	vshll.u32 @!p3 v3, $0x2  }
0x7b: {  	v5 =	vlaneseq.u32 @!p3;
	v3 =	vand.u32 @!p3 $0x7, v3;
	v4 =	vand.u32 @!p3 $0xFFFFFFE0, v4  }
0x7c: {  	v6 =	vshrl.u32 @!p3 v5, $0x3;
	v3 =	vor.u32 @!p3 v3, v4;
	v4 =	vand.u32 @!p3 $0x7, v5  }
0x7d: {  	v6 =	vmul.u32 @!p3 $0x8, v6;
	v7 =	vperm.xlane @!p3 v3, v4;
	_ =	sdelay $0x1  }
0x7e: {  	v7 =	vadd.s32 @!p3 v6, v7  }
0x7f: {  	p4 =	por !p4, p3;
	v5 =	vor.u32 @!p3 $0x8, v5  }
0x80: {  	s26 =	simm.s32 @!p4 $0x10;
	v3 =	vperm.xlane @!p3 v3, v5  }
0x81: {  	s3 =	sshll.u32 @!p3 s3, $0xD;
	s26 =	sshrl.u32 @!p3 s26, $0x2  }
0x82: {  	vm2 =	vmmov @!p3 $0xffff;
	s30 =	simm.s32 @!p3 $0x0;
	s29 =	sadd.s32 @!p3 $0x1, s26;
	s28 =	sor.u32 @!p3 $0x680, s3;
	v3 =	vadd.s32 @!p3 v6, v3  }
0x83: {  	[tilespmem:s28], [sflag:s29] =	stream.indirect_vreg.gather @!p3 [hbm4b:s1+s30], $0x80, v7, vm2, $0xb8;
	[tilespmem:$0xC680] =	vst v63  }
0x84: {  	s28 =	sor.u32 @!p3 $0xE80, s3  }
0x85: {  	[tilespmem:s28], [sflag:s29] =	stream.indirect_vreg.gather @!p3 [hbm4b:s9+s30], $0x80, v7, vm2, $0xb8;
	[tilespmem:$0xC680] =	vst v63  }
0x86: {  	s28 =	sor.u32 @!p3 $0x1680, s3  }
0x87: {  	[tilespmem:s28], [sflag:s29] =	stream.indirect_vreg.gather @!p3 [hbm4b:s1+s30], $0x80, v3, vm2, $0xb8;
	[tilespmem:$0xC680] =	vst v63  }
0x88: {  	s28 =	sor.u32 @!p3 $0x1E80, s3  }
0x89: {  	[tilespmem:s28], [sflag:s29] =	stream.indirect_vreg.gather @!p3 [hbm4b:s9+s30], $0x80, v3, vm2, $0xb8;
	[tilespmem:$0xC680] =	vst v63  }
0x8a: {  	v3 =	vld @!p3 [tilespmem:s0+$0x0];
	_ =	sdelay $0x4  }
0x8b: {  	v7 =	vshll.u32 @!p3 v3, $0x2  }
0x8c: {  	v3 =	vand.u32 @!p3 $0x7, v3;
	v7 =	vand.u32 @!p3 $0xFFFFFFE0, v7  }
0x8d: {  	v3 =	vor.u32 @!p3 v3, v7  }
0x8e: {  	v4 =	vperm.xlane @!p3 v3, v4;
	_ =	sdelay $0x1  }
0x8f: {  	v4 =	vadd.s32 @!p3 v6, v4;
	_ =	sdelay $0x1  }
0x90: {  	v3 =	vperm.xlane @!p3 v3, v5;
	_ =	sdelay $0x1  }
0x91: {  	s16 =	smulhi.u32 $0xAAAAAAAB, s25;
	s26 =	sadd.s32 @!p3 $0x2, s26;
	s28 =	sadd.s32 @!p3 $0x6680, s3;
	v3 =	vadd.s32 @!p3 v6, v3  }
0x92: {  	[tilespmem:s28], [sflag:s26] =	stream.indirect_vreg.gather @!p3 [hbm4b:s2+s30], $0x80, v4, vm2, $0xb8;
	[tilespmem:$0xC680] =	vst v63  }
0x93: {  	s0 =	sshrl.u32 s16, $0x1;
	s28 =	sadd.s32 @!p3 $0x6E80, s3  }
0x94: {  	[tilespmem:s28], [sflag:s26] =	stream.indirect_vreg.gather @!p3 [hbm4b:s10+s30], $0x80, v4, vm2, $0xb8;
	[tilespmem:$0xC680] =	vst v63  }
0x95: {  	s0 =	smul.u32 $0x3, s0;
	s28 =	sadd.s32 @!p3 $0x7680, s3  }
0x96: {  	[tilespmem:s28], [sflag:s26] =	stream.indirect_vreg.gather @!p3 [hbm4b:s2+s30], $0x80, v3, vm2, $0xb8;
	[tilespmem:$0xC680] =	vst v63  }
0x97: {  	s0 =	ssub.s32 s25, s0;
	s3 =	sadd.s32 @!p3 $0x7E80, s3  }
0x98: {  	[tilespmem:s3], [sflag:s26] =	stream.indirect_vreg.gather @!p3 [hbm4b:s10+s30], $0x80, v3, vm2, $0xb8;
	[tilespmem:$0xC680] =	vst v63  }
0x99: {  	s26 =	sshllo.u32 s0, $0x1  }
0x9a: {  	_ =	swait.ge [sflag:s26], $0x2000  }
0x9b: {  	s28 =	sshll.u32 s0, $0x1;
	[sflag:s26] =	ssyncset.done $0x0  }
0x9c: {  	s15 =	sadd.s32 $0x2, s28;
	[sflag:s26] =	ssyncadd.s32 $0xFFFFE000  }
0x9d: {  	s31 =	sand.u32 $0x380, s24;
	s30 =	sand.u32 $0x1000, s24;
	_ =	swait.ge [sflag:s15], $0x2000  }
0x9e: {  	s29 =	sshll.u32 s0, $0xD;
	s16 =	sor.u32 s30, s31;
	[sflag:s15] =	ssyncset.done $0x0  }
0x9f: {  	s30 =	sor.u32 s29, s16;
	[sflag:s15] =	ssyncadd.s32 $0xFFFFE000  }
0xa0: {  	v6 =	vld [tilespmem:s30+$0x6F0]  }
0xa1: {  	v7 =	vld [tilespmem:s30+$0x66E0]  }
0xa2: {  	v8 =	vld [tilespmem:s30+$0x6E0]  }
0xa3: {  	v9 =	vld [tilespmem:s30+$0x66D0]  }
0xa4: {  	v10 =	vld [tilespmem:s30+$0x72E0]  }
0xa5: {  	v15 =	vld [tilespmem:s30+$0x6D0]  }
0xa6: {  	v14 =	vld [tilespmem:s30+$0x66C0]  }
0xa7: {  	v16 =	vld [tilespmem:s30+$0x6C0]  }
0xa8: {  	v3 =	vld [tilespmem:s30+$0x12E0]  }
0xa9: {  	v5 =	vld [tilespmem:s30+$0x12C0]  }
0xaa: {  	v17 =	vld [tilespmem:s30+$0x66F0]  }
0xab: {  	v25 =	vld [tilespmem:s30+$0xEF0]  }
0xac: {  	v19 =	vld [tilespmem:s30+$0xA80];
	v18 =	vadd.f32 v14, v16  }
0xad: {  	v4 =	vld [tilespmem:s30+$0x72D0];
	v20 =	vmax.f32 v10, $0.0e+00;
	vm2 =	veq.f32 v3, $0.0e+00;
	v21 =	vadd.f32 v9, v15  }
0xae: {  	v22 =	vld [tilespmem:s30+$0x6A80];
	vm3 =	veq.f32 v8, $0.0e+00;
	v24 =	vmax.f32 v7, $0.0e+00;
	v20 =	vsel vm2, $0x0, v20  }
0xaf: {  	v26 =	vld [tilespmem:s30+$0x72A0];
	v14 =	vmax.f32 v14, $0.0e+00;
	vm2 =	vgt.f32 v18, $0.0e+00;
	[tilespmem:s30+$0x72E0] =	vst v20;
	v20 =	vsel vm3, $0x0, v24  }
0xb0: {  	v7 =	vadd.f32 v7, v8;
	vm7 =	veq.f32 v25, $0.0e+00;
	v18 =	vld [tilespmem:s30+$0xA90];
	v23 =	vnsel vm2, $0x0, v16;
	[tilespmem:s30+$0x66E0] =	vst v20  }
0xb1: {  	vm3 =	veq.f32 v19, $0.0e+00;
	vm2 =	vgt.f32 v21, $0.0e+00;
	v20 =	vmax.f32 v17, $0.0e+00;
	[tilespmem:s30+$0x6C0] =	vst v23;
	v23 =	vld [tilespmem:s30+$0x6A90]  }
0xb2: {  	v24 =	vld [tilespmem:s30+$0xAA0];
	v17 =	vadd.f32 v17, v6;
	v21 =	vnsel vm2, $0x0, v15;
	vm2 =	veq.f32 v6, $0.0e+00  }
0xb3: {  	[tilespmem:s30+$0x6D0] =	vst v21;
	v20 =	vsel vm2, $0x0, v20;
	vm2 =	veq.f32 v16, $0.0e+00;
	v16 =	vld [tilespmem:s30+$0x6AA0];
	v21 =	vmax.f32 v22, $0.0e+00  }
0xb4: {  	[tilespmem:s30+$0x66F0] =	vst v20;
	v20 =	vsel vm2, $0x0, v14;
	vm2 =	vgt.f32 v17, $0.0e+00;
	v17 =	vadd.f32 v22, v19;
	v14 =	vld [tilespmem:s30+$0xAB0]  }
0xb5: {  	v27 =	vmax.f32 v26, $0.0e+00;
	v21 =	vsel vm3, $0x0, v21;
	[tilespmem:s30+$0x66C0] =	vst v20;
	v6 =	vnsel vm2, $0x0, v6;
	v20 =	vld [tilespmem:s30+$0x6AB0]  }
0xb6: {  	vm2 =	veq.f32 v18, $0.0e+00;
	[tilespmem:s30+$0x6A80] =	vst v21;
	v21 =	vld [tilespmem:s30+$0x6AC0];
	vm3 =	vgt.f32 v17, $0.0e+00;
	v17 =	vmax.f32 v23, $0.0e+00  }
0xb7: {  	[tilespmem:s30+$0x6F0] =	vst v6;
	v6 =	vld [tilespmem:s30+$0xAC0];
	v22 =	vadd.f32 v23, v18;
	v19 =	vnsel vm3, $0x0, v19;
	v17 =	vsel vm2, $0x0, v17  }
0xb8: {  	v23 =	vld [tilespmem:s30+$0xAD0];
	vm2 =	veq.f32 v24, $0.0e+00;
	[tilespmem:s30+$0xA80] =	vst v19;
	v19 =	vmax.f32 v16, $0.0e+00;
	v16 =	vadd.f32 v16, v24  }
0xb9: {  	vm3 =	vgt.f32 v22, $0.0e+00;
	[tilespmem:s30+$0x6A90] =	vst v17;
	v17 =	vsel vm2, $0x0, v19;
	v19 =	vld [tilespmem:s30+$0x6AD0];
	vm2 =	veq.f32 v15, $0.0e+00  }
0xba: {  	v15 =	vld [tilespmem:s30+$0xAE0];
	vm4 =	veq.f32 v14, $0.0e+00;
	v18 =	vnsel vm3, $0x0, v18;
	[tilespmem:s30+$0x6AA0] =	vst v17;
	vm3 =	vgt.f32 v16, $0.0e+00  }
0xbb: {  	v16 =	vmax.f32 v20, $0.0e+00;
	v20 =	vadd.f32 v20, v14;
	[tilespmem:s30+$0xA90] =	vst v18;
	v17 =	vnsel vm3, $0x0, v24;
	v18 =	vld [tilespmem:s30+$0x6AE0]  }
0xbc: {  	v22 =	vld [tilespmem:s30+$0xAF0];
	v16 =	vsel vm4, $0x0, v16;
	vm3 =	veq.f32 v6, $0.0e+00;
	[tilespmem:s30+$0xAA0] =	vst v17;
	v17 =	vmax.f32 v21, $0.0e+00  }
0xbd: {  	vm4 =	vgt.f32 v7, $0.0e+00;
	v7 =	vadd.f32 v21, v6;
	[tilespmem:s30+$0x6AB0] =	vst v16;
	v16 =	vsel vm3, $0x0, v17;
	v17 =	vld [tilespmem:s30+$0x6AF0]  }
0xbe: {  	v12 =	vld [tilespmem:s30+$0x7280];
	v8 =	vnsel vm4, $0x0, v8;
	vm3 =	veq.f32 v23, $0.0e+00;
	[tilespmem:s30+$0x6AC0] =	vst v16;
	v16 =	vmax.f32 v19, $0.0e+00  }
0xbf: {  	vm4 =	vgt.f32 v7, $0.0e+00;
	[tilespmem:s30+$0x6E0] =	vst v8;
	v7 =	vadd.f32 v19, v23;
	v19 =	vld [tilespmem:s30+$0xE80];
	v8 =	vsel vm3, $0x0, v16  }
0xc0: {  	v6 =	vnsel vm4, $0x0, v6;
	vm3 =	veq.f32 v15, $0.0e+00;
	v16 =	vld [tilespmem:s30+$0x6E80];
	[tilespmem:s30+$0x6AD0] =	vst v8;
	v8 =	vmax.f32 v18, $0.0e+00  }
0xc1: {  	v21 =	vld [tilespmem:s30+$0x6E90];
	[tilespmem:s30+$0xAC0] =	vst v6;
	vm4 =	vgt.f32 v7, $0.0e+00;
	v7 =	vadd.f32 v18, v15;
	v6 =	vsel vm3, $0x0, v8  }
0xc2: {  	v18 =	vld [tilespmem:s30+$0xE90];
	v8 =	vnsel vm4, $0x0, v23;
	vm3 =	veq.f32 v22, $0.0e+00;
	[tilespmem:s30+$0x6AE0] =	vst v6;
	v6 =	vmax.f32 v17, $0.0e+00  }
0xc3: {  	v23 =	vld [tilespmem:s30+$0xEA0];
	vm4 =	vgt.f32 v7, $0.0e+00;
	v17 =	vadd.f32 v17, v22;
	[tilespmem:s30+$0xAD0] =	vst v8;
	v8 =	vadd.f32 v10, v3  }
0xc4: {  	v7 =	vsel vm3, $0x0, v6;
	v6 =	vmax.f32 v4, $0.0e+00;
	v10 =	vnsel vm4, $0x0, v15;
	v15 =	vld [tilespmem:s30+$0x6EA0]  }
0xc5: {  	v13 =	vld [tilespmem:s30+$0x6680];
	[tilespmem:s30+$0x6AF0] =	vst v7;
	v7 =	vmax.f32 v9, $0.0e+00;
	vm3 =	vgt.f32 v17, $0.0e+00;
	v9 =	vadd.f32 v16, v19  }
0xc6: {  	vm4 =	veq.f32 v19, $0.0e+00;
	v17 =	vld [tilespmem:s30+$0xEB0];
	[tilespmem:s30+$0xAE0] =	vst v10;
	v10 =	vmax.f32 v16, $0.0e+00;
	v16 =	vnsel vm3, $0x0, v22  }
0xc7: {  	v22 =	vld [tilespmem:s30+$0x6EB0];
	v10 =	vsel vm4, $0x0, v10;
	[tilespmem:s30+$0xAF0] =	vst v16;
	vm3 =	vgt.f32 v9, $0.0e+00;
	v9 =	vadd.f32 v21, v18  }
0xc8: {  	vm4 =	veq.f32 v18, $0.0e+00;
	v16 =	vld [tilespmem:s30+$0xEC0];
	v21 =	vmax.f32 v21, $0.0e+00;
	[tilespmem:s30+$0x6E80] =	vst v10;
	v10 =	vnsel vm3, $0x0, v19  }
0xc9: {  	v19 =	vld [tilespmem:s30+$0x6EC0];
	v21 =	vsel vm4, $0x0, v21;
	[tilespmem:s30+$0xE80] =	vst v10;
	vm3 =	vgt.f32 v9, $0.0e+00;
	v9 =	vadd.f32 v15, v23  }
0xca: {  	v24 =	vld [tilespmem:s30+$0xED0];
	vm4 =	veq.f32 v23, $0.0e+00;
	v10 =	vmax.f32 v15, $0.0e+00;
	[tilespmem:s30+$0x6E90] =	vst v21;
	v15 =	vnsel vm3, $0x0, v18  }
0xcb: {  	v18 =	vld [tilespmem:s30+$0x6ED0];
	v10 =	vsel vm4, $0x0, v10;
	vm4 =	veq.f32 v17, $0.0e+00;
	[tilespmem:s30+$0xE90] =	vst v15;
	vm3 =	vgt.f32 v9, $0.0e+00  }
0xcc: {  	v15 =	vld [tilespmem:s30+$0xEE0];
	v9 =	vmax.f32 v22, $0.0e+00;
	v21 =	vadd.f32 v22, v17;
	[tilespmem:s30+$0x6EA0] =	vst v10;
	v10 =	vnsel vm3, $0x0, v23  }
0xcd: {  	v22 =	vld [tilespmem:s30+$0x6EE0];
	vm3 =	veq.f32 v5, $0.0e+00;
	v9 =	vsel vm4, $0x0, v9;
	vm5 =	veq.f32 v16, $0.0e+00;
	[tilespmem:s30+$0xEA0] =	vst v10  }
0xce: {  	v11 =	vld [tilespmem:s30+$0x6690];
	vm4 =	vgt.f32 v21, $0.0e+00;
	v10 =	vadd.f32 v19, v16;
	[tilespmem:s30+$0x6EB0] =	vst v9;
	v9 =	vmax.f32 v19, $0.0e+00  }
0xcf: {  	v19 =	vld [tilespmem:s30+$0x1280];
	v17 =	vnsel vm4, $0x0, v17;
	v9 =	vsel vm5, $0x0, v9;
	vm5 =	veq.f32 v24, $0.0e+00  }
0xd0: {  	v21 =	vld [tilespmem:s30+$0x6EF0];
	[tilespmem:s30+$0xEB0] =	vst v17;
	vm4 =	vgt.f32 v10, $0.0e+00;
	v17 =	vadd.f32 v18, v24;
	v18 =	vmax.f32 v18, $0.0e+00  }
0xd1: {  	v23 =	vmax.f32 v12, $0.0e+00;
	[tilespmem:s30+$0x6EC0] =	vst v9;
	v9 =	vnsel vm4, $0x0, v16;
	v18 =	vsel vm5, $0x0, v18  }
0xd2: {  	v10 =	vld [tilespmem:s30+$0x680];
	vm5 =	veq.f32 v15, $0.0e+00;
	[tilespmem:s30+$0xEC0] =	vst v9;
	vm4 =	vgt.f32 v17, $0.0e+00;
	v17 =	vmax.f32 v22, $0.0e+00  }
0xd3: {  	v9 =	vadd.f32 v22, v15;
	[tilespmem:s30+$0x6ED0] =	vst v18;
	v18 =	vnsel vm4, $0x0, v24;
	v17 =	vsel vm5, $0x0, v17  }
0xd4: {  	v16 =	vld [tilespmem:s30+$0x1290];
	vm4 =	vgt.f32 v8, $0.0e+00;
	v8 =	vmax.f32 v11, $0.0e+00;
	vm8 =	veq.f32 v19, $0.0e+00  }
0xd5: {  	v22 =	vld [tilespmem:s30+$0x7290];
	[tilespmem:s30+$0xED0] =	vst v18;
	vm5 =	vgt.f32 v9, $0.0e+00;
	v18 =	vadd.f32 v21, v25;
	v9 =	vmax.f32 v13, $0.0e+00  }
0xd6: {  	v24 =	vld [tilespmem:s30+$0x12A0];
	[tilespmem:s30+$0x6EE0] =	vst v17;
	v17 =	vmax.f32 v21, $0.0e+00;
	v21 =	vadd.f32 v12, v19;
	v15 =	vnsel vm5, $0x0, v15  }
0xd7: {  	vm5 =	vgt.f32 v20, $0.0e+00;
	v20 =	vld [tilespmem:s30+$0x12B0];
	v13 =	vadd.f32 v13, v10;
	vm6 =	vgt.f32 v18, $0.0e+00  }
0xd8: {  	[tilespmem:s30+$0xEE0] =	vst v15;
	v18 =	vld [tilespmem:s30+$0x72B0];
	v14 =	vnsel vm5, $0x0, v14;
	vm5 =	vgt.f32 v21, $0.0e+00;
	v15 =	vnsel vm6, $0x0, v25  }
0xd9: {  	v12 =	vld [tilespmem:s30+$0x690];
	vm9 =	veq.f32 v16, $0.0e+00;
	v19 =	vnsel vm5, $0x0, v19;
	[tilespmem:s30+$0xEF0] =	vst v15;
	v15 =	vsel vm8, $0x0, v23  }
0xda: {  	v25 =	vadd.f32 v22, v16;
	vm5 =	vgt.f32 v13, $0.0e+00;
	v23 =	vsel vm7, $0x0, v17;
	v17 =	vld [tilespmem:s30+$0x66A0];
	[tilespmem:s30+$0x7280] =	vst v15  }
0xdb: {  	vm7 =	veq.f32 v10, $0.0e+00;
	vm10 =	veq.f32 v24, $0.0e+00;
	v15 =	vld [tilespmem:s30+$0x6A0];
	[tilespmem:s30+$0x6EF0] =	vst v23;
	v23 =	vadd.f32 v26, v24  }
0xdc: {  	v21 =	vld [tilespmem:s30+$0x72C0];
	v26 =	vmax.f32 v22, $0.0e+00;
	vm8 =	vgt.f32 v25, $0.0e+00;
	v25 =	vsel vm10, $0x0, v27  }
0xdd: {  	[tilespmem:s30+$0xAB0] =	vst v14;
	v13 =	vld [tilespmem:s30+$0x12F0];
	vm6 =	veq.f32 v20, $0.0e+00;
	v14 =	vmax.f32 v18, $0.0e+00;
	v22 =	vadd.f32 v18, v20  }
0xde: {  	vm11 =	vgt.f32 v23, $0.0e+00;
	v18 =	vld [tilespmem:s30+$0x6B0];
	v14 =	vsel vm6, $0x0, v14;
	vm6 =	veq.f32 v12, $0.0e+00  }
0xdf: {  	v23 =	vld [tilespmem:s30+$0x66B0];
	v24 =	vnsel vm11, $0x0, v24;
	[tilespmem:s30+$0x72B0] =	vst v14;
	v14 =	vadd.f32 v11, v12;
	vm10 =	vgt.f32 v22, $0.0e+00  }
0xe0: {  	s3 =	simm.s32 $0x200;
	s31 =	simm.s32 $0x80;
	[tilespmem:s30+$0x12A0] =	vst v24;
	v24 =	vsel vm9, $0x0, v26;
	v22 =	vadd.f32 v17, v15;
	v11 =	vnsel vm10, $0x0, v20;
	v20 =	vld [tilespmem:s30+$0x72F0]  }
.LBB2_4:
0xe1: {  	s0 =	smov.u32 s3  }
0xe2: {  	s15 =	sand.u32 $0x1000, s3;
	s16 =	sand.u32 $0x380, s31;
	v9 =	vsel vm7, $0x0, v9;
	vm7 =	veq.f32 v15, $0.0e+00;
	v17 =	vmax.f32 v17, $0.0e+00;
	[tilespmem:s30+$0x72A0] =	vst v25;
	s0 =	sadd.s32 $0x200, s3  }
0xe3: {  	p3 =	sne.s32 s3, $0x1E00;
	s15 =	sor.u32 s15, s16;
	[tilespmem:s30+$0x6680] =	vst v9;
	v9 =	vsel vm7, $0x0, v17;
	vm7 =	vgt.f32 v22, $0.0e+00;
	v22 =	vmax.f32 v21, $0.0e+00;
	v25 =	vld [tilespmem:s30+$0x12D0]  }
0xe4: {  	v16 =	vnsel vm8, $0x0, v16;
	s3 =	sor.u32 s29, s15;
	v15 =	vnsel vm7, $0x0, v15;
	[tilespmem:s30+$0x1280] =	vst v19;
	v19 =	vadd.f32 v21, v5  }
0xe5: {  	vm7 =	veq.f32 v18, $0.0e+00;
	v21 =	vmax.f32 v23, $0.0e+00;
	v23 =	vadd.f32 v23, v18;
	v17 =	vld [tilespmem:s3+$0x6F0];
	[tilespmem:s30+$0x1290] =	vst v16  }
0xe6: {  	v7 =	vsel vm2, $0x0, v7;
	v21 =	vsel vm7, $0x0, v21;
	v26 =	vld [tilespmem:s3+$0x66E0];
	[tilespmem:s30+$0x7290] =	vst v24;
	vm2 =	vgt.f32 v19, $0.0e+00  }
0xe7: {  	vm7 =	vgt.f32 v23, $0.0e+00;
	v16 =	vld [tilespmem:s3+$0x6E0];
	[tilespmem:s30+$0x66D0] =	vst v7;
	v5 =	vnsel vm2, $0x0, v5;
	v7 =	vadd.f32 v20, v13  }
0xe8: {  	v18 =	vnsel vm7, $0x0, v18;
	v19 =	vld [tilespmem:s3+$0x66D0];
	[tilespmem:s30+$0x12C0] =	vst v5;
	vm2 =	veq.f32 v25, $0.0e+00;
	v4 =	vadd.f32 v4, v25  }
0xe9: {  	vm7 =	veq.f32 v13, $0.0e+00;
	v5 =	vmax.f32 v20, $0.0e+00;
	v23 =	vld [tilespmem:s3+$0x72E0];
	[tilespmem:s30+$0x6B0] =	vst v18;
	vm8 =	vgt.f32 v7, $0.0e+00  }
0xea: {  	v7 =	vld [tilespmem:s3+$0x6D0];
	[tilespmem:s30+$0x66A0] =	vst v9;
	vm9 =	vgt.f32 v4, $0.0e+00;
	v9 =	vsel vm7, $0x0, v5;
	v18 =	vnsel vm8, $0x0, v13  }
0xeb: {  	v8 =	vsel vm6, $0x0, v8;
	v4 =	vsel vm3, $0x0, v22;
	v20 =	vld [tilespmem:s3+$0x66C0];
	[tilespmem:s30+$0x66B0] =	vst v21;
	v21 =	vnsel vm9, $0x0, v25  }
0xec: {  	v10 =	vnsel vm5, $0x0, v10;
	v22 =	vld [tilespmem:s3+$0x6C0];
	v24 =	vadd.f32 v26, v16;
	[tilespmem:s30+$0x72C0] =	vst v4;
	v4 =	vsel vm2, $0x0, v6  }
0xed: {  	v3 =	vnsel vm4, $0x0, v3;
	v5 =	vld [tilespmem:s3+$0x12C0];
	[tilespmem:s30+$0x72D0] =	vst v4  }
0xee: {  	vm2 =	vgt.f32 v14, $0.0e+00;
	v4 =	vld [tilespmem:s3+$0x72D0];
	[tilespmem:s30+$0x12E0] =	vst v3  }
0xef: {  	v6 =	vadd.f32 v19, v7;
	v3 =	vld [tilespmem:s3+$0x12E0];
	[tilespmem:s30+$0x680] =	vst v10;
	v10 =	vnsel vm2, $0x0, v12  }
0xf0: {  	[tilespmem:s30+$0x72F0] =	vst v9  }
0xf1: {  	vm2 =	veq.f32 v7, $0.0e+00;
	vm3 =	vgt.f32 v6, $0.0e+00;
	v13 =	vld [tilespmem:s3+$0x7280];
	[tilespmem:s30+$0x12D0] =	vst v21  }
0xf2: {  	v9 =	vmax.f32 v23, $0.0e+00;
	vm4 =	veq.f32 v22, $0.0e+00;
	v12 =	vld [tilespmem:s3+$0x6680];
	v21 =	vnsel vm3, $0x0, v7;
	[tilespmem:s30+$0x12B0] =	vst v11  }
0xf3: {  	v14 =	vadd.f32 v20, v22;
	v7 =	vmax.f32 v20, $0.0e+00;
	v20 =	vld [tilespmem:s3+$0x66F0];
	v6 =	vmax.f32 v4, $0.0e+00;
	[tilespmem:s30+$0x12F0] =	vst v18  }
0xf4: {  	v18 =	vsel vm4, $0x0, v7;
	v25 =	vld [tilespmem:s3+$0xA80];
	vm4 =	veq.f32 v3, $0.0e+00;
	v23 =	vadd.f32 v23, v3;
	[tilespmem:s30+$0x6690] =	vst v8  }
0xf5: {  	vm3 =	veq.f32 v5, $0.0e+00;
	v7 =	vmax.f32 v19, $0.0e+00;
	v11 =	vld [tilespmem:s3+$0x6690];
	v8 =	vsel vm4, $0x0, v9;
	[tilespmem:s30+$0x690] =	vst v10  }
0xf6: {  	vm5 =	veq.f32 v16, $0.0e+00;
	vm4 =	vgt.f32 v14, $0.0e+00;
	v10 =	vld [tilespmem:s3+$0x6A80];
	v14 =	vmax.f32 v13, $0.0e+00;
	[tilespmem:s30+$0x6A0] =	vst v15;
	s30 =	smov.u32 s3  }
0xf7: {  	v19 =	vmax.f32 v26, $0.0e+00;
	v15 =	vnsel vm4, $0x0, v22;
	v9 =	vmax.f32 v12, $0.0e+00;
	v22 =	vld [tilespmem:s30+$0xA90];
	[tilespmem:s30+$0x72E0] =	vst v8  }
0xf8: {  	vm6 =	veq.f32 v17, $0.0e+00;
	vm4 =	vgt.f32 v23, $0.0e+00;
	v8 =	vsel vm5, $0x0, v19;
	[tilespmem:s30+$0x6C0] =	vst v15;
	v19 =	vld [tilespmem:s30+$0x6A90]  }
0xf9: {  	vm5 =	vgt.f32 v24, $0.0e+00;
	v15 =	vmax.f32 v20, $0.0e+00;
	v20 =	vadd.f32 v20, v17;
	[tilespmem:s30+$0x66E0] =	vst v8;
	v23 =	vld [tilespmem:s30+$0xAA0]  }
0xfa: {  	v15 =	vsel vm6, $0x0, v15;
	vm6 =	veq.f32 v25, $0.0e+00;
	v8 =	vmax.f32 v11, $0.0e+00;
	[tilespmem:s30+$0x6D0] =	vst v21;
	v21 =	vld [tilespmem:s30+$0x6AA0]  }
0xfb: {  	vm7 =	vgt.f32 v20, $0.0e+00;
	[tilespmem:s30+$0x66F0] =	vst v15;
	v20 =	vmax.f32 v10, $0.0e+00;
	v10 =	vadd.f32 v10, v25;
	v15 =	vld [tilespmem:s30+$0xAB0]  }
0xfc: {  	v17 =	vnsel vm7, $0x0, v17;
	[tilespmem:s30+$0x66C0] =	vst v18;
	v18 =	vsel vm6, $0x0, v20;
	vm6 =	veq.f32 v22, $0.0e+00;
	v20 =	vld [tilespmem:s30+$0x6AB0]  }
0xfd: {  	[tilespmem:s30+$0x6F0] =	vst v17;
	vm7 =	vgt.f32 v10, $0.0e+00;
	v10 =	vmax.f32 v19, $0.0e+00;
	v17 =	vadd.f32 v19, v22;
	v19 =	vld [tilespmem:s30+$0xAC0]  }
0xfe: {  	[tilespmem:s30+$0x6A80] =	vst v18;
	v18 =	vnsel vm7, $0x0, v25;
	v10 =	vsel vm6, $0x0, v10;
	vm6 =	veq.f32 v23, $0.0e+00;
	v24 =	vld [tilespmem:s30+$0x6AC0]  }
0xff: {  	[tilespmem:s30+$0xA80] =	vst v18;
	vm7 =	vgt.f32 v17, $0.0e+00;
	v17 =	vmax.f32 v21, $0.0e+00;
	v18 =	vadd.f32 v21, v23;
	v21 =	vld [tilespmem:s30+$0xAD0]  }
0x100: {  	v16 =	vnsel vm5, $0x0, v16;
	[tilespmem:s30+$0x6A90] =	vst v10;
	v10 =	vnsel vm7, $0x0, v22;
	v17 =	vsel vm6, $0x0, v17;
	v22 =	vld [tilespmem:s30+$0x6AD0]  }
0x101: {  	vm6 =	veq.f32 v15, $0.0e+00;
	[tilespmem:s30+$0x6AA0] =	vst v17;
	vm5 =	vgt.f32 v18, $0.0e+00;
	v17 =	vmax.f32 v20, $0.0e+00;
	v18 =	vld [tilespmem:s30+$0xAE0]  }
0x102: {  	v20 =	vadd.f32 v20, v15;
	[tilespmem:s30+$0xA90] =	vst v10;
	v10 =	vnsel vm5, $0x0, v23;
	v17 =	vsel vm6, $0x0, v17;
	v23 =	vld [tilespmem:s30+$0x6AE0]  }
0x103: {  	vm6 =	veq.f32 v19, $0.0e+00;
	[tilespmem:s30+$0xAA0] =	vst v10;
	v10 =	vmax.f32 v24, $0.0e+00;
	v24 =	vadd.f32 v24, v19;
	v25 =	vld [tilespmem:s30+$0xAF0]  }
0x104: {  	vm5 =	vgt.f32 v20, $0.0e+00;
	[tilespmem:s30+$0x6AB0] =	vst v17;
	v10 =	vsel vm6, $0x0, v10;
	vm6 =	veq.f32 v21, $0.0e+00;
	v17 =	vld [tilespmem:s30+$0x6AF0]  }
0x105: {  	[tilespmem:s30+$0x6AC0] =	vst v10;
	vm7 =	vgt.f32 v24, $0.0e+00;
	v10 =	vmax.f32 v22, $0.0e+00;
	v20 =	vadd.f32 v22, v21;
	v22 =	vld [tilespmem:s30+$0xE80]  }
0x106: {  	[tilespmem:s30+$0x6E0] =	vst v16;
	v16 =	vnsel vm7, $0x0, v19;
	v10 =	vsel vm6, $0x0, v10;
	vm6 =	veq.f32 v18, $0.0e+00;
	v19 =	vld [tilespmem:s30+$0x6E80]  }
0x107: {  	[tilespmem:s30+$0x6AD0] =	vst v10;
	vm7 =	vgt.f32 v20, $0.0e+00;
	v10 =	vmax.f32 v23, $0.0e+00;
	v20 =	vadd.f32 v23, v18;
	v23 =	vld [tilespmem:s30+$0xE90]  }
0x108: {  	[tilespmem:s30+$0xAC0] =	vst v16;
	v16 =	vnsel vm7, $0x0, v21;
	v10 =	vsel vm6, $0x0, v10;
	vm6 =	veq.f32 v25, $0.0e+00;
	v21 =	vld [tilespmem:s30+$0x6E90]  }
0x109: {  	[tilespmem:s30+$0x6AE0] =	vst v10;
	vm7 =	vgt.f32 v20, $0.0e+00;
	v10 =	vmax.f32 v17, $0.0e+00;
	v17 =	vadd.f32 v17, v25;
	v20 =	vld [tilespmem:s30+$0xEA0]  }
0x10a: {  	[tilespmem:s30+$0xAD0] =	vst v16;
	v16 =	vnsel vm7, $0x0, v18;
	v10 =	vsel vm6, $0x0, v10;
	vm6 =	veq.f32 v22, $0.0e+00;
	v18 =	vld [tilespmem:s30+$0x6EA0]  }
0x10b: {  	[tilespmem:s30+$0x6AF0] =	vst v10;
	vm7 =	vgt.f32 v17, $0.0e+00;
	v10 =	vmax.f32 v19, $0.0e+00;
	v17 =	vadd.f32 v19, v22;
	v19 =	vld [tilespmem:s30+$0xEB0]  }
0x10c: {  	[tilespmem:s30+$0xAE0] =	vst v16;
	v16 =	vnsel vm7, $0x0, v25;
	v10 =	vsel vm6, $0x0, v10;
	vm6 =	veq.f32 v23, $0.0e+00;
	v24 =	vld [tilespmem:s30+$0x6EB0]  }
0x10d: {  	[tilespmem:s30+$0xAF0] =	vst v16;
	vm7 =	vgt.f32 v17, $0.0e+00;
	v16 =	vmax.f32 v21, $0.0e+00;
	v17 =	vadd.f32 v21, v23;
	v21 =	vld [tilespmem:s30+$0xEC0]  }
0x10e: {  	[tilespmem:s30+$0x6E80] =	vst v10;
	v10 =	vnsel vm7, $0x0, v22;
	v16 =	vsel vm6, $0x0, v16;
	vm6 =	veq.f32 v20, $0.0e+00;
	v22 =	vld [tilespmem:s30+$0x6EC0]  }
0x10f: {  	[tilespmem:s30+$0xE80] =	vst v10;
	vm7 =	vgt.f32 v17, $0.0e+00;
	v10 =	vmax.f32 v18, $0.0e+00;
	v17 =	vadd.f32 v18, v20;
	v18 =	vld [tilespmem:s30+$0xED0]  }
0x110: {  	[tilespmem:s30+$0x6E90] =	vst v16;
	v16 =	vnsel vm7, $0x0, v23;
	v10 =	vsel vm6, $0x0, v10;
	vm6 =	veq.f32 v19, $0.0e+00;
	v23 =	vld [tilespmem:s30+$0x6ED0]  }
0x111: {  	[tilespmem:s30+$0xE90] =	vst v16;
	vm7 =	vgt.f32 v17, $0.0e+00;
	v16 =	vmax.f32 v24, $0.0e+00;
	v17 =	vadd.f32 v24, v19;
	v24 =	vld [tilespmem:s30+$0xEE0]  }
0x112: {  	[tilespmem:s30+$0x6EA0] =	vst v10;
	v10 =	vnsel vm7, $0x0, v20;
	v16 =	vsel vm6, $0x0, v16;
	vm6 =	veq.f32 v21, $0.0e+00;
	v20 =	vld [tilespmem:s30+$0x6EE0]  }
0x113: {  	[tilespmem:s30+$0xEA0] =	vst v10;
	vm7 =	vgt.f32 v17, $0.0e+00;
	v10 =	vmax.f32 v22, $0.0e+00;
	v17 =	vadd.f32 v22, v21;
	v22 =	vld [tilespmem:s30+$0xEF0]  }
0x114: {  	[tilespmem:s30+$0x6EB0] =	vst v16;
	v16 =	vnsel vm7, $0x0, v19;
	v19 =	vsel vm6, $0x0, v10;
	vm6 =	veq.f32 v18, $0.0e+00;
	v25 =	vld [tilespmem:s30+$0x6EF0]  }
0x115: {  	[tilespmem:s30+$0xEB0] =	vst v16;
	vm7 =	vgt.f32 v17, $0.0e+00;
	v16 =	vmax.f32 v23, $0.0e+00;
	v17 =	vadd.f32 v23, v18;
	v23 =	vld [tilespmem:s30+$0x1280]  }
0x116: {  	v10 =	vld [tilespmem:s30+$0x680];
	[tilespmem:s30+$0x6EC0] =	vst v19;
	v19 =	vnsel vm7, $0x0, v21;
	v21 =	vsel vm6, $0x0, v16;
	vm6 =	veq.f32 v24, $0.0e+00  }
0x117: {  	[tilespmem:s30+$0xEC0] =	vst v19;
	vm7 =	vgt.f32 v17, $0.0e+00;
	v17 =	vmax.f32 v20, $0.0e+00;
	v19 =	vadd.f32 v20, v24;
	v16 =	vld [tilespmem:s30+$0x1290]  }
0x118: {  	[tilespmem:s30+$0x6ED0] =	vst v21;
	v18 =	vnsel vm7, $0x0, v18;
	v17 =	vsel vm6, $0x0, v17;
	vm6 =	veq.f32 v22, $0.0e+00;
	v20 =	vld [tilespmem:s30+$0x7290]  }
0x119: {  	[tilespmem:s30+$0xED0] =	vst v18;
	vm7 =	vgt.f32 v19, $0.0e+00;
	v18 =	vmax.f32 v25, $0.0e+00;
	v19 =	vadd.f32 v25, v22;
	v25 =	vld [tilespmem:s30+$0x12A0]  }
0x11a: {  	v21 =	vnsel vm5, $0x0, v15;
	[tilespmem:s30+$0x6EE0] =	vst v17;
	v15 =	vnsel vm7, $0x0, v24;
	v13 =	vadd.f32 v13, v23;
	v24 =	vld [tilespmem:s30+$0x72A0]  }
0x11b: {  	v18 =	vsel vm6, $0x0, v18;
	vm6 =	veq.f32 v23, $0.0e+00;
	[tilespmem:s30+$0xEE0] =	vst v15;
	vm5 =	vgt.f32 v19, $0.0e+00;
	v26 =	vld [tilespmem:s30+$0x12B0]  }
0x11c: {  	v15 =	vadd.f32 v12, v10;
	v17 =	vnsel vm5, $0x0, v22;
	vm9 =	veq.f32 v16, $0.0e+00;
	v22 =	vld [tilespmem:s30+$0x72B0]  }
0x11d: {  	vm7 =	veq.f32 v10, $0.0e+00;
	v14 =	vsel vm6, $0x0, v14;
	vm5 =	vgt.f32 v13, $0.0e+00;
	v12 =	vld [tilespmem:s30+$0x690];
	[tilespmem:s30+$0xEF0] =	vst v17  }
0x11e: {  	v19 =	vnsel vm5, $0x0, v23;
	v13 =	vadd.f32 v20, v16;
	v17 =	vld [tilespmem:s30+$0x66A0];
	[tilespmem:s30+$0x7280] =	vst v14;
	vm10 =	veq.f32 v25, $0.0e+00  }
0x11f: {  	vm5 =	vgt.f32 v15, $0.0e+00;
	v15 =	vld [tilespmem:s30+$0x6A0];
	[tilespmem:s30+$0x6EF0] =	vst v18;
	v27 =	vmax.f32 v24, $0.0e+00;
	v14 =	vadd.f32 v24, v25  }
.Ltmp3:
0x120: {  	v20 =	vmax.f32 v20, $0.0e+00;
	vm8 =	vgt.f32 v13, $0.0e+00;
	[tilespmem:s30+$0xAB0] =	vst v21;
	vm11 =	veq.f32 v26, $0.0e+00;
	v13 =	vld [tilespmem:s30+$0x12F0];
	(pc) =	sbr.rel @p3 .LBB2_4-.Ltmp3, $4  }
0x121: {  	vm12 =	vgt.f32 v14, $0.0e+00;
	v14 =	vmax.f32 v22, $0.0e+00;
	v22 =	vadd.f32 v22, v26;
	v21 =	vld [tilespmem:s30+$0x72C0]  }
0x122: {  	vm6 =	veq.f32 v12, $0.0e+00;
	v18 =	vld [tilespmem:s30+$0x6B0];
	v28 =	vnsel vm12, $0x0, v25;
	v24 =	vsel vm11, $0x0, v14  }
0x123: {  	v14 =	vadd.f32 v11, v12;
	v25 =	vsel vm10, $0x0, v27;
	v23 =	vld [tilespmem:s30+$0x66B0];
	[tilespmem:s30+$0x72B0] =	vst v24;
	vm10 =	vgt.f32 v22, $0.0e+00  }
0x124: {  	s31 =	sadd.s32 $0x80, s31;
	s3 =	smov.u32 s0;
	v24 =	vsel vm9, $0x0, v20;
	v22 =	vadd.f32 v17, v15;
	[tilespmem:s30+$0x12A0] =	vst v28;
	v11 =	vnsel vm10, $0x0, v26;
	v20 =	vld [tilespmem:s30+$0x72F0]  }
0x125: {  	[tilespmem:s30+$0x72A0] =	vst v25  }
0x126: {  	[tilespmem:s30+$0x1280] =	vst v19  }
0x127: {  	[tilespmem:s30+$0x7290] =	vst v24  }
0x128: {  	v9 =	vsel vm7, $0x0, v9;
	[tilespmem:s30+$0x12B0] =	vst v11  }
0x129: {  	v46 =	vnsel vm8, $0x0, v16;
	[tilespmem:s30+$0x6680] =	vst v9  }
0x12a: {  	v7 =	vsel vm2, $0x0, v7;
	[tilespmem:s30+$0x1290] =	vst v46  }
0x12b: {  	v3 =	vnsel vm4, $0x0, v3;
	[tilespmem:s30+$0x66D0] =	vst v7  }
0x12c: {  	v59 =	vnsel vm5, $0x0, v10;
	v47 =	vadd.f32 v21, v5;
	[tilespmem:s30+$0x12E0] =	vst v3  }
0x12d: {  	v48 =	vld [tilespmem:s30+$0x12D0];
	v62 =	vsel vm6, $0x0, v8;
	v55 =	vmax.f32 v21, $0.0e+00;
	[tilespmem:s30+$0x680] =	vst v59  }
0x12e: {  	[tilespmem:s30+$0x6690] =	vst v62;
	v56 =	vsel vm3, $0x0, v55;
	v49 =	vadd.f32 v23, v18;
	vm2 =	vgt.f32 v47, $0.0e+00  }
0x12f: {  	v51 =	vmax.f32 v17, $0.0e+00;
	[tilespmem:s30+$0x72C0] =	vst v56;
	v50 =	vnsel vm2, $0x0, v5;
	vm2 =	veq.f32 v15, $0.0e+00  }
0x130: {  	v54 =	vmax.f32 v23, $0.0e+00;
	vm15 =	vgt.f32 v49, $0.0e+00;
	[tilespmem:s30+$0x12C0] =	vst v50;
	v53 =	vsel vm2, $0x0, v51  }
0x131: {  	v58 =	vmax.f32 v20, $0.0e+00;
	vm2 =	veq.f32 v18, $0.0e+00;
	v52 =	vnsel vm15, $0x0, v18;
	[tilespmem:s30+$0x66A0] =	vst v53  }
0x132: {  	v4 =	vadd.f32 v4, v48;
	v7 =	vsel vm2, $0x0, v54;
	vm2 =	veq.f32 v48, $0.0e+00;
	[tilespmem:s30+$0x6B0] =	vst v52  }
0x133: {  	v3 =	vadd.f32 v20, v13;
	[tilespmem:s30+$0x66B0] =	vst v7;
	v57 =	vsel vm2, $0x0, v6;
	vm2 =	veq.f32 v13, $0.0e+00  }
0x134: {  	vm3 =	vgt.f32 v4, $0.0e+00;
	[tilespmem:s30+$0x72D0] =	vst v57;
	v60 =	vsel vm2, $0x0, v58  }
0x135: {  	v61 =	vnsel vm3, $0x0, v48;
	vm2 =	vgt.f32 v3, $0.0e+00;
	[tilespmem:s30+$0x72F0] =	vst v60  }
0x136: {  	s0 =	sadd.s32 s6, s25;
	s25 =	sadd.s32 $0x1, s25;
	vm3 =	vgt.f32 v22, $0.0e+00;
	[tilespmem:s30+$0x12D0] =	vst v61;
	v3 =	vnsel vm2, $0x0, v13  }
0x137: {  	s0 =	sshll.u32 s0, $0xA;
	p3 =	slt.s32 s25, s7;
	vm2 =	vgt.f32 v14, $0.0e+00;
	v63 =	vnsel vm3, $0x0, v15;
	[tilespmem:s30+$0x12F0] =	vst v3  }
.Ltmp4:
0x138: {  	s0 =	sand.u32 $0x1FFFFC00, s0;
	v3 =	vnsel vm2, $0x0, v12;
	[tilespmem:s30+$0x6A0] =	vst v63;
	(pc) =	sbr.rel @p3 .LBB2_3-.Ltmp4, $4  }
0x139: {  	s3 =	sadd.s32 $0x680, s29;
	s15 =	sadd.s32 $0x7, s28;
	s0 =	sadd.s32 s4, s0;
	[tilespmem:s30+$0x690] =	vst v3  }
0x13a: {  	[hbm4b:s0+s5] =	stream.linear.scatter [tilespmem:s3], [sflag:s15], $0x2000, $0x38;
	[tilespmem:$0xC680] =	vst v63  }
0x13b: {  	s31 =	sadd.s32 $0x7, s26;
	s30 =	sadd.s32 $0x6680, s29;
	s0 =	sadd.s32 $0x30D400, s0  }
0x13c: {  	[hbm4b:s0+s5] =	stream.linear.scatter [tilespmem:s30], [sflag:s31], $0x2000, $0x38;
	[tilespmem:$0xC680] =	vst v63  }
.LBB2_6:
.Ltmp5:
0x13d: {  	(pc) =	sbr.rel @p2 .LBB2_14-.Ltmp5, $1  }
0x13e: {  	_ =	sdelay $0x3  }
0x13f: {  	s0 =	sadd.s32 $0x1, s11  }
0x140: {  	p5 =	slt.s32 s0, s7  }
.Ltmp6:
0x141: {  	_ = 	snop;
	(pc) =	sbr.rel @!p5 .LBB2_8-.Ltmp6, $2  }
0x142: {  	_ =	sdelay $0x2  }
0x143: {  	s24 =	smulhi.u32 $0xAAAAAAAB, s11;
	p3 =	por $0x0, $0x0;
	p4 =	por $0x0, $0x0  }
0x144: {  	s28 =	sadd.s32 $0x1, s0  }
0x145: {  	p5 =	slt.s32 s28, s7  }
.Ltmp7:
0x146: {  	s3 =	sshrl.u32 s24, $0x1;
	(pc) =	sbr.rel @!p5 .LBB2_10-.Ltmp7, $3  }
0x147: {  	s3 =	smul.u32 $0xFFFFFFE8, s3;
	_ =	sdelay $0x1  }
0x148: {  	s3 =	sshra.s32 s3, $0x2  }
0x149: {  	p3 =	por $0x1, $0x1;
	s24 =	smulhi.u32 $0xAAAAAAAB, s0;
	s0 =	sadd.s32 s3, s13  }
0x14a: {  	s25 =	sadd.s32 $0x1, s28  }
0x14b: {  	s3 =	sadd.s32 $0xFFFFFFFA, s0;
	p5 =	slt.s32 s25, s7  }
.Ltmp8:
0x14c: {  	s15 =	sshrl.u32 s24, $0x1;
	_ =	swait.ge [sflag:s3], $0x2000;
	(pc) =	sbr.rel @!p5 .LBB2_13-.Ltmp8, $4  }
0x14d: {  	s15 =	smul.u32 $0xFFFFFFE8, s15;
	[sflag:s3] =	ssyncset.done $0x0  }
0x14e: {  	s26 =	sadd.s32 $0xFFFFFFFB, s0;
	p4 =	por $0x1, $0x1;
	[sflag:s3] =	ssyncadd.s32 $0xFFFFE000  }
0x14f: {  	s3 =	sadd.s32 $0x2, s13;
	s31 =	sshra.s32 s15, $0x2;
	_ =	swait.ge [sflag:s26], $0x2000  }
0x150: {  	s24 =	smulhi.u32 $0xAAAAAAAB, s28;
	s0 =	sadd.s32 s31, s3;
	[sflag:s26] =	ssyncset.done $0x0  }
.LBB2_12:
0x151: {  	s16 =	smov.u32 s25;
	s25 =	sadd.s32 $0x1, s25  }
0x152: {  	s15 =	sadd.s32 $0xFFFFFFFA, s0;
	[sflag:s26] =	ssyncadd.s32 $0xFFFFE000;
	p5 =	slt.s32 s25, s7  }
.Ltmp9:
0x153: {  	s24 =	sshrl.u32 s24, $0x1;
	_ =	swait.ge [sflag:s15], $0x2000;
	(pc) =	sbr.rel @p5 .LBB2_12-.Ltmp9, $4  }
0x154: {  	s24 =	smul.u32 $0xFFFFFFE8, s24;
	[sflag:s15] =	ssyncset.done $0x0  }
0x155: {  	s26 =	sadd.s32 $0xFFFFFFFB, s0;
	[sflag:s15] =	ssyncadd.s32 $0xFFFFE000  }
0x156: {  	s3 =	sadd.s32 $0x2, s3;
	s0 =	sshra.s32 s24, $0x2;
	_ =	swait.ge [sflag:s26], $0x2000  }
0x157: {  	s24 =	smulhi.u32 $0xAAAAAAAB, s16;
	s0 =	sadd.s32 s0, s3;
	[sflag:s26] =	ssyncset.done $0x0  }
.Ltmp10:
0x158: {  	_ = 	snop;
	(pc) =	sbr.rel .LBB2_13-.Ltmp10, $1  }
0x159: {  	_ =	sdelay $0x3  }
.LBB2_10:
.Ltmp11:
0x15a: {  	(pc) =	sbr.rel .LBB2_13-.Ltmp11, $2  }
0x15b: {  	_ =	sdelay $0x2  }
0x15c: {  	s3 =	smov.u32 s13  }
.LBB2_15:
0x15d: {  	_ =	sfence.sel $0x180000  }
0x15e: {  	[bflag:$0x0] =	sbarrier.arrive $0xFFFF  }
0x15f: {  	_ =	strace $0x90000047  }
0x160: {  	s0 =	stileid.u32;
	[bflag:$0x2] =	sbarrier.arrive $0xFFFF  }
0x161: {  	p0 =	sne.s32 s0, $0x0;
	s0 =	rddreg [dreg:$0x4]  }
0x162: {  	s0 =	sadd.s32 @!p0 $0x100000, s0  }
0x163: {  	[sflag:s0] =	ssyncadd.tile.s32 @!p0 $0x1;
	_ =	shalt  }
.Lfunc_end2:
_tile_overlayer_lowered:
.L_overlay_start_2:
0x164: {  	(tag) =	ssettag $0x2  }
0x165: {  	s0 =	rddreg [dreg:$0x0];
	s2 =	stileid.u32  }
0x166: {  	s1 =	rddreg [dreg:$0x1];
	p0 =	sne.s32 s2, $0x0  }
0x167: {  	s3 =	rddreg [dreg:$0x2];
	[bflag:$0x3] =	sbarrier.arrive $0xFFFF;
	s2 =	simm.s32 @!p0 $0x1C0D  }
0x168: {  	[timem:s3], [sflag:s2] =	dma.local @!p0 [hbm:s0], s1  }
0x169: {  	s0 =	simm.s32 @!p0 $0xD  }
0x16a: {  	_ =	swait.ge @!p0 [sflag:s0], s1  }
0x16b: {  	s1 =	ssub.s32 @!p0 $0x0, s1;
	[sflag:s0] =	ssyncset.done @!p0 $0x0  }
0x16c: {  	[sflag:s0] =	ssyncadd.s32 @!p0 s1  }
0x16d: {  	[bflag:$0x3] =	sbarrier.arrive $0xFFFF  }
0x16e: {  	_ =	shalt  }

</sc_bundles>
